<compile_context>
chip_gen: v7x
topology: tpu7x:2x2x1
jax: 0.10.2.dev20260603
libtpu: 0.0.44.dev20260713+nightly
codegen_flags: <defaults>
</compile_context>

<pallas_src>
import functools
import jax
import jax.numpy as jnp
from jax.experimental import pallas as pl

_N = 50000
_H = 8
_C = 32
_BN = 1000


def _full(spec_shape):
    return pl.BlockSpec(spec_shape, lambda i: tuple(0 for _ in spec_shape))


def _stage1_body(x_ref, inW_ref, inb_ref, W0_ref, Wr0_ref, br0_ref,
                 As_ref, Ad_ref, hp_ref, res_ref, asrc_ref, adst_ref):
    x = x_ref[...]
    h = x * inW_ref[...] + inb_ref[...]
    hp = jnp.dot(h, W0_ref[...], preferred_element_type=jnp.float32)
    res = jnp.dot(h, Wr0_ref[...], preferred_element_type=jnp.float32) + br0_ref[...]
    hp_ref[...] = hp
    res_ref[...] = res
    asrc_ref[...] = jnp.dot(hp, As_ref[...], preferred_element_type=jnp.float32)
    adst_ref[...] = jnp.dot(hp, Ad_ref[...], preferred_element_type=jnp.float32)


def _stage1(x, in_W, in_b, W0, Wr0, br0, A_src, A_dst):
    grid = (_N // _BN,)
    return pl.pallas_call(
        _stage1_body,
        grid=grid,
        in_specs=[
            pl.BlockSpec((_BN, 1), lambda i: (i, 0)),
            _full((1, _C)), _full((1, _C)),
            _full((_C, _H * _C)), _full((_C, _H * _C)), _full((1, _H * _C)),
            _full((_H * _C, _H)), _full((_H * _C, _H)),
        ],
        out_specs=[
            pl.BlockSpec((_BN, _H * _C), lambda i: (i, 0)),
            pl.BlockSpec((_BN, _H * _C), lambda i: (i, 0)),
            pl.BlockSpec((_BN, _H), lambda i: (i, 0)),
            pl.BlockSpec((_BN, _H), lambda i: (i, 0)),
        ],
        out_shape=[
            jax.ShapeDtypeStruct((_N, _H * _C), jnp.float32),
            jax.ShapeDtypeStruct((_N, _H * _C), jnp.float32),
            jax.ShapeDtypeStruct((_N, _H), jnp.float32),
            jax.ShapeDtypeStruct((_N, _H), jnp.float32),
        ],
    )(x, in_W.reshape(1, _C), in_b.reshape(1, _C), W0, Wr0,
      br0.reshape(1, _H * _C), A_src, A_dst)


def _layer_norm(x, g, b):
    mu = jnp.mean(x, axis=-1, keepdims=True)
    var = jnp.mean(jnp.square(x - mu), axis=-1, keepdims=True)
    return (x - mu) / jnp.sqrt(var + 1e-5) * g + b


def _stage2_body(out0_ref, res0_ref, b0_ref, g0_ref, be0_ref,
                 W1_ref, Wr1_ref, br1_ref, as1_ref, ad1_ref,
                 hp1_ref, res2_ref, asrc1_ref, adst1_ref):
    t = out0_ref[...] + b0_ref[...]
    t = jnp.where(t > 0, t, jnp.exp(jnp.minimum(t, 0.0)) - 1.0)
    h2 = _layer_norm(t + res0_ref[...], g0_ref[...], be0_ref[...])
    hp1 = jnp.dot(h2, W1_ref[...], preferred_element_type=jnp.float32)
    res2 = jnp.dot(h2, Wr1_ref[...], preferred_element_type=jnp.float32) + br1_ref[...]
    hp1_ref[...] = hp1
    res2_ref[...] = res2
    asrc1_ref[...] = jnp.dot(hp1, as1_ref[...], preferred_element_type=jnp.float32)
    adst1_ref[...] = jnp.dot(hp1, ad1_ref[...], preferred_element_type=jnp.float32)


def _stage2(out0, res0, b0, g0, be0, W1, Wr1, br1, att_src1, att_dst1):
    grid = (_N // _BN,)
    return pl.pallas_call(
        _stage2_body,
        grid=grid,
        in_specs=[
            pl.BlockSpec((_BN, _H * _C), lambda i: (i, 0)),
            pl.BlockSpec((_BN, _H * _C), lambda i: (i, 0)),
            _full((1, _H * _C)), _full((1, _H * _C)), _full((1, _H * _C)),
            _full((_H * _C, _C)), _full((_H * _C, _C)), _full((1, _C)),
            _full((_C, 1)), _full((_C, 1)),
        ],
        out_specs=[
            pl.BlockSpec((_BN, _C), lambda i: (i, 0)),
            pl.BlockSpec((_BN, _C), lambda i: (i, 0)),
            pl.BlockSpec((_BN, 1), lambda i: (i, 0)),
            pl.BlockSpec((_BN, 1), lambda i: (i, 0)),
        ],
        out_shape=[
            jax.ShapeDtypeStruct((_N, _C), jnp.float32),
            jax.ShapeDtypeStruct((_N, _C), jnp.float32),
            jax.ShapeDtypeStruct((_N, 1), jnp.float32),
            jax.ShapeDtypeStruct((_N, 1), jnp.float32),
        ],
    )(out0, res0, b0.reshape(1, _H * _C), g0.reshape(1, _H * _C),
      be0.reshape(1, _H * _C), W1, Wr1, br1.reshape(1, _C),
      att_src1.reshape(_C, 1), att_dst1.reshape(_C, 1))


def _stage3_body(out1_ref, res2_ref, b1_ref, g1_ref, be1_ref, sum_ref):
    i = pl.program_id(0)
    h3 = _layer_norm(out1_ref[...] + b1_ref[...] + res2_ref[...],
                     g1_ref[...], be1_ref[...])

    @pl.when(i == 0)
    def _init():
        sum_ref[...] = jnp.zeros_like(sum_ref)

    sum_ref[...] += jnp.sum(h3, axis=0, keepdims=True)


def _stage3(out1, res2, b1, g1, be1):
    grid = (_N // _BN,)
    return pl.pallas_call(
        _stage3_body,
        grid=grid,
        in_specs=[
            pl.BlockSpec((_BN, _C), lambda i: (i, 0)),
            pl.BlockSpec((_BN, _C), lambda i: (i, 0)),
            _full((1, _C)), _full((1, _C)), _full((1, _C)),
        ],
        out_specs=pl.BlockSpec((1, _C), lambda i: (0, 0)),
        out_shape=jax.ShapeDtypeStruct((1, _C), jnp.float32),
    )(out1, res2, b1.reshape(1, _C), g1.reshape(1, _C), be1.reshape(1, _C))


def _edge_softmax_agg(asrc, adst, hp, src, dst, heads, ch):
    n = hp.shape[0]
    alpha = asrc[src] + adst[dst]
    alpha = jnp.where(alpha > 0, alpha, 0.2 * alpha)
    ex = jnp.exp(alpha)
    denom = jax.ops.segment_sum(ex, dst, num_segments=n)
    attn = ex / (denom[dst] + 1e-16)
    msg = hp[src].reshape(-1, heads, ch) * attn[:, :, None]
    out = jax.ops.segment_sum(msg, dst, num_segments=n)
    return out.reshape(n, heads * ch)


def kernel(x, edge_index, batch, in_W, in_b, W0, att_src0, att_dst0, b0,
           Wr0, br0, g0, be0, W1, att_src1, att_dst1, b1, Wr1, br1, g1, be1,
           out_W, out_b):
    n = x.shape[0]
    loop = jnp.arange(n, dtype=edge_index.dtype)
    src = jnp.concatenate([edge_index[0], loop])
    dst = jnp.concatenate([edge_index[1], loop])

    eye = jnp.eye(_H, dtype=jnp.float32)
    A_src = (eye[:, None, :] * att_src0.T[None, :, :]).reshape(_H * _C, _H)
    A_dst = (eye[:, None, :] * att_dst0.T[None, :, :]).reshape(_H * _C, _H)

    hp0, res0, asrc0, adst0 = _stage1(x, in_W, in_b, W0, Wr0, br0, A_src, A_dst)
    out0 = _edge_softmax_agg(asrc0, adst0, hp0, src, dst, _H, _C)
    hp1, res2, asrc1, adst1 = _stage2(out0, res0, b0, g0, be0,
                                      W1, Wr1, br1, att_src1, att_dst1)
    out1 = _edge_softmax_agg(asrc1, adst1, hp1, src, dst, 1, _C)
    sums = _stage3(out1, res2, b1, g1, be1)
    pooled = sums / jnp.float32(n)
    return pooled @ out_W + out_b

# --- scband reference (transcript-rebuilt; emitter-appended) ---
"""Pipeline reference for scband-gatwrapper-41231686042230 (READ-ONLY COPY).

The authoritative reference and input builder live on the scoring server;
editing this copy changes nothing except your own understanding.
"""

import jax, jax.numpy as jnp
import numpy as np

N = 50000
E = 800000
HID = 32
HEADS = 8
OUT_DIM = 1


def _glorot(k, shape):
    fan = shape[0] + shape[-1]
    lim = (6.0 / fan) ** 0.5
    return jax.random.uniform(k, shape, jnp.float32, -lim, lim)


def setup_inputs(seed: int = 0) -> dict:
    key = jax.random.key(seed)
    ks = jax.random.split(key, 16)
    inp = {}
    inp['x'] = jax.random.normal(ks[0], (N, 1), dtype=jnp.float32)
    inp['edge_index'] = jax.random.randint(ks[1], (2, E), 0, N, dtype=jnp.int32)
    inp['batch'] = jnp.zeros((N,), dtype=jnp.int32)
    inp['in_W'] = _glorot(ks[2], (1, HID)); inp['in_b'] = jnp.zeros((HID,), jnp.float32)
    inp['W0'] = _glorot(ks[3], (HID, HEADS * HID))
    inp['att_src0'] = _glorot(ks[4], (HEADS, HID)); inp['att_dst0'] = _glorot(ks[5], (HEADS, HID))
    inp['b0'] = jnp.zeros((HEADS * HID,), jnp.float32)
    inp['Wr0'] = _glorot(ks[6], (HID, HEADS * HID)); inp['br0'] = jnp.zeros((HEADS * HID,), jnp.float32)
    inp['g0'] = jnp.ones((HEADS * HID,), jnp.float32); inp['be0'] = jnp.zeros((HEADS * HID,), jnp.float32)
    inp['W1'] = _glorot(ks[7], (HEADS * HID, HID))
    inp['att_src1'] = _glorot(ks[8], (1, HID)); inp['att_dst1'] = _glorot(ks[9], (1, HID))
    inp['b1'] = jnp.zeros((HID,), jnp.float32)
    inp['Wr1'] = _glorot(ks[10], (HEADS * HID, HID)); inp['br1'] = jnp.zeros((HID,), jnp.float32)
    inp['g1'] = jnp.ones((HID,), jnp.float32); inp['be1'] = jnp.zeros((HID,), jnp.float32)
    inp['out_W'] = _glorot(ks[11], (HID, OUT_DIM)); inp['out_b'] = jnp.zeros((OUT_DIM,), jnp.float32)
    return inp


def _layer_norm(x, g, b):
    mu = jnp.mean(x, axis=-1, keepdims=True)
    var = jnp.var(x, axis=-1, keepdims=True)
    return (x - mu) / jnp.sqrt(var + 1e-5) * g + b


def _gat_conv(x, edge_index, W, att_src, att_dst, bias, heads, out_ch, concat):
    n = x.shape[0]
    loop = jnp.arange(n, dtype=edge_index.dtype)
    src = jnp.concatenate([edge_index[0], loop])
    dst = jnp.concatenate([edge_index[1], loop])
    h = (x @ W).reshape(n, heads, out_ch)
    a_src = jnp.sum(h * att_src[None, :, :], axis=-1)  # [N, H]
    a_dst = jnp.sum(h * att_dst[None, :, :], axis=-1)  # [N, H]
    alpha = a_src[src] + a_dst[dst]                    # gather: [E', H]
    alpha = jax.nn.leaky_relu(alpha, negative_slope=0.2)
    amax = jax.ops.segment_max(alpha, dst, num_segments=n)
    amax = jnp.where(jnp.isfinite(amax), amax, 0.0)
    ex = jnp.exp(alpha - amax[dst])
    denom = jax.ops.segment_sum(ex, dst, num_segments=n)
    attn = ex / (denom[dst] + 1e-16)
    msg = h[src] * attn[:, :, None]                    # gather + per-edge scale
    out = jax.ops.segment_sum(msg, dst, num_segments=n)  # scatter-add
    if concat:
        out = out.reshape(n, heads * out_ch)
    else:
        out = jnp.mean(out, axis=1)
    return out + bias


def reference(x, edge_index, batch, in_W, in_b, W0, att_src0, att_dst0, b0, Wr0, br0, g0, be0,
              W1, att_src1, att_dst1, b1, Wr1, br1, g1, be1, out_W, out_b):
    h = x @ in_W + in_b
    res = h @ Wr0 + br0
    h2 = _gat_conv(h, edge_index, W0, att_src0, att_dst0, b0, HEADS, HID, True)
    h2 = jax.nn.elu(h2)
    h2 = _layer_norm(h2 + res, g0, be0)
    res2 = h2 @ Wr1 + br1
    h3 = _gat_conv(h2, edge_index, W1, att_src1, att_dst1, b1, 1, HID, False)
    h3 = _layer_norm(h3 + res2, g1, be1)
    n = x.shape[0]
    sums = jax.ops.segment_sum(h3, batch, num_segments=1)
    cnts = jax.ops.segment_sum(jnp.ones((n, 1), jnp.float32), batch, num_segments=1)
    pooled = sums / cnts
    return pooled @ out_W + out_b

if __name__ == "__main__":
    import jax
    _d = setup_inputs()
    print(jax.jit(kernel)(*tuple(_d.values())))

</pallas_src>

<mosaic_0001>
module attributes {stable_mosaic.version = 14 : i64} {
  func.func @_stage1_body(%arg0: i32, %arg1: memref<1000x1xf32, #tpu.memory_space<vmem>>, %arg2: memref<1x32xf32, #tpu.memory_space<vmem>>, %arg3: memref<1x32xf32, #tpu.memory_space<vmem>>, %arg4: memref<32x256xf32, #tpu.memory_space<vmem>>, %arg5: memref<32x256xf32, #tpu.memory_space<vmem>>, %arg6: memref<1x256xf32, #tpu.memory_space<vmem>>, %arg7: memref<256x8xf32, #tpu.memory_space<vmem>>, %arg8: memref<256x8xf32, #tpu.memory_space<vmem>>, %arg9: memref<1000x256xf32, #tpu.memory_space<vmem>>, %arg10: memref<1000x256xf32, #tpu.memory_space<vmem>>, %arg11: memref<1000x8xf32, #tpu.memory_space<vmem>>, %arg12: memref<1000x8xf32, #tpu.memory_space<vmem>>) attributes {dimension_semantics = [#tpu.dimension_semantics<arbitrary>], iteration_bounds = array<i64: 50>, scalar_prefetch = 0 : i64, scratch_operands = 0 : i64, tpu.core_type = #tpu.core_type<tc>, window_params = [{transform_indices = @transform_0, window_bounds = array<i64: 1000, 1>}, {pipeline_mode = #tpu.pipeline_mode<synchronous>, transform_indices = @transform_1, window_bounds = array<i64: 1, 32>}, {pipeline_mode = #tpu.pipeline_mode<synchronous>, transform_indices = @transform_2, window_bounds = array<i64: 1, 32>}, {pipeline_mode = #tpu.pipeline_mode<synchronous>, transform_indices = @transform_3, window_bounds = array<i64: 32, 256>}, {pipeline_mode = #tpu.pipeline_mode<synchronous>, transform_indices = @transform_4, window_bounds = array<i64: 32, 256>}, {pipeline_mode = #tpu.pipeline_mode<synchronous>, transform_indices = @transform_5, window_bounds = array<i64: 1, 256>}, {pipeline_mode = #tpu.pipeline_mode<synchronous>, transform_indices = @transform_6, window_bounds = array<i64: 256, 8>}, {pipeline_mode = #tpu.pipeline_mode<synchronous>, transform_indices = @transform_7, window_bounds = array<i64: 256, 8>}, {transform_indices = @transform_8, window_bounds = array<i64: 1000, 256>}, {transform_indices = @transform_9, window_bounds = array<i64: 1000, 256>}, {transform_indices = @transform_10, window_bounds = array<i64: 1000, 8>}, {transform_indices = @transform_11, window_bounds = array<i64: 1000, 8>}]} {
    %get3A = arith.constant 0 : index
    %get3A_0 = arith.constant 0 : index
    %get3A_1 = vector.load %arg1[%get3A, %get3A_0] : memref<1000x1xf32, #tpu.memory_space<vmem>>, vector<1000x1xf32>
    %get3A_2 = arith.constant 0 : index
    %get3A_3 = arith.constant 0 : index
    %get3A_4 = vector.load %arg2[%get3A_2, %get3A_3] : memref<1x32xf32, #tpu.memory_space<vmem>>, vector<1x32xf32>
    %mul3A = vector.broadcast %get3A_1 : vector<1000x1xf32> to vector<1000x32xf32>
    %mul3A_5 = vector.broadcast %get3A_4 : vector<1x32xf32> to vector<1000x32xf32>
    %mul3A_6 = arith.mulf %mul3A, %mul3A_5 : vector<1000x32xf32>
    %get3A_7 = arith.constant 0 : index
    %get3A_8 = arith.constant 0 : index
    %get3A_9 = vector.load %arg3[%get3A_7, %get3A_8] : memref<1x32xf32, #tpu.memory_space<vmem>>, vector<1x32xf32>
    %add3A = vector.broadcast %get3A_9 : vector<1x32xf32> to vector<1000x32xf32>
    %add3A_10 = arith.addf %mul3A_6, %add3A : vector<1000x32xf32>
    %get3A_11 = arith.constant 0 : index
    %get3A_12 = arith.constant 0 : index
    %get3A_13 = vector.load %arg4[%get3A_11, %get3A_12] : memref<32x256xf32, #tpu.memory_space<vmem>>, vector<32x256xf32>
    %dot_general3A = arith.constant dense<0.000000e+00> : vector<1000x256xf32>
    %dot_general3A_14 = tpu.matmul %add3A_10, %get3A_13, %dot_general3A {dimension_numbers = #tpu.dot_dimension_numbers<[1], [0], [0], [1], [0, 0, 1, 1], [], []>, transpose_lhs_hint = false} : vector<1000x32xf32>, vector<32x256xf32>, vector<1000x256xf32> -> vector<1000x256xf32>
    %get3A_15 = arith.constant 0 : index
    %get3A_16 = arith.constant 0 : index
    %get3A_17 = vector.load %arg5[%get3A_15, %get3A_16] : memref<32x256xf32, #tpu.memory_space<vmem>>, vector<32x256xf32>
    %dot_general3A_18 = arith.constant dense<0.000000e+00> : vector<1000x256xf32>
    %dot_general3A_19 = tpu.matmul %add3A_10, %get3A_17, %dot_general3A_18 {dimension_numbers = #tpu.dot_dimension_numbers<[1], [0], [0], [1], [0, 0, 1, 1], [], []>, transpose_lhs_hint = false} : vector<1000x32xf32>, vector<32x256xf32>, vector<1000x256xf32> -> vector<1000x256xf32>
    %get3A_20 = arith.constant 0 : index
    %get3A_21 = arith.constant 0 : index
    %get3A_22 = vector.load %arg6[%get3A_20, %get3A_21] : memref<1x256xf32, #tpu.memory_space<vmem>>, vector<1x256xf32>
    %add3A_23 = vector.broadcast %get3A_22 : vector<1x256xf32> to vector<1000x256xf32>
    %add3A_24 = arith.addf %dot_general3A_19, %add3A_23 : vector<1000x256xf32>
    %swap3A = arith.constant 0 : index
    %swap3A_25 = arith.constant 0 : index
    %swap3A_26 = vector.load %arg9[%swap3A, %swap3A_25] : memref<1000x256xf32, #tpu.memory_space<vmem>>, vector<1000x256xf32>
    tpu.vector_store %arg9[%swap3A, %swap3A_25], %dot_general3A_14 {strides = array<i32>} : memref<1000x256xf32, #tpu.memory_space<vmem>>, vector<1000x256xf32>,
    %swap3A_27 = arith.constant 0 : index
    %swap3A_28 = arith.constant 0 : index
    %swap3A_29 = vector.load %arg10[%swap3A_27, %swap3A_28] : memref<1000x256xf32, #tpu.memory_space<vmem>>, vector<1000x256xf32>
    tpu.vector_store %arg10[%swap3A_27, %swap3A_28], %add3A_24 {strides = array<i32>} : memref<1000x256xf32, #tpu.memory_space<vmem>>, vector<1000x256xf32>,
    %get3A_30 = arith.constant 0 : index
    %get3A_31 = arith.constant 0 : index
    %get3A_32 = vector.load %arg7[%get3A_30, %get3A_31] : memref<256x8xf32, #tpu.memory_space<vmem>>, vector<256x8xf32>
    %dot_general3A_33 = arith.constant dense<0.000000e+00> : vector<1000x8xf32>
    %dot_general3A_34 = tpu.matmul %dot_general3A_14, %get3A_32, %dot_general3A_33 {dimension_numbers = #tpu.dot_dimension_numbers<[1], [0], [0], [1], [0, 0, 1, 1], [], []>, transpose_lhs_hint = false} : vector<1000x256xf32>, vector<256x8xf32>, vector<1000x8xf32> -> vector<1000x8xf32>
    %swap3A_35 = arith.constant 0 : index
    %swap3A_36 = arith.constant 0 : index
    %swap3A_37 = vector.load %arg11[%swap3A_35, %swap3A_36] : memref<1000x8xf32, #tpu.memory_space<vmem>>, vector<1000x8xf32>
    tpu.vector_store %arg11[%swap3A_35, %swap3A_36], %dot_general3A_34 {strides = array<i32>} : memref<1000x8xf32, #tpu.memory_space<vmem>>, vector<1000x8xf32>,
    %get3A_38 = arith.constant 0 : index
    %get3A_39 = arith.constant 0 : index
    %get3A_40 = vector.load %arg8[%get3A_38, %get3A_39] : memref<256x8xf32, #tpu.memory_space<vmem>>, vector<256x8xf32>
    %dot_general3A_41 = arith.constant dense<0.000000e+00> : vector<1000x8xf32>
    %dot_general3A_42 = tpu.matmul %dot_general3A_14, %get3A_40, %dot_general3A_41 {dimension_numbers = #tpu.dot_dimension_numbers<[1], [0], [0], [1], [0, 0, 1, 1], [], []>, transpose_lhs_hint = false} : vector<1000x256xf32>, vector<256x8xf32>, vector<1000x8xf32> -> vector<1000x8xf32>
    %swap3A_43 = arith.constant 0 : index
    %swap3A_44 = arith.constant 0 : index
    %swap3A_45 = vector.load %arg12[%swap3A_43, %swap3A_44] : memref<1000x8xf32, #tpu.memory_space<vmem>>, vector<1000x8xf32>
    tpu.vector_store %arg12[%swap3A_43, %swap3A_44], %dot_general3A_42 {strides = array<i32>} : memref<1000x8xf32, #tpu.memory_space<vmem>>, vector<1000x8xf32>,
    return
  }
  func.func @transform_0(%arg0: i32) -> (i32, i32) {
    %c0_i32 = arith.constant 0 : i32
    %c0_i32_0 = arith.constant 0 : i32
    return %arg0, %c0_i32 : i32, i32
  }
  func.func @transform_1(%arg0: i32) -> (i32, i32) {
    %c0_i32 = arith.constant 0 : i32
    %c0_i32_0 = arith.constant 0 : i32
    %c0_i32_1 = arith.constant 0 : i32
    return %c0_i32, %c0_i32_0 : i32, i32
  }
  func.func @transform_2(%arg0: i32) -> (i32, i32) {
    %c0_i32 = arith.constant 0 : i32
    %c0_i32_0 = arith.constant 0 : i32
    %c0_i32_1 = arith.constant 0 : i32
    return %c0_i32, %c0_i32_0 : i32, i32
  }
  func.func @transform_3(%arg0: i32) -> (i32, i32) {
    %c0_i32 = arith.constant 0 : i32
    %c0_i32_0 = arith.constant 0 : i32
    %c0_i32_1 = arith.constant 0 : i32
    return %c0_i32, %c0_i32_0 : i32, i32
  }
  func.func @transform_4(%arg0: i32) -> (i32, i32) {
    %c0_i32 = arith.constant 0 : i32
    %c0_i32_0 = arith.constant 0 : i32
    %c0_i32_1 = arith.constant 0 : i32
    return %c0_i32, %c0_i32_0 : i32, i32
  }
  func.func @transform_5(%arg0: i32) -> (i32, i32) {
    %c0_i32 = arith.constant 0 : i32
    %c0_i32_0 = arith.constant 0 : i32
    %c0_i32_1 = arith.constant 0 : i32
    return %c0_i32, %c0_i32_0 : i32, i32
  }
  func.func @transform_6(%arg0: i32) -> (i32, i32) {
    %c0_i32 = arith.constant 0 : i32
    %c0_i32_0 = arith.constant 0 : i32
    %c0_i32_1 = arith.constant 0 : i32
    return %c0_i32, %c0_i32_0 : i32, i32
  }
  func.func @transform_7(%arg0: i32) -> (i32, i32) {
    %c0_i32 = arith.constant 0 : i32
    %c0_i32_0 = arith.constant 0 : i32
    %c0_i32_1 = arith.constant 0 : i32
    return %c0_i32, %c0_i32_0 : i32, i32
  }
  func.func @transform_8(%arg0: i32) -> (i32, i32) {
    %c0_i32 = arith.constant 0 : i32
    %c0_i32_0 = arith.constant 0 : i32
    return %arg0, %c0_i32 : i32, i32
  }
  func.func @transform_9(%arg0: i32) -> (i32, i32) {
    %c0_i32 = arith.constant 0 : i32
    %c0_i32_0 = arith.constant 0 : i32
    return %arg0, %c0_i32 : i32, i32
  }
  func.func @transform_10(%arg0: i32) -> (i32, i32) {
    %c0_i32 = arith.constant 0 : i32
    %c0_i32_0 = arith.constant 0 : i32
    return %arg0, %c0_i32 : i32, i32
  }
  func.func @transform_11(%arg0: i32) -> (i32, i32) {
    %c0_i32 = arith.constant 0 : i32
    %c0_i32_0 = arith.constant 0 : i32
    return %arg0, %c0_i32 : i32, i32
  }
}

module attributes {stable_mosaic.version = 14 : i64} {
  func.func @_stage2_body(%arg0: i32, %arg1: memref<1000x256xf32, #tpu.memory_space<vmem>>, %arg2: memref<1000x256xf32, #tpu.memory_space<vmem>>, %arg3: memref<1x256xf32, #tpu.memory_space<vmem>>, %arg4: memref<1x256xf32, #tpu.memory_space<vmem>>, %arg5: memref<1x256xf32, #tpu.memory_space<vmem>>, %arg6: memref<256x32xf32, #tpu.memory_space<vmem>>, %arg7: memref<256x32xf32, #tpu.memory_space<vmem>>, %arg8: memref<1x32xf32, #tpu.memory_space<vmem>>, %arg9: memref<32x1xf32, #tpu.memory_space<vmem>>, %arg10: memref<32x1xf32, #tpu.memory_space<vmem>>, %arg11: memref<1000x32xf32, #tpu.memory_space<vmem>>, %arg12: memref<1000x32xf32, #tpu.memory_space<vmem>>, %arg13: memref<1000x1xf32, #tpu.memory_space<vmem>>, %arg14: memref<1000x1xf32, #tpu.memory_space<vmem>>) attributes {dimension_semantics = [#tpu.dimension_semantics<arbitrary>], iteration_bounds = array<i64: 50>, scalar_prefetch = 0 : i64, scratch_operands = 0 : i64, tpu.core_type = #tpu.core_type<tc>, window_params = [{transform_indices = @transform_0, window_bounds = array<i64: 1000, 256>}, {transform_indices = @transform_1, window_bounds = array<i64: 1000, 256>}, {pipeline_mode = #tpu.pipeline_mode<synchronous>, transform_indices = @transform_2, window_bounds = array<i64: 1, 256>}, {pipeline_mode = #tpu.pipeline_mode<synchronous>, transform_indices = @transform_3, window_bounds = array<i64: 1, 256>}, {pipeline_mode = #tpu.pipeline_mode<synchronous>, transform_indices = @transform_4, window_bounds = array<i64: 1, 256>}, {pipeline_mode = #tpu.pipeline_mode<synchronous>, transform_indices = @transform_5, window_bounds = array<i64: 256, 32>}, {pipeline_mode = #tpu.pipeline_mode<synchronous>, transform_indices = @transform_6, window_bounds = array<i64: 256, 32>}, {pipeline_mode = #tpu.pipeline_mode<synchronous>, transform_indices = @transform_7, window_bounds = array<i64: 1, 32>}, {pipeline_mode = #tpu.pipeline_mode<synchronous>, transform_indices = @transform_8, window_bounds = array<i64: 32, 1>}, {pipeline_mode = #tpu.pipeline_mode<synchronous>, transform_indices = @transform_9, window_bounds = array<i64: 32, 1>}, {transform_indices = @transform_10, window_bounds = array<i64: 1000, 32>}, {transform_indices = @transform_11, window_bounds = array<i64: 1000, 32>}, {transform_indices = @transform_12, window_bounds = array<i64: 1000, 1>}, {transform_indices = @transform_13, window_bounds = array<i64: 1000, 1>}]} {
    %get3A = arith.constant 0 : index
    %get3A_0 = arith.constant 0 : index
    %get3A_1 = vector.load %arg1[%get3A, %get3A_0] : memref<1000x256xf32, #tpu.memory_space<vmem>>, vector<1000x256xf32>
    %get3A_2 = arith.constant 0 : index
    %get3A_3 = arith.constant 0 : index
    %get3A_4 = vector.load %arg3[%get3A_2, %get3A_3] : memref<1x256xf32, #tpu.memory_space<vmem>>, vector<1x256xf32>
    %add3A = vector.broadcast %get3A_4 : vector<1x256xf32> to vector<1000x256xf32>
    %add3A_5 = arith.addf %get3A_1, %add3A : vector<1000x256xf32>
    %gt3A = arith.constant 0.000000e+00 : f32
    %gt3A_6 = vector.broadcast %gt3A : f32 to vector<1000x256xf32>
    %gt3A_7 = arith.cmpf ogt, %add3A_5, %gt3A_6 : vector<1000x256xf32>
    %min3A = arith.constant 0.000000e+00 : f32
    %min3A_8 = vector.broadcast %min3A : f32 to vector<1000x256xf32>
    %min3A_9 = arith.minimumf %add3A_5, %min3A_8 : vector<1000x256xf32>
    %exp3A = math.exp %min3A_9 : vector<1000x256xf32>
    %sub3A = arith.constant 1.000000e+00 : f32
    %sub3A_10 = vector.broadcast %sub3A : f32 to vector<1000x256xf32>
    %sub3A_11 = arith.subf %exp3A, %sub3A_10 : vector<1000x256xf32>
    %select_n3A = arith.select %gt3A_7, %add3A_5, %sub3A_11 : vector<1000x256xi1>, vector<1000x256xf32>
    %get3A_12 = arith.constant 0 : index
    %get3A_13 = arith.constant 0 : index
    %get3A_14 = vector.load %arg2[%get3A_12, %get3A_13] : memref<1000x256xf32, #tpu.memory_space<vmem>>, vector<1000x256xf32>
    %add3A_15 = arith.addf %select_n3A, %get3A_14 : vector<1000x256xf32>
    %get3A_16 = arith.constant 0 : index
    %get3A_17 = arith.constant 0 : index
    %get3A_18 = vector.load %arg4[%get3A_16, %get3A_17] : memref<1x256xf32, #tpu.memory_space<vmem>>, vector<1x256xf32>
    %get3A_19 = arith.constant 0 : index
    %get3A_20 = arith.constant 0 : index
    %get3A_21 = vector.load %arg5[%get3A_19, %get3A_20] : memref<1x256xf32, #tpu.memory_space<vmem>>, vector<1x256xf32>
    %reduce_sum3A = arith.constant dense<0.000000e+00> : vector<1000xf32>
    %reduce_sum3A_22 = vector.multi_reduction <add>, %add3A_15, %reduce_sum3A [1] : vector<1000x256xf32> to vector<1000xf32>
    %broadcast_in_dim3A = vector.shape_cast %reduce_sum3A_22 : vector<1000xf32> to vector<1000x1xf32>
    %div3A = arith.constant 2.560000e+02 : f32
    %div3A_23 = vector.broadcast %div3A : f32 to vector<1000x1xf32>
    %div3A_24 = arith.divf %broadcast_in_dim3A, %div3A_23 : vector<1000x1xf32>
    %jit3A = arith.constant 0 : i32
    %reduce_sum3A_25 = arith.constant dense<0.000000e+00> : vector<1000xf32>
    %reduce_sum3A_26 = vector.multi_reduction <add>, %add3A_15, %reduce_sum3A_25 [1] : vector<1000x256xf32> to vector<1000xf32>
    %broadcast_in_dim3A_27 = vector.shape_cast %reduce_sum3A_26 : vector<1000xf32> to vector<1000x1xf32>
    %div3A_28 = arith.constant 2.560000e+02 : f32
    %div3A_29 = vector.broadcast %div3A_28 : f32 to vector<1000x1xf32>
    %div3A_30 = arith.divf %broadcast_in_dim3A_27, %div3A_29 : vector<1000x1xf32>
    %sub3A_31 = vector.broadcast %div3A_30 : vector<1000x1xf32> to vector<1000x256xf32>
    %sub3A_32 = arith.subf %add3A_15, %sub3A_31 : vector<1000x256xf32>
    %square3A = arith.mulf %sub3A_32, %sub3A_32 : vector<1000x256xf32>
    %convert_element_type3A = arith.sitofp %jit3A : i32 to f32
    %sub3A_33 = arith.constant 2.560000e+02 : f32
    %sub3A_34 = arith.subf %sub3A_33, %convert_element_type3A : f32
    %reduce_sum3A_35 = arith.constant dense<0.000000e+00> : vector<1000xf32>
    %reduce_sum3A_36 = vector.multi_reduction <add>, %square3A, %reduce_sum3A_35 [1] : vector<1000x256xf32> to vector<1000xf32>
    %broadcast_in_dim3A_37 = vector.shape_cast %reduce_sum3A_36 : vector<1000xf32> to vector<1000x1xf32>
    %div3A_38 = vector.broadcast %sub3A_34 : f32 to vector<1000x1xf32>
    %div3A_39 = arith.divf %broadcast_in_dim3A_37, %div3A_38 : vector<1000x1xf32>
    %gt3A_40 = arith.constant 0.000000e+00 : f32
    %gt3A_41 = arith.cmpf ogt, %sub3A_34, %gt3A_40 : f32
    %jit3A_42 = arith.constant 0x7FC00000 : f32
    %broadcast_in_dim3A_43 = vector.broadcast %jit3A_42 : f32 to vector<1000x1xf32>
    %select_n3A_44 = arith.select %gt3A_41, %div3A_39, %broadcast_in_dim3A_43 : vector<1000x1xf32>
    %sub3A_45 = vector.broadcast %div3A_24 : vector<1000x1xf32> to vector<1000x256xf32>
    %sub3A_46 = arith.subf %add3A_15, %sub3A_45 : vector<1000x256xf32>
    %add3A_47 = arith.constant 9.99999974E-6 : f32
    %add3A_48 = vector.broadcast %add3A_47 : f32 to vector<1000x1xf32>
    %add3A_49 = arith.addf %select_n3A_44, %add3A_48 : vector<1000x1xf32>
    %sqrt3A = math.sqrt %add3A_49 : vector<1000x1xf32>
    %div3A_50 = vector.broadcast %sqrt3A : vector<1000x1xf32> to vector<1000x256xf32>
    %div3A_51 = arith.divf %sub3A_46, %div3A_50 : vector<1000x256xf32>
    %mul3A = vector.broadcast %get3A_18 : vector<1x256xf32> to vector<1000x256xf32>
    %mul3A_52 = arith.mulf %div3A_51, %mul3A : vector<1000x256xf32>
    %add3A_53 = vector.broadcast %get3A_21 : vector<1x256xf32> to vector<1000x256xf32>
    %add3A_54 = arith.addf %mul3A_52, %add3A_53 : vector<1000x256xf32>
    %get3A_55 = arith.constant 0 : index
    %get3A_56 = arith.constant 0 : index
    %get3A_57 = vector.load %arg6[%get3A_55, %get3A_56] : memref<256x32xf32, #tpu.memory_space<vmem>>, vector<256x32xf32>
    %dot_general3A = arith.constant dense<0.000000e+00> : vector<1000x32xf32>
    %dot_general3A_58 = tpu.matmul %add3A_54, %get3A_57, %dot_general3A {dimension_numbers = #tpu.dot_dimension_numbers<[1], [0], [0], [1], [0, 0, 1, 1], [], []>, transpose_lhs_hint = false} : vector<1000x256xf32>, vector<256x32xf32>, vector<1000x32xf32> -> vector<1000x32xf32>
    %get3A_59 = arith.constant 0 : index
    %get3A_60 = arith.constant 0 : index
    %get3A_61 = vector.load %arg7[%get3A_59, %get3A_60] : memref<256x32xf32, #tpu.memory_space<vmem>>, vector<256x32xf32>
    %dot_general3A_62 = arith.constant dense<0.000000e+00> : vector<1000x32xf32>
    %dot_general3A_63 = tpu.matmul %add3A_54, %get3A_61, %dot_general3A_62 {dimension_numbers = #tpu.dot_dimension_numbers<[1], [0], [0], [1], [0, 0, 1, 1], [], []>, transpose_lhs_hint = false} : vector<1000x256xf32>, vector<256x32xf32>, vector<1000x32xf32> -> vector<1000x32xf32>
    %get3A_64 = arith.constant 0 : index
    %get3A_65 = arith.constant 0 : index
    %get3A_66 = vector.load %arg8[%get3A_64, %get3A_65] : memref<1x32xf32, #tpu.memory_space<vmem>>, vector<1x32xf32>
    %add3A_67 = vector.broadcast %get3A_66 : vector<1x32xf32> to vector<1000x32xf32>
    %add3A_68 = arith.addf %dot_general3A_63, %add3A_67 : vector<1000x32xf32>
    %swap3A = arith.constant 0 : index
    %swap3A_69 = arith.constant 0 : index
    %swap3A_70 = vector.load %arg11[%swap3A, %swap3A_69] : memref<1000x32xf32, #tpu.memory_space<vmem>>, vector<1000x32xf32>
    tpu.vector_store %arg11[%swap3A, %swap3A_69], %dot_general3A_58 {strides = array<i32>} : memref<1000x32xf32, #tpu.memory_space<vmem>>, vector<1000x32xf32>,
    %swap3A_71 = arith.constant 0 : index
    %swap3A_72 = arith.constant 0 : index
    %swap3A_73 = vector.load %arg12[%swap3A_71, %swap3A_72] : memref<1000x32xf32, #tpu.memory_space<vmem>>, vector<1000x32xf32>
    tpu.vector_store %arg12[%swap3A_71, %swap3A_72], %add3A_68 {strides = array<i32>} : memref<1000x32xf32, #tpu.memory_space<vmem>>, vector<1000x32xf32>,
    %get3A_74 = arith.constant 0 : index
    %get3A_75 = arith.constant 0 : index
    %get3A_76 = vector.load %arg9[%get3A_74, %get3A_75] : memref<32x1xf32, #tpu.memory_space<vmem>>, vector<32x1xf32>
    %dot_general3A_77 = arith.constant dense<0.000000e+00> : vector<1000x1xf32>
    %dot_general3A_78 = tpu.matmul %dot_general3A_58, %get3A_76, %dot_general3A_77 {dimension_numbers = #tpu.dot_dimension_numbers<[1], [0], [0], [1], [0, 0, 1, 1], [], []>, transpose_lhs_hint = false} : vector<1000x32xf32>, vector<32x1xf32>, vector<1000x1xf32> -> vector<1000x1xf32>
    %swap3A_79 = arith.constant 0 : index
    %swap3A_80 = arith.constant 0 : index
    %swap3A_81 = vector.load %arg13[%swap3A_79, %swap3A_80] : memref<1000x1xf32, #tpu.memory_space<vmem>>, vector<1000x1xf32>
    tpu.vector_store %arg13[%swap3A_79, %swap3A_80], %dot_general3A_78 {strides = array<i32>} : memref<1000x1xf32, #tpu.memory_space<vmem>>, vector<1000x1xf32>,
    %get3A_82 = arith.constant 0 : index
    %get3A_83 = arith.constant 0 : index
    %get3A_84 = vector.load %arg10[%get3A_82, %get3A_83] : memref<32x1xf32, #tpu.memory_space<vmem>>, vector<32x1xf32>
    %dot_general3A_85 = arith.constant dense<0.000000e+00> : vector<1000x1xf32>
    %dot_general3A_86 = tpu.matmul %dot_general3A_58, %get3A_84, %dot_general3A_85 {dimension_numbers = #tpu.dot_dimension_numbers<[1], [0], [0], [1], [0, 0, 1, 1], [], []>, transpose_lhs_hint = false} : vector<1000x32xf32>, vector<32x1xf32>, vector<1000x1xf32> -> vector<1000x1xf32>
    %swap3A_87 = arith.constant 0 : index
    %swap3A_88 = arith.constant 0 : index
    %swap3A_89 = vector.load %arg14[%swap3A_87, %swap3A_88] : memref<1000x1xf32, #tpu.memory_space<vmem>>, vector<1000x1xf32>
    tpu.vector_store %arg14[%swap3A_87, %swap3A_88], %dot_general3A_86 {strides = array<i32>} : memref<1000x1xf32, #tpu.memory_space<vmem>>, vector<1000x1xf32>,
    return
  }
  func.func @transform_0(%arg0: i32) -> (i32, i32) {
    %c0_i32 = arith.constant 0 : i32
    %c0_i32_0 = arith.constant 0 : i32
    return %arg0, %c0_i32 : i32, i32
  }
  func.func @transform_1(%arg0: i32) -> (i32, i32) {
    %c0_i32 = arith.constant 0 : i32
    %c0_i32_0 = arith.constant 0 : i32
    return %arg0, %c0_i32 : i32, i32
  }
  func.func @transform_2(%arg0: i32) -> (i32, i32) {
    %c0_i32 = arith.constant 0 : i32
    %c0_i32_0 = arith.constant 0 : i32
    %c0_i32_1 = arith.constant 0 : i32
    return %c0_i32, %c0_i32_0 : i32, i32
  }
  func.func @transform_3(%arg0: i32) -> (i32, i32) {
    %c0_i32 = arith.constant 0 : i32
    %c0_i32_0 = arith.constant 0 : i32
    %c0_i32_1 = arith.constant 0 : i32
    return %c0_i32, %c0_i32_0 : i32, i32
  }
  func.func @transform_4(%arg0: i32) -> (i32, i32) {
    %c0_i32 = arith.constant 0 : i32
    %c0_i32_0 = arith.constant 0 : i32
    %c0_i32_1 = arith.constant 0 : i32
    return %c0_i32, %c0_i32_0 : i32, i32
  }
  func.func @transform_5(%arg0: i32) -> (i32, i32) {
    %c0_i32 = arith.constant 0 : i32
    %c0_i32_0 = arith.constant 0 : i32
    %c0_i32_1 = arith.constant 0 : i32
    return %c0_i32, %c0_i32_0 : i32, i32
  }
  func.func @transform_6(%arg0: i32) -> (i32, i32) {
    %c0_i32 = arith.constant 0 : i32
    %c0_i32_0 = arith.constant 0 : i32
    %c0_i32_1 = arith.constant 0 : i32
    return %c0_i32, %c0_i32_0 : i32, i32
  }
  func.func @transform_7(%arg0: i32) -> (i32, i32) {
    %c0_i32 = arith.constant 0 : i32
    %c0_i32_0 = arith.constant 0 : i32
    %c0_i32_1 = arith.constant 0 : i32
    return %c0_i32, %c0_i32_0 : i32, i32
  }
  func.func @transform_8(%arg0: i32) -> (i32, i32) {
    %c0_i32 = arith.constant 0 : i32
    %c0_i32_0 = arith.constant 0 : i32
    %c0_i32_1 = arith.constant 0 : i32
    return %c0_i32, %c0_i32_0 : i32, i32
  }
  func.func @transform_9(%arg0: i32) -> (i32, i32) {
    %c0_i32 = arith.constant 0 : i32
    %c0_i32_0 = arith.constant 0 : i32
    %c0_i32_1 = arith.constant 0 : i32
    return %c0_i32, %c0_i32_0 : i32, i32
  }
  func.func @transform_10(%arg0: i32) -> (i32, i32) {
    %c0_i32 = arith.constant 0 : i32
    %c0_i32_0 = arith.constant 0 : i32
    return %arg0, %c0_i32 : i32, i32
  }
  func.func @transform_11(%arg0: i32) -> (i32, i32) {
    %c0_i32 = arith.constant 0 : i32
    %c0_i32_0 = arith.constant 0 : i32
    return %arg0, %c0_i32 : i32, i32
  }
  func.func @transform_12(%arg0: i32) -> (i32, i32) {
    %c0_i32 = arith.constant 0 : i32
    %c0_i32_0 = arith.constant 0 : i32
    return %arg0, %c0_i32 : i32, i32
  }
  func.func @transform_13(%arg0: i32) -> (i32, i32) {
    %c0_i32 = arith.constant 0 : i32
    %c0_i32_0 = arith.constant 0 : i32
    return %arg0, %c0_i32 : i32, i32
  }
}

module attributes {stable_mosaic.version = 14 : i64} {
  func.func @_stage3_body(%arg0: i32, %arg1: memref<1000x32xf32, #tpu.memory_space<vmem>>, %arg2: memref<1000x32xf32, #tpu.memory_space<vmem>>, %arg3: memref<1x32xf32, #tpu.memory_space<vmem>>, %arg4: memref<1x32xf32, #tpu.memory_space<vmem>>, %arg5: memref<1x32xf32, #tpu.memory_space<vmem>>, %arg6: memref<1x32xf32, #tpu.memory_space<vmem>>) attributes {dimension_semantics = [#tpu.dimension_semantics<arbitrary>], iteration_bounds = array<i64: 50>, scalar_prefetch = 0 : i64, scratch_operands = 0 : i64, tpu.core_type = #tpu.core_type<tc>, window_params = [{transform_indices = @transform_0, window_bounds = array<i64: 1000, 32>}, {transform_indices = @transform_1, window_bounds = array<i64: 1000, 32>}, {pipeline_mode = #tpu.pipeline_mode<synchronous>, transform_indices = @transform_2, window_bounds = array<i64: 1, 32>}, {pipeline_mode = #tpu.pipeline_mode<synchronous>, transform_indices = @transform_3, window_bounds = array<i64: 1, 32>}, {pipeline_mode = #tpu.pipeline_mode<synchronous>, transform_indices = @transform_4, window_bounds = array<i64: 1, 32>}, {pipeline_mode = #tpu.pipeline_mode<synchronous>, transform_indices = @transform_5, window_bounds = array<i64: 1, 32>}]} {
    %get3A = arith.constant 0 : index
    %get3A_0 = arith.constant 0 : index
    %get3A_1 = vector.load %arg1[%get3A, %get3A_0] : memref<1000x32xf32, #tpu.memory_space<vmem>>, vector<1000x32xf32>
    %get3A_2 = arith.constant 0 : index
    %get3A_3 = arith.constant 0 : index
    %get3A_4 = vector.load %arg3[%get3A_2, %get3A_3] : memref<1x32xf32, #tpu.memory_space<vmem>>, vector<1x32xf32>
    %add3A = vector.broadcast %get3A_4 : vector<1x32xf32> to vector<1000x32xf32>
    %add3A_5 = arith.addf %get3A_1, %add3A : vector<1000x32xf32>
    %get3A_6 = arith.constant 0 : index
    %get3A_7 = arith.constant 0 : index
    %get3A_8 = vector.load %arg2[%get3A_6, %get3A_7] : memref<1000x32xf32, #tpu.memory_space<vmem>>, vector<1000x32xf32>
    %add3A_9 = arith.addf %add3A_5, %get3A_8 : vector<1000x32xf32>
    %get3A_10 = arith.constant 0 : index
    %get3A_11 = arith.constant 0 : index
    %get3A_12 = vector.load %arg4[%get3A_10, %get3A_11] : memref<1x32xf32, #tpu.memory_space<vmem>>, vector<1x32xf32>
    %get3A_13 = arith.constant 0 : index
    %get3A_14 = arith.constant 0 : index
    %get3A_15 = vector.load %arg5[%get3A_13, %get3A_14] : memref<1x32xf32, #tpu.memory_space<vmem>>, vector<1x32xf32>
    %reduce_sum3A = arith.constant dense<0.000000e+00> : vector<1000xf32>
    %reduce_sum3A_16 = vector.multi_reduction <add>, %add3A_9, %reduce_sum3A [1] : vector<1000x32xf32> to vector<1000xf32>
    %broadcast_in_dim3A = vector.shape_cast %reduce_sum3A_16 : vector<1000xf32> to vector<1000x1xf32>
    %div3A = arith.constant 3.200000e+01 : f32
    %div3A_17 = vector.broadcast %div3A : f32 to vector<1000x1xf32>
    %div3A_18 = arith.divf %broadcast_in_dim3A, %div3A_17 : vector<1000x1xf32>
    %jit3A = arith.constant 0 : i32
    %reduce_sum3A_19 = arith.constant dense<0.000000e+00> : vector<1000xf32>
    %reduce_sum3A_20 = vector.multi_reduction <add>, %add3A_9, %reduce_sum3A_19 [1] : vector<1000x32xf32> to vector<1000xf32>
    %broadcast_in_dim3A_21 = vector.shape_cast %reduce_sum3A_20 : vector<1000xf32> to vector<1000x1xf32>
    %div3A_22 = arith.constant 3.200000e+01 : f32
    %div3A_23 = vector.broadcast %div3A_22 : f32 to vector<1000x1xf32>
    %div3A_24 = arith.divf %broadcast_in_dim3A_21, %div3A_23 : vector<1000x1xf32>
    %sub3A = vector.broadcast %div3A_24 : vector<1000x1xf32> to vector<1000x32xf32>
    %sub3A_25 = arith.subf %add3A_9, %sub3A : vector<1000x32xf32>
    %square3A = arith.mulf %sub3A_25, %sub3A_25 : vector<1000x32xf32>
    %convert_element_type3A = arith.sitofp %jit3A : i32 to f32
    %sub3A_26 = arith.constant 3.200000e+01 : f32
    %sub3A_27 = arith.subf %sub3A_26, %convert_element_type3A : f32
    %reduce_sum3A_28 = arith.constant dense<0.000000e+00> : vector<1000xf32>
    %reduce_sum3A_29 = vector.multi_reduction <add>, %square3A, %reduce_sum3A_28 [1] : vector<1000x32xf32> to vector<1000xf32>
    %broadcast_in_dim3A_30 = vector.shape_cast %reduce_sum3A_29 : vector<1000xf32> to vector<1000x1xf32>
    %div3A_31 = vector.broadcast %sub3A_27 : f32 to vector<1000x1xf32>
    %div3A_32 = arith.divf %broadcast_in_dim3A_30, %div3A_31 : vector<1000x1xf32>
    %gt3A = arith.constant 0.000000e+00 : f32
    %gt3A_33 = arith.cmpf ogt, %sub3A_27, %gt3A : f32
    %jit3A_34 = arith.constant 0x7FC00000 : f32
    %broadcast_in_dim3A_35 = vector.broadcast %jit3A_34 : f32 to vector<1000x1xf32>
    %select_n3A = arith.select %gt3A_33, %div3A_32, %broadcast_in_dim3A_35 : vector<1000x1xf32>
    %sub3A_36 = vector.broadcast %div3A_18 : vector<1000x1xf32> to vector<1000x32xf32>
    %sub3A_37 = arith.subf %add3A_9, %sub3A_36 : vector<1000x32xf32>
    %add3A_38 = arith.constant 9.99999974E-6 : f32
    %add3A_39 = vector.broadcast %add3A_38 : f32 to vector<1000x1xf32>
    %add3A_40 = arith.addf %select_n3A, %add3A_39 : vector<1000x1xf32>
    %sqrt3A = math.sqrt %add3A_40 : vector<1000x1xf32>
    %div3A_41 = vector.broadcast %sqrt3A : vector<1000x1xf32> to vector<1000x32xf32>
    %div3A_42 = arith.divf %sub3A_37, %div3A_41 : vector<1000x32xf32>
    %mul3A = vector.broadcast %get3A_12 : vector<1x32xf32> to vector<1000x32xf32>
    %mul3A_43 = arith.mulf %div3A_42, %mul3A : vector<1000x32xf32>
    %add3A_44 = vector.broadcast %get3A_15 : vector<1x32xf32> to vector<1000x32xf32>
    %add3A_45 = arith.addf %mul3A_43, %add3A_44 : vector<1000x32xf32>
    %eq3A = arith.constant 0 : i32
    %eq3A_46 = arith.cmpi eq, %arg0, %eq3A : i32
    %convert_element_type3A_47 = arith.extui %eq3A_46 : i1 to i32
    %cond3A = arith.constant 0 : i32
    %cond3A_48 = arith.cmpi ne, %convert_element_type3A_47, %cond3A : i32
    scf.if %cond3A_48 {
      %broadcast_in_dim3A_58 = arith.constant 0.000000e+00 : f32
      %broadcast_in_dim3A_59 = vector.broadcast %broadcast_in_dim3A_58 : f32 to vector<1x32xf32>
      %swap3A_60 = arith.constant 0 : index
      %swap3A_61 = arith.constant 0 : index
      %swap3A_62 = vector.load %arg6[%swap3A_60, %swap3A_61] : memref<1x32xf32, #tpu.memory_space<vmem>>, vector<1x32xf32>
      tpu.vector_store %arg6[%swap3A_60, %swap3A_61], %broadcast_in_dim3A_59 {strides = array<i32>} : memref<1x32xf32, #tpu.memory_space<vmem>>, vector<1x32xf32>,
    } else {
    }
    %get3A_49 = arith.constant 0 : index
    %get3A_50 = arith.constant 0 : index
    %get3A_51 = vector.load %arg6[%get3A_49, %get3A_50] : memref<1x32xf32, #tpu.memory_space<vmem>>, vector<1x32xf32>
    %reduce_sum3A_52 = arith.constant dense<0.000000e+00> : vector<32xf32>
    %reduce_sum3A_53 = vector.multi_reduction <add>, %add3A_45, %reduce_sum3A_52 [0] : vector<1000x32xf32> to vector<32xf32>
    %broadcast_in_dim3A_54 = vector.shape_cast %reduce_sum3A_53 : vector<32xf32> to vector<1x32xf32>
    %add3A_55 = arith.addf %get3A_51, %broadcast_in_dim3A_54 : vector<1x32xf32>
    %swap3A = arith.constant 0 : index
    %swap3A_56 = arith.constant 0 : index
    %swap3A_57 = vector.load %arg6[%swap3A, %swap3A_56] : memref<1x32xf32, #tpu.memory_space<vmem>>, vector<1x32xf32>
    tpu.vector_store %arg6[%swap3A, %swap3A_56], %add3A_55 {strides = array<i32>} : memref<1x32xf32, #tpu.memory_space<vmem>>, vector<1x32xf32>,
    return
  }
  func.func @transform_0(%arg0: i32) -> (i32, i32) {
    %c0_i32 = arith.constant 0 : i32
    %c0_i32_0 = arith.constant 0 : i32
    return %arg0, %c0_i32 : i32, i32
  }
  func.func @transform_1(%arg0: i32) -> (i32, i32) {
    %c0_i32 = arith.constant 0 : i32
    %c0_i32_0 = arith.constant 0 : i32
    return %arg0, %c0_i32 : i32, i32
  }
  func.func @transform_2(%arg0: i32) -> (i32, i32) {
    %c0_i32 = arith.constant 0 : i32
    %c0_i32_0 = arith.constant 0 : i32
    %c0_i32_1 = arith.constant 0 : i32
    return %c0_i32, %c0_i32_0 : i32, i32
  }
  func.func @transform_3(%arg0: i32) -> (i32, i32) {
    %c0_i32 = arith.constant 0 : i32
    %c0_i32_0 = arith.constant 0 : i32
    %c0_i32_1 = arith.constant 0 : i32
    return %c0_i32, %c0_i32_0 : i32, i32
  }
  func.func @transform_4(%arg0: i32) -> (i32, i32) {
    %c0_i32 = arith.constant 0 : i32
    %c0_i32_0 = arith.constant 0 : i32
    %c0_i32_1 = arith.constant 0 : i32
    return %c0_i32, %c0_i32_0 : i32, i32
  }
  func.func @transform_5(%arg0: i32) -> (i32, i32) {
    %c0_i32 = arith.constant 0 : i32
    %c0_i32_0 = arith.constant 0 : i32
    %c0_i32_1 = arith.constant 0 : i32
    return %c0_i32, %c0_i32_0 : i32, i32
  }
}

</mosaic_0001>

<sc_bundles>
// kernel: gather_offload_async_start
scs
__scs_entry_jumppad:
0x0: {  	(pc) =	sbr.rel $0x88, $3  }
0x1: {  	(tag) =	ssettag $0x0;
	lr =	simm.s32 $0x1  }
0x2: {  	[smem:$0x3F8B] =	sst lr;
	_ =	strace $0xD0000000  }
0x3: {  	_ = 	snop  }
0x4: {  	_ = 	snop  }
0x5: {  	_ = 	snop  }
0x6: {  	_ = 	snop  }
0x7: {  	_ = 	snop  }
__scs_overlays_trampoline_lowered:
0x8: {  	[smem:$0x3F9A] =	sst s0  }
0x9: {  	[smem:$0x3F9B] =	sst s1  }
0xa: {  	[smem:$0x3F9C] =	sst s2  }
0xb: {  	[smem:$0x3F9D] =	sst s3  }
0xc: {  	[smem:$0x3F9E] =	sst s4  }
0xd: {  	[smem:$0x3F9F] =	sst s5  }
0xe: {  	[smem:$0x3FA0] =	sst s6  }
0xf: {  	[smem:$0x3FA1] =	sst s7  }
0x10: {  	[smem:$0x3FA2] =	sst s8  }
0x11: {  	[smem:$0x3FA3] =	sst s9;
	s0 =	simm.s32 @!p0 $0x0  }
0x12: {  	s1 =	sld [smem:$0x3F89];
	s0 =	simm.s32 @p0 $0x1  }
0x13: {  	[smem:$0x3FA4] =	sst s0;
	s0 =	simm.s32 @!p1 $0x0  }
0x14: {  	s2 =	sld [smem:$0x3F88];
	s0 =	simm.s32 @p1 $0x1  }
0x15: {  	[smem:$0x3FA5] =	sst s0;
	s0 =	simm.s32 @!p2 $0x0  }
0x16: {  	s3 =	sld [smem:$0x3FDB];
	s0 =	simm.s32 @p2 $0x1  }
0x17: {  	s4 =	simm.s32 $0x1BF5;
	[smem:$0x3FA7] =	sst s0  }
0x18: {  	s0 =	sld [smem:$0x3F8A];
	_ =	swait.ge [sflag:s4], $0x0  }
0x19: {  	s7 =	sld [smem:$0x3F8B]  }
0x1a: {  	s8 =	sadd.s32 $0xFFFFE003, lr  }
0x1b: {  	s9 =	sadd.s32 $0xFFFFFEF7, lr;
	s5 =	simm.s32 $0xFFFFFFFF;
	p2 =	slt.u32 s8, $0xFFFFF086  }
0x1c: {  	p1 =	slt.u32 s9, $0xF7A;
	s5 =	simm.s32 @!p2 $0x0  }
0x1d: {  	s5 =	simm.s32 @p1 $0x1;
	p0 =	seq.s32 s7, s2  }
0x1e: {  	s7 =	smul.u32 @!p0 $0xF7A, s2;
	p2 =	seq.s32 @!p0 s5, $0x0  }
0x1f: {  	s9 =	smul.u32 $0xF7A, s1;
	s8 =	simm.s32 @!p0 $0x1BF5;
	p2 =	por !p2, p0  }
0x20: {  	[sflag:s8] =	ssyncset.s32 @!p0 $0xFFFFF086;
	s6 =	sadd.s32 @!p0 s3, s7;
	s7 =	simm.s32 @!p0 $0x108  }
0x21: {  	s3 =	sadd.s32 s3, s9;
	s6 =	sadd.s32 @!p0 $0x88, s6;
	s7 =	simm.s32 @p2 $0x1082  }
0x22: {  	[simem:s7], [sflag:s8] =	dma.local @!p0 [hbm:s6], $0xF7A  }
0x23: {  	s9 =	sor.u32 $0xD0000000, s2;
	s6 =	simm.s32 $0x108;
	_ =	swait.ge @!p0 [sflag:s8], $0x0  }
0x24: {  	s3 =	sadd.s32 $0x88, s3;
	s6 =	simm.s32 @!p1 $0x1082;
	[sflag:s4] =	ssyncset.s32 $0xFFFFF086  }
0x25: {  	[simem:s6], [sflag:s4] =	dma.local [hbm:s3], $0xF7A  }
0x26: {  	[smem:$0x3F8B] =	sst s1;
	(tag) =	ssettag s2;
	_ =	strace s9  }
0x27: {  	s1 =	sld [smem:$0x3F9B]  }
0x28: {  	s2 =	sld [smem:$0x3F9C]  }
0x29: {  	s4 =	sld [smem:$0x3F9E]  }
0x2a: {  	p0 =	seq.s32 s5, $0x0;
	s5 =	sld [smem:$0x3F9F]  }
0x2b: {  	s6 =	sld [smem:$0x3FA0]  }
0x2c: {  	s7 =	sld [smem:$0x3FA1]  }
0x2d: {  	s3 =	simm.s32 $0x108;
	s8 =	sld [smem:$0x3FA2]  }
0x2e: {  	s3 =	simm.s32 @!p0 $0x1082;
	s9 =	sld [smem:$0x3FA3]  }
0x2f: {  	lr =	sadd.s32 s0, s3;
	s0 =	sld [smem:$0x3F9A]  }
0x30: {  	s3 =	sld [smem:$0x3F9D]  }
0x31: {  	[smem:$0x3FA6] =	sst s10  }
0x32: {  	s10 =	sld [smem:$0x3FA4];
	_ =	sdelay $0x3  }
0x33: {  	p0 =	seq.s32 s10, $0x1;
	s10 =	sld [smem:$0x3FA6];
	_ =	sdelay $0x3  }
0x34: {  	[smem:$0x3FA6] =	sst s10  }
0x35: {  	s10 =	sld [smem:$0x3FA5];
	_ =	sdelay $0x3  }
0x36: {  	p1 =	seq.s32 s10, $0x1;
	s10 =	sld [smem:$0x3FA6];
	_ =	sdelay $0x3  }
0x37: {  	[smem:$0x3FA6] =	sst s10  }
0x38: {  	s10 =	sld [smem:$0x3FA7]  }
0x39: {  	_ = 	snop;
	(pc) =	sbr.ind lr, $3  }
0x3a: {  	_ = 	snop  }
0x3b: {  	_ = 	snop  }
0x3c: {  	p2 =	seq.s32 s10, $0x1;
	s10 =	sld [smem:$0x3FA6]  }
0x3d: {  	_ =	shalt  }
0x3e: {  	_ =	shalt  }
0x3f: {  	_ =	shalt  }
0x40: {  	_ =	shalt  }
0x41: {  	_ =	shalt  }
0x42: {  	_ =	shalt  }
0x43: {  	_ =	shalt  }
0x44: {  	_ =	shalt  }
0x45: {  	_ =	shalt  }
0x46: {  	_ =	shalt  }
0x47: {  	_ =	shalt  }
0x48: {  	_ =	shalt  }
0x49: {  	_ =	shalt  }
0x4a: {  	_ =	shalt  }
0x4b: {  	_ =	shalt  }
0x4c: {  	_ =	shalt  }
0x4d: {  	_ =	shalt  }
0x4e: {  	_ =	shalt  }
0x4f: {  	_ =	shalt  }
0x50: {  	_ =	shalt  }
0x51: {  	_ =	shalt  }
0x52: {  	_ =	shalt  }
0x53: {  	_ =	shalt  }
0x54: {  	_ =	shalt  }
0x55: {  	_ =	shalt  }
0x56: {  	_ =	shalt  }
0x57: {  	_ =	shalt  }
0x58: {  	_ =	shalt  }
0x59: {  	_ =	shalt  }
0x5a: {  	_ =	shalt  }
0x5b: {  	_ =	shalt  }
0x5c: {  	_ =	shalt  }
0x5d: {  	_ =	shalt  }
0x5e: {  	_ =	shalt  }
0x5f: {  	_ =	shalt  }
0x60: {  	_ =	shalt  }
0x61: {  	_ =	shalt  }
0x62: {  	_ =	shalt  }
0x63: {  	_ =	shalt  }
0x64: {  	_ =	shalt  }
0x65: {  	_ =	shalt  }
0x66: {  	_ =	shalt  }
0x67: {  	_ =	shalt  }
0x68: {  	_ =	shalt  }
0x69: {  	_ =	shalt  }
0x6a: {  	_ =	shalt  }
0x6b: {  	_ =	shalt  }
0x6c: {  	_ =	shalt  }
0x6d: {  	_ =	shalt  }
0x6e: {  	_ =	shalt  }
0x6f: {  	_ =	shalt  }
0x70: {  	_ =	shalt  }
0x71: {  	_ =	shalt  }
0x72: {  	_ =	shalt  }
0x73: {  	_ =	shalt  }
0x74: {  	_ =	shalt  }
0x75: {  	_ =	shalt  }
0x76: {  	_ =	shalt  }
0x77: {  	_ =	shalt  }
0x78: {  	_ =	shalt  }
0x79: {  	_ =	shalt  }
0x7a: {  	_ =	shalt  }
0x7b: {  	_ =	shalt  }
0x7c: {  	_ =	shalt  }
0x7d: {  	_ =	shalt  }
0x7e: {  	_ =	shalt  }
0x7f: {  	_ =	shalt  }
0x80: {  	_ =	shalt  }
0x81: {  	_ =	shalt  }
0x82: {  	_ =	shalt  }
0x83: {  	_ =	shalt  }
0x84: {  	_ =	shalt  }
0x85: {  	_ =	shalt  }
0x86: {  	_ =	shalt  }
0x87: {  	_ =	shalt  }
.Lfunc_end0:
.L_simem_size_0:
called_computation.6_lowered:
.L_overlay_start_0:
0x88: {  	s0 =	sld [smem:$0x3FD9]  }
0x89: {  	s1 =	sld [smem:$0x3FFE];
	_ =	sdelay $0x3  }
0x8a: {  	s0 =	sadd.s32 s1, s0  }
0x8b: {  	[smem:$0x3FB2] =	sst s0  }
0x8c: {  	_ = 	snop  }
0x8d: {  	(tm) =	ssettm $0x1  }
0x8e: {  	s15 =	sld [smem:$0x3FFB];
	_ =	sdelay $0x3  }
0x8f: {  	_ =	strace s15  }
0x90: {  	s0 =	sld [smem:$0x3FFC];
	_ =	sdelay $0x3  }
0x91: {  	_ =	strace s0  }
0x92: {  	s0 =	sld [smem:$0x3FFD];
	_ =	sdelay $0x3  }
0x93: {  	_ =	strace s0  }
0x94: {  	_ =	strace $0x8FFFFFFF  }
0x95: {  	s16 =	sld [smem:$0x3FDB];
	_ =	sdelay $0x1  }
0x96: {  	s17 =	simm.s32 $_scs_section_size  }
0x97: {  	s2 =	simm.s32 $_size__tile_overlayer_lowered;
	s3 =	simm.s32 $_tile_overlayer_lowered  }
0x98: {  	s20 =	simm.s32 $0x1BFF;
	s19 =	sshll.u32 s3, $0x1;
	s0 =	sadd.s32 s17, s16  }
0x99: {  	s4 =	simm.s32 $0x0;
	s18 =	sshll.u32 s2, $0x1;
	s2 =	sadd.s32 s19, s0  }
0x9a: {  	[timem:s4], [sflag:s20] =	dma.local [hbm:s2], s18  }
0x9b: {  	_ =	swait.ge [sflag:s20], s18  }
0x9c: {  	s1 =	ssub.s32 $0x0, s18;
	[sflag:s20] =	ssyncset.done $0x0  }
0x9d: {  	[sflag:s20] =	ssyncadd.s32 s1;
	_ =	sdelay $0x1  }
0x9e: {  	s21 =	simm.s32 $0x1B8B  }
0x9f: {  	_ =	swait.ge [sflag:s21], $0x1  }
0xa0: {  	[sflag:s21] =	ssyncset.done $0x0  }
0xa1: {  	s23 =	simm.s32 $0x1B8E;
	s22 =	sld [smem:$0x3FFE];
	[sflag:s21] =	ssyncadd.s32 $0xFFFFFFFF  }
0xa2: {  	s24 =	simm.s32 $execute0_lowered;
	[smem:$0x3FD2] =	sst s23  }
0xa3: {  	s2 =	sshll.u32 s24, $0x1;
	_ =	strace $0x80000049;
	[dreg:$0x1] =	wrdreg $0xFFFFFFFF  }
0xa4: {  	s25 =	simm.s32 $_size_execute0_lowered;
	s0 =	sadd.s32 s0, s2;
	[dreg:$0x0] =	wrdreg $0x0  }
0xa5: {  	s2 =	sshll.u32 s25, $0x1;
	[dreg:$0x2] =	wrdreg s0  }
0xa6: {  	[dreg:$0x3] =	wrdreg s2  }
0xa7: {  	[dreg:$0x4] =	wrdreg $0xC0  }
0xa8: {  	_ =	task [dreg:s4], $0x5FFFF  }
0xa9: {  	[dreg:$0x1] =	wrdreg $0xFFFFFFFF  }
0xaa: {  	[dreg:$0x0] =	wrdreg $0x60  }
0xab: {  	[dreg:$0x2] =	wrdreg s22  }
0xac: {  	[dreg:$0x3] =	wrdreg $0xA  }
0xad: {  	_ =	task.clear_ibuf [dreg:s4], $0x4FFFF;
	_ =	strace $0x90000049  }
0xae: {  	s26 =	simm.s32 $0xA;
	_ =	strace $0x8000004B  }
0xaf: {  	_ =	swait.ge [sflag:s26], $0x1  }
0xb0: {  	[sflag:s26] =	ssyncadd.s32 $0xFFFFFFFF  }
0xb1: {  	_ =	strace $0x9000004B  }
0xb2: {  	_ =	sfence  }
0xb3: {  	s28 =	sld [smem:$0x0];
	_ =	sdelay $0x1  }
0xb4: {  	s29 =	srdreg.scid  }
0xb5: {  	s30 =	sshll.u32 s29, $0xD;
	s31 =	sshrl.u32 s29, $0x2  }
0xb6: {  	s1 =	sand.u32 $0x1, s29;
	s2 =	sand.u32 $0x4000, s30;
	s0 =	sadd.s32 s31, s28  }
0xb7: {  	s1 =	sor.u32 s2, s1;
	s0 =	sshll.u32 s0, $0x11  }
0xb8: {  	s0 =	sor.u32 s0, s1  }
0xb9: {  	s0 =	sadd.s32 $0x8F2B, s0  }
0xba: {  	[sflag:s0] =	ssyncadd.remote.s32 $0x1  }
0xbb: {  	_ =	sfence.sel $0xFFFF  }
0xbc: {  	[dreg:$0x0] =	wrdreg $0xFFFFFFFF;
	(pc) =	sbr.abs _section_cstart, $3  }
0xbd: {  	[dreg:$0x1] =	wrdreg $0xFFFFFFFF  }
0xbe: {  	_ =	task.clear_ibuf [dreg:s4], $0x2FFFF;
	_ =	strace $0x9FFFFFFF  }
0xbf: {  	(tm) =	ssettm $0x7FFFFFFF  }
tec
execute0_lowered:
.L_overlay_start_1:
0x0: {  	(tag) =	ssettag $0x1  }
0x1: {  	s0 =	stileid.u32  }
0x2: {  	s1 =	smul.u32 $0x109, s0  }
0x3: {  	s2 =	smin.u32 s0, $0xA  }
0x4: {  	s1 =	sadd.s32 s2, s1  }
0x5: {  	p0 =	slt.u32 s0, $0xA;
	s2 =	smul.u32 $0xC8, s1;
	s1 =	simm.s32 $0xCFD0  }
0x6: {  	s1 =	simm.s32 @!p0 $0xCF08  }
0x7: {  	s1 =	sadd.s32 s1, s2  }
0x8: {  	s3 =	smin.u32 s1, $0xCF850  }
0x9: {  	s8 =	ssub.s32 s3, s2  }
0xa: {  	p0 =	sgt.s32 s8, $0x0  }
0xb: {  	s8 =	simm.s32 @!p0 $0x0  }
0xc: {  	s4 =	smulhi.u32 $0x51EB851F, s8  }
0xd: {  	s10 =	rddreg [dreg:$0x0];
	_ =	strace $0x8000004A;
	s7 =	simm.s32 $0x1  }
0xe: {  	s12 =	simm.s32 $0x3;
	s13 =	simm.s32 $0x0;
	s9 =	sshrl.u32 s4, $0x6  }
0xf: {  	p3 =	por $0x0, $0x0;
	s5 =	sadd.s32 $0x22E400, s10;
	s11 =	smul.u32 $0xC8, s9  }
.Ltmp0:
0x10: {  	s6 =	sadd.s32 $0x129D000, s10;
	[sflag:s7] =	ssyncpa.u1 $0x0;
	(pc) =	sbr.rel .LBB2_1-.Ltmp0, $4  }
0x11: {  	s14 =	smov.u32 s2;
	p0 =	sne.s32 s8, s11;
	s11 =	simm.s32 $0x1  }
0x12: {  	s4 =	sadd.s32 $0x297600, s10;
	s8 =	simm.s32 $0x2;
	s11 =	simm.s32 @!p0 $0x0  }
0x13: {  	s10 =	sadd.s32 $0x248400, s10;
	[sflag:s8] =	ssyncpa.u1 $0x0;
	s9 =	sadd.s32 s11, s9  }
0x14: {  	v0 =	vlaneseq.u32;
	[sflag:s12] =	ssyncpa.u1 $0x0;
	s12 =	simm.s32 $0x80;
	s11 =	sadd.s32 $0x1, s9  }
.LBB2_6:
0x15: {  	s1 =	sadd.s32 s19, s17  }
0x16: {  	v2 =	vld.msk [tilespmem:s1+$0x0 ss:$0x1], $0x1;
	_ =	sdelay $0x2  }
0x17: {  	(v2sf) =	vpush v1, $0x1  }
0x18: {  	(v2sf) =	vpush v1, $0x0  }
0x19: {  	(v2sf) =	vpush v2, $0x0;
	_ =	sdelay $0xc  }
0x1a: {  	p0 =	seq.s32 s20, $0x31C;
	s1 =	simm.s32 $0x1;
	s17 =	spop (v2sf)  }
0x1b: {  	s1 =	simm.s32 @!p0 $0x2;
	s17 =	simm.s32 @p1 $0xFFFFFFFF;
	s26 =	spop (v2sf)  }
0x1c: {  	v1 =	vmov s1;
	p0 =	sne.s32 s26, s17;
	s17 =	simm.s32 $0x1;
	s28 =	spop (v2sf)  }
0x1d: {  	vm0 =	vgt.u32 v1, v0;
	s17 =	simm.s32 @!p0 $0x0;
	s29 =	sshll.u32 s28, $0x8;
	s1 =	sshll.u32 s28, $0x7  }
0x1e: {  	s17 =	sadd.s32 s17, s18;
	s20 =	sand.u32 $0xFFFFF800, s29;
	s1 =	sand.u32 $0x380, s1  }
0x1f: {  	s17 =	sshll.u32 s17, $0xA;
	s1 =	sor.u32 s1, s20  }
0x20: {  	s17 =	sshra.s32 s17, $0x2;
	s1 =	sshrl.u32 s1, $0x3  }
0x21: {  	s15 =	sadd.s32 s19, s15;
	s16 =	sadd.s32 s17, s16;
	s1 =	sadd.s32 s6, s1  }
0x22: {  	[hbm:s1] =	stream.strided.scatter [tilespmem:s16], [sflag:$0x3], $0x100, s12, s12, $0x38;
	[tilespmem:$0x19320] =	vst v63  }
0x23: {  	v1 =	vld.msk [tilespmem:s15+$0x0 ss:$0x1], vm0;
	_ =	sdelay $0x4  }
0x24: {  	(v2sf) =	vpush v1, $0x1  }
0x25: {  	(v2sf) =	vpush v1, $0x0;
	_ =	sdelay $0xb  }
0x26: {  	s1 =	sld [smem:$0x7FC];
	_ =	sdelay $0x1  }
0x27: {  	s30 =	spop (v2sf)  }
0x28: {  	p3 =	seq.s32 s1, $0x1;
	s31 =	spop (v2sf)  }
.LBB2_7:
0x29: {  	p2 =	sne.s32 s13, s11  }
.Ltmp1:
0x2a: {  	p0 =	slt.u32 s13, $0x2;
	(pc) =	sbr.rel @!p2 .LBB2_8-.Ltmp1, $4  }
0x2b: {  	s15 =	sadd.s32 $0xC8, s14;
	s1 =	simm.s32 @!p0 $0x3  }
0x2c: {  	s14 =	smov.u32 s2;
	s16 =	sadd.s32 $0x1, s13;
	_ =	swait.ge @!p0 [sflag:s1], $0xC800  }
0x2d: {  	p3 =	por !p3, !p3;
	p1 =	slt.s32 s15, s3;
	[sflag:s1] =	ssyncset.done @!p0 $0x0  }
0x2e: {  	s13 =	smov.u32 s16;
	s14 =	smov.u32 @p1 s15;
	[sflag:s1] =	ssyncadd.s32 @!p0 $0xFFFF3800  }
.LBB2_1:
0x2f: {  	p0 =	sge.u32 s13, s9  }
0x30: {  	s15 =	sxor.u32 @!p0 $0xFFFFFFFF, s13  }
0x31: {  	s15 =	sand.u32 @!p0 $0x1, s15  }
0x32: {  	s16 =	sshrl.u32 @!p0 s14, $0x3;
	s15 =	smul.u32 @!p0 $0xC8, s15  }
0x33: {  	s18 =	sand.u32 @!p0 $0x7, s14;
	s17 =	sadd.s32 @!p0 s5, s16  }
0x34: {  	[tilespmem:s15], [sflag:$0x2] =	stream.linear.gather @!p0 [hbm4b:s17+s18], $0xC8, $0x38;
	[tilespmem:$0x19320] =	vst v63  }
0x35: {  	s31 =	sadd.s32 $0xFFFFFFFF, s13;
	s16 =	sadd.s32 @!p0 s10, s16;
	s15 =	sadd.s32 @!p0 $0x190, s15  }
0x36: {  	[tilespmem:s15], [sflag:$0x2] =	stream.linear.gather @!p0 [hbm4b:s16+s18], $0xC8, $0x38;
	[tilespmem:$0x19320] =	vst v63  }
0x37: {  	p0 =	sge.u32 s31, s9  }
.Ltmp2:
0x38: {  	_ = 	snop;
	(pc) =	sbr.rel @p0 .LBB2_7-.Ltmp2, $1  }
0x39: {  	_ =	sdelay $0x3  }
0x3a: {  	p0 =	por $0x0, $0x0;
	s15 =	simm.s32 $0x1  }
0x3b: {  	s15 =	simm.s32 @!p0 $0x2  }
0x3c: {  	v1 =	vmov s15  }
0x3d: {  	s1 =	simm.s32 @!p3 $0x0;
	s15 =	simm.s32 $0x1;
	vm0 =	vgt.u32 v1, v0  }
0x3e: {  	s1 =	simm.s32 @p3 $0x1;
	s15 =	simm.s32 @!p3 $0x0  }
0x3f: {  	[smem:$0x7FC] =	sst s1;
	s15 =	smul.u32 $0x320, s15  }
0x40: {  	_ =	swait.ge [sflag:s8], $0x190  }
0x41: {  	[sflag:s8] =	ssyncset.done $0x0;
	s15 =	sshrl.u32 s15, $0x2  }
0x42: {  	[sflag:s8] =	ssyncadd.s32 $0xFFFFFE70;
	s16 =	sadd.s32 $0x0, s15  }
0x43: {  	v2 =	vld.msk [tilespmem:s16+$0x0 ss:$0x1], vm0;
	_ =	sdelay $0x4  }
0x44: {  	(v2sf) =	vpush v2, $0x1  }
0x45: {  	p1 =	por $0x0, $0x0;
	s16 =	simm.s32 $0x1;
	(v2sf) =	vpush v2, $0x0  }
0x46: {  	s16 =	simm.s32 @!p1 $0x2  }
0x47: {  	v1 =	vmov s16  }
0x48: {  	vm12 =	vgt.u32 v1, v0;
	_ =	sdelay $0x3  }
0x49: {  	p2 =	por $0x0, $0x0;
	s17 =	simm.s32 $0x1  }
0x4a: {  	s17 =	simm.s32 @!p2 $0x2;
	s26 =	sadd.s32 $0x1, s15  }
0x4b: {  	v1 =	vmov s17;
	v3 =	vld.msk [tilespmem:s26+$0x0 ss:$0x1], vm12  }
0x4c: {  	vm13 =	vgt.u32 v1, v0;
	_ =	sdelay $0x2  }
0x4d: {  	p0 =	por p0, p0  }
0x4e: {  	p0 =	por p0, p0;
	(v2sf) =	vpush v3, $0x1;
	s16 =	spop (v2sf)  }
0x4f: {  	s30 =	sadd.s32 $0x2, s15;
	s16 =	simm.s32 @p0 $0xFFFFFFFF;
	s18 =	spop (v2sf)  }
0x50: {  	v1 =	vld.msk [tilespmem:s30+$0x0 ss:$0x1], vm13;
	(v2sf) =	vpush v3, $0x0;
	p0 =	seq.s32 s18, s16  }
0x51: {  	vm0 =	vgt.s32 @!p0 v2, $0x0  }
0x52: {  	v2 =	vnsel @!p0 vm0, $0x0, v2  }
0x53: {  	v2 =	vmin.u32 @!p0 v2, $0xC34F  }
0x54: {  	(v2sf) =	vpush @!p0 v2, $0x0  }
0x55: {  	(v2sf) =	vpush v1, $0x1  }
0x56: {  	s31 =	sand.u32 $0x1, s13;
	(v2sf) =	vpush v1, $0x0  }
0x57: {  	p4 =	por $0x0, $0x0;
	s19 =	simm.s32 $0x0;
	s23 =	simm.s32 $0x14  }
0x58: {  	s21 =	simm.s32 $0x18;
	s24 =	simm.s32 $0x1;
	s18 =	simm.s32 $0x1  }
0x59: {  	p2 =	por p2, p2;
	p1 =	por p1, p1;
	s18 =	simm.s32 @!p4 $0x2  }
0x5a: {  	p2 =	por p2, p2;
	s28 =	sadd.s32 $0x4, s15;
	p1 =	por p1, p1;
	v2 =	vmov s18  }
0x5b: {  	s17 =	sadd.s32 $0x190, s15;
	s26 =	sadd.s32 $0x3, s15;
	s16 =	smul.u32 $0x32000, s31;
	vm14 =	vgt.u32 v2, v0  }
0x5c: {  	s22 =	simm.s32 @!p0 $0x1;
	p5 =	por p0, p0;
	p4 =	por p4, p4  }
0x5d: {  	s16 =	sshrl.u32 s16, $0x2;
	s22 =	smov.u32 @p0 s19;
	s18 =	spop (v2sf)  }
0x5e: {  	s19 =	simm.s32 @!p0 $0x80;
	s18 =	simm.s32 @p1 $0xFFFFFFFF;
	p1 =	por $0x0, $0x0  }
0x5f: {  	s16 =	sor.u32 $0x320, s16;
	s24 =	simm.s32 @!p1 $0x2;
	s25 =	spop (v2sf)  }
0x60: {  	p5 =	por p5, p5;
	s20 =	sadd.s32 @!p0 $0x0, s16;
	v4 =	vmov s24;
	p3 =	seq.s32 s25, s18  }
0x61: {  	v2 =	vld.msk [tilespmem:s26+$0x0 ss:$0x1], vm14;
	s26 =	simm.s32 $0x1C;
	vm15 =	vgt.u32 v4, v0;
	s18 =	sadd.s32 @!p3 $0x1, s22;
	s24 =	sshll.u32 @!p3 s22, $0xA  }
0x62: {  	vm1 =	vgt.s32 @!p3 v3, $0x0;
	s24 =	sshra.s32 @!p3 s24, $0x2;
	s18 =	smov.u32 @p3 s22;
	s22 =	simm.s32 @!p3 $0x80  }
0x63: {  	v3 =	vnsel @!p3 vm1, $0x0, v3;
	s25 =	sadd.s32 @!p3 s24, s16;
	s24 =	spop @!p0 (v2sf);
	p0 =	por p3, p3  }
0x64: {  	v3 =	vmin.u32 @!p3 v3, $0xC34F;
	s1 =	simm.s32 @!p0 $0x0;
	s29 =	spop (v2sf);
	s30 =	sshll.u32 @!p5 s24, $0x4  }
0x65: {  	(v2sf) =	vpush @!p3 v3, $0x0;
	s1 =	simm.s32 @p0 $0x1;
	s29 =	simm.s32 @p2 $0xFFFFFFFF;
	s31 =	spop (v2sf)  }
0x66: {  	(v2sf) =	vpush v2, $0x1;
	s30 =	sand.u32 @!p5 $0x70, s30;
	[smem:$0x7FD] =	sst s1;
	p6 =	seq.s32 s31, s29  }
0x67: {  	(v2sf) =	vpush v2, $0x0;
	s29 =	sshll.u32 @!p5 s24, $0x5;
	s24 =	smov.u32 s18;
	v3 =	vld.msk [tilespmem:s28+$0x0 ss:$0x1], vm15;
	s28 =	sadd.s32 @!p5 s4, s30  }
.LBB2_3:
0x68: {  	s1 =	simm.s32 @!p3 $0x0  }
0x69: {  	s30 =	smov.u32 s18;
	s18 =	sadd.s32 @!p6 $0x1, s18;
	s31 =	smov.u32 s21  }
0x6a: {  	s21 =	smov.u32 s26;
	s26 =	sadd.s32 $0x4, s26;
	p0 =	por p5, p5  }
0x6b: {  	s1 =	simm.s32 @p3 $0x1;
	p3 =	por p6, p6;
	p2 =	sne.s32 s26, $0x320  }
0x6c: {  	[smem:$0x7FA] =	sst s1;
	s1 =	smov.u32 s25;
	s25 =	simm.s32 @!p2 $0x0  }
0x6d: {  	vm0 =	vgt.s32 @!p6 v1, $0x0;
	p6 =	por p4, p4;
	p4 =	por p1, p1;
	s25 =	simm.s32 @p2 $0x1  }
0x6e: {  	p1 =	seq.s32 s23, $0x31C;
	[smem:$0x7FB] =	sst s25;
	s25 =	simm.s32 $0x1  }
0x6f: {  	s18 =	smov.u32 @p3 s30;
	s24 =	sshll.u32 @!p3 s24, $0xA;
	s25 =	simm.s32 @!p1 $0x2  }
0x70: {  	s30 =	simm.s32 @!p3 $0x80;
	v5 =	vmov s25;
	s25 =	sand.u32 @!p0 $0x1FFF00, s29;
	s29 =	sshra.s32 @!p3 s24, $0x2  }
0x71: {  	s28 =	sadd.s32 @!p0 s25, s28;
	s25 =	sadd.s32 @!p3 s29, s16;
	s29 =	sld [smem:$0x7FD]  }
0x72: {  	[tilespmem:s20], [sflag:$0x1] =	stream.strided.gather @!p0 [hbm:s28], $0x100, s19, s19, $0x38;
	[tilespmem:$0x19320] =	vst v63  }
0x73: {  	s19 =	smov.u32 s22;
	s22 =	smov.u32 s30;
	s30 =	sld [smem:$0x7FA]  }
0x74: {  	p2 =	seq.s32 s29, $0x1  }
0x75: {  	p5 =	por p2, p2;
	p2 =	por p3, p3  }
0x76: {  	p0 =	seq.s32 s30, $0x1;
	s29 =	simm.s32 @!p2 $0x0  }
0x77: {  	s20 =	smov.u32 s1;
	s28 =	spop @!p0 (v2sf);
	s29 =	simm.s32 @p2 $0x1  }
0x78: {  	s1 =	sshra.s32 s23, $0x2;
	[smem:$0x7FD] =	sst s29;
	s29 =	spop (v2sf)  }
0x79: {  	s23 =	smov.u32 s31;
	s29 =	simm.s32 @p6 $0xFFFFFFFF;
	s31 =	spop (v2sf)  }
0x7a: {  	p6 =	seq.s32 s31, s29;
	s31 =	sld [smem:$0x7FB];
	_ =	sdelay $0x1  }
0x7b: {  	vm15 =	vgt.u32 v5, v0  }
0x7c: {  	p0 =	seq.s32 s31, $0x1  }
.Ltmp3:
0x7d: {  	v4 =	vnsel @!p3 vm0, $0x0, v1;
	(pc) =	sbr.rel @p0 .LBB2_3-.Ltmp3, $4  }
0x7e: {  	v4 =	vmin.u32 @!p3 v4, $0xC34F  }
0x7f: {  	(v2sf) =	vpush @!p3 v4, $0x0;
	s30 =	sshll.u32 @!p5 s28, $0x4  }
0x80: {  	v1 =	vmov v2;
	v2 =	vmov v3;
	(v2sf) =	vpush v3, $0x1;
	s1 =	sadd.s32 s1, s15;
	s30 =	sand.u32 @!p5 $0x70, s30  }
0x81: {  	s24 =	smov.u32 s18;
	(v2sf) =	vpush v2, $0x0;
	v3 =	vld.msk [tilespmem:s1+$0x0 ss:$0x1], vm15;
	s29 =	sshll.u32 @!p5 s28, $0x5;
	s28 =	sadd.s32 @!p5 s4, s30  }
0x82: {  	_ = 	snop  }
0x83: {  	vm0 =	vgt.s32 @!p6 v1, $0x0  }
0x84: {  	v1 =	vnsel @!p6 vm0, $0x0, v1  }
0x85: {  	v1 =	vmin.u32 @!p6 v1, $0xC34F  }
0x86: {  	(v2sf) =	vpush @!p6 v1, $0x0  }
0x87: {  	(v2sf) =	vpush v3, $0x1  }
0x88: {  	p0 =	seq.s32 s23, $0x31C;
	s1 =	simm.s32 $0x1;
	(v2sf) =	vpush v3, $0x0  }
0x89: {  	s1 =	simm.s32 @!p0 $0x2  }
0x8a: {  	v1 =	vmov s1  }
0x8b: {  	vm14 =	vgt.u32 v1, v0;
	_ =	sdelay $0x1  }
0x8c: {  	p2 =	por p4, p4  }
0x8d: {  	s31 =	sshra.s32 s23, $0x2;
	p4 =	seq.s32 s21, $0x31C;
	s1 =	spop @!p3 (v2sf)  }
0x8e: {  	s30 =	simm.s32 $0x1;
	s23 =	sadd.s32 s31, s15;
	s26 =	spop (v2sf)  }
0x8f: {  	s30 =	simm.s32 @!p4 $0x2;
	s26 =	simm.s32 @p2 $0xFFFFFFFF;
	s31 =	spop (v2sf)  }
0x90: {  	v4 =	vmov s30;
	v1 =	vld.msk [tilespmem:s23+$0x0 ss:$0x1], vm14;
	p3 =	seq.s32 s31, s26  }
0x91: {  	vm1 =	vgt.u32 v4, v0;
	vm0 =	vgt.s32 @!p3 v2, $0x0  }
0x92: {  	v2 =	vnsel @!p3 vm0, $0x0, v2  }
0x93: {  	v2 =	vmin.u32 @!p3 v2, $0xC34F  }
0x94: {  	p1 =	por p1, p1;
	s23 =	spop @!p6 (v2sf);
	(v2sf) =	vpush @!p3 v2, $0x0  }
0x95: {  	p1 =	por p1, p1;
	s30 =	sshra.s32 s21, $0x2;
	s26 =	spop (v2sf);
	(v2sf) =	vpush v1, $0x1  }
0x96: {  	s21 =	sadd.s32 s30, s15;
	s26 =	simm.s32 @p1 $0xFFFFFFFF;
	s31 =	spop (v2sf);
	(v2sf) =	vpush v1, $0x0  }
0x97: {  	v2 =	vld.msk [tilespmem:s21+$0x0 ss:$0x1], vm1;
	p1 =	seq.s32 s31, s26  }
0x98: {  	s30 =	sld [smem:$0x7FD];
	vm0 =	vgt.s32 @!p1 v3, $0x0  }
0x99: {  	v3 =	vnsel @!p1 vm0, $0x0, v3  }
0x9a: {  	p2 =	por p5, p5;
	v3 =	vmin.u32 @!p1 v3, $0xC34F  }
0x9b: {  	p5 =	seq.s32 s30, $0x1;
	s21 =	sand.u32 @!p2 $0x1FFF00, s29;
	(v2sf) =	vpush @!p1 v3, $0x0  }
0x9c: {  	p5 =	por p5, p5;
	s21 =	sadd.s32 @!p2 s21, s28;
	(v2sf) =	vpush v2, $0x1  }
0x9d: {  	[tilespmem:s20], [sflag:$0x1] =	stream.strided.gather @!p2 [hbm:s21], $0x100, s19, s19, $0x38;
	(v2sf) =	vpush v2, $0x0;
	[tilespmem:$0x19320] =	vst v63  }
0x9e: {  	p0 =	por p0, p0;
	s19 =	sshll.u32 @!p5 s1, $0x4  }
0x9f: {  	s1 =	sshll.u32 @!p5 s1, $0x5;
	p2 =	por p5, p5;
	s19 =	sand.u32 @!p5 $0x70, s19  }
0xa0: {  	p0 =	por p0, p0;
	s1 =	sand.u32 @!p2 $0x1FFF00, s1;
	s19 =	sadd.s32 @!p5 s4, s19  }
0xa1: {  	p5 =	por p6, p6;
	s1 =	sadd.s32 @!p2 s1, s19;
	s19 =	sshll.u32 @!p6 s24, $0xA  }
0xa2: {  	[tilespmem:s25], [sflag:$0x1] =	stream.strided.gather @!p2 [hbm:s1], $0x100, s22, s22, $0x38;
	[tilespmem:$0x19320] =	vst v63  }
0xa3: {  	s1 =	sadd.s32 @!p6 $0x1, s18;
	p2 =	por p5, p5;
	s21 =	spop @!p3 (v2sf)  }
0xa4: {  	s20 =	sshll.u32 @!p2 s23, $0x4;
	s23 =	sshll.u32 @!p2 s23, $0x5;
	s22 =	spop (v2sf)  }
0xa5: {  	s20 =	sand.u32 @!p2 $0x70, s20;
	s22 =	simm.s32 @p0 $0xFFFFFFFF;
	s31 =	spop (v2sf)  }
0xa6: {  	s20 =	sadd.s32 @!p2 s4, s20;
	p0 =	por p2, p2;
	p2 =	seq.s32 s31, s22  }
0xa7: {  	s1 =	smov.u32 @p6 s18;
	s18 =	sshra.s32 @!p6 s19, $0x2;
	s19 =	sand.u32 @!p0 $0x1FFF00, s23;
	vm0 =	vgt.s32 @!p2 v1, $0x0  }
0xa8: {  	s18 =	sadd.s32 @!p6 s18, s16;
	s22 =	simm.s32 @!p6 $0x80;
	s19 =	sadd.s32 @!p0 s19, s20;
	v1 =	vnsel @!p2 vm0, $0x0, v1  }
0xa9: {  	[tilespmem:s18], [sflag:$0x1] =	stream.strided.gather @!p0 [hbm:s19], $0x100, s22, s22, $0x38;
	v1 =	vmin.u32 @!p2 v1, $0xC34F;
	[tilespmem:$0x19320] =	vst v63  }
0xaa: {  	p4 =	por p4, p4;
	p5 =	por p3, p3;
	s19 =	spop @!p1 (v2sf);
	(v2sf) =	vpush @!p2 v1, $0x0  }
0xab: {  	s18 =	sadd.s32 @!p3 $0x1, s1;
	p0 =	por p4, p4;
	s20 =	spop (v2sf)  }
0xac: {  	s18 =	smov.u32 @p3 s1;
	s20 =	simm.s32 @p0 $0xFFFFFFFF;
	s24 =	spop (v2sf)  }
0xad: {  	s1 =	sshll.u32 @!p3 s1, $0xA;
	p0 =	por p5, p5;
	p4 =	seq.s32 s24, s20  }
0xae: {  	p6 =	por p1, p1;
	s1 =	sshra.s32 @!p3 s1, $0x2;
	s22 =	sshll.u32 @!p0 s21, $0x4;
	vm0 =	vgt.s32 @!p4 v2, $0x0  }
0xaf: {  	s21 =	sshll.u32 @!p0 s21, $0x5;
	p5 =	por p0, p0;
	s22 =	sand.u32 @!p0 $0x70, s22;
	v1 =	vnsel @!p4 vm0, $0x0, v2  }
0xb0: {  	s1 =	sadd.s32 @!p3 s1, s16;
	s21 =	sand.u32 @!p5 $0x1FFF00, s21;
	s22 =	sadd.s32 @!p0 s4, s22;
	v1 =	vmin.u32 @!p4 v1, $0xC34F  }
0xb1: {  	s20 =	simm.s32 @!p3 $0x80;
	p0 =	por p6, p6;
	s21 =	sadd.s32 @!p5 s21, s22;
	(v2sf) =	vpush @!p4 v1, $0x0  }
0xb2: {  	[tilespmem:s1], [sflag:$0x1] =	stream.strided.gather @!p5 [hbm:s21], $0x100, s20, s20, $0x38;
	[tilespmem:$0x19320] =	vst v63  }
0xb3: {  	p3 =	por p0, p0;
	s20 =	sshll.u32 @!p0 s19, $0x4  }
0xb4: {  	s1 =	sshll.u32 @!p1 s18, $0xA;
	s19 =	sshll.u32 @!p0 s19, $0x5;
	s20 =	sand.u32 @!p0 $0x70, s20  }
0xb5: {  	s1 =	sshra.s32 @!p1 s1, $0x2;
	s19 =	sand.u32 @!p3 $0x1FFF00, s19;
	s20 =	sadd.s32 @!p0 s4, s20  }
0xb6: {  	s21 =	simm.s32 @!p1 $0x80;
	s1 =	sadd.s32 @!p1 s1, s16;
	s19 =	sadd.s32 @!p3 s19, s20  }
0xb7: {  	[tilespmem:s1], [sflag:$0x1] =	stream.strided.gather @!p3 [hbm:s19], $0x100, s21, s21, $0x38;
	[tilespmem:$0x19320] =	vst v63  }
0xb8: {  	p5 =	por p2, p2;
	s1 =	sadd.s32 @!p1 $0x1, s18  }
0xb9: {  	p0 =	por p5, p5;
	s1 =	smov.u32 @p1 s18;
	s18 =	spop @!p2 (v2sf)  }
0xba: {  	p1 =	por p0, p0;
	s20 =	sshll.u32 @!p0 s18, $0x4  }
0xbb: {  	s19 =	sshll.u32 @!p2 s1, $0xA;
	s18 =	sshll.u32 @!p0 s18, $0x5;
	s20 =	sand.u32 @!p0 $0x70, s20  }
0xbc: {  	s19 =	sshra.s32 @!p2 s19, $0x2;
	s18 =	sand.u32 @!p1 $0x1FFF00, s18;
	s20 =	sadd.s32 @!p0 s4, s20  }
0xbd: {  	s21 =	simm.s32 @!p2 $0x80;
	s19 =	sadd.s32 @!p2 s19, s16;
	s18 =	sadd.s32 @!p1 s18, s20  }
0xbe: {  	[tilespmem:s19], [sflag:$0x1] =	stream.strided.gather @!p1 [hbm:s18], $0x100, s21, s21, $0x38;
	[tilespmem:$0x19320] =	vst v63  }
0xbf: {  	p6 =	por p4, p4;
	s18 =	sadd.s32 @!p2 $0x1, s1  }
0xc0: {  	p0 =	por p6, p6;
	s19 =	spop @!p4 (v2sf);
	s18 =	smov.u32 @p2 s1  }
0xc1: {  	s1 =	sshll.u32 @!p0 s19, $0x4;
	s20 =	sadd.s32 @!p4 $0x1, s18  }
0xc2: {  	s21 =	sshll.u32 @!p4 s18, $0xA;
	s19 =	sshll.u32 @!p0 s19, $0x5;
	s1 =	sand.u32 @!p0 $0x70, s1  }
0xc3: {  	s20 =	smov.u32 @p4 s18;
	s1 =	sadd.s32 @!p0 s4, s1;
	p0 =	por p0, p0  }
0xc4: {  	s18 =	sshra.s32 @!p4 s21, $0x2;
	s21 =	simm.s32 @!p4 $0x80;
	s19 =	sand.u32 @!p0 $0x1FFF00, s19  }
0xc5: {  	s18 =	sadd.s32 @!p4 s18, s16;
	s25 =	sshll.u32 s20, $0x8;
	s1 =	sadd.s32 @!p0 s19, s1  }
0xc6: {  	[tilespmem:s18], [sflag:$0x1] =	stream.strided.gather @!p0 [hbm:s1], $0x100, s21, s21, $0x38;
	[tilespmem:$0x19320] =	vst v63  }
0xc7: {  	s1 =	sand.u32 $0x3FFFFF00, s25  }
0xc8: {  	_ =	swait.ge [sflag:s7], s1  }
0xc9: {  	s1 =	ssub.s32 $0x0, s1;
	[sflag:s7] =	ssyncset.done $0x0  }
0xca: {  	s26 =	sadd.s32 $0x0, s17;
	[sflag:s7] =	ssyncadd.s32 s1  }
0xcb: {  	v1 =	vld.msk [tilespmem:s26+$0x0 ss:$0x1], $0x1;
	_ =	sdelay $0x4  }
0xcc: {  	(v2sf) =	vpush v1, $0x0;
	_ =	sdelay $0xc  }
0xcd: {  	p0 =	por $0x0, $0x0;
	s1 =	simm.s32 $0x1  }
0xce: {  	s1 =	simm.s32 @!p0 $0x2  }
0xcf: {  	v1 =	vmov s1;
	s28 =	spop (v2sf)  }
0xd0: {  	vm15 =	vgt.u32 v1, v0;
	s29 =	sshll.u32 s28, $0x8;
	s18 =	sshll.u32 s28, $0x7  }
0xd1: {  	s1 =	sand.u32 $0xFFFFF800, s29;
	s18 =	sand.u32 $0x380, s18  }
0xd2: {  	s1 =	sor.u32 s18, s1  }
0xd3: {  	s30 =	sadd.s32 $0x0, s16;
	s31 =	sadd.s32 $0x0, s15;
	s1 =	sshrl.u32 s1, $0x3  }
0xd4: {  	s20 =	simm.s32 $0x4;
	s19 =	simm.s32 $0x1;
	s1 =	sadd.s32 s6, s1  }
0xd5: {  	[hbm:s1] =	stream.strided.scatter [tilespmem:s30], [sflag:$0x3], $0x100, s12, s12, $0x38;
	[tilespmem:$0x19320] =	vst v63  }
0xd6: {  	s21 =	simm.s32 $0x8;
	p1 =	por p0, p0;
	s18 =	simm.s32 $0x0;
	v1 =	vld.msk [tilespmem:s31+$0x0 ss:$0x1], vm15  }
.LBB2_5:
0xd7: {  	p2 =	sne.s32 s21, $0x31C;
	s1 =	sadd.s32 s19, s17  }
0xd8: {  	v2 =	vld.msk [tilespmem:s1+$0x0 ss:$0x1], $0x1;
	_ =	sdelay $0x3  }
0xd9: {  	(v2sf) =	vpush v1, $0x1  }
0xda: {  	(v2sf) =	vpush v1, $0x0  }
0xdb: {  	(v2sf) =	vpush v2, $0x0;
	_ =	sdelay $0xb  }
0xdc: {  	p0 =	seq.s32 s20, $0x31C;
	s20 =	smov.u32 s21;
	s1 =	simm.s32 $0x1  }
0xdd: {  	s1 =	simm.s32 @!p0 $0x2;
	s22 =	spop (v2sf)  }
0xde: {  	s22 =	simm.s32 @p1 $0xFFFFFFFF;
	s23 =	spop (v2sf);
	p1 =	por p0, p0  }
0xdf: {  	v1 =	vmov s1;
	s1 =	spop (v2sf);
	p0 =	sne.s32 s23, s22;
	s23 =	simm.s32 $0x1  }
0xe0: {  	vm0 =	vgt.u32 v1, v0;
	s22 =	sshll.u32 s1, $0x8;
	s1 =	sshll.u32 s1, $0x7;
	s23 =	simm.s32 @!p0 $0x0  }
0xe1: {  	s22 =	sand.u32 $0xFFFFF800, s22;
	s1 =	sand.u32 $0x380, s1;
	s18 =	sadd.s32 s23, s18  }
.Ltmp4:
0xe2: {  	s1 =	sor.u32 s1, s22;
	s22 =	sshll.u32 s18, $0xA;
	(pc) =	sbr.rel @p2 .LBB2_5-.Ltmp4, $4  }
0xe3: {  	s1 =	sshrl.u32 s1, $0x3;
	s22 =	sshra.s32 s22, $0x2  }
0xe4: {  	s23 =	sadd.s32 s19, s15;
	s22 =	sadd.s32 s22, s16;
	s1 =	sadd.s32 s6, s1  }
0xe5: {  	[hbm:s1] =	stream.strided.scatter [tilespmem:s22], [sflag:$0x3], $0x100, s12, s12, $0x38;
	[tilespmem:$0x19320] =	vst v63  }
0xe6: {  	s21 =	sadd.s32 $0x4, s21;
	s19 =	sshra.s32 s20, $0x2;
	v1 =	vld.msk [tilespmem:s23+$0x0 ss:$0x1], vm0  }
.Ltmp5:
0xe7: {  	_ = 	snop;
	(pc) =	sbr.rel .LBB2_6-.Ltmp5, $1  }
0xe8: {  	_ =	sdelay $0x3  }
.LBB2_8:
0xe9: {  	_ =	sfence.sel $0x180000  }
0xea: {  	s1 =	simm.s32 $0x2;
	[bflag:$0x0] =	sbarrier.arrive $0xFFFF  }
0xeb: {  	s30 =	simm.s32 $0x3;
	[sflag:s1] =	ssyncpa.u1 $0x1  }
0xec: {  	s31 =	simm.s32 $0x1;
	[sflag:s30] =	ssyncpa.u1 $0x1  }
0xed: {  	[sflag:s31] =	ssyncpa.u1 $0x1  }
0xee: {  	_ =	strace $0x9000004A  }
0xef: {  	[bflag:$0x2] =	sbarrier.arrive $0xFFFF  }
0xf0: {  	p0 =	sne.s32 s0, $0x0;
	s0 =	rddreg [dreg:$0x1]  }
0xf1: {  	s0 =	sadd.s32 @!p0 $0x100000, s0  }
0xf2: {  	[sflag:s0] =	ssyncadd.tile.s32 @!p0 $0x1;
	_ =	shalt  }
.Lfunc_end2:
_tile_overlayer_lowered:
.L_overlay_start_2:
0xf3: {  	(tag) =	ssettag $0x2  }
0xf4: {  	s0 =	rddreg [dreg:$0x0];
	s2 =	stileid.u32  }
0xf5: {  	s1 =	rddreg [dreg:$0x1];
	p0 =	sne.s32 s2, $0x0  }
0xf6: {  	s3 =	rddreg [dreg:$0x2];
	[bflag:$0x3] =	sbarrier.arrive $0xFFFF;
	s2 =	simm.s32 @!p0 $0x1C01  }
0xf7: {  	[timem:s3], [sflag:s2] =	dma.local @!p0 [hbm:s0], s1  }
0xf8: {  	s0 =	simm.s32 @!p0 $0x1  }
0xf9: {  	_ =	swait.ge @!p0 [sflag:s0], s1  }
0xfa: {  	s1 =	ssub.s32 @!p0 $0x0, s1;
	[sflag:s0] =	ssyncset.done @!p0 $0x0  }
0xfb: {  	[sflag:s0] =	ssyncadd.s32 @!p0 s1  }
0xfc: {  	[bflag:$0x3] =	sbarrier.arrive $0xFFFF  }
0xfd: {  	_ =	shalt  }

// kernel: scatter_offload_async_start.1
scs
__scs_entry_jumppad:
0x0: {  	(pc) =	sbr.rel $0x88, $3  }
0x1: {  	(tag) =	ssettag $0x0;
	lr =	simm.s32 $0x1  }
0x2: {  	[smem:$0x3F8B] =	sst lr;
	_ =	strace $0xD0000000  }
0x3: {  	_ = 	snop  }
0x4: {  	_ = 	snop  }
0x5: {  	_ = 	snop  }
0x6: {  	_ = 	snop  }
0x7: {  	_ = 	snop  }
__scs_overlays_trampoline_lowered:
0x8: {  	[smem:$0x3F9A] =	sst s0  }
0x9: {  	[smem:$0x3F9B] =	sst s1  }
0xa: {  	[smem:$0x3F9C] =	sst s2  }
0xb: {  	[smem:$0x3F9D] =	sst s3  }
0xc: {  	[smem:$0x3F9E] =	sst s4  }
0xd: {  	[smem:$0x3F9F] =	sst s5  }
0xe: {  	[smem:$0x3FA0] =	sst s6  }
0xf: {  	[smem:$0x3FA1] =	sst s7  }
0x10: {  	[smem:$0x3FA2] =	sst s8  }
0x11: {  	[smem:$0x3FA3] =	sst s9;
	s0 =	simm.s32 @!p0 $0x0  }
0x12: {  	s1 =	sld [smem:$0x3F89];
	s0 =	simm.s32 @p0 $0x1  }
0x13: {  	[smem:$0x3FA4] =	sst s0;
	s0 =	simm.s32 @!p1 $0x0  }
0x14: {  	s2 =	sld [smem:$0x3F88];
	s0 =	simm.s32 @p1 $0x1  }
0x15: {  	[smem:$0x3FA5] =	sst s0;
	s0 =	simm.s32 @!p2 $0x0  }
0x16: {  	s3 =	sld [smem:$0x3FDB];
	s0 =	simm.s32 @p2 $0x1  }
0x17: {  	s4 =	simm.s32 $0x1BF5;
	[smem:$0x3FA7] =	sst s0  }
0x18: {  	s0 =	sld [smem:$0x3F8A];
	_ =	swait.ge [sflag:s4], $0x0  }
0x19: {  	s7 =	sld [smem:$0x3F8B]  }
0x1a: {  	s8 =	sadd.s32 $0xFFFFE003, lr  }
0x1b: {  	s9 =	sadd.s32 $0xFFFFFEF7, lr;
	s5 =	simm.s32 $0xFFFFFFFF;
	p2 =	slt.u32 s8, $0xFFFFF086  }
0x1c: {  	p1 =	slt.u32 s9, $0xF7A;
	s5 =	simm.s32 @!p2 $0x0  }
0x1d: {  	s5 =	simm.s32 @p1 $0x1;
	p0 =	seq.s32 s7, s2  }
0x1e: {  	s7 =	smul.u32 @!p0 $0xF7A, s2;
	p2 =	seq.s32 @!p0 s5, $0x0  }
0x1f: {  	s9 =	smul.u32 $0xF7A, s1;
	s8 =	simm.s32 @!p0 $0x1BF5;
	p2 =	por !p2, p0  }
0x20: {  	[sflag:s8] =	ssyncset.s32 @!p0 $0xFFFFF086;
	s6 =	sadd.s32 @!p0 s3, s7;
	s7 =	simm.s32 @!p0 $0x108  }
0x21: {  	s3 =	sadd.s32 s3, s9;
	s6 =	sadd.s32 @!p0 $0x88, s6;
	s7 =	simm.s32 @p2 $0x1082  }
0x22: {  	[simem:s7], [sflag:s8] =	dma.local @!p0 [hbm:s6], $0xF7A  }
0x23: {  	s9 =	sor.u32 $0xD0000000, s2;
	s6 =	simm.s32 $0x108;
	_ =	swait.ge @!p0 [sflag:s8], $0x0  }
0x24: {  	s3 =	sadd.s32 $0x88, s3;
	s6 =	simm.s32 @!p1 $0x1082;
	[sflag:s4] =	ssyncset.s32 $0xFFFFF086  }
0x25: {  	[simem:s6], [sflag:s4] =	dma.local [hbm:s3], $0xF7A  }
0x26: {  	[smem:$0x3F8B] =	sst s1;
	(tag) =	ssettag s2;
	_ =	strace s9  }
0x27: {  	s1 =	sld [smem:$0x3F9B]  }
0x28: {  	s2 =	sld [smem:$0x3F9C]  }
0x29: {  	s4 =	sld [smem:$0x3F9E]  }
0x2a: {  	p0 =	seq.s32 s5, $0x0;
	s5 =	sld [smem:$0x3F9F]  }
0x2b: {  	s6 =	sld [smem:$0x3FA0]  }
0x2c: {  	s7 =	sld [smem:$0x3FA1]  }
0x2d: {  	s3 =	simm.s32 $0x108;
	s8 =	sld [smem:$0x3FA2]  }
0x2e: {  	s3 =	simm.s32 @!p0 $0x1082;
	s9 =	sld [smem:$0x3FA3]  }
0x2f: {  	lr =	sadd.s32 s0, s3;
	s0 =	sld [smem:$0x3F9A]  }
0x30: {  	s3 =	sld [smem:$0x3F9D]  }
0x31: {  	[smem:$0x3FA6] =	sst s10  }
0x32: {  	s10 =	sld [smem:$0x3FA4];
	_ =	sdelay $0x3  }
0x33: {  	p0 =	seq.s32 s10, $0x1;
	s10 =	sld [smem:$0x3FA6];
	_ =	sdelay $0x3  }
0x34: {  	[smem:$0x3FA6] =	sst s10  }
0x35: {  	s10 =	sld [smem:$0x3FA5];
	_ =	sdelay $0x3  }
0x36: {  	p1 =	seq.s32 s10, $0x1;
	s10 =	sld [smem:$0x3FA6];
	_ =	sdelay $0x3  }
0x37: {  	[smem:$0x3FA6] =	sst s10  }
0x38: {  	s10 =	sld [smem:$0x3FA7]  }
0x39: {  	_ = 	snop;
	(pc) =	sbr.ind lr, $3  }
0x3a: {  	_ = 	snop  }
0x3b: {  	_ = 	snop  }
0x3c: {  	p2 =	seq.s32 s10, $0x1;
	s10 =	sld [smem:$0x3FA6]  }
0x3d: {  	_ =	shalt  }
0x3e: {  	_ =	shalt  }
0x3f: {  	_ =	shalt  }
0x40: {  	_ =	shalt  }
0x41: {  	_ =	shalt  }
0x42: {  	_ =	shalt  }
0x43: {  	_ =	shalt  }
0x44: {  	_ =	shalt  }
0x45: {  	_ =	shalt  }
0x46: {  	_ =	shalt  }
0x47: {  	_ =	shalt  }
0x48: {  	_ =	shalt  }
0x49: {  	_ =	shalt  }
0x4a: {  	_ =	shalt  }
0x4b: {  	_ =	shalt  }
0x4c: {  	_ =	shalt  }
0x4d: {  	_ =	shalt  }
0x4e: {  	_ =	shalt  }
0x4f: {  	_ =	shalt  }
0x50: {  	_ =	shalt  }
0x51: {  	_ =	shalt  }
0x52: {  	_ =	shalt  }
0x53: {  	_ =	shalt  }
0x54: {  	_ =	shalt  }
0x55: {  	_ =	shalt  }
0x56: {  	_ =	shalt  }
0x57: {  	_ =	shalt  }
0x58: {  	_ =	shalt  }
0x59: {  	_ =	shalt  }
0x5a: {  	_ =	shalt  }
0x5b: {  	_ =	shalt  }
0x5c: {  	_ =	shalt  }
0x5d: {  	_ =	shalt  }
0x5e: {  	_ =	shalt  }
0x5f: {  	_ =	shalt  }
0x60: {  	_ =	shalt  }
0x61: {  	_ =	shalt  }
0x62: {  	_ =	shalt  }
0x63: {  	_ =	shalt  }
0x64: {  	_ =	shalt  }
0x65: {  	_ =	shalt  }
0x66: {  	_ =	shalt  }
0x67: {  	_ =	shalt  }
0x68: {  	_ =	shalt  }
0x69: {  	_ =	shalt  }
0x6a: {  	_ =	shalt  }
0x6b: {  	_ =	shalt  }
0x6c: {  	_ =	shalt  }
0x6d: {  	_ =	shalt  }
0x6e: {  	_ =	shalt  }
0x6f: {  	_ =	shalt  }
0x70: {  	_ =	shalt  }
0x71: {  	_ =	shalt  }
0x72: {  	_ =	shalt  }
0x73: {  	_ =	shalt  }
0x74: {  	_ =	shalt  }
0x75: {  	_ =	shalt  }
0x76: {  	_ =	shalt  }
0x77: {  	_ =	shalt  }
0x78: {  	_ =	shalt  }
0x79: {  	_ =	shalt  }
0x7a: {  	_ =	shalt  }
0x7b: {  	_ =	shalt  }
0x7c: {  	_ =	shalt  }
0x7d: {  	_ =	shalt  }
0x7e: {  	_ =	shalt  }
0x7f: {  	_ =	shalt  }
0x80: {  	_ =	shalt  }
0x81: {  	_ =	shalt  }
0x82: {  	_ =	shalt  }
0x83: {  	_ =	shalt  }
0x84: {  	_ =	shalt  }
0x85: {  	_ =	shalt  }
0x86: {  	_ =	shalt  }
0x87: {  	_ =	shalt  }
.Lfunc_end0:
.L_simem_size_0:
called_computation.1_lowered:
.L_overlay_start_0:
0x88: {  	s0 =	sld [smem:$0x3FD9]  }
0x89: {  	s1 =	sld [smem:$0x3FFE];
	_ =	sdelay $0x3  }
0x8a: {  	s0 =	sadd.s32 s1, s0  }
0x8b: {  	[smem:$0x3FB2] =	sst s0  }
0x8c: {  	_ = 	snop  }
0x8d: {  	(tm) =	ssettm $0x1  }
0x8e: {  	s15 =	sld [smem:$0x3FFB];
	_ =	sdelay $0x3  }
0x8f: {  	_ =	strace s15  }
0x90: {  	s0 =	sld [smem:$0x3FFC];
	_ =	sdelay $0x3  }
0x91: {  	_ =	strace s0  }
0x92: {  	s0 =	sld [smem:$0x3FFD];
	_ =	sdelay $0x3  }
0x93: {  	_ =	strace s0  }
0x94: {  	_ =	strace $0x8FFFFFFF  }
0x95: {  	s16 =	sld [smem:$0x3FDB];
	_ =	sdelay $0x1  }
0x96: {  	s17 =	simm.s32 $_scs_section_size  }
0x97: {  	s2 =	simm.s32 $_size__tile_overlayer_lowered;
	s3 =	simm.s32 $_tile_overlayer_lowered  }
0x98: {  	s20 =	simm.s32 $0x1BFF;
	s19 =	sshll.u32 s3, $0x1;
	s0 =	sadd.s32 s17, s16  }
0x99: {  	s4 =	simm.s32 $0x0;
	s18 =	sshll.u32 s2, $0x1;
	s2 =	sadd.s32 s19, s0  }
0x9a: {  	[timem:s4], [sflag:s20] =	dma.local [hbm:s2], s18  }
0x9b: {  	_ =	swait.ge [sflag:s20], s18  }
0x9c: {  	s1 =	ssub.s32 $0x0, s18;
	[sflag:s20] =	ssyncset.done $0x0  }
0x9d: {  	[sflag:s20] =	ssyncadd.s32 s1;
	_ =	sdelay $0x1  }
0x9e: {  	s21 =	simm.s32 $0x1B8B  }
0x9f: {  	_ =	swait.ge [sflag:s21], $0x1  }
0xa0: {  	[sflag:s21] =	ssyncset.done $0x0  }
0xa1: {  	s23 =	simm.s32 $0x1B8E;
	s22 =	sld [smem:$0x3FFE];
	[sflag:s21] =	ssyncadd.s32 $0xFFFFFFFF  }
0xa2: {  	s24 =	simm.s32 $execute0_lowered;
	[smem:$0x3FD2] =	sst s23  }
0xa3: {  	s2 =	sshll.u32 s24, $0x1;
	_ =	strace $0x80000055;
	[dreg:$0x1] =	wrdreg $0xFFFFFFFF  }
0xa4: {  	s25 =	simm.s32 $_size_execute0_lowered;
	s0 =	sadd.s32 s0, s2;
	[dreg:$0x0] =	wrdreg $0x0  }
0xa5: {  	s2 =	sshll.u32 s25, $0x1;
	[dreg:$0x2] =	wrdreg s0  }
0xa6: {  	[dreg:$0x3] =	wrdreg s2  }
0xa7: {  	[dreg:$0x4] =	wrdreg $0xC0  }
0xa8: {  	_ =	task [dreg:s4], $0x5FFFF  }
0xa9: {  	[dreg:$0x1] =	wrdreg $0xFFFFFFFF  }
0xaa: {  	[dreg:$0x0] =	wrdreg $0x60  }
0xab: {  	[dreg:$0x2] =	wrdreg s22  }
0xac: {  	[dreg:$0x3] =	wrdreg $0x9  }
0xad: {  	_ =	task.clear_ibuf [dreg:s4], $0x4FFFF;
	_ =	strace $0x90000055  }
0xae: {  	s26 =	simm.s32 $0x9;
	_ =	strace $0x80000057  }
0xaf: {  	_ =	swait.ge [sflag:s26], $0x1  }
0xb0: {  	[sflag:s26] =	ssyncadd.s32 $0xFFFFFFFF  }
0xb1: {  	_ =	strace $0x90000057  }
0xb2: {  	_ =	sfence  }
0xb3: {  	s28 =	sld [smem:$0x0];
	_ =	sdelay $0x1  }
0xb4: {  	s29 =	srdreg.scid  }
0xb5: {  	s30 =	sshll.u32 s29, $0xD;
	s31 =	sshrl.u32 s29, $0x2  }
0xb6: {  	s1 =	sand.u32 $0x1, s29;
	s2 =	sand.u32 $0x4000, s30;
	s0 =	sadd.s32 s31, s28  }
0xb7: {  	s1 =	sor.u32 s2, s1;
	s0 =	sshll.u32 s0, $0x11  }
0xb8: {  	s0 =	sor.u32 s0, s1  }
0xb9: {  	s0 =	sadd.s32 $0x8F2B, s0  }
0xba: {  	[sflag:s0] =	ssyncadd.remote.s32 $0x1  }
0xbb: {  	_ =	sfence.sel $0xFFFF  }
0xbc: {  	[dreg:$0x0] =	wrdreg $0xFFFFFFFF;
	(pc) =	sbr.abs _section_cstart, $3  }
0xbd: {  	[dreg:$0x1] =	wrdreg $0xFFFFFFFF  }
0xbe: {  	_ =	task.clear_ibuf [dreg:s4], $0x2FFFF;
	_ =	strace $0x9FFFFFFF  }
0xbf: {  	(tm) =	ssettm $0x7FFFFFFF  }
tec
execute0_lowered:
.L_overlay_start_1:
0x0: {  	(tag) =	ssettag $0x1  }
0x1: {  	s0 =	rddreg [dreg:$0x0]  }
0x2: {  	s6 =	stileid.u32;
	_ =	strace $0x80000056;
	s2 =	simm.s32 $0x1  }
0x3: {  	v1 =	vimm.s32 $0xFFFFFFFF;
	s1 =	smul.u32 $0x7, s6;
	[sflag:s2] =	ssyncpa.u1 $0x0  }
0x4: {  	s3 =	smin.u32 s6, $0xD;
	[tilespmem:$0x10] =	vst v1  }
0x5: {  	v0 =	vimm.f32 $0.0e+00;
	[tilespmem:$0x20] =	vst v1;
	s1 =	sadd.s32 s3, s1  }
0x6: {  	p0 =	slt.u32 s6, $0xD;
	[tilespmem:$0x30] =	vst v0;
	s3 =	smul.u32 $0x1A90, s1;
	s1 =	simm.s32 $0xD480  }
0x7: {  	[tilespmem:$0x40] =	vst v0;
	s1 =	simm.s32 @!p0 $0xB9F0  }
0x8: {  	[tilespmem:$0x50] =	vst v0;
	s1 =	sadd.s32 s1, s3  }
0x9: {  	[tilespmem:$0x60] =	vst v1;
	s4 =	smin.u32 s1, $0xCF850  }
0xa: {  	s7 =	simm.s32 $0x2;
	[tilespmem:$0x70] =	vst v1;
	s9 =	ssub.s32 s4, s3  }
0xb: {  	s8 =	simm.s32 $0x8;
	s31 =	simm.s32 $0x9;
	[tilespmem:$0x80] =	vst v1;
	p0 =	sgt.s32 s9, $0x0  }
0xc: {  	s16 =	simm.s32 $0x0;
	s17 =	simm.s32 $0xF0;
	v1 =	vimm.s32 $0x0;
	[tilespmem:$0xB0] =	vst v0;
	s9 =	simm.s32 @!p0 $0x0  }
0xd: {  	s18 =	simm.s32 $0xFFFFFFFF;
	s19 =	simm.s32 $0xFFFFCBE0;
	[tilespmem:$0x90] =	vst v1;
	s5 =	smulhi.u32 $0x134679AD, s9  }
0xe: {  	s20 =	simm.s32 $0xFFFFFFFE;
	[tilespmem:$0xA0] =	vst v1;
	[sflag:s7] =	ssyncpa.u1 $0x0;
	s7 =	simm.s32 $0x7  }
0xf: {  	s21 =	simm.s32 $0xF;
	[sflag:s7] =	ssyncpa.u1 $0x0;
	s10 =	sshrl.u32 s5, $0x9  }
0x10: {  	s25 =	simm.s32 $0x0;
	[sflag:s8] =	ssyncpa.u1 $0x0;
	s11 =	smul.u32 $0x1A90, s10  }
0x11: {  	s24 =	simm.s32 $0x0;
	s14 =	sshllo.u32 s6, $0x1;
	[sflag:s31] =	ssyncpa.u1 $0x0  }
.Ltmp0:
0x12: {  	s1 =	sadd.s32 $0xF6A00, s0;
	p0 =	sne.s32 s9, s11;
	(pc) =	sbr.rel .LBB2_1-.Ltmp0, $4  }
0x13: {  	s5 =	sadd.s32 $0x12AA00, s0;
	s0 =	sadd.s32 $0x144A00, s0;
	s2 =	simm.s32 @!p0 $0x0  }
0x14: {  	s23 =	smov.u32 s3;
	[dreg:$0x2] =	wrdreg s0;
	s9 =	sadd.s32 s2, s10  }
0x15: {  	vm0 =	vmmov $0xffff;
	v2 =	vlaneseq.u32;
	p0 =	por $0x0, $0x0;
	s10 =	sshll.u32 s6, $0x1;
	s11 =	sadd.s32 $0x1, s9  }
0x16: {  	vm1 =	vmxor vm1, vm1;
	vm2 =	vmmov $0x1;
	vm3 =	vcmask $0x3F3C;
	s12 =	sadd.s32 $0x2, s9;
	s13 =	sor.u32 $0x81, s10;
	s15 =	sor.u32 $0x80, s10  }
.LBB2_9:
0x17: {  	p1 =	slt.u32 s24, $0x3  }
0x18: {  	s0 =	simm.s32 @!p1 $0x2  }
0x19: {  	_ =	swait.ge @!p1 [sflag:s0], $0x1A90  }
0x1a: {  	[sflag:s0] =	ssyncset.done @!p1 $0x0  }
0x1b: {  	[sflag:s0] =	ssyncadd.s32 @!p1 $0xFFFFE570;
	s0 =	simm.s32 @!p1 $0x9  }
0x1c: {  	_ =	swait.ge @!p1 [sflag:s0], $0x10  }
0x1d: {  	[sflag:s0] =	ssyncset.done @!p1 $0x0  }
0x1e: {  	[sflag:s0] =	ssyncadd.s32 @!p1 $0xFFFFFFF0;
	p1 =	sne.s32 s24, s12  }
.Ltmp1:
0x1f: {  	s2 =	sadd.s32 $0x1A90, s23;
	(pc) =	sbr.rel @!p1 .LBB2_10-.Ltmp1, $4  }
0x20: {  	s6 =	smov.u32 s3;
	s31 =	sadd.s32 $0x1, s24;
	s17 =	sadd.s32 $0x1A90, s17  }
0x21: {  	s18 =	sadd.s32 $0x1, s18;
	s25 =	smov.u32 s23;
	p2 =	slt.s32 s2, s4  }
0x22: {  	p0 =	por !p0, !p0;
	s19 =	sadd.s32 $0x1A90, s19;
	s6 =	smov.u32 @p2 s2  }
0x23: {  	s20 =	sadd.s32 $0x1, s20;
	s23 =	smov.u32 s6;
	s24 =	smov.u32 s31  }
.LBB2_1:
0x24: {  	p1 =	sge.u32 s24, s9  }
0x25: {  	s0 =	smulhi.u32 @!p1 $0xAAAAAAAB, s24;
	_ =	sdelay $0x1  }
0x26: {  	s0 =	sshrl.u32 @!p1 s0, $0x1  }
0x27: {  	s0 =	smul.u32 @!p1 $0x3, s0;
	_ =	sdelay $0x1  }
0x28: {  	s0 =	ssub.s32 @!p1 s24, s0  }
0x29: {  	s0 =	smul.u32 @!p1 $0x6A40, s0;
	_ =	sdelay $0x1  }
0x2a: {  	s2 =	sshrl.u32 @!p1 s23, $0x3;
	s0 =	sshrl.u32 @!p1 s0, $0x2  }
0x2b: {  	s22 =	sand.u32 @!p1 $0x7, s23;
	s2 =	sadd.s32 @!p1 s5, s2;
	s0 =	sadd.s32 @!p1 $0x100, s0  }
0x2c: {  	[tilespmem:s0], [sflag:$0x7] =	stream.linear.gather @!p1 [hbm4b:s2+s22], $0x1A90, $0x38;
	[tilespmem:$0xF030] =	vst v63  }
0x2d: {  	s0 =	sadd.s32 $0xFFFFFFFF, s24  }
0x2e: {  	p1 =	sge.u32 s0, s9  }
.Ltmp2:
0x2f: {  	_ = 	snop;
	(pc) =	sbr.rel @p1 .LBB2_5-.Ltmp2, $1  }
0x30: {  	_ =	sdelay $0x3  }
0x31: {  	s2 =	smulhi.u32 $0xAAAAAAAB, s0;
	_ =	sdelay $0x1  }
0x32: {  	s2 =	sshrl.u32 s2, $0x1  }
0x33: {  	s2 =	smul.u32 $0x3, s2;
	_ =	sdelay $0x1  }
0x34: {  	s2 =	ssub.s32 s0, s2  }
0x35: {  	s2 =	smul.u32 $0x6A40, s2  }
0x36: {  	_ =	swait.ge [sflag:s7], $0x1A90  }
0x37: {  	[sflag:s7] =	ssyncset.done $0x0;
	s2 =	sshrl.u32 s2, $0x2  }
0x38: {  	[sflag:s7] =	ssyncadd.s32 $0xFFFFE570;
	(ifvalue) =	ssetifvalue $0xFFFFFFFF;
	v3 =	vld.msk [tilespmem:s2+$0x100 ss:$0x1], $0xffff;
	_ =	sdelay $0x2  }
0x39: {  	s30 =	smulhi.u32 $0xAAAAAAAB, s18;
	p1 =	sne.s32 s24, $0x1  }
0x3a: {  	v4 =	vimm.s32 @!p1 $0x0  }
0x3b: {  	s2 =	sshrl.u32 s30, $0x1;
	v4 =	vperm.xlane @!p1 v3, v4  }
0x3c: {  	s22 =	sshll.u32 s24, $0x4;
	s2 =	smul.u32 $0xFFFEC140, s2;
	vm4 =	vlt.u32 v3, $0xC400  }
0x3d: {  	s22 =	sand.u32 $0x10, s22;
	v3 =	vnsel vm4, $0xFFFFFFFE, v3;
	vm4 =	vlt.u32 @!p1 v4, $0xC400  }
0x3e: {  	s2 =	sshra.s32 s2, $0x2;
	[tilespmem:s22+$0x60] =	vst v3;
	v3 =	vnsel @!p1 vm4, $0xFFFFFFFE, v4  }
0x3f: {  	s28 =	sadd.s32 s2, s17;
	[tilespmem:$0x80] =	vst @!p1 v3  }
0x40: {  	v3 =	vld.msk [tilespmem:s28+$0x0 ss:$0x1], $0xffff;
	_ =	sdelay $0x4  }
0x41: {  	(xrf1) =	vunique.msk.u32 $0xffff, v3;
	_ =	sdelay $0xd  }
0x42: {  	v4 =	vimm.s32 $0xFFFFFFFF;
	v5, _, _ =	vpop (xrf1)  }
0x43: {  	vm5 =	vne.s32 v3, v4;
	vm4 =	veq.s32 v5, v2  }
0x44: {  	vm6 =	vlt.u32 v3, $0xC400;
	vm4 =	vmand vm5, vm4  }
0x45: {  	vm4 =	vmand vm6, vm4  }
0x46: {  	v4 =	vnsel vm4, $0xFFFFFFFF, v3  }
0x47: {  	s31 =	sand.u32 $0x1, s0  }
0x48: {  	s0 =	simm.s32 $0x1A90;
	p1 =	seq.s32 s31, $0x1  }
0x49: {  	s0 =	simm.s32 @!p1 $0x0  }
0x4a: {  	s26 =	sadd.s32 $0x6B30, s0;
	(ifvalue) =	ssetifvalue $0xFFFFFFFF  }
0x4b: {  	v3 =	vperm.xlane v3, v1;
	[tilespmem:s26], [sflag:$0x8] =	stream.indirect_vreg.gather [hbm4b:s1+s16], $0x1, v4, vm0, $0x4038;
	v4 =	vnsel vm6, $0xFFFFFFFE, v4;
	[tilespmem:$0xF030] =	vst v63  }
0x4c: {  	s2 =	simm.s32 $0x0;
	s22 =	sadd.s32 $0xFFFFFFF0, s28;
	[tilespmem:s28+$0x0] =	vst v4  }
.LBB2_3:
0x4d: {  	v4 =	vld.msk [tilespmem:s22+$0x0 ss:$0x1], $0xffff;
	s2 =	sadd.s32 $0x10, s2;
	v5 =	vmov v3;
	s28 =	smov.u32 s22  }
0x4e: {  	p1 =	slt.u32 s2, $0x1A80;
	_ =	sdelay $0x4  }
0x4f: {  	v3 =	vperm.xlane v4, v1;
	(xrf1) =	vunique.msk.u32 $0xffff, v4;
	_ =	sdelay $0xd  }
0x50: {  	v6, _, _ =	vpop (xrf1)  }
0x51: {  	vm5 =	vne.s32 v4, v5;
	vm4 =	veq.s32 v6, v2  }
0x52: {  	vm6 =	vlt.u32 v4, $0xC400;
	vm4 =	vmand vm5, vm4  }
0x53: {  	vm4 =	vmand vm6, vm4  }
0x54: {  	v4 =	vnsel vm4, $0xFFFFFFFF, v4  }
.Ltmp3:
0x55: {  	v5 =	vnsel vm6, $0xFFFFFFFE, v4;
	(pc) =	sbr.rel @p1 .LBB2_3-.Ltmp3, $3  }
0x56: {  	_ =	sdelay $0x1  }
0x57: {  	s22 =	sadd.s32 $0xFFFFFFF0, s22;
	s26 =	sadd.s32 $0xFFFFFFF0, s26;
	(ifvalue) =	ssetifvalue $0xFFFFFFFF  }
0x58: {  	[tilespmem:s26], [sflag:$0x8] =	stream.indirect_vreg.gather [hbm4b:s1+s16], $0x1, v4, vm0, $0x4038;
	[tilespmem:s28+$0x0] =	vst v5  }
0x59: {  	s2 =	sshrl.u32 s25, $0x3;
	s6 =	rddreg [dreg:$0x2]  }
0x5a: {  	s0 =	sadd.s32 $0x85D0, s0;
	s2 =	sadd.s32 s6, s2  }
0x5b: {  	[tilespmem:s0], [sflag:$0x8] =	stream.linear.gather [hbm:s2], $0x1A90, $0x38;
	[tilespmem:$0xF030] =	vst v63  }
.LBB2_5:
0x5c: {  	p1 =	slt.u32 s24, $0x2  }
0x5d: {  	p2 =	sge.u32 @!p1 s24, s12  }
0x5e: {  	p1 =	por p1, p2  }
.Ltmp4:
0x5f: {  	_ = 	snop;
	(pc) =	sbr.rel @p1 .LBB2_9-.Ltmp4, $1  }
0x60: {  	_ =	sdelay $0x3  }
0x61: {  	s0 =	sadd.s32 $0xFFFFFFFE, s24  }
0x62: {  	s2 =	smulhi.u32 $0xAAAAAAAB, s0;
	_ =	sdelay $0x1  }
0x63: {  	s2 =	sshrl.u32 s2, $0x1  }
0x64: {  	s2 =	smul.u32 $0x3, s2;
	_ =	sdelay $0x1  }
0x65: {  	s0 =	ssub.s32 s0, s2  }
0x66: {  	_ =	swait.ge [sflag:s8], $0x3520;
	s0 =	smul.u32 $0x1A90, s0  }
0x67: {  	p1 =	sne.s32 s24, s11;
	[sflag:s8] =	ssyncset.done $0x0  }
0x68: {  	[sflag:s8] =	ssyncadd.s32 $0xFFFFCAE0;
	s2 =	sadd.s32 @!p1 $0x1B8F, s0  }
0x69: {  	[spmem:s13] =	stream.linear.scatter @!p1 [tilespmem:s2], [sflag:$0x1], $0x1, $0x38;
	[tilespmem:$0xF030] =	vst v63  }
0x6a: {  	s2 =	simm.s32 @!p1 $0x1  }
0x6b: {  	_ =	swait.ge @!p1 [sflag:s2], $0x1  }
0x6c: {  	s22 =	sshll.u32 s24, $0x4;
	[sflag:s2] =	ssyncset.done @!p1 $0x0  }
0x6d: {  	s25 =	sand.u32 $0x10, s22;
	[sflag:s2] =	ssyncadd.s32 @!p1 $0xFFFFFFFF  }
0x6e: {  	s2 =	sxor.u32 $0x10, s25;
	v4 =	vld [tilespmem:s25+$0x10]  }
0x6f: {  	v5 =	vld [tilespmem:s2+$0x60]  }
0x70: {  	v3 =	vld [tilespmem:$0x80];
	_ =	sdelay $0x2  }
0x71: {  	(v2sf) =	vpush v4, $0x0  }
0x72: {  	(v2sf) =	vpush v5, $0x0  }
0x73: {  	(v2sf) =	vpush v3, $0x0;
	_ =	sdelay $0xc  }
0x74: {  	s6 =	spop (v2sf)  }
0x75: {  	s28 =	spop (v2sf)  }
0x76: {  	s26 =	spop (v2sf)  }
0x77: {  	p2 =	seq.s32 s6, s28;
	p3 =	seq.s32 s26, s6  }
0x78: {  	p3 =	por p2, p3  }
0x79: {  	s6 =	sand.u32 $0x1, s24;
	v4 =	vpsel p3, $0xFFFFFFFF, v4  }
0x7a: {  	s28 =	smul.u32 $0x1A90, s6;
	[tilespmem:s25+$0x10] =	vst.msk $0x1, v4  }
0x7b: {  	v4 =	vld [tilespmem:$0x30]  }
0x7c: {  	v5 =	vld [tilespmem:s28+$0x85D0]  }
0x7d: {  	v6 =	vld [tilespmem:s25+$0x40];
	_ =	sdelay $0x3  }
0x7e: {  	vm4 =	vmmov vm1;
	v5 =	vadd.f32 v5, v4  }
0x7f: {  	vm5 =	vmmov vm2;
	vm4 =	vmmov @p2 vm2;
	v4 =	vadd.f32 v6, v4  }
0x80: {  	s22 =	sshll.u32 s6, $0x4;
	vm5 =	vmmov @p3 vm1;
	[tilespmem:s28+$0x85D0] =	vst.msk vm4, v5  }
0x81: {  	[tilespmem:s22+$0xF010] =	vst.msk vm5, v4  }
0x82: {  	v4 =	vld [tilespmem:s28+$0x6B30];
	_ =	sdelay $0x3  }
0x83: {  	v5 =	vimm.f32 $0.0e+00  }
0x84: {  	v4 =	vshift.insert v4, v5, s21  }
0x85: {  	s29 =	sor.u32 $0x40, s2  }
0x86: {  	[tilespmem:s29+$0x0] =	vst.msk $0x1, v4  }
0x87: {  	[tilespmem:s28+$0x6B3F] =	vst.msk $0x1, v5  }
0x88: {  	v4 =	vld [tilespmem:s0+$0x1B80];
	_ =	sdelay $0x1  }
0x89: {  	s29 =	smulhi.u32 $0xAAAAAAAB, s20;
	s0 =	simm.s32 $0x1  }
0x8a: {  	s0 =	simm.s32 @!p0 $0x0  }
0x8b: {  	s29 =	sshrl.u32 s29, $0x1;
	s0 =	smul.u32 $0x6A40, s0  }
0x8c: {  	s29 =	smul.u32 $0xFFFEC140, s29;
	v4 =	vshift.insert v4, v1, s21  }
0x8d: {  	s0 =	sshrl.u32 s0, $0x2  }
0x8e: {  	s29 =	sshra.s32 s29, $0x2;
	s30 =	sadd.s32 $0x85D0, s0;
	[tilespmem:s2+$0x10] =	vst.msk $0x1, v4  }
0x8f: {  	s6 =	sadd.s32 s29, s19;
	v6 =	vld [tilespmem:s30+$0x0]  }
0x90: {  	v7 =	vld [tilespmem:s6+$0x0];
	_ =	sdelay $0x3  }
0x91: {  	v5 =	vadd.f32 v6, v5  }
0x92: {  	vm4 =	vne.s32 v7, $0xFFFFFFFF  }
0x93: {  	(xrf2) =	vadd.seg.scan.f32 vm4, v5;
	_ =	sdelay $0x3  }
0x94: {  	s31 =	sadd.s32 $0x50B0, s0;
	v5 =	vperm.xlane v4, v1  }
0x95: {  	v6 =	vld [tilespmem:s31+$0x0]  }
0x96: {  	vm5 =	veq.s32 v7, v3;
	vm6 =	veq.s32 v7, v5  }
0x97: {  	vm7 =	vgt.u32 v7, $0xFFFFFFFD;
	vm6 =	vmor vm6, vm5  }
0x98: {  	vm6 =	vmor vm6, vm7  }
0x99: {  	v9 =	vld [tilespmem:$0xA0];
	v7 =	vsel vm6, $0xFFFFFFFF, v7  }
0x9a: {  	v10 =	vld [tilespmem:$0x90];
	v6 =	vsel vm5, $0x0, v6;
	v8, _, _ =	vpop (xrf2)  }
0x9b: {  	v6 =	vadd.f32 v8, v6  }
0x9c: {  	s0 =	sadd.s32 $0xBAF0, s0  }
0x9d: {  	vm4 =	vmand vm4, vm3;
	[tilespmem:s0+$0x0] =	vst v6;
	(ifvalue) =	ssetifvalue $0xFFFFFFFF  }
0x9e: {  	vm6 =	veq.s32 v9, $0x1;
	[hbm4b:s1+s16] =	stream.indirect_vreg.scatter [tilespmem:s0], [sflag:$0x2], $0x1, v7, vm0, $0x4038;
	v7 =	vsel vm4, $0x0, v8;
	[tilespmem:$0xF030] =	vst v63  }
0x9f: {  	s29 =	sadd.s32 $0xF010, s22;
	s22 =	sadd.s32 $0x10, s6;
	s2 =	simm.s32 $0x0;
	vm4 =	vmor vm6, vm5;
	v6 =	vsel vm5, v8, v10;
	v7 =	vshift.insert v7, v0, s21  }
.LBB2_7:
0xa0: {  	v8 =	vld [tilespmem:s22+$0x0];
	s30 =	sadd.s32 $0x10, s30  }
0xa1: {  	s31 =	sadd.s32 $0x10, s31;
	v9 =	vld [tilespmem:s30+$0x0]  }
0xa2: {  	s2 =	sadd.s32 $0x10, s2;
	v10 =	vld [tilespmem:s31+$0x0]  }
0xa3: {  	p2 =	slt.u32 s2, $0x1A80;
	_ =	sdelay $0x2  }
0xa4: {  	v7 =	vadd.f32 v9, v7  }
0xa5: {  	vm5 =	vne.s32 v8, $0xFFFFFFFF  }
0xa6: {  	vm6 =	vmand vm5, vm3;
	(xrf2) =	vadd.seg.scan.f32 vm5, v7;
	_ =	sdelay $0x5  }
0xa7: {  	vm7 =	veq.s32 v8, v5;
	vm5 =	veq.s32 v8, v3  }
0xa8: {  	vm8 =	vgt.u32 v8, $0xFFFFFFFD;
	vm4 =	vmor vm4, vm5;
	vm7 =	vmor vm7, vm5  }
0xa9: {  	vm7 =	vmor vm7, vm8  }
0xaa: {  	v8 =	vsel vm7, $0xFFFFFFFF, v8  }
.Ltmp5:
0xab: {  	v7 =	vsel vm5, $0x0, v10;
	v9, _, _ =	vpop (xrf2);
	(pc) =	sbr.rel @p2 .LBB2_7-.Ltmp5, $4  }
0xac: {  	v6 =	vsel vm5, v9, v6;
	v10 =	vadd.f32 v9, v7;
	v7 =	vsel vm6, $0x0, v9  }
0xad: {  	s0 =	sadd.s32 $0x10, s0;
	v7 =	vshift.insert v7, v0, s21  }
0xae: {  	s22 =	sadd.s32 $0x10, s22;
	[tilespmem:s0+$0x0] =	vst v10;
	(ifvalue) =	ssetifvalue $0xFFFFFFFF  }
0xaf: {  	[hbm4b:s1+s16] =	stream.indirect_vreg.scatter [tilespmem:s0], [sflag:$0x2], $0x1, v8, vm0, $0x4038;
	[tilespmem:$0xF030] =	vst v63  }
0xb0: {  	v3 =	vld [tilespmem:s28+$0xD570];
	_ =	sdelay $0x4  }
0xb1: {  	v3 =	vshift.insert v3, v0, s21  }
0xb2: {  	s0 =	simm.s32 $0x30  }
0xb3: {  	[tilespmem:s0+$0x0] =	vst.msk $0x1, v3  }
0xb4: {  	v3 =	vsel vm4, $0x1, v1;
	[tilespmem:$0x90] =	vst v6  }
0xb5: {  	s0 =	sadd.s32 @!p1 $0xD57F, s28;
	[tilespmem:$0xA0] =	vst v3  }
0xb6: {  	[spmem:s14] =	stream.linear.scatter @!p1 [tilespmem:s0], [sflag:$0x1], $0x1, $0x38;
	[tilespmem:$0xF030] =	vst v63  }
0xb7: {  	s0 =	simm.s32 @!p1 $0x1  }
0xb8: {  	v3 =	vmctz.xlane @!p1 vm4;
	_ =	swait.ge @!p1 [sflag:s0], $0x1  }
0xb9: {  	(v2sf) =	vpush @!p1 v4, $0x0  }
0xba: {  	(v2sf) =	vpush @!p1 v3, $0x0;
	_ =	sdelay $0xd  }
0xbb: {  	s2 =	spop @!p1 (v2sf)  }
0xbc: {  	s6 =	spop @!p1 (v2sf)  }
0xbd: {  	p2 =	sne.s32 @!p1 s26, s2;
	p3 =	slt.s32 @!p1 s6, $0xF  }
0xbe: {  	[sflag:s0] =	ssyncset.done @!p1 $0x0;
	p2 =	por p2, p1;
	p3 =	por !p3, p1  }
0xbf: {  	[sflag:s0] =	ssyncadd.s32 @!p1 $0xFFFFFFFF;
	v3 =	vimm.s32 @!p2 $0xFFFFFFFF;
	s6 =	simm.s32 @p3 $0xF  }
0xc0: {  	[tilespmem:$0x80] =	vst @!p2 v3;
	s2 =	sadd.s32 @!p1 $0x90, s6  }
0xc1: {  	[spmem:s10] =	stream.linear.scatter @!p1 [tilespmem:s2], [sflag:$0x1], $0x1, $0x38;
	[tilespmem:$0xF030] =	vst v63  }
0xc2: {  	_ =	swait.ge @!p1 [sflag:s0], $0x1  }
0xc3: {  	[sflag:s0] =	ssyncset.done @!p1 $0x0  }
0xc4: {  	s2 =	simm.s32 @!p1 $0x80;
	[sflag:s0] =	ssyncadd.s32 @!p1 $0xFFFFFFFF  }
0xc5: {  	[spmem:s15] =	stream.linear.scatter @!p1 [tilespmem:s2], [sflag:$0x1], $0x1, $0x38;
	[tilespmem:$0xF030] =	vst v63  }
0xc6: {  	_ =	swait.ge @!p1 [sflag:s0], $0x1  }
0xc7: {  	[sflag:s0] =	ssyncset.done @!p1 $0x0  }
0xc8: {  	[sflag:s0] =	ssyncadd.s32 @!p1 $0xFFFFFFFF;
	(ifvalue) =	ssetifvalue $0xFFFFFFFF;
	v3 =	vld [tilespmem:s25+$0x10];
	_ =	sdelay $0x3  }
.Ltmp6:
0xc9: {  	_ = 	snop;
	(pc) =	sbr.rel .LBB2_9-.Ltmp6, $3  }
0xca: {  	_ =	sdelay $0x1  }
0xcb: {  	(ifvalue) =	ssetifvalue $0xFFFFFFFF  }
0xcc: {  	[hbm4b:s1+s16] =	stream.indirect_vreg.scatter [tilespmem:s29], [sflag:$0x9], $0x1, v3, vm0, $0x4038;
	[tilespmem:$0xF030] =	vst v63  }
.LBB2_10:
0xcd: {  	_ =	sfence.sel $0x180000  }
0xce: {  	s0 =	simm.s32 $0x7;
	[bflag:$0x0] =	sbarrier.arrive $0xFFFF  }
0xcf: {  	s26 =	simm.s32 $0x8;
	[sflag:s0] =	ssyncpa.u1 $0x1  }
0xd0: {  	s28 =	simm.s32 $0x9;
	[sflag:s26] =	ssyncpa.u1 $0x1  }
0xd1: {  	[sflag:s28] =	ssyncpa.u1 $0x1  }
0xd2: {  	_ =	sfence.stream.spmem  }
0xd3: {  	s29 =	simm.s32 $0x3;
	[bflag:$0x0] =	sbarrier.arrive $0xFFFF  }
0xd4: {  	s30 =	simm.s32 $0x4;
	[sflag:s29] =	ssyncpa.u1 $0x1  }
0xd5: {  	s31 =	simm.s32 $0x3C;
	s2 =	stileid.u32;
	[sflag:s30] =	ssyncpa.u1 $0x1  }
0xd6: {  	p0 =	sne.s32 s2, $0x0;
	[sflag:s31] =	ssyncpa.u1 $0x1  }
0xd7: {  	s0 =	simm.s32 @p0 $0x1;
	_ =	sfence @p0  }
0xd8: {  	[sflag:s0] =	ssyncpa.u1 @p0 $0x1;
	s0 =	simm.s32 @p0 $0x2  }
0xd9: {  	[sflag:s0] =	ssyncpa.u1 @p0 $0x1  }
0xda: {  	_ =	strace @p0 $0x90000056  }
0xdb: {  	[bflag:$0x2] =	sbarrier.arrive @p0 $0xFFFF  }
0xdc: {  	_ =	shalt @p0  }
.LBB2_11:
0xdd: {  	_ =	sfence.stream.spmem;
	s0 =	simm.s32 $0x5  }
0xde: {  	s2 =	simm.s32 $0x80;
	s3 =	simm.s32 $0xC0;
	[sflag:s0] =	ssyncpa.u1 $0x0  }
0xdf: {  	[tilespmem:s3], [sflag:$0x5] =	stream.linear.gather [spmem:s2], $0x20, $0x38;
	[tilespmem:$0xF030] =	vst v63  }
0xe0: {  	s2 =	simm.s32 $0x0;
	s3 =	simm.s32 $0xE0  }
0xe1: {  	[tilespmem:s3], [sflag:$0x5] =	stream.linear.gather [spmem:s2], $0x20, $0x38;
	[tilespmem:$0xF030] =	vst v63  }
.Ltmp7:
0xe2: {  	_ = 	snop;
	(pc) =	sbr.rel .LBB2_12-.Ltmp7, $4  }
0xe3: {  	_ =	swait.ge [sflag:s0], $0x40  }
0xe4: {  	[sflag:s0] =	ssyncset.done $0x0  }
0xe5: {  	s31 =	simm.s32 $0x6;
	[sflag:s0] =	ssyncadd.s32 $0xFFFFFFC0  }
0xe6: {  	s4 =	simm.s32 $0x0;
	[sflag:s31] =	ssyncpa.u1 $0x0  }
.LBB2_17:
0xe7: {  	p0 =	sgt.u32 s5, $0xC3FF  }
0xe8: {  	s0 =	sshrl.u32 @!p0 s5, $0x3  }
0xe9: {  	s5 =	sand.u32 @!p0 $0x7, s5;
	s6 =	simm.s32 @!p0 $0xB0;
	s0 =	sadd.s32 @!p0 s1, s0  }
0xea: {  	[tilespmem:s6], [sflag:$0x6] =	stream.linear.gather @!p0 [hbm4b:s0+s5], $0x1, $0x38;
	[tilespmem:$0xF030] =	vst v63  }
0xeb: {  	s0 =	simm.s32 @!p0 $0x6  }
0xec: {  	_ =	swait.ge @!p0 [sflag:s0], $0x1  }
0xed: {  	[sflag:s0] =	ssyncset.done @!p0 $0x0  }
0xee: {  	[sflag:s0] =	ssyncadd.s32 @!p0 $0xFFFFFFFF  }
0xef: {  	v2 =	vmov @!p0 s4;
	v1 =	vld.msk @!p0 [tilespmem:$0xB0], $0x1;
	_ =	sdelay $0x3  }
0xf0: {  	s0 =	simm.s32 @!p0 $0xE0  }
0xf1: {  	[tilespmem:v2+s0+$0x0], v1 =	vst.idx.ret.add.f32.msk @!p0 $0x1, v1  }
0xf2: {  	[tilespmem:s2+$0xC0] =	vst.msk $0x1, v0  }
0xf3: {  	v0 =	vld.msk [tilespmem:s4+$0xE0], $0x1;
	_ =	sdelay $0x4  }
0xf4: {  	[tilespmem:s2+$0xE0] =	vst.msk $0x1, v0;
	s2 =	sadd.s32 $0x1, s2  }
.LBB2_19:
0xf5: {  	s4 =	sadd.s32 $0x1, s4  }
0xf6: {  	p0 =	sne.s32 s4, $0x20  }
.Ltmp8:
0xf7: {  	_ = 	snop;
	(pc) =	sbr.rel @!p0 .LBB2_20-.Ltmp8, $1  }
0xf8: {  	_ =	sdelay $0x3  }
.LBB2_12:
0xf9: {  	v0 =	vld.msk [tilespmem:s4+$0xC0], $0x1;
	_ =	sdelay $0x4  }
0xfa: {  	(v2sf) =	vpush v0, $0x0;
	_ =	sdelay $0xe  }
0xfb: {  	s5 =	spop (v2sf)  }
0xfc: {  	p0 =	seq.s32 s5, $0xFFFFFFFF  }
.Ltmp9:
0xfd: {  	_ = 	snop;
	(pc) =	sbr.rel @p0 .LBB2_19-.Ltmp9, $1  }
0xfe: {  	_ =	sdelay $0x3  }
0xff: {  	p0 =	slt.s32 s2, $0x1  }
.Ltmp10:
0x100: {  	_ = 	snop;
	(pc) =	sbr.rel @p0 .LBB2_17-.Ltmp10, $1  }
0x101: {  	_ =	sdelay $0x3  }
0x102: {  	s0 =	simm.s32 $0xC0;
	p0 =	por $0x0, $0x0  }
0x103: {  	v1 =	vld.msk @!p0 [tilespmem:s0+$0x0], $0x1;
	_ =	sdelay $0x4  }
0x104: {  	(v2sf) =	vpush @!p0 v1, $0x0;
	_ =	sdelay $0xd  }
0x105: {  	p2 =	sne.s32 s2, $0x1  }
.Ltmp11:
0x106: {  	s6 =	spop @!p0 (v2sf);
	(pc) =	sbr.rel @!p2 .LBB2_16-.Ltmp11, $4  }
0x107: {  	p1 =	seq.s32 @!p0 s5, s6  }
0x108: {  	s6 =	simm.s32 $0x0;
	p1 =	por !p1, p0  }
0x109: {  	s8 =	simm.s32 $0xFFFFFFFF;
	s6 =	simm.s32 @p1 $0xFFFFFFFF  }
0x10a: {  	s7 =	simm.s32 $0x1;
	s6 =	smov.u32 @p0 s8  }
.LBB2_15:
0x10b: {  	s8 =	smov.u32 s6;
	p0 =	sne.s32 s6, $0xFFFFFFFF  }
0x10c: {  	s0 =	sadd.s32 $0x1, s0;
	s6 =	smov.u32 s7;
	s7 =	sadd.s32 $0x1, s7  }
0x10d: {  	p1 =	sne.s32 s2, s7;
	v1 =	vld.msk @!p0 [tilespmem:s0+$0x0], $0x1;
	_ =	sdelay $0x4  }
0x10e: {  	(v2sf) =	vpush @!p0 v1, $0x0;
	_ =	sdelay $0xe  }
.Ltmp12:
0x10f: {  	s9 =	spop @!p0 (v2sf);
	(pc) =	sbr.rel @p1 .LBB2_15-.Ltmp12, $4  }
0x110: {  	p2 =	seq.s32 @!p0 s5, s9  }
0x111: {  	p2 =	por !p2, p0  }
0x112: {  	s6 =	simm.s32 @p2 $0xFFFFFFFF  }
0x113: {  	s6 =	smov.u32 @p0 s8  }
.LBB2_16:
0x114: {  	p0 =	sne.s32 s6, $0xFFFFFFFF  }
.Ltmp13:
0x115: {  	_ = 	snop;
	(pc) =	sbr.rel @!p0 .LBB2_17-.Ltmp13, $1  }
0x116: {  	_ =	sdelay $0x3  }
0x117: {  	v0 =	vld.msk [tilespmem:s4+$0xE0], $0x1;
	v1 =	vmov s6  }
.Ltmp14:
0x118: {  	_ = 	snop;
	(pc) =	sbr.rel .LBB2_19-.Ltmp14, $2  }
0x119: {  	_ =	sdelay $0x2  }
0x11a: {  	[tilespmem:v1+s3+$0x0], v0 =	vst.idx.ret.add.f32.msk $0x1, v0  }
.LBB2_20:
0x11b: {  	p0 =	slt.s32 s2, $0x1  }
.Ltmp15:
0x11c: {  	_ = 	snop;
	(pc) =	sbr.rel @p0 .LBB2_24-.Ltmp15, $3  }
0x11d: {  	_ =	sdelay $0x1  }
0x11e: {  	s0 =	simm.s32 $0x6  }
0x11f: {  	s3 =	simm.s32 $0x0;
	[sflag:s0] =	ssyncpa.u1 $0x1  }
0x120: {  	s0 =	simm.s32 $0xC0  }
0x121: {  	v0 =	vld.msk [tilespmem:s0+$0x0], $0x1;
	_ =	sdelay $0x4  }
0x122: {  	(v2sf) =	vpush v0, $0x0;
	_ =	sdelay $0xe  }
0x123: {  	s2 =	sadd.s32 $0xFFFFFFFF, s2;
	s4 =	spop (v2sf)  }
0x124: {  	p1 =	sne.s32 s2, $0x0;
	p0 =	sgt.u32 s4, $0xC3FF  }
.Ltmp16:
0x125: {  	s5 =	sshrl.u32 @!p0 s4, $0x3;
	(pc) =	sbr.rel @!p1 .LBB2_23-.Ltmp16, $4  }
0x126: {  	s0 =	simm.s32 $0xE0;
	s4 =	sand.u32 @!p0 $0x7, s4;
	s5 =	sadd.s32 @!p0 s1, s5  }
0x127: {  	[hbm4b:s5+s4] =	stream.linear.scatter @!p0 [tilespmem:s0], [sflag:$0x5], $0x1, $0x38;
	[tilespmem:$0xF030] =	vst v63  }
0x128: {  	s5 =	simm.s32 $0x0  }
0x129: {  	s4 =	simm.s32 $0xC1;
	s5 =	simm.s32 @!p0 $0x4  }
.LBB2_22:
0x12a: {  	v0 =	vld.msk [tilespmem:s4+$0x0], $0x1;
	s2 =	sadd.s32 $0xFFFFFFFF, s2;
	s3 =	sadd.s32 s3, s5  }
0x12b: {  	p0 =	sne.s32 s2, $0x0;
	_ =	sdelay $0x3  }
0x12c: {  	(v2sf) =	vpush v0, $0x0;
	_ =	sdelay $0xe  }
.Ltmp17:
0x12d: {  	s6 =	spop (v2sf);
	(pc) =	sbr.rel @p0 .LBB2_22-.Ltmp17, $4  }
0x12e: {  	s5 =	simm.s32 $0x0;
	p1 =	sgt.u32 s6, $0xC3FF  }
0x12f: {  	s0 =	sadd.s32 $0x1, s0;
	s5 =	simm.s32 @!p1 $0x4;
	s7 =	sshrl.u32 @!p1 s6, $0x3  }
0x130: {  	s4 =	sadd.s32 $0x1, s4;
	s6 =	sand.u32 @!p1 $0x7, s6;
	s7 =	sadd.s32 @!p1 s1, s7  }
0x131: {  	[hbm4b:s7+s6] =	stream.linear.scatter @!p1 [tilespmem:s0], [sflag:$0x5], $0x1, $0x38;
	[tilespmem:$0xF030] =	vst v63  }
.LBB2_23:
0x132: {  	s0 =	sadd.s32 s3, s5  }
0x133: {  	s3 =	sshrl.u32 s0, $0x2  }
.LBB2_24:
0x134: {  	s0 =	simm.s32 $0x5  }
0x135: {  	_ =	swait.ge [sflag:s0], s3  }
0x136: {  	s1 =	ssub.s32 $0x0, s3;
	[sflag:s0] =	ssyncset.done $0x0  }
0x137: {  	[sflag:s0] =	ssyncadd.s32 s1  }
0x138: {  	[sflag:s0] =	ssyncpa.u1 $0x1  }
0x139: {  	s29 =	simm.s32 $0x1;
	_ =	sfence  }
0x13a: {  	s30 =	simm.s32 $0x2;
	[sflag:s29] =	ssyncpa.u1 $0x1  }
0x13b: {  	[sflag:s30] =	ssyncpa.u1 $0x1  }
0x13c: {  	_ =	strace $0x90000056  }
0x13d: {  	[bflag:$0x2] =	sbarrier.arrive $0xFFFF  }
0x13e: {  	s31 =	rddreg [dreg:$0x1]  }
0x13f: {  	s0 =	sadd.s32 $0x100000, s31  }
0x140: {  	[sflag:s0] =	ssyncadd.tile.s32 $0x1;
	_ =	shalt  }
.Lfunc_end2:
_tile_overlayer_lowered:
.L_overlay_start_2:
0x141: {  	(tag) =	ssettag $0x2  }
0x142: {  	s0 =	rddreg [dreg:$0x0];
	s2 =	stileid.u32  }
0x143: {  	s1 =	rddreg [dreg:$0x1];
	p0 =	sne.s32 s2, $0x0  }
0x144: {  	s3 =	rddreg [dreg:$0x2];
	[bflag:$0x3] =	sbarrier.arrive $0xFFFF;
	s2 =	simm.s32 @!p0 $0x1C01  }
0x145: {  	[timem:s3], [sflag:s2] =	dma.local @!p0 [hbm:s0], s1  }
0x146: {  	s0 =	simm.s32 @!p0 $0x1  }
0x147: {  	_ =	swait.ge @!p0 [sflag:s0], s1  }
0x148: {  	s1 =	ssub.s32 @!p0 $0x0, s1;
	[sflag:s0] =	ssyncset.done @!p0 $0x0  }
0x149: {  	[sflag:s0] =	ssyncadd.s32 @!p0 s1  }
0x14a: {  	[bflag:$0x3] =	sbarrier.arrive $0xFFFF  }
0x14b: {  	_ =	shalt  }

// kernel: scatter_offload_async_start.2
scs
__scs_entry_jumppad:
0x0: {  	(pc) =	sbr.rel $0x88, $3  }
0x1: {  	(tag) =	ssettag $0x0;
	lr =	simm.s32 $0x1  }
0x2: {  	[smem:$0x3F8B] =	sst lr;
	_ =	strace $0xD0000000  }
0x3: {  	_ = 	snop  }
0x4: {  	_ = 	snop  }
0x5: {  	_ = 	snop  }
0x6: {  	_ = 	snop  }
0x7: {  	_ = 	snop  }
__scs_overlays_trampoline_lowered:
0x8: {  	[smem:$0x3F9A] =	sst s0  }
0x9: {  	[smem:$0x3F9B] =	sst s1  }
0xa: {  	[smem:$0x3F9C] =	sst s2  }
0xb: {  	[smem:$0x3F9D] =	sst s3  }
0xc: {  	[smem:$0x3F9E] =	sst s4  }
0xd: {  	[smem:$0x3F9F] =	sst s5  }
0xe: {  	[smem:$0x3FA0] =	sst s6  }
0xf: {  	[smem:$0x3FA1] =	sst s7  }
0x10: {  	[smem:$0x3FA2] =	sst s8  }
0x11: {  	[smem:$0x3FA3] =	sst s9;
	s0 =	simm.s32 @!p0 $0x0  }
0x12: {  	s1 =	sld [smem:$0x3F89];
	s0 =	simm.s32 @p0 $0x1  }
0x13: {  	[smem:$0x3FA4] =	sst s0;
	s0 =	simm.s32 @!p1 $0x0  }
0x14: {  	s2 =	sld [smem:$0x3F88];
	s0 =	simm.s32 @p1 $0x1  }
0x15: {  	[smem:$0x3FA5] =	sst s0;
	s0 =	simm.s32 @!p2 $0x0  }
0x16: {  	s3 =	sld [smem:$0x3FDB];
	s0 =	simm.s32 @p2 $0x1  }
0x17: {  	s4 =	simm.s32 $0x1BF5;
	[smem:$0x3FA7] =	sst s0  }
0x18: {  	s0 =	sld [smem:$0x3F8A];
	_ =	swait.ge [sflag:s4], $0x0  }
0x19: {  	s7 =	sld [smem:$0x3F8B]  }
0x1a: {  	s8 =	sadd.s32 $0xFFFFE003, lr  }
0x1b: {  	s9 =	sadd.s32 $0xFFFFFEF7, lr;
	s5 =	simm.s32 $0xFFFFFFFF;
	p2 =	slt.u32 s8, $0xFFFFF086  }
0x1c: {  	p1 =	slt.u32 s9, $0xF7A;
	s5 =	simm.s32 @!p2 $0x0  }
0x1d: {  	s5 =	simm.s32 @p1 $0x1;
	p0 =	seq.s32 s7, s2  }
0x1e: {  	s7 =	smul.u32 @!p0 $0xF7A, s2;
	p2 =	seq.s32 @!p0 s5, $0x0  }
0x1f: {  	s9 =	smul.u32 $0xF7A, s1;
	s8 =	simm.s32 @!p0 $0x1BF5;
	p2 =	por !p2, p0  }
0x20: {  	[sflag:s8] =	ssyncset.s32 @!p0 $0xFFFFF086;
	s6 =	sadd.s32 @!p0 s3, s7;
	s7 =	simm.s32 @!p0 $0x108  }
0x21: {  	s3 =	sadd.s32 s3, s9;
	s6 =	sadd.s32 @!p0 $0x88, s6;
	s7 =	simm.s32 @p2 $0x1082  }
0x22: {  	[simem:s7], [sflag:s8] =	dma.local @!p0 [hbm:s6], $0xF7A  }
0x23: {  	s9 =	sor.u32 $0xD0000000, s2;
	s6 =	simm.s32 $0x108;
	_ =	swait.ge @!p0 [sflag:s8], $0x0  }
0x24: {  	s3 =	sadd.s32 $0x88, s3;
	s6 =	simm.s32 @!p1 $0x1082;
	[sflag:s4] =	ssyncset.s32 $0xFFFFF086  }
0x25: {  	[simem:s6], [sflag:s4] =	dma.local [hbm:s3], $0xF7A  }
0x26: {  	[smem:$0x3F8B] =	sst s1;
	(tag) =	ssettag s2;
	_ =	strace s9  }
0x27: {  	s1 =	sld [smem:$0x3F9B]  }
0x28: {  	s2 =	sld [smem:$0x3F9C]  }
0x29: {  	s4 =	sld [smem:$0x3F9E]  }
0x2a: {  	p0 =	seq.s32 s5, $0x0;
	s5 =	sld [smem:$0x3F9F]  }
0x2b: {  	s6 =	sld [smem:$0x3FA0]  }
0x2c: {  	s7 =	sld [smem:$0x3FA1]  }
0x2d: {  	s3 =	simm.s32 $0x108;
	s8 =	sld [smem:$0x3FA2]  }
0x2e: {  	s3 =	simm.s32 @!p0 $0x1082;
	s9 =	sld [smem:$0x3FA3]  }
0x2f: {  	lr =	sadd.s32 s0, s3;
	s0 =	sld [smem:$0x3F9A]  }
0x30: {  	s3 =	sld [smem:$0x3F9D]  }
0x31: {  	[smem:$0x3FA6] =	sst s10  }
0x32: {  	s10 =	sld [smem:$0x3FA4];
	_ =	sdelay $0x3  }
0x33: {  	p0 =	seq.s32 s10, $0x1;
	s10 =	sld [smem:$0x3FA6];
	_ =	sdelay $0x3  }
0x34: {  	[smem:$0x3FA6] =	sst s10  }
0x35: {  	s10 =	sld [smem:$0x3FA5];
	_ =	sdelay $0x3  }
0x36: {  	p1 =	seq.s32 s10, $0x1;
	s10 =	sld [smem:$0x3FA6];
	_ =	sdelay $0x3  }
0x37: {  	[smem:$0x3FA6] =	sst s10  }
0x38: {  	s10 =	sld [smem:$0x3FA7]  }
0x39: {  	_ = 	snop;
	(pc) =	sbr.ind lr, $3  }
0x3a: {  	_ = 	snop  }
0x3b: {  	_ = 	snop  }
0x3c: {  	p2 =	seq.s32 s10, $0x1;
	s10 =	sld [smem:$0x3FA6]  }
0x3d: {  	_ =	shalt  }
0x3e: {  	_ =	shalt  }
0x3f: {  	_ =	shalt  }
0x40: {  	_ =	shalt  }
0x41: {  	_ =	shalt  }
0x42: {  	_ =	shalt  }
0x43: {  	_ =	shalt  }
0x44: {  	_ =	shalt  }
0x45: {  	_ =	shalt  }
0x46: {  	_ =	shalt  }
0x47: {  	_ =	shalt  }
0x48: {  	_ =	shalt  }
0x49: {  	_ =	shalt  }
0x4a: {  	_ =	shalt  }
0x4b: {  	_ =	shalt  }
0x4c: {  	_ =	shalt  }
0x4d: {  	_ =	shalt  }
0x4e: {  	_ =	shalt  }
0x4f: {  	_ =	shalt  }
0x50: {  	_ =	shalt  }
0x51: {  	_ =	shalt  }
0x52: {  	_ =	shalt  }
0x53: {  	_ =	shalt  }
0x54: {  	_ =	shalt  }
0x55: {  	_ =	shalt  }
0x56: {  	_ =	shalt  }
0x57: {  	_ =	shalt  }
0x58: {  	_ =	shalt  }
0x59: {  	_ =	shalt  }
0x5a: {  	_ =	shalt  }
0x5b: {  	_ =	shalt  }
0x5c: {  	_ =	shalt  }
0x5d: {  	_ =	shalt  }
0x5e: {  	_ =	shalt  }
0x5f: {  	_ =	shalt  }
0x60: {  	_ =	shalt  }
0x61: {  	_ =	shalt  }
0x62: {  	_ =	shalt  }
0x63: {  	_ =	shalt  }
0x64: {  	_ =	shalt  }
0x65: {  	_ =	shalt  }
0x66: {  	_ =	shalt  }
0x67: {  	_ =	shalt  }
0x68: {  	_ =	shalt  }
0x69: {  	_ =	shalt  }
0x6a: {  	_ =	shalt  }
0x6b: {  	_ =	shalt  }
0x6c: {  	_ =	shalt  }
0x6d: {  	_ =	shalt  }
0x6e: {  	_ =	shalt  }
0x6f: {  	_ =	shalt  }
0x70: {  	_ =	shalt  }
0x71: {  	_ =	shalt  }
0x72: {  	_ =	shalt  }
0x73: {  	_ =	shalt  }
0x74: {  	_ =	shalt  }
0x75: {  	_ =	shalt  }
0x76: {  	_ =	shalt  }
0x77: {  	_ =	shalt  }
0x78: {  	_ =	shalt  }
0x79: {  	_ =	shalt  }
0x7a: {  	_ =	shalt  }
0x7b: {  	_ =	shalt  }
0x7c: {  	_ =	shalt  }
0x7d: {  	_ =	shalt  }
0x7e: {  	_ =	shalt  }
0x7f: {  	_ =	shalt  }
0x80: {  	_ =	shalt  }
0x81: {  	_ =	shalt  }
0x82: {  	_ =	shalt  }
0x83: {  	_ =	shalt  }
0x84: {  	_ =	shalt  }
0x85: {  	_ =	shalt  }
0x86: {  	_ =	shalt  }
0x87: {  	_ =	shalt  }
.Lfunc_end0:
.L_simem_size_0:
called_computation.2_lowered:
.L_overlay_start_0:
0x88: {  	s0 =	sld [smem:$0x3FD9]  }
0x89: {  	s1 =	sld [smem:$0x3FFE];
	_ =	sdelay $0x3  }
0x8a: {  	s0 =	sadd.s32 s1, s0  }
0x8b: {  	[smem:$0x3FB2] =	sst s0  }
0x8c: {  	_ = 	snop  }
0x8d: {  	(tm) =	ssettm $0x1  }
0x8e: {  	s15 =	sld [smem:$0x3FFB];
	_ =	sdelay $0x3  }
0x8f: {  	_ =	strace s15  }
0x90: {  	s0 =	sld [smem:$0x3FFC];
	_ =	sdelay $0x3  }
0x91: {  	_ =	strace s0  }
0x92: {  	s0 =	sld [smem:$0x3FFD];
	_ =	sdelay $0x3  }
0x93: {  	_ =	strace s0  }
0x94: {  	_ =	strace $0x8FFFFFFF  }
0x95: {  	s16 =	sld [smem:$0x3FDB];
	_ =	sdelay $0x1  }
0x96: {  	s17 =	simm.s32 $_scs_section_size  }
0x97: {  	s2 =	simm.s32 $_size__tile_overlayer_lowered;
	s3 =	simm.s32 $_tile_overlayer_lowered  }
0x98: {  	s20 =	simm.s32 $0x1BFF;
	s19 =	sshll.u32 s3, $0x1;
	s0 =	sadd.s32 s17, s16  }
0x99: {  	s4 =	simm.s32 $0x0;
	s18 =	sshll.u32 s2, $0x1;
	s2 =	sadd.s32 s19, s0  }
0x9a: {  	[timem:s4], [sflag:s20] =	dma.local [hbm:s2], s18  }
0x9b: {  	_ =	swait.ge [sflag:s20], s18  }
0x9c: {  	s1 =	ssub.s32 $0x0, s18;
	[sflag:s20] =	ssyncset.done $0x0  }
0x9d: {  	[sflag:s20] =	ssyncadd.s32 s1;
	_ =	sdelay $0x1  }
0x9e: {  	s21 =	simm.s32 $0x1B8B  }
0x9f: {  	_ =	swait.ge [sflag:s21], $0x1  }
0xa0: {  	[sflag:s21] =	ssyncset.done $0x0  }
0xa1: {  	s23 =	simm.s32 $0x1B8E;
	s22 =	sld [smem:$0x3FFE];
	[sflag:s21] =	ssyncadd.s32 $0xFFFFFFFF  }
0xa2: {  	s24 =	simm.s32 $execute0_lowered;
	[smem:$0x3FD2] =	sst s23  }
0xa3: {  	s2 =	sshll.u32 s24, $0x1;
	_ =	strace $0x80000058;
	[dreg:$0x1] =	wrdreg $0xFFFFFFFF  }
0xa4: {  	s25 =	simm.s32 $_size_execute0_lowered;
	s0 =	sadd.s32 s0, s2;
	[dreg:$0x0] =	wrdreg $0x0  }
0xa5: {  	s2 =	sshll.u32 s25, $0x1;
	[dreg:$0x2] =	wrdreg s0  }
0xa6: {  	[dreg:$0x3] =	wrdreg s2  }
0xa7: {  	[dreg:$0x4] =	wrdreg $0xC0  }
0xa8: {  	_ =	task [dreg:s4], $0x5FFFF  }
0xa9: {  	[dreg:$0x1] =	wrdreg $0xFFFFFFFF  }
0xaa: {  	[dreg:$0x0] =	wrdreg $0x60  }
0xab: {  	[dreg:$0x2] =	wrdreg s22  }
0xac: {  	[dreg:$0x3] =	wrdreg $0x9  }
0xad: {  	_ =	task.clear_ibuf [dreg:s4], $0x4FFFF;
	_ =	strace $0x90000058  }
0xae: {  	s26 =	simm.s32 $0x9;
	_ =	strace $0x8000005A  }
0xaf: {  	_ =	swait.ge [sflag:s26], $0x1  }
0xb0: {  	[sflag:s26] =	ssyncadd.s32 $0xFFFFFFFF  }
0xb1: {  	_ =	strace $0x9000005A  }
0xb2: {  	_ =	sfence  }
0xb3: {  	s28 =	sld [smem:$0x0];
	_ =	sdelay $0x1  }
0xb4: {  	s29 =	srdreg.scid  }
0xb5: {  	s30 =	sshll.u32 s29, $0xD;
	s31 =	sshrl.u32 s29, $0x2  }
0xb6: {  	s1 =	sand.u32 $0x1, s29;
	s2 =	sand.u32 $0x4000, s30;
	s0 =	sadd.s32 s31, s28  }
0xb7: {  	s1 =	sor.u32 s2, s1;
	s0 =	sshll.u32 s0, $0x11  }
0xb8: {  	s0 =	sor.u32 s0, s1  }
0xb9: {  	s0 =	sadd.s32 $0x8F2B, s0  }
0xba: {  	[sflag:s0] =	ssyncadd.remote.s32 $0x1  }
0xbb: {  	_ =	sfence.sel $0xFFFF  }
0xbc: {  	[dreg:$0x0] =	wrdreg $0xFFFFFFFF;
	(pc) =	sbr.abs _section_cstart, $3  }
0xbd: {  	[dreg:$0x1] =	wrdreg $0xFFFFFFFF  }
0xbe: {  	_ =	task.clear_ibuf [dreg:s4], $0x2FFFF;
	_ =	strace $0x9FFFFFFF  }
0xbf: {  	(tm) =	ssettm $0x7FFFFFFF  }
tec
execute0_lowered:
.L_overlay_start_1:
0x0: {  	(tag) =	ssettag $0x1  }
0x1: {  	s2 =	rddreg [dreg:$0x0];
	_ =	strace $0x80000059;
	s1 =	simm.s32 $0x1  }
0x2: {  	v0 =	vimm.s32 $0x0;
	[sflag:s1] =	ssyncpa.u1 $0x0  }
0x3: {  	[tilespmem:$0x48] =	vst v0  }
0x4: {  	[tilespmem:$0x58] =	vst v0  }
0x5: {  	[tilespmem:$0x68] =	vst v0  }
0x6: {  	[tilespmem:$0x78] =	vst v0  }
0x7: {  	[tilespmem:$0x88] =	vst v0  }
0x8: {  	[tilespmem:$0x98] =	vst v0  }
0x9: {  	[tilespmem:$0xA8] =	vst v0  }
0xa: {  	[tilespmem:$0xB8] =	vst v0  }
0xb: {  	[tilespmem:$0xC8] =	vst v0  }
0xc: {  	[tilespmem:$0xD8] =	vst v0  }
0xd: {  	[tilespmem:$0xE8] =	vst v0  }
0xe: {  	[tilespmem:$0xF8] =	vst v0  }
0xf: {  	[tilespmem:$0x108] =	vst v0  }
0x10: {  	[tilespmem:$0x118] =	vst v0  }
0x11: {  	[tilespmem:$0x128] =	vst v0  }
0x12: {  	[tilespmem:$0x138] =	vst v0  }
0x13: {  	[tilespmem:$0x148] =	vst v0  }
0x14: {  	[tilespmem:$0x158] =	vst v0  }
0x15: {  	[tilespmem:$0x168] =	vst v0  }
0x16: {  	[tilespmem:$0x178] =	vst v0  }
0x17: {  	[tilespmem:$0x188] =	vst v0  }
0x18: {  	[tilespmem:$0x198] =	vst v0  }
0x19: {  	[tilespmem:$0x1A8] =	vst v0  }
0x1a: {  	[tilespmem:$0x1B8] =	vst v0  }
0x1b: {  	[tilespmem:$0x1C8] =	vst v0  }
0x1c: {  	[tilespmem:$0x1D8] =	vst v0  }
0x1d: {  	[tilespmem:$0x1E8] =	vst v0  }
0x1e: {  	[tilespmem:$0x1F8] =	vst v0  }
0x1f: {  	[tilespmem:$0x208] =	vst v0  }
0x20: {  	[tilespmem:$0x218] =	vst v0  }
0x21: {  	[tilespmem:$0x228] =	vst v0  }
0x22: {  	[tilespmem:$0x238] =	vst v0  }
0x23: {  	[tilespmem:$0x248] =	vst v0  }
0x24: {  	[tilespmem:$0x258] =	vst v0  }
0x25: {  	[tilespmem:$0x268] =	vst v0  }
0x26: {  	[tilespmem:$0x278] =	vst v0  }
0x27: {  	[tilespmem:$0x288] =	vst v0  }
0x28: {  	[tilespmem:$0x298] =	vst v0  }
0x29: {  	[tilespmem:$0x2A8] =	vst v0  }
0x2a: {  	[tilespmem:$0x2B8] =	vst v0  }
0x2b: {  	[tilespmem:$0x2C8] =	vst v0  }
0x2c: {  	[tilespmem:$0x2D8] =	vst v0  }
0x2d: {  	[tilespmem:$0x2E8] =	vst v0  }
0x2e: {  	[tilespmem:$0x2F8] =	vst v0  }
0x2f: {  	[tilespmem:$0x308] =	vst v0  }
0x30: {  	[tilespmem:$0x318] =	vst v0  }
0x31: {  	[tilespmem:$0x328] =	vst v0  }
0x32: {  	[tilespmem:$0x338] =	vst v0  }
0x33: {  	[tilespmem:$0x348] =	vst v0  }
0x34: {  	[tilespmem:$0x358] =	vst v0  }
0x35: {  	[tilespmem:$0x368] =	vst v0  }
0x36: {  	[tilespmem:$0x378] =	vst v0  }
0x37: {  	[tilespmem:$0x388] =	vst v0  }
0x38: {  	[tilespmem:$0x398] =	vst v0  }
0x39: {  	[tilespmem:$0x3A8] =	vst v0  }
0x3a: {  	[tilespmem:$0x3B8] =	vst v0  }
0x3b: {  	[tilespmem:$0x3C8] =	vst v0  }
0x3c: {  	[tilespmem:$0x3D8] =	vst v0  }
0x3d: {  	[tilespmem:$0x3E8] =	vst v0  }
0x3e: {  	[tilespmem:$0x3F8] =	vst v0  }
0x3f: {  	[tilespmem:$0x408] =	vst v0  }
0x40: {  	[tilespmem:$0x418] =	vst v0  }
0x41: {  	[tilespmem:$0x428] =	vst v0  }
0x42: {  	[tilespmem:$0x438] =	vst v0  }
0x43: {  	[tilespmem:$0x448] =	vst v0  }
0x44: {  	[tilespmem:$0x458] =	vst v0  }
0x45: {  	[tilespmem:$0x468] =	vst v0  }
0x46: {  	[tilespmem:$0x478] =	vst v0  }
0x47: {  	[tilespmem:$0x488] =	vst v0  }
0x48: {  	[tilespmem:$0x498] =	vst v0  }
0x49: {  	[tilespmem:$0x4A8] =	vst v0  }
0x4a: {  	[tilespmem:$0x4B8] =	vst v0  }
0x4b: {  	[tilespmem:$0x4C8] =	vst v0  }
0x4c: {  	[tilespmem:$0x4D8] =	vst v0  }
0x4d: {  	[tilespmem:$0x4E8] =	vst v0  }
0x4e: {  	[tilespmem:$0x4F8] =	vst v0  }
0x4f: {  	[tilespmem:$0x508] =	vst v0  }
0x50: {  	[tilespmem:$0x518] =	vst v0  }
0x51: {  	[tilespmem:$0x528] =	vst v0  }
0x52: {  	[tilespmem:$0x538] =	vst v0  }
0x53: {  	[tilespmem:$0x548] =	vst v0  }
0x54: {  	[tilespmem:$0x558] =	vst v0  }
0x55: {  	[tilespmem:$0x568] =	vst v0  }
0x56: {  	[tilespmem:$0x578] =	vst v0  }
0x57: {  	[tilespmem:$0x588] =	vst v0  }
0x58: {  	[tilespmem:$0x598] =	vst v0  }
0x59: {  	[tilespmem:$0x5A8] =	vst v0  }
0x5a: {  	[tilespmem:$0x5B8] =	vst v0  }
0x5b: {  	[tilespmem:$0x5C8] =	vst v0  }
0x5c: {  	[tilespmem:$0x5D8] =	vst v0  }
0x5d: {  	[tilespmem:$0x5E8] =	vst v0  }
0x5e: {  	[tilespmem:$0x5F8] =	vst v0  }
0x5f: {  	[tilespmem:$0x608] =	vst v0  }
0x60: {  	[tilespmem:$0x618] =	vst v0  }
0x61: {  	[tilespmem:$0x628] =	vst v0  }
0x62: {  	[tilespmem:$0x638] =	vst v0  }
0x63: {  	[tilespmem:$0x648] =	vst v0  }
0x64: {  	[tilespmem:$0x658] =	vst v0  }
0x65: {  	[tilespmem:$0x668] =	vst v0  }
0x66: {  	[tilespmem:$0x678] =	vst v0  }
0x67: {  	[tilespmem:$0x688] =	vst v0  }
0x68: {  	[tilespmem:$0x698] =	vst v0  }
0x69: {  	[tilespmem:$0x6A8] =	vst v0  }
0x6a: {  	[tilespmem:$0x6B8] =	vst v0  }
0x6b: {  	[tilespmem:$0x6C8] =	vst v0  }
0x6c: {  	[tilespmem:$0x6D8] =	vst v0  }
0x6d: {  	[tilespmem:$0x6E8] =	vst v0  }
0x6e: {  	[tilespmem:$0x6F8] =	vst v0  }
0x6f: {  	[tilespmem:$0x708] =	vst v0  }
0x70: {  	[tilespmem:$0x718] =	vst v0  }
0x71: {  	[tilespmem:$0x728] =	vst v0  }
0x72: {  	[tilespmem:$0x738] =	vst v0  }
0x73: {  	[tilespmem:$0x748] =	vst v0  }
0x74: {  	[tilespmem:$0x758] =	vst v0  }
0x75: {  	[tilespmem:$0x768] =	vst v0  }
0x76: {  	[tilespmem:$0x778] =	vst v0  }
0x77: {  	[tilespmem:$0x788] =	vst v0  }
0x78: {  	[tilespmem:$0x798] =	vst v0  }
0x79: {  	[tilespmem:$0x7A8] =	vst v0  }
0x7a: {  	[tilespmem:$0x7B8] =	vst v0  }
0x7b: {  	[tilespmem:$0x7C8] =	vst v0  }
0x7c: {  	[tilespmem:$0x7D8] =	vst v0  }
0x7d: {  	[tilespmem:$0x7E8] =	vst v0  }
0x7e: {  	[tilespmem:$0x7F8] =	vst v0  }
0x7f: {  	[tilespmem:$0x808] =	vst v0  }
0x80: {  	[tilespmem:$0x818] =	vst v0  }
0x81: {  	[tilespmem:$0x828] =	vst v0  }
0x82: {  	[tilespmem:$0x838] =	vst v0  }
0x83: {  	[tilespmem:$0x848] =	vst v0  }
0x84: {  	[tilespmem:$0x858] =	vst v0  }
0x85: {  	[tilespmem:$0x868] =	vst v0  }
0x86: {  	[tilespmem:$0x878] =	vst v0  }
0x87: {  	[tilespmem:$0x888] =	vst v0  }
0x88: {  	[tilespmem:$0x898] =	vst v0  }
0x89: {  	[tilespmem:$0x8A8] =	vst v0  }
0x8a: {  	[tilespmem:$0x8B8] =	vst v0  }
0x8b: {  	[tilespmem:$0x8C8] =	vst v0  }
0x8c: {  	[tilespmem:$0x8D8] =	vst v0  }
0x8d: {  	[tilespmem:$0x8E8] =	vst v0  }
0x8e: {  	[tilespmem:$0x8F8] =	vst v0  }
0x8f: {  	[tilespmem:$0x908] =	vst v0  }
0x90: {  	[tilespmem:$0x918] =	vst v0  }
0x91: {  	[tilespmem:$0x928] =	vst v0  }
0x92: {  	[tilespmem:$0x938] =	vst v0  }
0x93: {  	[tilespmem:$0x948] =	vst v0  }
0x94: {  	[tilespmem:$0x958] =	vst v0  }
0x95: {  	[tilespmem:$0x968] =	vst v0  }
0x96: {  	[tilespmem:$0x978] =	vst v0  }
0x97: {  	[tilespmem:$0x988] =	vst v0  }
0x98: {  	[tilespmem:$0x998] =	vst v0  }
0x99: {  	[tilespmem:$0x9A8] =	vst v0  }
0x9a: {  	[tilespmem:$0x9B8] =	vst v0  }
0x9b: {  	[tilespmem:$0x9C8] =	vst v0  }
0x9c: {  	[tilespmem:$0x9D8] =	vst v0  }
0x9d: {  	[tilespmem:$0x9E8] =	vst v0  }
0x9e: {  	[tilespmem:$0x9F8] =	vst v0  }
0x9f: {  	[tilespmem:$0xA08] =	vst v0  }
0xa0: {  	[tilespmem:$0xA18] =	vst v0  }
0xa1: {  	[tilespmem:$0xA28] =	vst v0  }
0xa2: {  	[tilespmem:$0xA38] =	vst v0  }
0xa3: {  	[tilespmem:$0xA48] =	vst v0  }
0xa4: {  	[tilespmem:$0xA58] =	vst v0  }
0xa5: {  	[tilespmem:$0xA68] =	vst v0  }
0xa6: {  	[tilespmem:$0xA78] =	vst v0  }
0xa7: {  	[tilespmem:$0xA88] =	vst v0  }
0xa8: {  	[tilespmem:$0xA98] =	vst v0  }
0xa9: {  	[tilespmem:$0xAA8] =	vst v0  }
0xaa: {  	[tilespmem:$0xAB8] =	vst v0  }
0xab: {  	[tilespmem:$0xAC8] =	vst v0  }
0xac: {  	[tilespmem:$0xAD8] =	vst v0  }
0xad: {  	[tilespmem:$0xAE8] =	vst v0  }
0xae: {  	[tilespmem:$0xAF8] =	vst v0  }
0xaf: {  	[tilespmem:$0xB08] =	vst v0  }
0xb0: {  	[tilespmem:$0xB18] =	vst v0  }
0xb1: {  	[tilespmem:$0xB28] =	vst v0  }
0xb2: {  	[tilespmem:$0xB38] =	vst v0  }
0xb3: {  	[tilespmem:$0xB48] =	vst v0  }
0xb4: {  	[tilespmem:$0xB58] =	vst v0  }
0xb5: {  	[tilespmem:$0xB68] =	vst v0  }
0xb6: {  	[tilespmem:$0xB78] =	vst v0  }
0xb7: {  	[tilespmem:$0xB88] =	vst v0  }
0xb8: {  	[tilespmem:$0xB98] =	vst v0  }
0xb9: {  	[tilespmem:$0xBA8] =	vst v0  }
0xba: {  	[tilespmem:$0xBB8] =	vst v0  }
0xbb: {  	[tilespmem:$0xBC8] =	vst v0  }
0xbc: {  	[tilespmem:$0xBD8] =	vst v0  }
0xbd: {  	[tilespmem:$0xBE8] =	vst v0  }
0xbe: {  	[tilespmem:$0xBF8] =	vst v0  }
0xbf: {  	[tilespmem:$0xC08] =	vst v0  }
0xc0: {  	[tilespmem:$0xC18] =	vst v0  }
0xc1: {  	[tilespmem:$0xC28] =	vst v0  }
0xc2: {  	[tilespmem:$0xC38] =	vst v0  }
0xc3: {  	[tilespmem:$0xC48] =	vst v0  }
0xc4: {  	[tilespmem:$0xC58] =	vst v0  }
0xc5: {  	[tilespmem:$0xC68] =	vst v0  }
0xc6: {  	[tilespmem:$0xC78] =	vst v0  }
0xc7: {  	[tilespmem:$0xC88] =	vst v0  }
0xc8: {  	[tilespmem:$0xC98] =	vst v0  }
0xc9: {  	[tilespmem:$0xCA8] =	vst v0  }
0xca: {  	[tilespmem:$0xCB8] =	vst v0  }
0xcb: {  	[tilespmem:$0xCC8] =	vst v0  }
0xcc: {  	[tilespmem:$0xCD8] =	vst v0  }
0xcd: {  	[tilespmem:$0xCE8] =	vst v0  }
0xce: {  	[tilespmem:$0xCF8] =	vst v0  }
0xcf: {  	[tilespmem:$0xD08] =	vst v0  }
0xd0: {  	[tilespmem:$0xD18] =	vst v0  }
0xd1: {  	[tilespmem:$0xD28] =	vst v0  }
0xd2: {  	[tilespmem:$0xD38] =	vst v0  }
0xd3: {  	[tilespmem:$0xD48] =	vst v0  }
0xd4: {  	[tilespmem:$0xD58] =	vst v0  }
0xd5: {  	[tilespmem:$0xD68] =	vst v0  }
0xd6: {  	[tilespmem:$0xD78] =	vst v0  }
0xd7: {  	[tilespmem:$0xD88] =	vst v0  }
0xd8: {  	[tilespmem:$0xD98] =	vst v0  }
0xd9: {  	[tilespmem:$0xDA8] =	vst v0  }
0xda: {  	[tilespmem:$0xDB8] =	vst v0  }
0xdb: {  	[tilespmem:$0xDC8] =	vst v0  }
0xdc: {  	[tilespmem:$0xDD8] =	vst v0  }
0xdd: {  	[tilespmem:$0xDE8] =	vst v0  }
0xde: {  	[tilespmem:$0xDF8] =	vst v0  }
0xdf: {  	[tilespmem:$0xE08] =	vst v0  }
0xe0: {  	[tilespmem:$0xE18] =	vst v0  }
0xe1: {  	[tilespmem:$0xE28] =	vst v0  }
0xe2: {  	[tilespmem:$0xE38] =	vst v0  }
0xe3: {  	[tilespmem:$0xE48] =	vst v0  }
0xe4: {  	[tilespmem:$0xE58] =	vst v0  }
0xe5: {  	[tilespmem:$0xE68] =	vst v0  }
0xe6: {  	[tilespmem:$0xE78] =	vst v0  }
0xe7: {  	[tilespmem:$0xE88] =	vst v0  }
0xe8: {  	[tilespmem:$0xE98] =	vst v0  }
0xe9: {  	[tilespmem:$0xEA8] =	vst v0  }
0xea: {  	[tilespmem:$0xEB8] =	vst v0  }
0xeb: {  	[tilespmem:$0xEC8] =	vst v0  }
0xec: {  	[tilespmem:$0xED8] =	vst v0  }
0xed: {  	[tilespmem:$0xEE8] =	vst v0  }
0xee: {  	[tilespmem:$0xEF8] =	vst v0  }
0xef: {  	[tilespmem:$0xF08] =	vst v0  }
0xf0: {  	[tilespmem:$0xF18] =	vst v0  }
0xf1: {  	[tilespmem:$0xF28] =	vst v0  }
0xf2: {  	[tilespmem:$0xF38] =	vst v0  }
0xf3: {  	[tilespmem:$0xF48] =	vst v0  }
0xf4: {  	[tilespmem:$0xF58] =	vst v0  }
0xf5: {  	[tilespmem:$0xF68] =	vst v0  }
0xf6: {  	[tilespmem:$0xF78] =	vst v0  }
0xf7: {  	[tilespmem:$0xF88] =	vst v0  }
0xf8: {  	[tilespmem:$0xF98] =	vst v0  }
0xf9: {  	[tilespmem:$0xFA8] =	vst v0  }
0xfa: {  	[tilespmem:$0xFB8] =	vst v0  }
0xfb: {  	[tilespmem:$0xFC8] =	vst v0  }
0xfc: {  	[tilespmem:$0xFD8] =	vst v0  }
0xfd: {  	[tilespmem:$0xFE8] =	vst v0  }
0xfe: {  	[tilespmem:$0xFF8] =	vst v0  }
0xff: {  	[tilespmem:$0x1008] =	vst v0  }
0x100: {  	[tilespmem:$0x1018] =	vst v0  }
0x101: {  	[tilespmem:$0x1028] =	vst v0  }
0x102: {  	[tilespmem:$0x1038] =	vst v0  }
0x103: {  	[tilespmem:$0x1048] =	vst v0  }
0x104: {  	[tilespmem:$0x1058] =	vst v0  }
0x105: {  	[tilespmem:$0x1068] =	vst v0  }
0x106: {  	[tilespmem:$0x1078] =	vst v0  }
0x107: {  	[tilespmem:$0x1088] =	vst v0  }
0x108: {  	[tilespmem:$0x1098] =	vst v0  }
0x109: {  	[tilespmem:$0x10A8] =	vst v0  }
0x10a: {  	[tilespmem:$0x10B8] =	vst v0  }
0x10b: {  	[tilespmem:$0x10C8] =	vst v0  }
0x10c: {  	[tilespmem:$0x10D8] =	vst v0  }
0x10d: {  	[tilespmem:$0x10E8] =	vst v0  }
0x10e: {  	[tilespmem:$0x10F8] =	vst v0  }
0x10f: {  	[tilespmem:$0x1108] =	vst v0  }
0x110: {  	[tilespmem:$0x1118] =	vst v0  }
0x111: {  	[tilespmem:$0x1128] =	vst v0  }
0x112: {  	[tilespmem:$0x1138] =	vst v0  }
0x113: {  	[tilespmem:$0x1148] =	vst v0  }
0x114: {  	[tilespmem:$0x1158] =	vst v0  }
0x115: {  	[tilespmem:$0x1168] =	vst v0  }
0x116: {  	[tilespmem:$0x1178] =	vst v0  }
0x117: {  	[tilespmem:$0x1188] =	vst v0  }
0x118: {  	[tilespmem:$0x1198] =	vst v0  }
0x119: {  	[tilespmem:$0x11A8] =	vst v0  }
0x11a: {  	[tilespmem:$0x11B8] =	vst v0  }
0x11b: {  	[tilespmem:$0x11C8] =	vst v0  }
0x11c: {  	[tilespmem:$0x11D8] =	vst v0  }
0x11d: {  	[tilespmem:$0x11E8] =	vst v0  }
0x11e: {  	[tilespmem:$0x11F8] =	vst v0  }
0x11f: {  	[tilespmem:$0x1208] =	vst v0  }
0x120: {  	[tilespmem:$0x1218] =	vst v0  }
0x121: {  	[tilespmem:$0x1228] =	vst v0  }
0x122: {  	[tilespmem:$0x1238] =	vst v0  }
0x123: {  	[tilespmem:$0x1248] =	vst v0  }
0x124: {  	[tilespmem:$0x1258] =	vst v0  }
0x125: {  	[tilespmem:$0x1268] =	vst v0  }
0x126: {  	[tilespmem:$0x1278] =	vst v0  }
0x127: {  	[tilespmem:$0x1288] =	vst v0  }
0x128: {  	[tilespmem:$0x1298] =	vst v0  }
0x129: {  	[tilespmem:$0x12A8] =	vst v0  }
0x12a: {  	[tilespmem:$0x12B8] =	vst v0  }
0x12b: {  	[tilespmem:$0x12C8] =	vst v0  }
0x12c: {  	[tilespmem:$0x12D8] =	vst v0  }
0x12d: {  	[tilespmem:$0x12E8] =	vst v0  }
0x12e: {  	[tilespmem:$0x12F8] =	vst v0  }
0x12f: {  	[tilespmem:$0x1308] =	vst v0  }
0x130: {  	[tilespmem:$0x1318] =	vst v0  }
0x131: {  	[tilespmem:$0x1328] =	vst v0  }
0x132: {  	[tilespmem:$0x1338] =	vst v0  }
0x133: {  	[tilespmem:$0x1348] =	vst v0  }
0x134: {  	[tilespmem:$0x1358] =	vst v0  }
0x135: {  	[tilespmem:$0x1368] =	vst v0  }
0x136: {  	[tilespmem:$0x1378] =	vst v0  }
0x137: {  	[tilespmem:$0x1388] =	vst v0  }
0x138: {  	[tilespmem:$0x1398] =	vst v0  }
0x139: {  	[tilespmem:$0x13A8] =	vst v0  }
0x13a: {  	[tilespmem:$0x13B8] =	vst v0  }
0x13b: {  	[tilespmem:$0x13C8] =	vst v0  }
0x13c: {  	[tilespmem:$0x13D8] =	vst v0  }
0x13d: {  	[tilespmem:$0x13E8] =	vst v0  }
0x13e: {  	[tilespmem:$0x13F8] =	vst v0  }
0x13f: {  	[tilespmem:$0x1408] =	vst v0  }
0x140: {  	[tilespmem:$0x1418] =	vst v0  }
0x141: {  	[tilespmem:$0x1428] =	vst v0  }
0x142: {  	[tilespmem:$0x1438] =	vst v0  }
0x143: {  	[tilespmem:$0x1448] =	vst v0  }
0x144: {  	[tilespmem:$0x1458] =	vst v0  }
0x145: {  	[tilespmem:$0x1468] =	vst v0  }
0x146: {  	[tilespmem:$0x1478] =	vst v0  }
0x147: {  	[tilespmem:$0x1488] =	vst v0  }
0x148: {  	[tilespmem:$0x1498] =	vst v0  }
0x149: {  	[tilespmem:$0x14A8] =	vst v0  }
0x14a: {  	[tilespmem:$0x14B8] =	vst v0  }
0x14b: {  	[tilespmem:$0x14C8] =	vst v0  }
0x14c: {  	[tilespmem:$0x14D8] =	vst v0  }
0x14d: {  	[tilespmem:$0x14E8] =	vst v0  }
0x14e: {  	[tilespmem:$0x14F8] =	vst v0  }
0x14f: {  	[tilespmem:$0x1508] =	vst v0  }
0x150: {  	[tilespmem:$0x1518] =	vst v0  }
0x151: {  	[tilespmem:$0x1528] =	vst v0  }
0x152: {  	[tilespmem:$0x1538] =	vst v0  }
0x153: {  	[tilespmem:$0x1548] =	vst v0  }
0x154: {  	[tilespmem:$0x1558] =	vst v0  }
0x155: {  	[tilespmem:$0x1568] =	vst v0  }
0x156: {  	[tilespmem:$0x1578] =	vst v0  }
0x157: {  	[tilespmem:$0x1588] =	vst v0  }
0x158: {  	[tilespmem:$0x1598] =	vst v0  }
0x159: {  	[tilespmem:$0x15A8] =	vst v0  }
0x15a: {  	[tilespmem:$0x15B8] =	vst v0  }
0x15b: {  	[tilespmem:$0x15C8] =	vst v0  }
0x15c: {  	[tilespmem:$0x15D8] =	vst v0  }
0x15d: {  	[tilespmem:$0x15E8] =	vst v0  }
0x15e: {  	[tilespmem:$0x15F8] =	vst v0  }
0x15f: {  	[tilespmem:$0x1608] =	vst v0  }
0x160: {  	[tilespmem:$0x1618] =	vst v0  }
0x161: {  	[tilespmem:$0x1628] =	vst v0  }
0x162: {  	[tilespmem:$0x1638] =	vst v0  }
0x163: {  	[tilespmem:$0x1648] =	vst v0  }
0x164: {  	[tilespmem:$0x1658] =	vst v0  }
0x165: {  	[tilespmem:$0x1668] =	vst v0  }
0x166: {  	[tilespmem:$0x1678] =	vst v0  }
0x167: {  	[tilespmem:$0x1688] =	vst v0  }
0x168: {  	[tilespmem:$0x1698] =	vst v0  }
0x169: {  	[tilespmem:$0x16A8] =	vst v0  }
0x16a: {  	[tilespmem:$0x16B8] =	vst v0  }
0x16b: {  	[tilespmem:$0x16C8] =	vst v0  }
0x16c: {  	[tilespmem:$0x16D8] =	vst v0  }
0x16d: {  	[tilespmem:$0x16E8] =	vst v0  }
0x16e: {  	[tilespmem:$0x16F8] =	vst v0  }
0x16f: {  	[tilespmem:$0x1708] =	vst v0  }
0x170: {  	[tilespmem:$0x1718] =	vst v0  }
0x171: {  	[tilespmem:$0x1728] =	vst v0  }
0x172: {  	[tilespmem:$0x1738] =	vst v0  }
0x173: {  	[tilespmem:$0x1748] =	vst v0  }
0x174: {  	[tilespmem:$0x1758] =	vst v0  }
0x175: {  	[tilespmem:$0x1768] =	vst v0  }
0x176: {  	[tilespmem:$0x1778] =	vst v0  }
0x177: {  	[tilespmem:$0x1788] =	vst v0  }
0x178: {  	[tilespmem:$0x1798] =	vst v0  }
0x179: {  	[tilespmem:$0x17A8] =	vst v0  }
0x17a: {  	[tilespmem:$0x17B8] =	vst v0  }
0x17b: {  	[tilespmem:$0x17C8] =	vst v0  }
0x17c: {  	[tilespmem:$0x17D8] =	vst v0  }
0x17d: {  	[tilespmem:$0x17E8] =	vst v0  }
0x17e: {  	[tilespmem:$0x17F8] =	vst v0  }
0x17f: {  	[tilespmem:$0x1808] =	vst v0  }
0x180: {  	[tilespmem:$0x1818] =	vst v0  }
0x181: {  	[tilespmem:$0x1828] =	vst v0  }
0x182: {  	[tilespmem:$0x1838] =	vst v0  }
0x183: {  	[tilespmem:$0x1848] =	vst v0  }
0x184: {  	[tilespmem:$0x1858] =	vst v0  }
0x185: {  	[tilespmem:$0x1868] =	vst v0  }
0x186: {  	[tilespmem:$0x1878] =	vst v0  }
0x187: {  	[tilespmem:$0x1888] =	vst v0  }
0x188: {  	[tilespmem:$0x1898] =	vst v0  }
0x189: {  	[tilespmem:$0x18A8] =	vst v0  }
0x18a: {  	[tilespmem:$0x18B8] =	vst v0  }
0x18b: {  	[tilespmem:$0x18C8] =	vst v0  }
0x18c: {  	[tilespmem:$0x18D8] =	vst v0  }
0x18d: {  	[tilespmem:$0x18E8] =	vst v0  }
0x18e: {  	[tilespmem:$0x18F8] =	vst v0  }
0x18f: {  	[tilespmem:$0x1908] =	vst v0  }
0x190: {  	[tilespmem:$0x1918] =	vst v0  }
0x191: {  	[tilespmem:$0x1928] =	vst v0  }
0x192: {  	[tilespmem:$0x1938] =	vst v0  }
0x193: {  	[tilespmem:$0x1948] =	vst v0  }
0x194: {  	[tilespmem:$0x1958] =	vst v0  }
0x195: {  	[tilespmem:$0x1968] =	vst v0  }
0x196: {  	[tilespmem:$0x1978] =	vst v0  }
0x197: {  	[tilespmem:$0x1988] =	vst v0  }
0x198: {  	[tilespmem:$0x1998] =	vst v0  }
0x199: {  	[tilespmem:$0x19A8] =	vst v0  }
0x19a: {  	[tilespmem:$0x19B8] =	vst v0  }
0x19b: {  	[tilespmem:$0x19C8] =	vst v0  }
0x19c: {  	[tilespmem:$0x19D8] =	vst v0  }
0x19d: {  	[tilespmem:$0x19E8] =	vst v0  }
0x19e: {  	[tilespmem:$0x19F8] =	vst v0  }
0x19f: {  	[tilespmem:$0x1A08] =	vst v0  }
0x1a0: {  	[tilespmem:$0x1A18] =	vst v0  }
0x1a1: {  	[tilespmem:$0x1A28] =	vst v0  }
0x1a2: {  	[tilespmem:$0x1A38] =	vst v0  }
0x1a3: {  	[tilespmem:$0x1A48] =	vst v0  }
0x1a4: {  	[tilespmem:$0x1A58] =	vst v0  }
0x1a5: {  	[tilespmem:$0x1A68] =	vst v0  }
0x1a6: {  	[tilespmem:$0x1A78] =	vst v0  }
0x1a7: {  	[tilespmem:$0x1A88] =	vst v0  }
0x1a8: {  	[tilespmem:$0x1A98] =	vst v0  }
0x1a9: {  	[tilespmem:$0x1AA8] =	vst v0  }
0x1aa: {  	[tilespmem:$0x1AB8] =	vst v0  }
0x1ab: {  	[tilespmem:$0x1AC8] =	vst v0  }
0x1ac: {  	[tilespmem:$0x1AD8] =	vst v0  }
0x1ad: {  	[tilespmem:$0x1AE8] =	vst v0  }
0x1ae: {  	[tilespmem:$0x1AF8] =	vst v0  }
0x1af: {  	[tilespmem:$0x1B08] =	vst v0  }
0x1b0: {  	[tilespmem:$0x1B18] =	vst v0  }
0x1b1: {  	[tilespmem:$0x1B28] =	vst v0  }
0x1b2: {  	[tilespmem:$0x1B38] =	vst v0  }
0x1b3: {  	[tilespmem:$0x1B48] =	vst v0  }
0x1b4: {  	[tilespmem:$0x1B58] =	vst v0  }
0x1b5: {  	[tilespmem:$0x1B68] =	vst v0  }
0x1b6: {  	[tilespmem:$0x1B78] =	vst v0  }
0x1b7: {  	[tilespmem:$0x1B88] =	vst v0  }
0x1b8: {  	[tilespmem:$0x1B98] =	vst v0  }
0x1b9: {  	[tilespmem:$0x1BA8] =	vst v0  }
0x1ba: {  	[tilespmem:$0x1BB8] =	vst v0  }
0x1bb: {  	[tilespmem:$0x1BC8] =	vst v0  }
0x1bc: {  	[tilespmem:$0x1BD8] =	vst v0  }
0x1bd: {  	[tilespmem:$0x1BE8] =	vst v0  }
0x1be: {  	[tilespmem:$0x1BF8] =	vst v0  }
0x1bf: {  	[tilespmem:$0x1C08] =	vst v0  }
0x1c0: {  	[tilespmem:$0x1C18] =	vst v0  }
0x1c1: {  	[tilespmem:$0x1C28] =	vst v0  }
0x1c2: {  	[tilespmem:$0x1C38] =	vst v0  }
0x1c3: {  	[tilespmem:$0x1C48] =	vst v0  }
0x1c4: {  	[tilespmem:$0x1C58] =	vst v0  }
0x1c5: {  	[tilespmem:$0x1C68] =	vst v0  }
0x1c6: {  	[tilespmem:$0x1C78] =	vst v0  }
0x1c7: {  	[tilespmem:$0x1C88] =	vst v0  }
0x1c8: {  	[tilespmem:$0x1C98] =	vst v0  }
0x1c9: {  	[tilespmem:$0x1CA8] =	vst v0  }
0x1ca: {  	[tilespmem:$0x1CB8] =	vst v0  }
0x1cb: {  	[tilespmem:$0x1CC8] =	vst v0  }
0x1cc: {  	[tilespmem:$0x1CD8] =	vst v0  }
0x1cd: {  	[tilespmem:$0x1CE8] =	vst v0  }
0x1ce: {  	[tilespmem:$0x1CF8] =	vst v0  }
0x1cf: {  	[tilespmem:$0x1D08] =	vst v0  }
0x1d0: {  	[tilespmem:$0x1D18] =	vst v0  }
0x1d1: {  	[tilespmem:$0x1D28] =	vst v0  }
0x1d2: {  	[tilespmem:$0x1D38] =	vst v0  }
0x1d3: {  	[tilespmem:$0x1D48] =	vst v0  }
0x1d4: {  	[tilespmem:$0x1D58] =	vst v0  }
0x1d5: {  	[tilespmem:$0x1D68] =	vst v0  }
0x1d6: {  	[tilespmem:$0x1D78] =	vst v0  }
0x1d7: {  	[tilespmem:$0x1D88] =	vst v0  }
0x1d8: {  	[tilespmem:$0x1D98] =	vst v0  }
0x1d9: {  	[tilespmem:$0x1DA8] =	vst v0  }
0x1da: {  	[tilespmem:$0x1DB8] =	vst v0  }
0x1db: {  	[tilespmem:$0x1DC8] =	vst v0  }
0x1dc: {  	[tilespmem:$0x1DD8] =	vst v0  }
0x1dd: {  	[tilespmem:$0x1DE8] =	vst v0  }
0x1de: {  	[tilespmem:$0x1DF8] =	vst v0  }
0x1df: {  	[tilespmem:$0x1E08] =	vst v0  }
0x1e0: {  	[tilespmem:$0x1E18] =	vst v0  }
0x1e1: {  	[tilespmem:$0x1E28] =	vst v0  }
0x1e2: {  	[tilespmem:$0x1E38] =	vst v0  }
0x1e3: {  	[tilespmem:$0x1E48] =	vst v0  }
0x1e4: {  	[tilespmem:$0x1E58] =	vst v0  }
0x1e5: {  	[tilespmem:$0x1E68] =	vst v0  }
0x1e6: {  	[tilespmem:$0x1E78] =	vst v0  }
0x1e7: {  	[tilespmem:$0x1E88] =	vst v0  }
0x1e8: {  	[tilespmem:$0x1E98] =	vst v0  }
0x1e9: {  	[tilespmem:$0x1EA8] =	vst v0  }
0x1ea: {  	[tilespmem:$0x1EB8] =	vst v0  }
0x1eb: {  	[tilespmem:$0x1EC8] =	vst v0  }
0x1ec: {  	[tilespmem:$0x1ED8] =	vst v0  }
0x1ed: {  	[tilespmem:$0x1EE8] =	vst v0  }
0x1ee: {  	[tilespmem:$0x1EF8] =	vst v0  }
0x1ef: {  	[tilespmem:$0x1F08] =	vst v0  }
0x1f0: {  	[tilespmem:$0x1F18] =	vst v0  }
0x1f1: {  	[tilespmem:$0x1F28] =	vst v0  }
0x1f2: {  	[tilespmem:$0x1F38] =	vst v0  }
0x1f3: {  	[tilespmem:$0x1F48] =	vst v0  }
0x1f4: {  	[tilespmem:$0x1F58] =	vst v0  }
0x1f5: {  	[tilespmem:$0x1F68] =	vst v0  }
0x1f6: {  	[tilespmem:$0x1F78] =	vst v0  }
0x1f7: {  	[tilespmem:$0x1F88] =	vst v0  }
0x1f8: {  	[tilespmem:$0x1F98] =	vst v0  }
0x1f9: {  	[tilespmem:$0x1FA8] =	vst v0  }
0x1fa: {  	[tilespmem:$0x1FB8] =	vst v0  }
0x1fb: {  	[tilespmem:$0x1FC8] =	vst v0  }
0x1fc: {  	[tilespmem:$0x1FD8] =	vst v0  }
0x1fd: {  	[tilespmem:$0x1FE8] =	vst v0  }
0x1fe: {  	[tilespmem:$0x1FF8] =	vst v0  }
0x1ff: {  	[tilespmem:$0x2008] =	vst v0  }
0x200: {  	[tilespmem:$0x2018] =	vst v0  }
0x201: {  	[tilespmem:$0x2028] =	vst v0  }
0x202: {  	[tilespmem:$0x2038] =	vst v0  }
0x203: {  	[tilespmem:$0x2048] =	vst v0  }
0x204: {  	[tilespmem:$0x2058] =	vst v0  }
0x205: {  	[tilespmem:$0x2068] =	vst v0  }
0x206: {  	[tilespmem:$0x2078] =	vst v0  }
0x207: {  	[tilespmem:$0x2088] =	vst v0  }
0x208: {  	[tilespmem:$0x2098] =	vst v0  }
0x209: {  	[tilespmem:$0x20A8] =	vst v0  }
0x20a: {  	[tilespmem:$0x20B8] =	vst v0  }
0x20b: {  	[tilespmem:$0x20C8] =	vst v0  }
0x20c: {  	[tilespmem:$0x20D8] =	vst v0  }
0x20d: {  	[tilespmem:$0x20E8] =	vst v0  }
0x20e: {  	[tilespmem:$0x20F8] =	vst v0  }
0x20f: {  	[tilespmem:$0x2108] =	vst v0  }
0x210: {  	[tilespmem:$0x2118] =	vst v0  }
0x211: {  	[tilespmem:$0x2128] =	vst v0  }
0x212: {  	[tilespmem:$0x2138] =	vst v0  }
0x213: {  	[tilespmem:$0x2148] =	vst v0  }
0x214: {  	[tilespmem:$0x2158] =	vst v0  }
0x215: {  	[tilespmem:$0x2168] =	vst v0  }
0x216: {  	[tilespmem:$0x2228] =	vst v0  }
0x217: {  	[tilespmem:$0x3058] =	vst v0  }
0x218: {  	[tilespmem:$0x3048] =	vst v0  }
0x219: {  	[tilespmem:$0x3038] =	vst v0  }
0x21a: {  	[tilespmem:$0x3028] =	vst v0  }
0x21b: {  	[tilespmem:$0x3018] =	vst v0  }
0x21c: {  	[tilespmem:$0x3008] =	vst v0  }
0x21d: {  	[tilespmem:$0x2FF8] =	vst v0  }
0x21e: {  	[tilespmem:$0x2FE8] =	vst v0  }
0x21f: {  	[tilespmem:$0x2FD8] =	vst v0  }
0x220: {  	[tilespmem:$0x2FC8] =	vst v0  }
0x221: {  	[tilespmem:$0x2FB8] =	vst v0  }
0x222: {  	[tilespmem:$0x2FA8] =	vst v0  }
0x223: {  	[tilespmem:$0x2F98] =	vst v0  }
0x224: {  	[tilespmem:$0x2F88] =	vst v0  }
0x225: {  	[tilespmem:$0x2F78] =	vst v0  }
0x226: {  	[tilespmem:$0x2F68] =	vst v0  }
0x227: {  	[tilespmem:$0x2F58] =	vst v0  }
0x228: {  	[tilespmem:$0x2F48] =	vst v0  }
0x229: {  	[tilespmem:$0x2F38] =	vst v0  }
0x22a: {  	[tilespmem:$0x2F28] =	vst v0  }
0x22b: {  	[tilespmem:$0x2F18] =	vst v0  }
0x22c: {  	[tilespmem:$0x2F08] =	vst v0  }
0x22d: {  	[tilespmem:$0x2EF8] =	vst v0  }
0x22e: {  	[tilespmem:$0x2EE8] =	vst v0  }
0x22f: {  	[tilespmem:$0x2ED8] =	vst v0  }
0x230: {  	[tilespmem:$0x2EC8] =	vst v0  }
0x231: {  	[tilespmem:$0x2EB8] =	vst v0  }
0x232: {  	[tilespmem:$0x2EA8] =	vst v0  }
0x233: {  	[tilespmem:$0x2E98] =	vst v0  }
0x234: {  	[tilespmem:$0x2E88] =	vst v0  }
0x235: {  	[tilespmem:$0x2E78] =	vst v0  }
0x236: {  	[tilespmem:$0x2E68] =	vst v0  }
0x237: {  	[tilespmem:$0x2E58] =	vst v0  }
0x238: {  	[tilespmem:$0x2E48] =	vst v0  }
0x239: {  	[tilespmem:$0x2E38] =	vst v0  }
0x23a: {  	[tilespmem:$0x2E28] =	vst v0  }
0x23b: {  	[tilespmem:$0x2E18] =	vst v0  }
0x23c: {  	[tilespmem:$0x2E08] =	vst v0  }
0x23d: {  	[tilespmem:$0x2DF8] =	vst v0  }
0x23e: {  	[tilespmem:$0x2DE8] =	vst v0  }
0x23f: {  	[tilespmem:$0x2DD8] =	vst v0  }
0x240: {  	[tilespmem:$0x2DC8] =	vst v0  }
0x241: {  	[tilespmem:$0x2DB8] =	vst v0  }
0x242: {  	[tilespmem:$0x2DA8] =	vst v0  }
0x243: {  	[tilespmem:$0x2D98] =	vst v0  }
0x244: {  	[tilespmem:$0x2D88] =	vst v0  }
0x245: {  	[tilespmem:$0x2D78] =	vst v0  }
0x246: {  	[tilespmem:$0x2D68] =	vst v0  }
0x247: {  	[tilespmem:$0x2D58] =	vst v0  }
0x248: {  	[tilespmem:$0x2D48] =	vst v0  }
0x249: {  	[tilespmem:$0x2D38] =	vst v0  }
0x24a: {  	[tilespmem:$0x2D28] =	vst v0  }
0x24b: {  	[tilespmem:$0x2D18] =	vst v0  }
0x24c: {  	[tilespmem:$0x2D08] =	vst v0  }
0x24d: {  	[tilespmem:$0x2CF8] =	vst v0  }
0x24e: {  	[tilespmem:$0x2CE8] =	vst v0  }
0x24f: {  	[tilespmem:$0x2CD8] =	vst v0  }
0x250: {  	[tilespmem:$0x2CC8] =	vst v0  }
0x251: {  	[tilespmem:$0x2CB8] =	vst v0  }
0x252: {  	[tilespmem:$0x2CA8] =	vst v0  }
0x253: {  	[tilespmem:$0x2C98] =	vst v0  }
0x254: {  	[tilespmem:$0x2C88] =	vst v0  }
0x255: {  	[tilespmem:$0x2C78] =	vst v0  }
0x256: {  	[tilespmem:$0x2C68] =	vst v0  }
0x257: {  	[tilespmem:$0x2C58] =	vst v0  }
0x258: {  	[tilespmem:$0x2C48] =	vst v0  }
0x259: {  	[tilespmem:$0x2C38] =	vst v0  }
0x25a: {  	[tilespmem:$0x2C28] =	vst v0  }
0x25b: {  	[tilespmem:$0x2C18] =	vst v0  }
0x25c: {  	[tilespmem:$0x2C08] =	vst v0  }
0x25d: {  	[tilespmem:$0x2BF8] =	vst v0  }
0x25e: {  	[tilespmem:$0x2BE8] =	vst v0  }
0x25f: {  	[tilespmem:$0x2BD8] =	vst v0  }
0x260: {  	[tilespmem:$0x2BC8] =	vst v0  }
0x261: {  	[tilespmem:$0x2BB8] =	vst v0  }
0x262: {  	[tilespmem:$0x2BA8] =	vst v0  }
0x263: {  	[tilespmem:$0x2B98] =	vst v0  }
0x264: {  	[tilespmem:$0x2B88] =	vst v0  }
0x265: {  	[tilespmem:$0x2B78] =	vst v0  }
0x266: {  	[tilespmem:$0x2B68] =	vst v0  }
0x267: {  	[tilespmem:$0x2B58] =	vst v0  }
0x268: {  	[tilespmem:$0x2B48] =	vst v0  }
0x269: {  	[tilespmem:$0x2B38] =	vst v0  }
0x26a: {  	[tilespmem:$0x2B28] =	vst v0  }
0x26b: {  	[tilespmem:$0x2B18] =	vst v0  }
0x26c: {  	[tilespmem:$0x2B08] =	vst v0  }
0x26d: {  	[tilespmem:$0x2AF8] =	vst v0  }
0x26e: {  	[tilespmem:$0x2AE8] =	vst v0  }
0x26f: {  	[tilespmem:$0x2AD8] =	vst v0  }
0x270: {  	[tilespmem:$0x2AC8] =	vst v0  }
0x271: {  	[tilespmem:$0x2AB8] =	vst v0  }
0x272: {  	[tilespmem:$0x2AA8] =	vst v0  }
0x273: {  	[tilespmem:$0x2A98] =	vst v0  }
0x274: {  	[tilespmem:$0x2A88] =	vst v0  }
0x275: {  	[tilespmem:$0x2A78] =	vst v0  }
0x276: {  	[tilespmem:$0x2A68] =	vst v0  }
0x277: {  	[tilespmem:$0x2A58] =	vst v0  }
0x278: {  	[tilespmem:$0x2A48] =	vst v0  }
0x279: {  	[tilespmem:$0x2A38] =	vst v0  }
0x27a: {  	[tilespmem:$0x2A28] =	vst v0  }
0x27b: {  	[tilespmem:$0x2A18] =	vst v0  }
0x27c: {  	[tilespmem:$0x2A08] =	vst v0  }
0x27d: {  	[tilespmem:$0x29F8] =	vst v0  }
0x27e: {  	[tilespmem:$0x29E8] =	vst v0  }
0x27f: {  	[tilespmem:$0x29D8] =	vst v0  }
0x280: {  	[tilespmem:$0x29C8] =	vst v0  }
0x281: {  	[tilespmem:$0x29B8] =	vst v0  }
0x282: {  	[tilespmem:$0x29A8] =	vst v0  }
0x283: {  	[tilespmem:$0x2998] =	vst v0  }
0x284: {  	[tilespmem:$0x2988] =	vst v0  }
0x285: {  	[tilespmem:$0x2978] =	vst v0  }
0x286: {  	[tilespmem:$0x2968] =	vst v0  }
0x287: {  	[tilespmem:$0x2958] =	vst v0  }
0x288: {  	[tilespmem:$0x2948] =	vst v0  }
0x289: {  	[tilespmem:$0x2938] =	vst v0  }
0x28a: {  	[tilespmem:$0x2928] =	vst v0  }
0x28b: {  	[tilespmem:$0x2918] =	vst v0  }
0x28c: {  	[tilespmem:$0x2908] =	vst v0  }
0x28d: {  	[tilespmem:$0x28F8] =	vst v0  }
0x28e: {  	[tilespmem:$0x28E8] =	vst v0  }
0x28f: {  	[tilespmem:$0x28D8] =	vst v0  }
0x290: {  	[tilespmem:$0x28C8] =	vst v0  }
0x291: {  	[tilespmem:$0x28B8] =	vst v0  }
0x292: {  	[tilespmem:$0x28A8] =	vst v0  }
0x293: {  	[tilespmem:$0x2898] =	vst v0  }
0x294: {  	[tilespmem:$0x2888] =	vst v0  }
0x295: {  	[tilespmem:$0x2878] =	vst v0  }
0x296: {  	[tilespmem:$0x2868] =	vst v0  }
0x297: {  	[tilespmem:$0x2858] =	vst v0  }
0x298: {  	[tilespmem:$0x2848] =	vst v0  }
0x299: {  	[tilespmem:$0x2838] =	vst v0  }
0x29a: {  	[tilespmem:$0x2828] =	vst v0  }
0x29b: {  	[tilespmem:$0x2818] =	vst v0  }
0x29c: {  	[tilespmem:$0x2808] =	vst v0  }
0x29d: {  	[tilespmem:$0x27F8] =	vst v0  }
0x29e: {  	[tilespmem:$0x27E8] =	vst v0  }
0x29f: {  	[tilespmem:$0x27D8] =	vst v0  }
0x2a0: {  	[tilespmem:$0x27C8] =	vst v0  }
0x2a1: {  	[tilespmem:$0x27B8] =	vst v0  }
0x2a2: {  	[tilespmem:$0x27A8] =	vst v0  }
0x2a3: {  	[tilespmem:$0x2798] =	vst v0  }
0x2a4: {  	[tilespmem:$0x2788] =	vst v0  }
0x2a5: {  	[tilespmem:$0x2778] =	vst v0  }
0x2a6: {  	[tilespmem:$0x2768] =	vst v0  }
0x2a7: {  	[tilespmem:$0x2758] =	vst v0  }
0x2a8: {  	[tilespmem:$0x2748] =	vst v0  }
0x2a9: {  	[tilespmem:$0x2738] =	vst v0  }
0x2aa: {  	[tilespmem:$0x2728] =	vst v0  }
0x2ab: {  	[tilespmem:$0x2718] =	vst v0  }
0x2ac: {  	[tilespmem:$0x2708] =	vst v0  }
0x2ad: {  	[tilespmem:$0x26F8] =	vst v0  }
0x2ae: {  	[tilespmem:$0x26E8] =	vst v0  }
0x2af: {  	[tilespmem:$0x26D8] =	vst v0  }
0x2b0: {  	[tilespmem:$0x26C8] =	vst v0  }
0x2b1: {  	[tilespmem:$0x26B8] =	vst v0  }
0x2b2: {  	[tilespmem:$0x26A8] =	vst v0  }
0x2b3: {  	[tilespmem:$0x2698] =	vst v0  }
0x2b4: {  	[tilespmem:$0x2688] =	vst v0  }
0x2b5: {  	[tilespmem:$0x2678] =	vst v0  }
0x2b6: {  	[tilespmem:$0x2668] =	vst v0  }
0x2b7: {  	[tilespmem:$0x2658] =	vst v0  }
0x2b8: {  	[tilespmem:$0x2648] =	vst v0  }
0x2b9: {  	[tilespmem:$0x2638] =	vst v0  }
0x2ba: {  	[tilespmem:$0x2628] =	vst v0  }
0x2bb: {  	[tilespmem:$0x2618] =	vst v0  }
0x2bc: {  	[tilespmem:$0x2608] =	vst v0  }
0x2bd: {  	[tilespmem:$0x25F8] =	vst v0  }
0x2be: {  	[tilespmem:$0x25E8] =	vst v0  }
0x2bf: {  	[tilespmem:$0x25D8] =	vst v0  }
0x2c0: {  	[tilespmem:$0x25C8] =	vst v0  }
0x2c1: {  	[tilespmem:$0x25B8] =	vst v0  }
0x2c2: {  	[tilespmem:$0x25A8] =	vst v0  }
0x2c3: {  	[tilespmem:$0x2598] =	vst v0  }
0x2c4: {  	[tilespmem:$0x2588] =	vst v0  }
0x2c5: {  	[tilespmem:$0x2578] =	vst v0  }
0x2c6: {  	[tilespmem:$0x2568] =	vst v0  }
0x2c7: {  	[tilespmem:$0x2558] =	vst v0  }
0x2c8: {  	[tilespmem:$0x2548] =	vst v0  }
0x2c9: {  	[tilespmem:$0x2538] =	vst v0  }
0x2ca: {  	[tilespmem:$0x2528] =	vst v0  }
0x2cb: {  	[tilespmem:$0x2518] =	vst v0  }
0x2cc: {  	[tilespmem:$0x2508] =	vst v0  }
0x2cd: {  	[tilespmem:$0x24F8] =	vst v0  }
0x2ce: {  	[tilespmem:$0x24E8] =	vst v0  }
0x2cf: {  	[tilespmem:$0x24D8] =	vst v0  }
0x2d0: {  	[tilespmem:$0x24C8] =	vst v0  }
0x2d1: {  	[tilespmem:$0x24B8] =	vst v0  }
0x2d2: {  	[tilespmem:$0x24A8] =	vst v0  }
0x2d3: {  	[tilespmem:$0x2498] =	vst v0  }
0x2d4: {  	[tilespmem:$0x2488] =	vst v0  }
0x2d5: {  	[tilespmem:$0x2478] =	vst v0  }
0x2d6: {  	[tilespmem:$0x2468] =	vst v0  }
0x2d7: {  	[tilespmem:$0x2458] =	vst v0  }
0x2d8: {  	[tilespmem:$0x2448] =	vst v0  }
0x2d9: {  	[tilespmem:$0x2438] =	vst v0  }
0x2da: {  	[tilespmem:$0x2428] =	vst v0  }
0x2db: {  	[tilespmem:$0x2418] =	vst v0  }
0x2dc: {  	[tilespmem:$0x2408] =	vst v0  }
0x2dd: {  	[tilespmem:$0x23F8] =	vst v0  }
0x2de: {  	[tilespmem:$0x23E8] =	vst v0  }
0x2df: {  	[tilespmem:$0x23D8] =	vst v0  }
0x2e0: {  	[tilespmem:$0x23C8] =	vst v0  }
0x2e1: {  	[tilespmem:$0x23B8] =	vst v0  }
0x2e2: {  	[tilespmem:$0x23A8] =	vst v0  }
0x2e3: {  	[tilespmem:$0x2398] =	vst v0  }
0x2e4: {  	[tilespmem:$0x2388] =	vst v0  }
0x2e5: {  	[tilespmem:$0x2378] =	vst v0  }
0x2e6: {  	[tilespmem:$0x2368] =	vst v0  }
0x2e7: {  	[tilespmem:$0x2358] =	vst v0  }
0x2e8: {  	[tilespmem:$0x2348] =	vst v0  }
0x2e9: {  	[tilespmem:$0x2338] =	vst v0  }
0x2ea: {  	[tilespmem:$0x2328] =	vst v0  }
0x2eb: {  	[tilespmem:$0x2318] =	vst v0  }
0x2ec: {  	[tilespmem:$0x2308] =	vst v0  }
0x2ed: {  	[tilespmem:$0x22F8] =	vst v0  }
0x2ee: {  	[tilespmem:$0x22E8] =	vst v0  }
0x2ef: {  	[tilespmem:$0x22D8] =	vst v0  }
0x2f0: {  	[tilespmem:$0x22C8] =	vst v0  }
0x2f1: {  	[tilespmem:$0x22B8] =	vst v0  }
0x2f2: {  	[tilespmem:$0x22A8] =	vst v0  }
0x2f3: {  	[tilespmem:$0x2298] =	vst v0  }
0x2f4: {  	[tilespmem:$0x2288] =	vst v0  }
0x2f5: {  	[tilespmem:$0x2278] =	vst v0  }
0x2f6: {  	s8 =	stileid.u32;
	[tilespmem:$0x2268] =	vst v0  }
0x2f7: {  	s0 =	smul.u32 $0x8A, s8;
	[tilespmem:$0x2258] =	vst v0  }
0x2f8: {  	s3 =	smin.u32 s8, $0x6;
	[tilespmem:$0x2248] =	vst v0  }
0x2f9: {  	[tilespmem:$0x2238] =	vst v0;
	s0 =	sadd.s32 s3, s0  }
0x2fa: {  	p0 =	slt.u32 s8, $0x6;
	[tilespmem:$0x2208] =	vst v0;
	s3 =	simm.s32 $0xD080;
	s5 =	smul.u32 $0x180, s0  }
0x2fb: {  	s3 =	simm.s32 @!p0 $0xCF00;
	[tilespmem:$0x2218] =	vst v0  }
0x2fc: {  	[tilespmem:$0x21F8] =	vst v0;
	s0 =	sadd.s32 s3, s5  }
0x2fd: {  	[tilespmem:$0x2188] =	vst v0;
	s6 =	smin.u32 s0, $0xCF850  }
0x2fe: {  	[tilespmem:$0x21E8] =	vst v0;
	s0 =	ssub.s32 s6, s5  }
0x2ff: {  	s4 =	simm.s32 $0x2;
	[tilespmem:$0x21D8] =	vst v0;
	p0 =	sgt.s32 s0, $0x0  }
0x300: {  	s11 =	simm.s32 $0x7;
	s31 =	simm.s32 $0x8;
	[tilespmem:$0x21C8] =	vst v0;
	s0 =	simm.s32 @!p0 $0x0  }
0x301: {  	s15 =	simm.s32 $0x0;
	p1 =	por $0x0, $0x0;
	[tilespmem:$0x21B8] =	vst v0;
	s29 =	smulhi.u32 $0x2AAAAAAB, s0  }
0x302: {  	s16 =	simm.s32 $0xA;
	s20 =	simm.s32 $0x0;
	s17 =	simm.s32 $0x0;
	[tilespmem:$0x21A8] =	vst v0  }
0x303: {  	s19 =	simm.s32 $0x0;
	s9 =	sadd.s32 $0x1FA400, s2;
	[tilespmem:$0x2198] =	vst v0;
	s30 =	sshrl.u32 s29, $0x6  }
0x304: {  	s10 =	sadd.s32 $0x3B5000, s2;
	[tilespmem:$0x2178] =	vst v0;
	[sflag:s4] =	ssyncpa.u1 $0x0;
	v0 =	vimm.s32 $0xFFFFFFFF;
	s7 =	smul.u32 $0x180, s30  }
.Ltmp0:
0x305: {  	[tilespmem:$0x6088] =	vst v0;
	[sflag:s11] =	ssyncpa.u1 $0x0;
	s11 =	simm.s32 $0x9;
	(pc) =	sbr.rel .LBB2_1-.Ltmp0, $4  }
0x306: {  	[sflag:s31] =	ssyncpa.u1 $0x0;
	p0 =	sne.s32 s0, s7;
	s0 =	simm.s32 $0x1  }
0x307: {  	s13 =	sshll.u32 s8, $0x6;
	[sflag:s11] =	ssyncpa.u1 $0x0;
	s0 =	simm.s32 @!p0 $0x0  }
0x308: {  	s3 =	sadd.s32 $0x22E400, s2;
	s2 =	sadd.s32 $0x214400, s2;
	s12 =	sadd.s32 s0, s30  }
0x309: {  	v0 =	vlaneseq.u32;
	s18 =	smov.u32 s5;
	p0 =	por $0x1, $0x1;
	s14 =	sadd.s32 $0x1, s12  }
.LBB2_22:
0x30a: {  	s0 =	sshrl.u32 s29, $0x2  }
.LBB2_24:
0x30b: {  	_ =	swait.ge [sflag:s16], s0  }
0x30c: {  	s31 =	ssub.s32 $0x0, s0;
	v1 =	vmov s22;
	vm0 =	veq.s32 v0, $0x0;
	[sflag:s16] =	ssyncset.done $0x0  }
0x30d: {  	vm15 =	veq.s32 v0, $0x2;
	v1 =	vsel vm0, s28, v1;
	[sflag:s16] =	ssyncadd.s32 s31  }
0x30e: {  	v1 =	vsel vm15, s20, v1;
	[sflag:s16] =	ssyncpa.u1 $0x1  }
0x30f: {  	[tilespmem:$0x6088] =	vst v1  }
.LBB2_25:
0x310: {  	s0 =	sadd.s32 $0x180, s18  }
0x311: {  	s4 =	smov.u32 s5;
	p2 =	slt.s32 s0, s6  }
0x312: {  	s4 =	smov.u32 @p2 s0;
	p2 =	sne.s32 s19, s14  }
.Ltmp1:
0x313: {  	_ = 	snop;
	(pc) =	sbr.rel @!p2 .LBB2_26-.Ltmp1, $4  }
0x314: {  	_ = 	snop  }
0x315: {  	s20 =	smov.u32 s17  }
0x316: {  	s31 =	sadd.s32 $0x1, s19;
	s17 =	smov.u32 s18;
	p0 =	por !p0, !p0  }
0x317: {  	p1 =	por !p1, !p1;
	s19 =	smov.u32 s31;
	s18 =	smov.u32 s4  }
.LBB2_1:
0x318: {  	p2 =	sge.u32 s19, s12  }
0x319: {  	s0 =	smulhi.u32 @!p2 $0xAAAAAAAB, s19  }
0x31a: {  	s4 =	smov.u32 s18;
	p3 =	sgt.s32 @!p2 s18, $0xCF6D0  }
0x31b: {  	s7 =	sshra.s32 @!p2 s18, $0x1F;
	p3 =	por !p3, p2;
	s0 =	sshrl.u32 @!p2 s0, $0x1  }
0x31c: {  	s7 =	sand.u32 @!p2 s7, s18;
	s4 =	simm.s32 @p3 $0xCF6D0;
	s0 =	smul.u32 @!p2 $0x3, s0  }
0x31d: {  	s4 =	ssub.s32 @!p2 s4, s7  }
0x31e: {  	s22 =	sadd.s32 $0xFFFFFFFF, s19;
	s4 =	sadd.s32 @!p2 $0xFFF30930, s4;
	s0 =	ssub.s32 @!p2 s19, s0  }
0x31f: {  	s7 =	sshll.u32 @!p2 s4, $0x2;
	p3 =	sgt.s32 @!p2 s4, $0x17F;
	s0 =	smul.u32 @!p2 $0x600, s0  }
0x320: {  	s21 =	sand.u32 @!p2 $0x7, s18;
	s4 =	ssub.s32 @!p2 $0x600, s7;
	p3 =	por !p3, p2  }
0x321: {  	s7 =	sshrl.u32 @!p2 s18, $0x3;
	s4 =	sshrl.u32 @!p2 s4, $0x2;
	s0 =	sshrl.u32 @!p2 s0, $0x2  }
0x322: {  	s7 =	sadd.s32 @!p2 s2, s7;
	s4 =	simm.s32 @!p3 $0x0;
	s0 =	sadd.s32 @!p2 $0x64B8, s0  }
0x323: {  	[tilespmem:s0], [sflag:$0x8] =	stream.linear.gather @!p2 [hbm4b:s7+s21], s4, $0x38;
	[tilespmem:$0x1EC38] =	vst v63  }
0x324: {  	p2 =	sge.u32 s22, s12  }
0x325: {  	p3 =	sgt.s32 @!p2 s17, $0xCF6D0  }
0x326: {  	s0 =	smov.u32 s17;
	s4 =	sshra.s32 @!p2 s17, $0x1F;
	p3 =	por !p3, p2  }
0x327: {  	s4 =	sand.u32 @!p2 s4, s17;
	s0 =	simm.s32 @p3 $0xCF6D0  }
0x328: {  	s0 =	ssub.s32 @!p2 s0, s4  }
0x329: {  	s0 =	sadd.s32 @!p2 $0xFFF30930, s0  }
0x32a: {  	s4 =	sshll.u32 @!p2 s0, $0x2  }
0x32b: {  	p3 =	sgt.s32 @!p2 s0, $0x17F;
	s0 =	ssub.s32 @!p2 $0x600, s4  }
0x32c: {  	p3 =	por !p3, p2;
	s0 =	sshrl.u32 @!p2 s0, $0x2  }
0x32d: {  	s7 =	simm.s32 @!p2 $0x8;
	s4 =	sand.u32 @!p2 $0x1, s22;
	s0 =	simm.s32 @!p3 $0x0  }
0x32e: {  	s4 =	smul.u32 @!p2 $0x600, s4;
	_ =	swait.ge @!p2 [sflag:s7], s0  }
0x32f: {  	s21 =	ssub.s32 @!p2 $0x0, s0;
	[sflag:s7] =	ssyncset.done @!p2 $0x0  }
0x330: {  	s4 =	sshrl.u32 @!p2 s4, $0x2;
	[sflag:s7] =	ssyncadd.s32 @!p2 s21;
	s7 =	sshrl.u32 @!p2 s17, $0x3  }
0x331: {  	s4 =	sadd.s32 @!p2 $0x6938, s4;
	s21 =	sand.u32 @!p2 $0x7, s17;
	s7 =	sadd.s32 @!p2 s9, s7  }
0x332: {  	[tilespmem:s4], [sflag:$0x9] =	stream.linear.gather @!p2 [hbm4b:s7+s21], s0, $0x38;
	[tilespmem:$0x1EC38] =	vst v63  }
0x333: {  	s21 =	ssub.s32 @!p2 $0xCF850, s17  }
0x334: {  	p3 =	slt.s32 @!p2 s21, $0x1  }
0x335: {  	p3 =	por p2, p3  }
.Ltmp2:
0x336: {  	_ = 	snop;
	(pc) =	sbr.rel @p3 .LBB2_7-.Ltmp2, $1  }
0x337: {  	_ =	sdelay $0x3  }
0x338: {  	s0 =	smulhi.u32 $0xAAAAAAAB, s22;
	_ =	sdelay $0x1  }
0x339: {  	s0 =	sshrl.u32 s0, $0x1  }
0x33a: {  	s0 =	smul.u32 $0x3, s0;
	_ =	sdelay $0x1  }
0x33b: {  	s0 =	ssub.s32 s22, s0  }
0x33c: {  	s4 =	simm.s32 $0x1;
	s0 =	smul.u32 $0x600, s0  }
.Ltmp3:
0x33d: {  	s4 =	simm.s32 @!p0 $0x0;
	(pc) =	sbr.rel .LBB2_4-.Ltmp3, $4  }
0x33e: {  	s4 =	smul.u32 $0x30000, s4  }
0x33f: {  	p3 =	slt.s32 @!p2 s21, $0x180;
	s0 =	sshrl.u32 s0, $0x2  }
0x340: {  	p2 =	por !p3, p2;
	s4 =	sshrl.u32 s4, $0x2;
	s0 =	sadd.s32 $0x64B8, s0  }
0x341: {  	s23 =	simm.s32 $0x0;
	s21 =	simm.s32 @p2 $0x180;
	s22 =	sadd.s32 $0x6C38, s4;
	v1 =	vmov s0  }
.LBB2_3:
0x342: {  	p2 =	sge.s32 s23, s21  }
.Ltmp4:
0x343: {  	_ = 	snop;
	(pc) =	sbr.rel @p2 .LBB2_7-.Ltmp4, $2  }
0x344: {  	_ =	sdelay $0x2  }
0x345: {  	s22 =	sadd.s32 $0x800, s22  }
.LBB2_4:
0x346: {  	p2 =	sle.s32 s21, s23  }
.Ltmp5:
0x347: {  	_ = 	snop;
	(pc) =	sbr.rel @p2 .LBB2_3-.Ltmp5, $2  }
0x348: {  	_ =	sdelay $0x2  }
0x349: {  	s24 =	smov.u32 s23;
	s23 =	sadd.s32 $0x10, s23  }
0x34a: {  	s0 =	ssub.s32 s21, s24  }
0x34b: {  	p2 =	slt.s32 s0, $0x10  }
0x34c: {  	s0 =	simm.s32 @!p2 $0x10  }
0x34d: {  	v2 =	vmov s0  }
0x34e: {  	vm0 =	vgt.s32 v2, v0;
	_ =	sdelay $0x5  }
0x34f: {  	v2 =	vld.idx.msk [tilespmem:v1+s24+$0x0 ss:$0x1], vm0;
	_ =	sdelay $0x2  }
0x350: {  	p2 =	slt.s32 s23, s21;
	s0 =	smov.u32 s21  }
0x351: {  	s4 =	smov.u32 s22;
	s25 =	simm.s32 $0x0;
	s0 =	smov.u32 @p2 s23  }
.LBB2_6:
0x352: {  	(v2sf) =	vpush v2, s25;
	_ =	sdelay $0xc  }
0x353: {  	s25 =	sadd.s32 $0x1, s25  }
0x354: {  	s31 =	sadd.s32 s25, s24  }
0x355: {  	p2 =	slt.s32 s31, s0;
	s7 =	spop (v2sf)  }
.Ltmp6:
0x356: {  	s7 =	sshll.u32 s7, $0x4;
	(pc) =	sbr.rel @p2 .LBB2_6-.Ltmp6, $4  }
0x357: {  	s7 =	sand.u32 $0x1FFFFFF0, s7  }
0x358: {  	s7 =	sadd.s32 s10, s7  }
0x359: {  	[tilespmem:s4], [sflag:$0x7] =	stream.linear.gather [hbm4b:s7+s15], $0x20, $0x38;
	[tilespmem:$0x1EC38] =	vst v63  }
0x35a: {  	s4 =	sadd.s32 $0x80, s4  }
.Ltmp7:
0x35b: {  	_ = 	snop;
	(pc) =	sbr.rel .LBB2_3-.Ltmp7, $1  }
0x35c: {  	_ =	sdelay $0x3  }
.LBB2_7:
0x35d: {  	p2 =	slt.u32 s19, $0x2  }
.Ltmp8:
0x35e: {  	_ = 	snop;
	(pc) =	sbr.rel @p2 .LBB2_25-.Ltmp8, $1  }
0x35f: {  	_ =	sdelay $0x3  }
0x360: {  	p2 =	sgt.s32 s20, $0xCF6D0;
	s0 =	smov.u32 s20  }
0x361: {  	s4 =	sshra.s32 s20, $0x1F;
	s7 =	ssub.s32 $0xCF850, s20;
	s0 =	simm.s32 @!p2 $0xCF6D0  }
0x362: {  	s4 =	sand.u32 s4, s20;
	p2 =	slt.s32 s7, $0x180;
	s21 =	smov.u32 s7  }
0x363: {  	s0 =	ssub.s32 s0, s4;
	s21 =	simm.s32 @!p2 $0x180  }
0x364: {  	s0 =	sadd.s32 $0xFFF30930, s0;
	s26 =	sshll.u32 s21, $0x5  }
0x365: {  	s8 =	simm.s32 $0x7;
	s29 =	sshll.u32 s0, $0x2;
	s4 =	sand.u32 $0x3FFFFFE0, s26  }
0x366: {  	p2 =	sgt.s32 s0, $0x17F;
	s30 =	ssub.s32 $0x600, s29;
	_ =	swait.ge [sflag:s8], s4  }
0x367: {  	s4 =	ssub.s32 $0x0, s4;
	[sflag:s8] =	ssyncset.done $0x0;
	s0 =	sshrl.u32 s30, $0x2  }
0x368: {  	[sflag:s8] =	ssyncadd.s32 s4;
	s0 =	simm.s32 @p2 $0x0  }
0x369: {  	_ =	swait.ge [sflag:s11], s0  }
0x36a: {  	s0 =	ssub.s32 $0x0, s0;
	[sflag:s11] =	ssyncset.done $0x0  }
0x36b: {  	[sflag:s11] =	ssyncadd.s32 s0  }
0x36c: {  	v1 =	vld [tilespmem:$0x6088];
	_ =	sdelay $0x4  }
0x36d: {  	(v2sf) =	vpush v1, $0x0  }
0x36e: {  	(v2sf) =	vpush v1, $0x1  }
0x36f: {  	(v2sf) =	vpush v1, $0x2;
	_ =	sdelay $0x3  }
0x370: {  	s0 =	sadd.s32 $0x180, s20  }
0x371: {  	p2 =	slt.s32 s6, s0  }
0x372: {  	s0 =	smov.u32 @p2 s6;
	p2 =	sgt.s32 s7, $0x0  }
0x373: {  	s24 =	ssub.s32 s0, s20;
	s7 =	simm.s32 @!p2 $0x0  }
0x374: {  	p2 =	slt.s32 s7, s24  }
0x375: {  	s24 =	smov.u32 @p2 s7  }
0x376: {  	s23 =	simm.s32 $0x1;
	p2 =	slt.s32 s24, $0x1  }
.Ltmp9:
0x377: {  	s23 =	simm.s32 @!p1 $0x0;
	(pc) =	sbr.rel @p2 .LBB2_12-.Ltmp9, $4  }
0x378: {  	s31 =	smul.u32 $0x600, s23  }
0x379: {  	s25 =	spop (v2sf)  }
0x37a: {  	s0 =	sshrl.u32 s31, $0x2;
	s28 =	spop (v2sf)  }
0x37b: {  	s21 =	sadd.s32 $0x6938, s0;
	s20 =	spop (v2sf)  }
0x37c: {  	s0 =	smin.u32 s24, $0x10  }
0x37d: {  	v1 =	vmov s0  }
0x37e: {  	p3 =	sgt.s32 s24, $0x10;
	vm1 =	vgt.u32 v1, v0  }
.Ltmp10:
0x37f: {  	_ = 	snop;
	(pc) =	sbr.rel @!p3 .LBB2_11-.Ltmp10, $2  }
0x380: {  	_ =	sdelay $0x2  }
0x381: {  	s26 =	simm.s32 $0x10;
	s29 =	sadd.s32 $0xFFFFFFF0, s24;
	s22 =	smov.u32 s21;
	vm0 =	vmmov vm1  }
.LBB2_10:
0x382: {  	s0 =	smin.u32 s29, $0x10;
	s26 =	sadd.s32 $0x10, s26;
	v1 =	vld.msk [tilespmem:s22+$0x0 ss:$0x1], vm1  }
0x383: {  	v2 =	vmov s0;
	p3 =	slt.s32 s26, s24  }
0x384: {  	vm1 =	vgt.u32 v2, v0  }
.Ltmp11:
0x385: {  	(pc) =	sbr.rel @p3 .LBB2_10-.Ltmp11, $3  }
0x386: {  	_ =	sdelay $0x1  }
0x387: {  	v1 =	vshll.u32 v1, $0x4  }
0x388: {  	s29 =	sadd.s32 $0xFFFFFFF0, s29;
	[tilespmem:s22+$0x0] =	vst.msk vm0, v1;
	s22 =	sadd.s32 $0x10, s22;
	vm0 =	vmmov vm1  }
.LBB2_11:
0x389: {  	_ =	sdelay $0x4  }
0x38a: {  	v1 =	vld.msk [tilespmem:s22+$0x0 ss:$0x1], vm1;
	_ =	sdelay $0x4  }
0x38b: {  	v1 =	vshll.u32 v1, $0x4  }
0x38c: {  	[tilespmem:s22+$0x0] =	vst.msk vm0, v1  }
.LBB2_12:
0x38d: {  	s0 =	sand.u32 $0x1, s19  }
0x38e: {  	s0 =	smul.u32 $0x180, s0  }
0x38f: {  	p3 =	sne.s32 s28, $0xFFFFFFFF  }
0x390: {  	v1 =	vld.msk @!p3 [tilespmem:s0+$0x6938], $0x1;
	_ =	sdelay $0x4  }
0x391: {  	(v2sf) =	vpush @!p3 v1, $0x0;
	_ =	sdelay $0xc  }
.Ltmp12:
0x392: {  	_ = 	snop;
	(pc) =	sbr.rel @p2 .LBB2_23-.Ltmp12, $4  }
0x393: {  	_ = 	snop  }
0x394: {  	s26 =	spop @!p3 (v2sf)  }
0x395: {  	s20 =	simm.s32 @!p3 $0x0;
	s22 =	smov.u32 s26  }
0x396: {  	[sflag:s16] =	ssyncpa.u1 $0x0;
	s26 =	smov.u32 @p3 s25;
	s22 =	smov.u32 @p3 s28  }
0x397: {  	v1 =	vld.msk [tilespmem:s21+$0x0], $0x1;
	_ =	sdelay $0x4  }
0x398: {  	(v2sf) =	vpush v1, $0x0;
	_ =	sdelay $0xe  }
0x399: {  	s0 =	smul.u32 $0x30000, s23;
	s30 =	spop (v2sf)  }
0x39a: {  	s24 =	ssub.s32 $0x0, s24;
	p2 =	seq.s32 s26, s30  }
0x39b: {  	s28 =	sadd.s32 $0x1, s24;
	s0 =	sshrl.u32 s0, $0x2;
	p3 =	sgt.s32 @!p2 s26, $0x0  }
0x39c: {  	s23 =	sadd.s32 $0x6C48, s0;
	s0 =	smov.u32 s26;
	p3 =	por !p3, p2  }
0x39d: {  	s0 =	simm.s32 @p3 $0x0;
	p3 =	seq.s32 s28, $0x0  }
.Ltmp13:
0x39e: {  	_ = 	snop;
	(pc) =	sbr.rel @p3 .LBB2_15-.Ltmp13, $4  }
0x39f: {  	_ = 	snop  }
0x3a0: {  	s25 =	simm.s32 $0x0;
	s31 =	simm.s32 @!p2 $0x1;
	s4 =	smin.u32 @!p2 s0, $0xC34FC  }
0x3a1: {  	s29 =	sadd.s32 $0x1, s21;
	s31 =	smov.u32 @p2 s25;
	s7 =	sand.u32 @!p2 $0xFFFF8, s4  }
0x3a2: {  	s0 =	simm.s32 @!p2 $0x3068;
	s4 =	sand.u32 @!p2 $0x7, s4;
	s7 =	sadd.s32 @!p2 s3, s7  }
.LBB2_14:
0x3a3: {  	s8 =	smov.u32 s31  }
0x3a4: {  	[tilespmem:s0], [sflag:$0x2] =	stream.linear.gather @!p2 [hbm4b:s7+s4], $0x20, $0x38;
	[tilespmem:$0x1EC38] =	vst v63  }
0x3a5: {  	s28 =	sadd.s32 $0x1, s28;
	s4 =	smov.u32 s30;
	v1 =	vld.msk [tilespmem:s29+$0x0], $0x1  }
0x3a6: {  	p3 =	seq.s32 s28, $0x0;
	_ =	sdelay $0x3  }
0x3a7: {  	(v2sf) =	vpush v1, $0x0;
	_ =	sdelay $0xe  }
0x3a8: {  	s30 =	spop (v2sf)  }
0x3a9: {  	p2 =	seq.s32 s4, s30  }
0x3aa: {  	p4 =	sgt.s32 @!p2 s4, $0x0;
	s0 =	sshll.u32 @!p2 s31, $0x7;
	s31 =	sadd.s32 @!p2 $0x1, s31  }
.Ltmp14:
0x3ab: {  	p4 =	por !p4, p2;
	s0 =	sshra.s32 @!p2 s0, $0x2;
	(pc) =	sbr.rel @!p3 .LBB2_14-.Ltmp14, $4  }
0x3ac: {  	s31 =	smov.u32 @p2 s8;
	s4 =	simm.s32 @p4 $0x0;
	s0 =	sadd.s32 @!p2 $0x3068, s0  }
0x3ad: {  	s4 =	smin.u32 @!p2 s4, $0xC34FC  }
0x3ae: {  	s7 =	sand.u32 @!p2 $0xFFFF8, s4;
	s4 =	sand.u32 @!p2 $0x7, s4  }
0x3af: {  	s29 =	sadd.s32 $0x1, s29;
	s7 =	sadd.s32 @!p2 s3, s7  }
.LBB2_15:
0x3b0: {  	[tilespmem:s0], [sflag:$0x2] =	stream.linear.gather @!p2 [hbm4b:s7+s4], $0x20, $0x38;
	[tilespmem:$0x1EC38] =	vst v63  }
.Ltmp15:
0x3b1: {  	s30 =	sshll.u32 s31, $0x5;
	(pc) =	sbr.rel .LBB2_16-.Ltmp15, $4  }
0x3b2: {  	s31 =	simm.s32 $0x2;
	s0 =	sand.u32 $0x3FFFFFE0, s30  }
0x3b3: {  	_ =	swait.ge [sflag:s31], s0  }
0x3b4: {  	s0 =	ssub.s32 $0x0, s0;
	[sflag:s31] =	ssyncset.done $0x0  }
0x3b5: {  	s29 =	simm.s32 $0x0;
	[sflag:s31] =	ssyncadd.s32 s0  }
.LBB2_17:
0x3b6: {  	v1 =	vld [tilespmem:s23+$0xFFFFFFF0];
	_ =	sdelay $0x4  }
0x3b7: {  	[tilespmem:s0+$0x48] =	vst.add.f32.msk $0xffff, v1  }
0x3b8: {  	v1 =	vld [tilespmem:s23+$0x0];
	_ =	sdelay $0x4  }
0x3b9: {  	[tilespmem:s0+$0x58] =	vst.add.f32.msk $0xffff, v1  }
.LBB2_21:
0x3ba: {  	s24 =	sadd.s32 $0x1, s24  }
0x3bb: {  	p2 =	seq.s32 s24, $0x0  }
.Ltmp16:
0x3bc: {  	_ = 	snop;
	(pc) =	sbr.rel @p2 .LBB2_22-.Ltmp16, $2  }
0x3bd: {  	_ =	sdelay $0x2  }
0x3be: {  	s23 =	sadd.s32 $0x80, s23;
	s21 =	sadd.s32 $0x1, s21;
	s26 =	smov.u32 s28  }
.LBB2_16:
0x3bf: {  	v1 =	vld.msk [tilespmem:s21+$0x0], $0x1;
	_ =	sdelay $0x4  }
0x3c0: {  	(v2sf) =	vpush v1, $0x0;
	_ =	sdelay $0xe  }
0x3c1: {  	s28 =	spop (v2sf)  }
0x3c2: {  	p2 =	sne.s32 s26, s28  }
.Ltmp17:
0x3c3: {  	_ = 	snop;
	(pc) =	sbr.rel @!p2 .LBB2_17-.Ltmp17, $3  }
0x3c4: {  	_ =	sdelay $0x1  }
0x3c5: {  	s0 =	sshll.u32 s20, $0x7  }
0x3c6: {  	s0 =	sshra.s32 s0, $0x2  }
0x3c7: {  	p2 =	seq.s32 s26, s22  }
.Ltmp18:
0x3c8: {  	_ = 	snop;
	(pc) =	sbr.rel @!p2 .LBB2_19-.Ltmp18, $1  }
0x3c9: {  	_ =	sdelay $0x3  }
.Ltmp19:
0x3ca: {  	s0 =	sadd.s32 $0x48, s0;
	(pc) =	sbr.rel .LBB2_20-.Ltmp19, $4  }
0x3cb: {  	[spmem:s13] =	stream.linear.scatter [tilespmem:s0], [sflag:$0x1], $0x20, $0x38;
	[tilespmem:$0x1EC38] =	vst v63  }
0x3cc: {  	_ =	swait.ge [sflag:s1], $0x20  }
0x3cd: {  	[sflag:s1] =	ssyncset.done $0x0  }
0x3ce: {  	[sflag:s1] =	ssyncadd.s32 $0xFFFFFFE0  }
.LBB2_19:
0x3cf: {  	s4 =	sshll.u32 s25, $0x7  }
0x3d0: {  	s4 =	sshra.s32 s4, $0x2  }
0x3d1: {  	v1 =	vld [tilespmem:s4+$0x3068];
	_ =	sdelay $0x4  }
0x3d2: {  	[tilespmem:s0+$0x48] =	vst.add.f32.msk $0xffff, v1  }
0x3d3: {  	v1 =	vld [tilespmem:s4+$0x3078];
	_ =	sdelay $0x2  }
0x3d4: {  	p2 =	sgt.u32 s26, $0xC34FC  }
0x3d5: {  	s4 =	sand.u32 @!p2 $0xFFFF8, s26  }
0x3d6: {  	s7 =	sadd.s32 $0x48, s0;
	[tilespmem:s0+$0x58] =	vst.add.f32.msk $0xffff, v1;
	s0 =	sadd.s32 @!p2 s3, s4;
	s4 =	sand.u32 @!p2 $0x7, s26  }
0x3d7: {  	[hbm4b:s0+s4] =	stream.linear.scatter @!p2 [tilespmem:s7], [sflag:$0xA], $0x20, $0x38;
	[tilespmem:$0x1EC38] =	vst v63  }
0x3d8: {  	s0 =	simm.s32 $0x0  }
0x3d9: {  	s0 =	simm.s32 @!p2 $0x80  }
0x3da: {  	s29 =	sadd.s32 s0, s29  }
.LBB2_20:
0x3db: {  	s0 =	sadd.s32 $0x1, s20  }
0x3dc: {  	s4 =	smulhi.u32 $0xAAAAAAAB, s0;
	_ =	sdelay $0x1  }
0x3dd: {  	v1 =	vld [tilespmem:s23+$0xFFFFFFF0];
	s4 =	sshrl.u32 s4, $0x8  }
0x3de: {  	s4 =	smul.u32 $0x180, s4;
	_ =	sdelay $0x1  }
0x3df: {  	s20 =	ssub.s32 s0, s4  }
0x3e0: {  	s0 =	sshll.u32 s20, $0x5  }
0x3e1: {  	[tilespmem:s0+$0x48] =	vst v1  }
0x3e2: {  	v1 =	vld [tilespmem:s23+$0x0]  }
.Ltmp20:
0x3e3: {  	_ = 	snop;
	(pc) =	sbr.rel .LBB2_21-.Ltmp20, $2  }
0x3e4: {  	_ =	sdelay $0x2  }
0x3e5: {  	s25 =	sadd.s32 $0x1, s25;
	[tilespmem:s0+$0x58] =	vst v1  }
.LBB2_23:
.Ltmp21:
0x3e6: {  	(pc) =	sbr.rel .LBB2_24-.Ltmp21, $4  }
0x3e7: {  	_ = 	snop  }
0x3e8: {  	s0 =	simm.s32 $0x2  }
0x3e9: {  	_ =	swait.ge [sflag:s0], $0x0  }
0x3ea: {  	s28 =	smov.u32 s26;
	[sflag:s0] =	ssyncset.done $0x0;
	s0 =	simm.s32 $0x0  }
.LBB2_26:
0x3eb: {  	_ =	sfence.sel $0x180000  }
0x3ec: {  	s0 =	simm.s32 $0x7;
	[bflag:$0x0] =	sbarrier.arrive $0xFFFF  }
0x3ed: {  	s25 =	simm.s32 $0x8;
	[sflag:s0] =	ssyncpa.u1 $0x1  }
0x3ee: {  	s26 =	simm.s32 $0x9;
	[sflag:s25] =	ssyncpa.u1 $0x1  }
0x3ef: {  	s28 =	simm.s32 $0x2;
	[sflag:s26] =	ssyncpa.u1 $0x1  }
0x3f0: {  	[sflag:s28] =	ssyncpa.u1 $0x1  }
0x3f1: {  	v0 =	vld [tilespmem:$0x6088];
	_ =	sdelay $0x4  }
0x3f2: {  	(v2sf) =	vpush v0, $0x0  }
0x3f3: {  	(v2sf) =	vpush v0, $0x1;
	_ =	sdelay $0x1  }
0x3f4: {  	(v2sf) =	vpush v0, $0x2;
	_ =	sdelay $0xb  }
0x3f5: {  	s0 =	spop (v2sf)  }
0x3f6: {  	s1 =	spop (v2sf)  }
0x3f7: {  	s2 =	smov.u32 s0;
	p0 =	sne.s32 s0, s1  }
0x3f8: {  	s4 =	spop (v2sf);
	s2 =	simm.s32 @!p0 $0xFFFFFFFF  }
0x3f9: {  	v2 =	vimm.s32 $0x1;
	v3 =	vlaneseq.u32;
	p0 =	seq.s32 s4, $0xFFFFFFFF;
	v1 =	vmov s2  }
0x3fa: {  	s7 =	stileid.u32;
	v0 =	vperm.xlane v0, v2;
	p1 =	sne.s32 @!p0 s0, s1;
	v1 =	vperm.xlane v1, v3  }
0x3fb: {  	vm0 =	vcmask $0x3F04;
	s6 =	simm.s32 $0x6088;
	s0 =	simm.s32 @!p0 $0x1;
	p1 =	por !p1, p0  }
0x3fc: {  	s2 =	sshll.u32 s7, $0x1;
	s1 =	sshll.u32 @!p0 s4, $0x7;
	s0 =	simm.s32 @p1 $0x0;
	v0 =	vsel vm0, v1, v0  }
0x3fd: {  	s5 =	sor.u32 $0x400, s2;
	s1 =	sshra.s32 @!p0 s1, $0x2;
	s0 =	sor.u32 @!p0 s0, s2;
	[tilespmem:$0x6088] =	vst v0  }
0x3fe: {  	[spmem:s5] =	stream.linear.scatter [tilespmem:s6], [sflag:$0x1], $0x2, $0x38;
	[tilespmem:$0x1EC38] =	vst v63  }
0x3ff: {  	s1 =	sadd.s32 @!p0 $0x48, s1;
	s0 =	sshll.u32 @!p0 s0, $0x5  }
0x400: {  	[spmem:s0] =	stream.linear.scatter @!p0 [tilespmem:s1], [sflag:$0x1], $0x20, $0x38;
	[tilespmem:$0x1EC38] =	vst v63  }
0x401: {  	s1 =	simm.s32 @!p0 $0x22  }
0x402: {  	s0 =	simm.s32 $0x1;
	s1 =	simm.s32 @p0 $0x2  }
0x403: {  	_ =	swait.ge [sflag:s0], s1  }
0x404: {  	s1 =	ssub.s32 $0x0, s1;
	[sflag:s0] =	ssyncset.done $0x0  }
0x405: {  	[sflag:s0] =	ssyncadd.s32 s1  }
0x406: {  	_ =	sfence.stream.spmem  }
0x407: {  	s29 =	simm.s32 $0x3;
	[bflag:$0x0] =	sbarrier.arrive $0xFFFF  }
0x408: {  	s30 =	simm.s32 $0x4;
	[sflag:s29] =	ssyncpa.u1 $0x1  }
0x409: {  	s31 =	simm.s32 $0x3C;
	[sflag:s30] =	ssyncpa.u1 $0x1  }
0x40a: {  	p0 =	sne.s32 s7, $0x0;
	[sflag:s31] =	ssyncpa.u1 $0x1  }
0x40b: {  	_ =	sfence @p0  }
0x40c: {  	[sflag:s0] =	ssyncpa.u1 @p0 $0x1  }
0x40d: {  	_ =	strace @p0 $0x90000059  }
0x40e: {  	[bflag:$0x2] =	sbarrier.arrive @p0 $0xFFFF  }
0x40f: {  	_ =	shalt @p0  }
.LBB2_27:
0x410: {  	_ =	sfence.stream.spmem;
	s0 =	simm.s32 $0x5  }
0x411: {  	s1 =	simm.s32 $0x400;
	s2 =	simm.s32 $0x6098;
	[sflag:s0] =	ssyncpa.u1 $0x0  }
0x412: {  	[tilespmem:s2], [sflag:$0x5] =	stream.linear.gather [spmem:s1], $0x20, $0x38;
	[tilespmem:$0x1EC38] =	vst v63  }
0x413: {  	s30 =	simm.s32 $0x60B8;
	s1 =	simm.s32 $0x0  }
0x414: {  	[tilespmem:s30], [sflag:$0x5] =	stream.linear.gather [spmem:s1], $0x400, $0x38;
	[tilespmem:$0x1EC38] =	vst v63  }
.Ltmp22:
0x415: {  	_ = 	snop;
	(pc) =	sbr.rel .LBB2_28-.Ltmp22, $4  }
0x416: {  	_ =	swait.ge [sflag:s0], $0x420  }
0x417: {  	[sflag:s0] =	ssyncset.done $0x0  }
0x418: {  	s31 =	simm.s32 $0x6;
	[sflag:s0] =	ssyncadd.s32 $0xFFFFFBE0  }
0x419: {  	s2 =	simm.s32 $0x0;
	[sflag:s31] =	ssyncpa.u1 $0x0  }
.LBB2_34:
0x41a: {  	p0 =	slt.u32 s4, $0xC34FD  }
0x41b: {  	s0 =	sand.u32 @p0 $0xFFFF8, s4  }
0x41c: {  	s4 =	sand.u32 @p0 $0x7, s4;
	s5 =	simm.s32 @p0 $0x6068;
	s0 =	sadd.s32 @p0 s3, s0  }
0x41d: {  	[tilespmem:s5], [sflag:$0x6] =	stream.linear.gather @p0 [hbm4b:s0+s4], $0x20, $0x38;
	[tilespmem:$0x1EC38] =	vst v63  }
0x41e: {  	s0 =	simm.s32 @p0 $0x6  }
0x41f: {  	_ =	swait.ge @p0 [sflag:s0], $0x20  }
0x420: {  	[sflag:s0] =	ssyncset.done @p0 $0x0  }
0x421: {  	[sflag:s0] =	ssyncadd.s32 @p0 $0xFFFFFFE0  }
0x422: {  	v1 =	vld @p0 [tilespmem:$0x6068];
	_ =	sdelay $0x2  }
0x423: {  	s0 =	sshll.u32 @p0 s2, $0x7  }
0x424: {  	s4 =	sshrl.u32 @p0 s0, $0x2  }
0x425: {  	[tilespmem:s4+$0x60B8] =	vst.add.f32.msk @p0 $0xffff, v1  }
0x426: {  	v1 =	vld @p0 [tilespmem:$0x6078];
	_ =	sdelay $0x3  }
0x427: {  	s5 =	sshll.u32 @!p0 s2, $0x7  }
0x428: {  	s5 =	smov.u32 @p0 s0;
	[tilespmem:s4+$0x60C8] =	vst.add.f32.msk @p0 $0xffff, v1  }
0x429: {  	s0 =	sshrl.u32 s5, $0x2;
	[tilespmem:s1+$0x6098] =	vst.msk $0x1, v0  }
0x42a: {  	v0 =	vld [tilespmem:s0+$0x60B8];
	_ =	sdelay $0x2  }
0x42b: {  	s31 =	sshll.u32 s1, $0x7  }
0x42c: {  	s4 =	sshra.s32 s31, $0x2  }
0x42d: {  	[tilespmem:s4+$0x60B8] =	vst v0  }
0x42e: {  	v0 =	vld [tilespmem:s0+$0x60C8];
	_ =	sdelay $0x4  }
0x42f: {  	s1 =	sadd.s32 $0x1, s1;
	[tilespmem:s4+$0x60C8] =	vst v0  }
.LBB2_35:
0x430: {  	s2 =	sadd.s32 $0x1, s2  }
0x431: {  	p0 =	sne.s32 s2, $0x20  }
.Ltmp23:
0x432: {  	_ = 	snop;
	(pc) =	sbr.rel @!p0 .LBB2_36-.Ltmp23, $1  }
0x433: {  	_ =	sdelay $0x3  }
.LBB2_28:
0x434: {  	v0 =	vld.msk [tilespmem:s2+$0x6098], $0x1;
	_ =	sdelay $0x4  }
0x435: {  	(v2sf) =	vpush v0, $0x0;
	_ =	sdelay $0xe  }
0x436: {  	s4 =	spop (v2sf)  }
0x437: {  	p0 =	seq.s32 s4, $0xFFFFFFFF  }
.Ltmp24:
0x438: {  	_ = 	snop;
	(pc) =	sbr.rel @p0 .LBB2_35-.Ltmp24, $1  }
0x439: {  	_ =	sdelay $0x3  }
0x43a: {  	p0 =	slt.s32 s1, $0x1  }
.Ltmp25:
0x43b: {  	_ = 	snop;
	(pc) =	sbr.rel @p0 .LBB2_34-.Ltmp25, $1  }
0x43c: {  	_ =	sdelay $0x3  }
0x43d: {  	s5 =	simm.s32 $0x6098;
	p0 =	por $0x0, $0x0  }
0x43e: {  	v1 =	vld.msk @!p0 [tilespmem:s5+$0x0], $0x1;
	_ =	sdelay $0x4  }
0x43f: {  	(v2sf) =	vpush @!p0 v1, $0x0;
	_ =	sdelay $0xd  }
0x440: {  	p2 =	sne.s32 s1, $0x1  }
.Ltmp26:
0x441: {  	s0 =	spop @!p0 (v2sf);
	(pc) =	sbr.rel @!p2 .LBB2_32-.Ltmp26, $4  }
0x442: {  	p1 =	seq.s32 @!p0 s4, s0  }
0x443: {  	s6 =	simm.s32 $0x0;
	p1 =	por !p1, p0  }
0x444: {  	s0 =	simm.s32 $0xFFFFFFFF;
	s6 =	simm.s32 @p1 $0xFFFFFFFF  }
0x445: {  	s7 =	simm.s32 $0x1;
	s6 =	smov.u32 @p0 s0  }
.LBB2_31:
0x446: {  	s0 =	smov.u32 s6;
	p0 =	sne.s32 s6, $0xFFFFFFFF  }
0x447: {  	s5 =	sadd.s32 $0x1, s5;
	s6 =	smov.u32 s7;
	s7 =	sadd.s32 $0x1, s7  }
0x448: {  	p1 =	sne.s32 s1, s7;
	v1 =	vld.msk @!p0 [tilespmem:s5+$0x0], $0x1;
	_ =	sdelay $0x4  }
0x449: {  	(v2sf) =	vpush @!p0 v1, $0x0;
	_ =	sdelay $0xe  }
.Ltmp27:
0x44a: {  	s8 =	spop @!p0 (v2sf);
	(pc) =	sbr.rel @p1 .LBB2_31-.Ltmp27, $4  }
0x44b: {  	p2 =	seq.s32 @!p0 s4, s8  }
0x44c: {  	p2 =	por !p2, p0  }
0x44d: {  	s6 =	simm.s32 @p2 $0xFFFFFFFF  }
0x44e: {  	s6 =	smov.u32 @p0 s0  }
.LBB2_32:
0x44f: {  	p0 =	seq.s32 s6, $0xFFFFFFFF  }
.Ltmp28:
0x450: {  	_ = 	snop;
	(pc) =	sbr.rel @p0 .LBB2_34-.Ltmp28, $1  }
0x451: {  	_ =	sdelay $0x3  }
0x452: {  	s0 =	sshll.u32 s2, $0x5  }
0x453: {  	s0 =	sand.u32 $0x3FFFFFE0, s0  }
0x454: {  	v0 =	vld [tilespmem:s0+$0x60B8];
	_ =	sdelay $0x2  }
0x455: {  	s4 =	sshll.u32 s6, $0x7  }
0x456: {  	s4 =	sshra.s32 s4, $0x2  }
0x457: {  	[tilespmem:s4+$0x60B8] =	vst.add.f32.msk $0xffff, v0  }
0x458: {  	v0 =	vld [tilespmem:s0+$0x60C8]  }
.Ltmp29:
0x459: {  	_ = 	snop;
	(pc) =	sbr.rel .LBB2_35-.Ltmp29, $2  }
0x45a: {  	_ =	sdelay $0x2  }
0x45b: {  	[tilespmem:s4+$0x60C8] =	vst.add.f32.msk $0xffff, v0  }
.LBB2_36:
0x45c: {  	p0 =	slt.s32 s1, $0x1  }
.Ltmp30:
0x45d: {  	_ = 	snop;
	(pc) =	sbr.rel @p0 .LBB2_40-.Ltmp30, $3  }
0x45e: {  	_ =	sdelay $0x1  }
0x45f: {  	s0 =	simm.s32 $0x6  }
0x460: {  	s2 =	simm.s32 $0x0;
	[sflag:s0] =	ssyncpa.u1 $0x1  }
0x461: {  	s0 =	simm.s32 $0x6098  }
0x462: {  	v0 =	vld.msk [tilespmem:s0+$0x0], $0x1;
	_ =	sdelay $0x4  }
0x463: {  	(v2sf) =	vpush v0, $0x0;
	_ =	sdelay $0xe  }
0x464: {  	s1 =	sadd.s32 $0xFFFFFFFF, s1;
	s0 =	spop (v2sf)  }
0x465: {  	p1 =	sne.s32 s1, $0x0;
	p0 =	sgt.u32 s0, $0xC34FC  }
.Ltmp31:
0x466: {  	s5 =	sand.u32 @!p0 $0xFFFF8, s0;
	(pc) =	sbr.rel @!p1 .LBB2_39-.Ltmp31, $4  }
0x467: {  	s4 =	simm.s32 $0x60B8;
	s0 =	sand.u32 @!p0 $0x7, s0;
	s5 =	sadd.s32 @!p0 s3, s5  }
0x468: {  	[hbm4b:s5+s0] =	stream.linear.scatter @!p0 [tilespmem:s4], [sflag:$0x5], $0x20, $0x38;
	[tilespmem:$0x1EC38] =	vst v63  }
0x469: {  	s0 =	simm.s32 $0x0  }
0x46a: {  	s5 =	simm.s32 $0x6099;
	s0 =	simm.s32 @!p0 $0x80  }
.LBB2_38:
0x46b: {  	v0 =	vld.msk [tilespmem:s5+$0x0], $0x1;
	s1 =	sadd.s32 $0xFFFFFFFF, s1;
	s2 =	sadd.s32 s2, s0  }
0x46c: {  	p0 =	sne.s32 s1, $0x0;
	_ =	sdelay $0x3  }
0x46d: {  	(v2sf) =	vpush v0, $0x0;
	_ =	sdelay $0xe  }
.Ltmp32:
0x46e: {  	s6 =	spop (v2sf);
	(pc) =	sbr.rel @p0 .LBB2_38-.Ltmp32, $4  }
0x46f: {  	s0 =	simm.s32 $0x0;
	p1 =	sgt.u32 s6, $0xC34FC  }
0x470: {  	s4 =	sadd.s32 $0x20, s4;
	s0 =	simm.s32 @!p1 $0x80;
	s7 =	sand.u32 @!p1 $0xFFFF8, s6  }
0x471: {  	s5 =	sadd.s32 $0x1, s5;
	s6 =	sand.u32 @!p1 $0x7, s6;
	s7 =	sadd.s32 @!p1 s3, s7  }
0x472: {  	[hbm4b:s7+s6] =	stream.linear.scatter @!p1 [tilespmem:s4], [sflag:$0x5], $0x20, $0x38;
	[tilespmem:$0x1EC38] =	vst v63  }
.LBB2_39:
0x473: {  	s0 =	sadd.s32 s2, s0  }
0x474: {  	s2 =	sshrl.u32 s0, $0x2  }
.LBB2_40:
0x475: {  	s0 =	simm.s32 $0x5  }
0x476: {  	_ =	swait.ge [sflag:s0], s2  }
0x477: {  	s1 =	ssub.s32 $0x0, s2;
	[sflag:s0] =	ssyncset.done $0x0  }
0x478: {  	[sflag:s0] =	ssyncadd.s32 s1  }
0x479: {  	[sflag:s0] =	ssyncpa.u1 $0x1  }
0x47a: {  	s30 =	simm.s32 $0x1;
	_ =	sfence  }
0x47b: {  	[sflag:s30] =	ssyncpa.u1 $0x1  }
0x47c: {  	_ =	strace $0x90000059  }
0x47d: {  	[bflag:$0x2] =	sbarrier.arrive $0xFFFF  }
0x47e: {  	s31 =	rddreg [dreg:$0x1]  }
0x47f: {  	s0 =	sadd.s32 $0x100000, s31  }
0x480: {  	[sflag:s0] =	ssyncadd.tile.s32 $0x1;
	_ =	shalt  }
.Lfunc_end2:
_tile_overlayer_lowered:
.L_overlay_start_2:
0x481: {  	(tag) =	ssettag $0x2  }
0x482: {  	s0 =	rddreg [dreg:$0x0];
	s2 =	stileid.u32  }
0x483: {  	s1 =	rddreg [dreg:$0x1];
	p0 =	sne.s32 s2, $0x0  }
0x484: {  	s3 =	rddreg [dreg:$0x2];
	[bflag:$0x3] =	sbarrier.arrive $0xFFFF;
	s2 =	simm.s32 @!p0 $0x1C01  }
0x485: {  	[timem:s3], [sflag:s2] =	dma.local @!p0 [hbm:s0], s1  }
0x486: {  	s0 =	simm.s32 @!p0 $0x1  }
0x487: {  	_ =	swait.ge @!p0 [sflag:s0], s1  }
0x488: {  	s1 =	ssub.s32 @!p0 $0x0, s1;
	[sflag:s0] =	ssyncset.done @!p0 $0x0  }
0x489: {  	[sflag:s0] =	ssyncadd.s32 @!p0 s1  }
0x48a: {  	[bflag:$0x3] =	sbarrier.arrive $0xFFFF  }
0x48b: {  	_ =	shalt  }

// kernel: scatter_offload_async_start
scs
__scs_entry_jumppad:
0x0: {  	(pc) =	sbr.rel $0x88, $3  }
0x1: {  	(tag) =	ssettag $0x0;
	lr =	simm.s32 $0x1  }
0x2: {  	[smem:$0x3F8B] =	sst lr;
	_ =	strace $0xD0000000  }
0x3: {  	_ = 	snop  }
0x4: {  	_ = 	snop  }
0x5: {  	_ = 	snop  }
0x6: {  	_ = 	snop  }
0x7: {  	_ = 	snop  }
__scs_overlays_trampoline_lowered:
0x8: {  	[smem:$0x3F9A] =	sst s0  }
0x9: {  	[smem:$0x3F9B] =	sst s1  }
0xa: {  	[smem:$0x3F9C] =	sst s2  }
0xb: {  	[smem:$0x3F9D] =	sst s3  }
0xc: {  	[smem:$0x3F9E] =	sst s4  }
0xd: {  	[smem:$0x3F9F] =	sst s5  }
0xe: {  	[smem:$0x3FA0] =	sst s6  }
0xf: {  	[smem:$0x3FA1] =	sst s7  }
0x10: {  	[smem:$0x3FA2] =	sst s8  }
0x11: {  	[smem:$0x3FA3] =	sst s9;
	s0 =	simm.s32 @!p0 $0x0  }
0x12: {  	s1 =	sld [smem:$0x3F89];
	s0 =	simm.s32 @p0 $0x1  }
0x13: {  	[smem:$0x3FA4] =	sst s0;
	s0 =	simm.s32 @!p1 $0x0  }
0x14: {  	s2 =	sld [smem:$0x3F88];
	s0 =	simm.s32 @p1 $0x1  }
0x15: {  	[smem:$0x3FA5] =	sst s0;
	s0 =	simm.s32 @!p2 $0x0  }
0x16: {  	s3 =	sld [smem:$0x3FDB];
	s0 =	simm.s32 @p2 $0x1  }
0x17: {  	s4 =	simm.s32 $0x1BF5;
	[smem:$0x3FA7] =	sst s0  }
0x18: {  	s0 =	sld [smem:$0x3F8A];
	_ =	swait.ge [sflag:s4], $0x0  }
0x19: {  	s7 =	sld [smem:$0x3F8B]  }
0x1a: {  	s8 =	sadd.s32 $0xFFFFE003, lr  }
0x1b: {  	s9 =	sadd.s32 $0xFFFFFEF7, lr;
	s5 =	simm.s32 $0xFFFFFFFF;
	p2 =	slt.u32 s8, $0xFFFFF086  }
0x1c: {  	p1 =	slt.u32 s9, $0xF7A;
	s5 =	simm.s32 @!p2 $0x0  }
0x1d: {  	s5 =	simm.s32 @p1 $0x1;
	p0 =	seq.s32 s7, s2  }
0x1e: {  	s7 =	smul.u32 @!p0 $0xF7A, s2;
	p2 =	seq.s32 @!p0 s5, $0x0  }
0x1f: {  	s9 =	smul.u32 $0xF7A, s1;
	s8 =	simm.s32 @!p0 $0x1BF5;
	p2 =	por !p2, p0  }
0x20: {  	[sflag:s8] =	ssyncset.s32 @!p0 $0xFFFFF086;
	s6 =	sadd.s32 @!p0 s3, s7;
	s7 =	simm.s32 @!p0 $0x108  }
0x21: {  	s3 =	sadd.s32 s3, s9;
	s6 =	sadd.s32 @!p0 $0x88, s6;
	s7 =	simm.s32 @p2 $0x1082  }
0x22: {  	[simem:s7], [sflag:s8] =	dma.local @!p0 [hbm:s6], $0xF7A  }
0x23: {  	s9 =	sor.u32 $0xD0000000, s2;
	s6 =	simm.s32 $0x108;
	_ =	swait.ge @!p0 [sflag:s8], $0x0  }
0x24: {  	s3 =	sadd.s32 $0x88, s3;
	s6 =	simm.s32 @!p1 $0x1082;
	[sflag:s4] =	ssyncset.s32 $0xFFFFF086  }
0x25: {  	[simem:s6], [sflag:s4] =	dma.local [hbm:s3], $0xF7A  }
0x26: {  	[smem:$0x3F8B] =	sst s1;
	(tag) =	ssettag s2;
	_ =	strace s9  }
0x27: {  	s1 =	sld [smem:$0x3F9B]  }
0x28: {  	s2 =	sld [smem:$0x3F9C]  }
0x29: {  	s4 =	sld [smem:$0x3F9E]  }
0x2a: {  	p0 =	seq.s32 s5, $0x0;
	s5 =	sld [smem:$0x3F9F]  }
0x2b: {  	s6 =	sld [smem:$0x3FA0]  }
0x2c: {  	s7 =	sld [smem:$0x3FA1]  }
0x2d: {  	s3 =	simm.s32 $0x108;
	s8 =	sld [smem:$0x3FA2]  }
0x2e: {  	s3 =	simm.s32 @!p0 $0x1082;
	s9 =	sld [smem:$0x3FA3]  }
0x2f: {  	lr =	sadd.s32 s0, s3;
	s0 =	sld [smem:$0x3F9A]  }
0x30: {  	s3 =	sld [smem:$0x3F9D]  }
0x31: {  	[smem:$0x3FA6] =	sst s10  }
0x32: {  	s10 =	sld [smem:$0x3FA4];
	_ =	sdelay $0x3  }
0x33: {  	p0 =	seq.s32 s10, $0x1;
	s10 =	sld [smem:$0x3FA6];
	_ =	sdelay $0x3  }
0x34: {  	[smem:$0x3FA6] =	sst s10  }
0x35: {  	s10 =	sld [smem:$0x3FA5];
	_ =	sdelay $0x3  }
0x36: {  	p1 =	seq.s32 s10, $0x1;
	s10 =	sld [smem:$0x3FA6];
	_ =	sdelay $0x3  }
0x37: {  	[smem:$0x3FA6] =	sst s10  }
0x38: {  	s10 =	sld [smem:$0x3FA7]  }
0x39: {  	_ = 	snop;
	(pc) =	sbr.ind lr, $3  }
0x3a: {  	_ = 	snop  }
0x3b: {  	_ = 	snop  }
0x3c: {  	p2 =	seq.s32 s10, $0x1;
	s10 =	sld [smem:$0x3FA6]  }
0x3d: {  	_ =	shalt  }
0x3e: {  	_ =	shalt  }
0x3f: {  	_ =	shalt  }
0x40: {  	_ =	shalt  }
0x41: {  	_ =	shalt  }
0x42: {  	_ =	shalt  }
0x43: {  	_ =	shalt  }
0x44: {  	_ =	shalt  }
0x45: {  	_ =	shalt  }
0x46: {  	_ =	shalt  }
0x47: {  	_ =	shalt  }
0x48: {  	_ =	shalt  }
0x49: {  	_ =	shalt  }
0x4a: {  	_ =	shalt  }
0x4b: {  	_ =	shalt  }
0x4c: {  	_ =	shalt  }
0x4d: {  	_ =	shalt  }
0x4e: {  	_ =	shalt  }
0x4f: {  	_ =	shalt  }
0x50: {  	_ =	shalt  }
0x51: {  	_ =	shalt  }
0x52: {  	_ =	shalt  }
0x53: {  	_ =	shalt  }
0x54: {  	_ =	shalt  }
0x55: {  	_ =	shalt  }
0x56: {  	_ =	shalt  }
0x57: {  	_ =	shalt  }
0x58: {  	_ =	shalt  }
0x59: {  	_ =	shalt  }
0x5a: {  	_ =	shalt  }
0x5b: {  	_ =	shalt  }
0x5c: {  	_ =	shalt  }
0x5d: {  	_ =	shalt  }
0x5e: {  	_ =	shalt  }
0x5f: {  	_ =	shalt  }
0x60: {  	_ =	shalt  }
0x61: {  	_ =	shalt  }
0x62: {  	_ =	shalt  }
0x63: {  	_ =	shalt  }
0x64: {  	_ =	shalt  }
0x65: {  	_ =	shalt  }
0x66: {  	_ =	shalt  }
0x67: {  	_ =	shalt  }
0x68: {  	_ =	shalt  }
0x69: {  	_ =	shalt  }
0x6a: {  	_ =	shalt  }
0x6b: {  	_ =	shalt  }
0x6c: {  	_ =	shalt  }
0x6d: {  	_ =	shalt  }
0x6e: {  	_ =	shalt  }
0x6f: {  	_ =	shalt  }
0x70: {  	_ =	shalt  }
0x71: {  	_ =	shalt  }
0x72: {  	_ =	shalt  }
0x73: {  	_ =	shalt  }
0x74: {  	_ =	shalt  }
0x75: {  	_ =	shalt  }
0x76: {  	_ =	shalt  }
0x77: {  	_ =	shalt  }
0x78: {  	_ =	shalt  }
0x79: {  	_ =	shalt  }
0x7a: {  	_ =	shalt  }
0x7b: {  	_ =	shalt  }
0x7c: {  	_ =	shalt  }
0x7d: {  	_ =	shalt  }
0x7e: {  	_ =	shalt  }
0x7f: {  	_ =	shalt  }
0x80: {  	_ =	shalt  }
0x81: {  	_ =	shalt  }
0x82: {  	_ =	shalt  }
0x83: {  	_ =	shalt  }
0x84: {  	_ =	shalt  }
0x85: {  	_ =	shalt  }
0x86: {  	_ =	shalt  }
0x87: {  	_ =	shalt  }
.Lfunc_end0:
.L_simem_size_0:
called_computation_lowered:
.L_overlay_start_0:
0x88: {  	s0 =	sld [smem:$0x3FD9]  }
0x89: {  	s1 =	sld [smem:$0x3FFE];
	_ =	sdelay $0x3  }
0x8a: {  	s0 =	sadd.s32 s1, s0  }
0x8b: {  	[smem:$0x3FB2] =	sst s0  }
0x8c: {  	_ = 	snop  }
0x8d: {  	(tm) =	ssettm $0x1  }
0x8e: {  	s15 =	sld [smem:$0x3FFB];
	_ =	sdelay $0x3  }
0x8f: {  	_ =	strace s15  }
0x90: {  	s0 =	sld [smem:$0x3FFC];
	_ =	sdelay $0x3  }
0x91: {  	_ =	strace s0  }
0x92: {  	s0 =	sld [smem:$0x3FFD];
	_ =	sdelay $0x3  }
0x93: {  	_ =	strace s0  }
0x94: {  	_ =	strace $0x8FFFFFFF  }
0x95: {  	s16 =	sld [smem:$0x3FDB];
	_ =	sdelay $0x1  }
0x96: {  	s17 =	simm.s32 $_scs_section_size  }
0x97: {  	s2 =	simm.s32 $_size__tile_overlayer_lowered;
	s3 =	simm.s32 $_tile_overlayer_lowered  }
0x98: {  	s20 =	simm.s32 $0x1BFF;
	s19 =	sshll.u32 s3, $0x1;
	s0 =	sadd.s32 s17, s16  }
0x99: {  	s4 =	simm.s32 $0x0;
	s18 =	sshll.u32 s2, $0x1;
	s2 =	sadd.s32 s19, s0  }
0x9a: {  	[timem:s4], [sflag:s20] =	dma.local [hbm:s2], s18  }
0x9b: {  	_ =	swait.ge [sflag:s20], s18  }
0x9c: {  	s1 =	ssub.s32 $0x0, s18;
	[sflag:s20] =	ssyncset.done $0x0  }
0x9d: {  	[sflag:s20] =	ssyncadd.s32 s1;
	_ =	sdelay $0x1  }
0x9e: {  	s21 =	simm.s32 $0x1B8B  }
0x9f: {  	_ =	swait.ge [sflag:s21], $0x1  }
0xa0: {  	[sflag:s21] =	ssyncset.done $0x0  }
0xa1: {  	s23 =	simm.s32 $0x1B8E;
	s22 =	sld [smem:$0x3FFE];
	[sflag:s21] =	ssyncadd.s32 $0xFFFFFFFF  }
0xa2: {  	s24 =	simm.s32 $execute0_lowered;
	[smem:$0x3FD2] =	sst s23  }
0xa3: {  	s2 =	sshll.u32 s24, $0x1;
	_ =	strace $0x80000046;
	[dreg:$0x1] =	wrdreg $0xFFFFFFFF  }
0xa4: {  	s25 =	simm.s32 $_size_execute0_lowered;
	s0 =	sadd.s32 s0, s2;
	[dreg:$0x0] =	wrdreg $0x0  }
0xa5: {  	s2 =	sshll.u32 s25, $0x1;
	[dreg:$0x2] =	wrdreg s0  }
0xa6: {  	[dreg:$0x3] =	wrdreg s2  }
0xa7: {  	[dreg:$0x4] =	wrdreg $0xC0  }
0xa8: {  	_ =	task [dreg:s4], $0x5FFFF  }
0xa9: {  	[dreg:$0x1] =	wrdreg $0xFFFFFFFF  }
0xaa: {  	[dreg:$0x0] =	wrdreg $0x60  }
0xab: {  	[dreg:$0x2] =	wrdreg s22  }
0xac: {  	[dreg:$0x3] =	wrdreg $0x9  }
0xad: {  	_ =	task.clear_ibuf [dreg:s4], $0x4FFFF;
	_ =	strace $0x90000046  }
0xae: {  	s26 =	simm.s32 $0x9;
	_ =	strace $0x80000048  }
0xaf: {  	_ =	swait.ge [sflag:s26], $0x1  }
0xb0: {  	[sflag:s26] =	ssyncadd.s32 $0xFFFFFFFF  }
0xb1: {  	_ =	strace $0x90000048  }
0xb2: {  	_ =	sfence  }
0xb3: {  	s28 =	sld [smem:$0x0];
	_ =	sdelay $0x1  }
0xb4: {  	s29 =	srdreg.scid  }
0xb5: {  	s30 =	sshll.u32 s29, $0xD;
	s31 =	sshrl.u32 s29, $0x2  }
0xb6: {  	s1 =	sand.u32 $0x1, s29;
	s2 =	sand.u32 $0x4000, s30;
	s0 =	sadd.s32 s31, s28  }
0xb7: {  	s1 =	sor.u32 s2, s1;
	s0 =	sshll.u32 s0, $0x11  }
0xb8: {  	s0 =	sor.u32 s0, s1  }
0xb9: {  	s0 =	sadd.s32 $0x8F2B, s0  }
0xba: {  	[sflag:s0] =	ssyncadd.remote.s32 $0x1  }
0xbb: {  	_ =	sfence.sel $0xFFFF  }
0xbc: {  	[dreg:$0x0] =	wrdreg $0xFFFFFFFF;
	(pc) =	sbr.abs _section_cstart, $3  }
0xbd: {  	[dreg:$0x1] =	wrdreg $0xFFFFFFFF  }
0xbe: {  	_ =	task.clear_ibuf [dreg:s4], $0x2FFFF;
	_ =	strace $0x9FFFFFFF  }
0xbf: {  	(tm) =	ssettm $0x7FFFFFFF  }
tec
execute0_lowered:
.L_overlay_start_1:
0x0: {  	(tag) =	ssettag $0x1  }
0x1: {  	s8 =	rddreg [dreg:$0x0];
	_ =	strace $0x80000047;
	s11 =	simm.s32 $0x1  }
0x2: {  	v0 =	vimm.s32 $0x0;
	[sflag:s11] =	ssyncpa.u1 $0x0  }
0x3: {  	[tilespmem:$0x28] =	vst v0  }
0x4: {  	[tilespmem:$0x38] =	vst v0  }
0x5: {  	[tilespmem:$0x48] =	vst v0  }
0x6: {  	[tilespmem:$0x58] =	vst v0  }
0x7: {  	[tilespmem:$0x68] =	vst v0  }
0x8: {  	[tilespmem:$0x78] =	vst v0  }
0x9: {  	[tilespmem:$0x88] =	vst v0  }
0xa: {  	[tilespmem:$0x98] =	vst v0  }
0xb: {  	[tilespmem:$0xA8] =	vst v0  }
0xc: {  	[tilespmem:$0xB8] =	vst v0  }
0xd: {  	[tilespmem:$0xC8] =	vst v0  }
0xe: {  	[tilespmem:$0xD8] =	vst v0  }
0xf: {  	[tilespmem:$0xE8] =	vst v0  }
0x10: {  	[tilespmem:$0xF8] =	vst v0  }
0x11: {  	[tilespmem:$0x108] =	vst v0  }
0x12: {  	[tilespmem:$0x118] =	vst v0  }
0x13: {  	[tilespmem:$0x128] =	vst v0  }
0x14: {  	[tilespmem:$0x138] =	vst v0  }
0x15: {  	[tilespmem:$0x148] =	vst v0  }
0x16: {  	[tilespmem:$0x158] =	vst v0  }
0x17: {  	[tilespmem:$0x168] =	vst v0  }
0x18: {  	[tilespmem:$0x178] =	vst v0  }
0x19: {  	[tilespmem:$0x188] =	vst v0  }
0x1a: {  	[tilespmem:$0x198] =	vst v0  }
0x1b: {  	[tilespmem:$0x1A8] =	vst v0  }
0x1c: {  	[tilespmem:$0x1B8] =	vst v0  }
0x1d: {  	[tilespmem:$0x1C8] =	vst v0  }
0x1e: {  	[tilespmem:$0x1D8] =	vst v0  }
0x1f: {  	[tilespmem:$0x1E8] =	vst v0  }
0x20: {  	[tilespmem:$0x1F8] =	vst v0  }
0x21: {  	[tilespmem:$0x208] =	vst v0  }
0x22: {  	[tilespmem:$0x218] =	vst v0  }
0x23: {  	[tilespmem:$0x228] =	vst v0  }
0x24: {  	[tilespmem:$0x238] =	vst v0  }
0x25: {  	[tilespmem:$0x248] =	vst v0  }
0x26: {  	[tilespmem:$0x258] =	vst v0  }
0x27: {  	[tilespmem:$0x268] =	vst v0  }
0x28: {  	[tilespmem:$0x278] =	vst v0  }
0x29: {  	[tilespmem:$0x288] =	vst v0  }
0x2a: {  	[tilespmem:$0x298] =	vst v0  }
0x2b: {  	[tilespmem:$0x2A8] =	vst v0  }
0x2c: {  	[tilespmem:$0x2B8] =	vst v0  }
0x2d: {  	[tilespmem:$0x2C8] =	vst v0  }
0x2e: {  	[tilespmem:$0x2D8] =	vst v0  }
0x2f: {  	[tilespmem:$0x2E8] =	vst v0  }
0x30: {  	[tilespmem:$0x2F8] =	vst v0  }
0x31: {  	[tilespmem:$0x308] =	vst v0  }
0x32: {  	[tilespmem:$0x318] =	vst v0  }
0x33: {  	[tilespmem:$0x328] =	vst v0  }
0x34: {  	[tilespmem:$0x338] =	vst v0  }
0x35: {  	[tilespmem:$0x348] =	vst v0  }
0x36: {  	[tilespmem:$0x358] =	vst v0  }
0x37: {  	[tilespmem:$0x368] =	vst v0  }
0x38: {  	[tilespmem:$0x378] =	vst v0  }
0x39: {  	[tilespmem:$0x388] =	vst v0  }
0x3a: {  	[tilespmem:$0x398] =	vst v0  }
0x3b: {  	[tilespmem:$0x3A8] =	vst v0  }
0x3c: {  	[tilespmem:$0x3B8] =	vst v0  }
0x3d: {  	[tilespmem:$0x3C8] =	vst v0  }
0x3e: {  	[tilespmem:$0x3D8] =	vst v0  }
0x3f: {  	[tilespmem:$0x3E8] =	vst v0  }
0x40: {  	[tilespmem:$0x3F8] =	vst v0  }
0x41: {  	[tilespmem:$0x408] =	vst v0  }
0x42: {  	[tilespmem:$0x418] =	vst v0  }
0x43: {  	[tilespmem:$0x428] =	vst v0  }
0x44: {  	[tilespmem:$0x438] =	vst v0  }
0x45: {  	[tilespmem:$0x448] =	vst v0  }
0x46: {  	[tilespmem:$0x458] =	vst v0  }
0x47: {  	[tilespmem:$0x468] =	vst v0  }
0x48: {  	[tilespmem:$0x478] =	vst v0  }
0x49: {  	[tilespmem:$0x488] =	vst v0  }
0x4a: {  	[tilespmem:$0x498] =	vst v0  }
0x4b: {  	[tilespmem:$0x4A8] =	vst v0  }
0x4c: {  	[tilespmem:$0x4B8] =	vst v0  }
0x4d: {  	[tilespmem:$0x4C8] =	vst v0  }
0x4e: {  	[tilespmem:$0x4D8] =	vst v0  }
0x4f: {  	[tilespmem:$0x4E8] =	vst v0  }
0x50: {  	[tilespmem:$0x4F8] =	vst v0  }
0x51: {  	[tilespmem:$0x508] =	vst v0  }
0x52: {  	[tilespmem:$0x518] =	vst v0  }
0x53: {  	[tilespmem:$0x528] =	vst v0  }
0x54: {  	[tilespmem:$0x538] =	vst v0  }
0x55: {  	[tilespmem:$0x548] =	vst v0  }
0x56: {  	[tilespmem:$0x558] =	vst v0  }
0x57: {  	[tilespmem:$0x568] =	vst v0  }
0x58: {  	[tilespmem:$0x578] =	vst v0  }
0x59: {  	[tilespmem:$0x588] =	vst v0  }
0x5a: {  	[tilespmem:$0x598] =	vst v0  }
0x5b: {  	[tilespmem:$0x5A8] =	vst v0  }
0x5c: {  	[tilespmem:$0x5B8] =	vst v0  }
0x5d: {  	[tilespmem:$0x5C8] =	vst v0  }
0x5e: {  	[tilespmem:$0x5D8] =	vst v0  }
0x5f: {  	[tilespmem:$0x5E8] =	vst v0  }
0x60: {  	[tilespmem:$0x5F8] =	vst v0  }
0x61: {  	[tilespmem:$0x608] =	vst v0  }
0x62: {  	[tilespmem:$0x618] =	vst v0  }
0x63: {  	[tilespmem:$0x628] =	vst v0  }
0x64: {  	[tilespmem:$0x638] =	vst v0  }
0x65: {  	[tilespmem:$0x648] =	vst v0  }
0x66: {  	[tilespmem:$0x658] =	vst v0  }
0x67: {  	[tilespmem:$0x668] =	vst v0  }
0x68: {  	[tilespmem:$0x678] =	vst v0  }
0x69: {  	[tilespmem:$0x688] =	vst v0  }
0x6a: {  	[tilespmem:$0x698] =	vst v0  }
0x6b: {  	[tilespmem:$0x6A8] =	vst v0  }
0x6c: {  	[tilespmem:$0x6B8] =	vst v0  }
0x6d: {  	[tilespmem:$0x6C8] =	vst v0  }
0x6e: {  	[tilespmem:$0x6D8] =	vst v0  }
0x6f: {  	[tilespmem:$0x6E8] =	vst v0  }
0x70: {  	[tilespmem:$0x6F8] =	vst v0  }
0x71: {  	[tilespmem:$0x708] =	vst v0  }
0x72: {  	[tilespmem:$0x718] =	vst v0  }
0x73: {  	[tilespmem:$0x728] =	vst v0  }
0x74: {  	[tilespmem:$0x738] =	vst v0  }
0x75: {  	[tilespmem:$0x748] =	vst v0  }
0x76: {  	[tilespmem:$0x758] =	vst v0  }
0x77: {  	[tilespmem:$0x768] =	vst v0  }
0x78: {  	[tilespmem:$0x778] =	vst v0  }
0x79: {  	[tilespmem:$0x788] =	vst v0  }
0x7a: {  	[tilespmem:$0x798] =	vst v0  }
0x7b: {  	[tilespmem:$0x7A8] =	vst v0  }
0x7c: {  	[tilespmem:$0x7B8] =	vst v0  }
0x7d: {  	[tilespmem:$0x7C8] =	vst v0  }
0x7e: {  	[tilespmem:$0x7D8] =	vst v0  }
0x7f: {  	[tilespmem:$0x7E8] =	vst v0  }
0x80: {  	[tilespmem:$0x7F8] =	vst v0  }
0x81: {  	[tilespmem:$0x808] =	vst v0  }
0x82: {  	[tilespmem:$0x818] =	vst v0  }
0x83: {  	[tilespmem:$0x828] =	vst v0  }
0x84: {  	[tilespmem:$0x838] =	vst v0  }
0x85: {  	[tilespmem:$0x848] =	vst v0  }
0x86: {  	[tilespmem:$0x858] =	vst v0  }
0x87: {  	[tilespmem:$0x868] =	vst v0  }
0x88: {  	[tilespmem:$0x878] =	vst v0  }
0x89: {  	[tilespmem:$0x888] =	vst v0  }
0x8a: {  	[tilespmem:$0x898] =	vst v0  }
0x8b: {  	[tilespmem:$0x8A8] =	vst v0  }
0x8c: {  	[tilespmem:$0x8B8] =	vst v0  }
0x8d: {  	[tilespmem:$0x8C8] =	vst v0  }
0x8e: {  	[tilespmem:$0x8D8] =	vst v0  }
0x8f: {  	[tilespmem:$0x8E8] =	vst v0  }
0x90: {  	[tilespmem:$0x8F8] =	vst v0  }
0x91: {  	[tilespmem:$0x908] =	vst v0  }
0x92: {  	[tilespmem:$0x918] =	vst v0  }
0x93: {  	[tilespmem:$0x928] =	vst v0  }
0x94: {  	[tilespmem:$0x938] =	vst v0  }
0x95: {  	[tilespmem:$0x948] =	vst v0  }
0x96: {  	[tilespmem:$0x958] =	vst v0  }
0x97: {  	[tilespmem:$0x968] =	vst v0  }
0x98: {  	[tilespmem:$0x978] =	vst v0  }
0x99: {  	[tilespmem:$0x988] =	vst v0  }
0x9a: {  	[tilespmem:$0x998] =	vst v0  }
0x9b: {  	[tilespmem:$0x9A8] =	vst v0  }
0x9c: {  	[tilespmem:$0x9B8] =	vst v0  }
0x9d: {  	[tilespmem:$0x9C8] =	vst v0  }
0x9e: {  	[tilespmem:$0x9D8] =	vst v0  }
0x9f: {  	[tilespmem:$0x9E8] =	vst v0  }
0xa0: {  	[tilespmem:$0x9F8] =	vst v0  }
0xa1: {  	[tilespmem:$0xA08] =	vst v0  }
0xa2: {  	[tilespmem:$0xA18] =	vst v0  }
0xa3: {  	[tilespmem:$0xA28] =	vst v0  }
0xa4: {  	[tilespmem:$0xA38] =	vst v0  }
0xa5: {  	[tilespmem:$0xA48] =	vst v0  }
0xa6: {  	[tilespmem:$0xA58] =	vst v0  }
0xa7: {  	[tilespmem:$0xA68] =	vst v0  }
0xa8: {  	[tilespmem:$0xA78] =	vst v0  }
0xa9: {  	[tilespmem:$0xA88] =	vst v0  }
0xaa: {  	[tilespmem:$0xA98] =	vst v0  }
0xab: {  	[tilespmem:$0xAA8] =	vst v0  }
0xac: {  	[tilespmem:$0xAB8] =	vst v0  }
0xad: {  	[tilespmem:$0xAC8] =	vst v0  }
0xae: {  	[tilespmem:$0xAD8] =	vst v0  }
0xaf: {  	[tilespmem:$0xAE8] =	vst v0  }
0xb0: {  	[tilespmem:$0xAF8] =	vst v0  }
0xb1: {  	[tilespmem:$0xB08] =	vst v0  }
0xb2: {  	[tilespmem:$0xB18] =	vst v0  }
0xb3: {  	[tilespmem:$0xB28] =	vst v0  }
0xb4: {  	[tilespmem:$0xB38] =	vst v0  }
0xb5: {  	[tilespmem:$0xB48] =	vst v0  }
0xb6: {  	[tilespmem:$0xB58] =	vst v0  }
0xb7: {  	[tilespmem:$0xB68] =	vst v0  }
0xb8: {  	[tilespmem:$0xB78] =	vst v0  }
0xb9: {  	[tilespmem:$0xB88] =	vst v0  }
0xba: {  	[tilespmem:$0xB98] =	vst v0  }
0xbb: {  	[tilespmem:$0xBA8] =	vst v0  }
0xbc: {  	[tilespmem:$0xBB8] =	vst v0  }
0xbd: {  	[tilespmem:$0xBC8] =	vst v0  }
0xbe: {  	[tilespmem:$0xBD8] =	vst v0  }
0xbf: {  	[tilespmem:$0xBE8] =	vst v0  }
0xc0: {  	[tilespmem:$0xBF8] =	vst v0  }
0xc1: {  	[tilespmem:$0xC08] =	vst v0  }
0xc2: {  	[tilespmem:$0xC18] =	vst v0  }
0xc3: {  	[tilespmem:$0xC28] =	vst v0  }
0xc4: {  	[tilespmem:$0xC38] =	vst v0  }
0xc5: {  	[tilespmem:$0xC48] =	vst v0  }
0xc6: {  	[tilespmem:$0xC58] =	vst v0  }
0xc7: {  	[tilespmem:$0xC68] =	vst v0  }
0xc8: {  	[tilespmem:$0xC78] =	vst v0  }
0xc9: {  	[tilespmem:$0xC88] =	vst v0  }
0xca: {  	[tilespmem:$0xC98] =	vst v0  }
0xcb: {  	[tilespmem:$0xCA8] =	vst v0  }
0xcc: {  	[tilespmem:$0xCB8] =	vst v0  }
0xcd: {  	[tilespmem:$0xCC8] =	vst v0  }
0xce: {  	[tilespmem:$0xCD8] =	vst v0  }
0xcf: {  	[tilespmem:$0xCE8] =	vst v0  }
0xd0: {  	[tilespmem:$0xCF8] =	vst v0  }
0xd1: {  	[tilespmem:$0xD08] =	vst v0  }
0xd2: {  	[tilespmem:$0xD18] =	vst v0  }
0xd3: {  	[tilespmem:$0xD28] =	vst v0  }
0xd4: {  	[tilespmem:$0xD38] =	vst v0  }
0xd5: {  	[tilespmem:$0xD48] =	vst v0  }
0xd6: {  	[tilespmem:$0xD58] =	vst v0  }
0xd7: {  	[tilespmem:$0xD68] =	vst v0  }
0xd8: {  	[tilespmem:$0xD78] =	vst v0  }
0xd9: {  	[tilespmem:$0xD88] =	vst v0  }
0xda: {  	[tilespmem:$0xD98] =	vst v0  }
0xdb: {  	[tilespmem:$0xDA8] =	vst v0  }
0xdc: {  	[tilespmem:$0xDB8] =	vst v0  }
0xdd: {  	[tilespmem:$0xDC8] =	vst v0  }
0xde: {  	[tilespmem:$0xDD8] =	vst v0  }
0xdf: {  	[tilespmem:$0xDE8] =	vst v0  }
0xe0: {  	[tilespmem:$0xDF8] =	vst v0  }
0xe1: {  	[tilespmem:$0xE08] =	vst v0  }
0xe2: {  	[tilespmem:$0xE18] =	vst v0  }
0xe3: {  	[tilespmem:$0xE28] =	vst v0  }
0xe4: {  	[tilespmem:$0xE38] =	vst v0  }
0xe5: {  	[tilespmem:$0xE48] =	vst v0  }
0xe6: {  	[tilespmem:$0xE58] =	vst v0  }
0xe7: {  	[tilespmem:$0xE68] =	vst v0  }
0xe8: {  	[tilespmem:$0xE78] =	vst v0  }
0xe9: {  	[tilespmem:$0xE88] =	vst v0  }
0xea: {  	[tilespmem:$0xE98] =	vst v0  }
0xeb: {  	[tilespmem:$0xEA8] =	vst v0  }
0xec: {  	[tilespmem:$0xEB8] =	vst v0  }
0xed: {  	[tilespmem:$0xEC8] =	vst v0  }
0xee: {  	[tilespmem:$0xED8] =	vst v0  }
0xef: {  	[tilespmem:$0xEE8] =	vst v0  }
0xf0: {  	[tilespmem:$0xEF8] =	vst v0  }
0xf1: {  	[tilespmem:$0xF08] =	vst v0  }
0xf2: {  	[tilespmem:$0xF18] =	vst v0  }
0xf3: {  	[tilespmem:$0xF28] =	vst v0  }
0xf4: {  	[tilespmem:$0xF38] =	vst v0  }
0xf5: {  	[tilespmem:$0xF48] =	vst v0  }
0xf6: {  	[tilespmem:$0xF58] =	vst v0  }
0xf7: {  	[tilespmem:$0xF68] =	vst v0  }
0xf8: {  	[tilespmem:$0xF78] =	vst v0  }
0xf9: {  	[tilespmem:$0xF88] =	vst v0  }
0xfa: {  	[tilespmem:$0xF98] =	vst v0  }
0xfb: {  	[tilespmem:$0xFA8] =	vst v0  }
0xfc: {  	[tilespmem:$0xFB8] =	vst v0  }
0xfd: {  	[tilespmem:$0xFC8] =	vst v0  }
0xfe: {  	[tilespmem:$0xFD8] =	vst v0  }
0xff: {  	[tilespmem:$0xFE8] =	vst v0  }
0x100: {  	[tilespmem:$0xFF8] =	vst v0  }
0x101: {  	[tilespmem:$0x1018] =	vst v0  }
0x102: {  	[tilespmem:$0x1098] =	vst v0  }
0x103: {  	[tilespmem:$0x1048] =	vst v0  }
0x104: {  	[tilespmem:$0x1058] =	vst v0  }
0x105: {  	[tilespmem:$0x1B28] =	vst v0  }
0x106: {  	[tilespmem:$0x1B18] =	vst v0  }
0x107: {  	[tilespmem:$0x1B08] =	vst v0  }
0x108: {  	[tilespmem:$0x1AF8] =	vst v0  }
0x109: {  	[tilespmem:$0x1AE8] =	vst v0  }
0x10a: {  	[tilespmem:$0x1AD8] =	vst v0  }
0x10b: {  	[tilespmem:$0x1AC8] =	vst v0  }
0x10c: {  	[tilespmem:$0x1AB8] =	vst v0  }
0x10d: {  	[tilespmem:$0x1AA8] =	vst v0  }
0x10e: {  	[tilespmem:$0x1A98] =	vst v0  }
0x10f: {  	[tilespmem:$0x1A88] =	vst v0  }
0x110: {  	[tilespmem:$0x1A78] =	vst v0  }
0x111: {  	[tilespmem:$0x1A68] =	vst v0  }
0x112: {  	[tilespmem:$0x1A58] =	vst v0  }
0x113: {  	[tilespmem:$0x1A48] =	vst v0  }
0x114: {  	[tilespmem:$0x1A38] =	vst v0  }
0x115: {  	[tilespmem:$0x1A28] =	vst v0  }
0x116: {  	[tilespmem:$0x1A18] =	vst v0  }
0x117: {  	[tilespmem:$0x1A08] =	vst v0  }
0x118: {  	[tilespmem:$0x19F8] =	vst v0  }
0x119: {  	[tilespmem:$0x19E8] =	vst v0  }
0x11a: {  	[tilespmem:$0x19D8] =	vst v0  }
0x11b: {  	[tilespmem:$0x19C8] =	vst v0  }
0x11c: {  	[tilespmem:$0x19B8] =	vst v0  }
0x11d: {  	[tilespmem:$0x19A8] =	vst v0  }
0x11e: {  	[tilespmem:$0x1998] =	vst v0  }
0x11f: {  	[tilespmem:$0x1988] =	vst v0  }
0x120: {  	[tilespmem:$0x1978] =	vst v0  }
0x121: {  	[tilespmem:$0x1968] =	vst v0  }
0x122: {  	[tilespmem:$0x1958] =	vst v0  }
0x123: {  	[tilespmem:$0x1948] =	vst v0  }
0x124: {  	[tilespmem:$0x1938] =	vst v0  }
0x125: {  	[tilespmem:$0x1928] =	vst v0  }
0x126: {  	[tilespmem:$0x1918] =	vst v0  }
0x127: {  	[tilespmem:$0x1908] =	vst v0  }
0x128: {  	[tilespmem:$0x18F8] =	vst v0  }
0x129: {  	[tilespmem:$0x18E8] =	vst v0  }
0x12a: {  	[tilespmem:$0x18D8] =	vst v0  }
0x12b: {  	[tilespmem:$0x18C8] =	vst v0  }
0x12c: {  	[tilespmem:$0x18B8] =	vst v0  }
0x12d: {  	[tilespmem:$0x18A8] =	vst v0  }
0x12e: {  	[tilespmem:$0x1898] =	vst v0  }
0x12f: {  	[tilespmem:$0x1888] =	vst v0  }
0x130: {  	[tilespmem:$0x1878] =	vst v0  }
0x131: {  	[tilespmem:$0x1868] =	vst v0  }
0x132: {  	[tilespmem:$0x1858] =	vst v0  }
0x133: {  	[tilespmem:$0x1848] =	vst v0  }
0x134: {  	[tilespmem:$0x1838] =	vst v0  }
0x135: {  	[tilespmem:$0x1828] =	vst v0  }
0x136: {  	[tilespmem:$0x1818] =	vst v0  }
0x137: {  	[tilespmem:$0x1808] =	vst v0  }
0x138: {  	[tilespmem:$0x17F8] =	vst v0  }
0x139: {  	[tilespmem:$0x17E8] =	vst v0  }
0x13a: {  	[tilespmem:$0x17D8] =	vst v0  }
0x13b: {  	[tilespmem:$0x17C8] =	vst v0  }
0x13c: {  	[tilespmem:$0x17B8] =	vst v0  }
0x13d: {  	[tilespmem:$0x17A8] =	vst v0  }
0x13e: {  	[tilespmem:$0x1798] =	vst v0  }
0x13f: {  	[tilespmem:$0x1788] =	vst v0  }
0x140: {  	[tilespmem:$0x1778] =	vst v0  }
0x141: {  	[tilespmem:$0x1768] =	vst v0  }
0x142: {  	[tilespmem:$0x1758] =	vst v0  }
0x143: {  	[tilespmem:$0x1748] =	vst v0  }
0x144: {  	[tilespmem:$0x1738] =	vst v0  }
0x145: {  	[tilespmem:$0x1728] =	vst v0  }
0x146: {  	[tilespmem:$0x1718] =	vst v0  }
0x147: {  	[tilespmem:$0x1708] =	vst v0  }
0x148: {  	[tilespmem:$0x16F8] =	vst v0  }
0x149: {  	[tilespmem:$0x16E8] =	vst v0  }
0x14a: {  	[tilespmem:$0x16D8] =	vst v0  }
0x14b: {  	[tilespmem:$0x16C8] =	vst v0  }
0x14c: {  	[tilespmem:$0x16B8] =	vst v0  }
0x14d: {  	[tilespmem:$0x16A8] =	vst v0  }
0x14e: {  	[tilespmem:$0x1698] =	vst v0  }
0x14f: {  	[tilespmem:$0x1688] =	vst v0  }
0x150: {  	[tilespmem:$0x1678] =	vst v0  }
0x151: {  	[tilespmem:$0x1668] =	vst v0  }
0x152: {  	[tilespmem:$0x1658] =	vst v0  }
0x153: {  	[tilespmem:$0x1648] =	vst v0  }
0x154: {  	[tilespmem:$0x1638] =	vst v0  }
0x155: {  	[tilespmem:$0x1628] =	vst v0  }
0x156: {  	[tilespmem:$0x1618] =	vst v0  }
0x157: {  	[tilespmem:$0x1608] =	vst v0  }
0x158: {  	[tilespmem:$0x15F8] =	vst v0  }
0x159: {  	[tilespmem:$0x15E8] =	vst v0  }
0x15a: {  	[tilespmem:$0x15D8] =	vst v0  }
0x15b: {  	[tilespmem:$0x15C8] =	vst v0  }
0x15c: {  	[tilespmem:$0x15B8] =	vst v0  }
0x15d: {  	[tilespmem:$0x15A8] =	vst v0  }
0x15e: {  	[tilespmem:$0x1598] =	vst v0  }
0x15f: {  	[tilespmem:$0x1588] =	vst v0  }
0x160: {  	[tilespmem:$0x1578] =	vst v0  }
0x161: {  	[tilespmem:$0x1568] =	vst v0  }
0x162: {  	[tilespmem:$0x1558] =	vst v0  }
0x163: {  	[tilespmem:$0x1548] =	vst v0  }
0x164: {  	[tilespmem:$0x1538] =	vst v0  }
0x165: {  	[tilespmem:$0x1528] =	vst v0  }
0x166: {  	[tilespmem:$0x1518] =	vst v0  }
0x167: {  	[tilespmem:$0x1508] =	vst v0  }
0x168: {  	[tilespmem:$0x14F8] =	vst v0  }
0x169: {  	[tilespmem:$0x14E8] =	vst v0  }
0x16a: {  	[tilespmem:$0x14D8] =	vst v0  }
0x16b: {  	[tilespmem:$0x14C8] =	vst v0  }
0x16c: {  	[tilespmem:$0x14B8] =	vst v0  }
0x16d: {  	[tilespmem:$0x14A8] =	vst v0  }
0x16e: {  	[tilespmem:$0x1498] =	vst v0  }
0x16f: {  	[tilespmem:$0x1488] =	vst v0  }
0x170: {  	[tilespmem:$0x1478] =	vst v0  }
0x171: {  	[tilespmem:$0x1468] =	vst v0  }
0x172: {  	[tilespmem:$0x1458] =	vst v0  }
0x173: {  	[tilespmem:$0x1448] =	vst v0  }
0x174: {  	[tilespmem:$0x1438] =	vst v0  }
0x175: {  	[tilespmem:$0x1428] =	vst v0  }
0x176: {  	[tilespmem:$0x1418] =	vst v0  }
0x177: {  	[tilespmem:$0x1408] =	vst v0  }
0x178: {  	[tilespmem:$0x13F8] =	vst v0  }
0x179: {  	[tilespmem:$0x13E8] =	vst v0  }
0x17a: {  	[tilespmem:$0x13D8] =	vst v0  }
0x17b: {  	[tilespmem:$0x13C8] =	vst v0  }
0x17c: {  	[tilespmem:$0x13B8] =	vst v0  }
0x17d: {  	[tilespmem:$0x13A8] =	vst v0  }
0x17e: {  	[tilespmem:$0x1398] =	vst v0  }
0x17f: {  	[tilespmem:$0x1388] =	vst v0  }
0x180: {  	[tilespmem:$0x1378] =	vst v0  }
0x181: {  	[tilespmem:$0x1368] =	vst v0  }
0x182: {  	[tilespmem:$0x1358] =	vst v0  }
0x183: {  	[tilespmem:$0x1348] =	vst v0  }
0x184: {  	[tilespmem:$0x1338] =	vst v0  }
0x185: {  	[tilespmem:$0x1328] =	vst v0  }
0x186: {  	[tilespmem:$0x1318] =	vst v0  }
0x187: {  	[tilespmem:$0x1308] =	vst v0  }
0x188: {  	[tilespmem:$0x12F8] =	vst v0  }
0x189: {  	[tilespmem:$0x12E8] =	vst v0  }
0x18a: {  	[tilespmem:$0x12D8] =	vst v0  }
0x18b: {  	[tilespmem:$0x12C8] =	vst v0  }
0x18c: {  	[tilespmem:$0x12B8] =	vst v0  }
0x18d: {  	[tilespmem:$0x12A8] =	vst v0  }
0x18e: {  	[tilespmem:$0x1298] =	vst v0  }
0x18f: {  	[tilespmem:$0x1288] =	vst v0  }
0x190: {  	[tilespmem:$0x1278] =	vst v0  }
0x191: {  	[tilespmem:$0x1268] =	vst v0  }
0x192: {  	[tilespmem:$0x1258] =	vst v0  }
0x193: {  	[tilespmem:$0x1248] =	vst v0  }
0x194: {  	[tilespmem:$0x1238] =	vst v0  }
0x195: {  	[tilespmem:$0x1228] =	vst v0  }
0x196: {  	[tilespmem:$0x1218] =	vst v0  }
0x197: {  	[tilespmem:$0x1208] =	vst v0  }
0x198: {  	[tilespmem:$0x11F8] =	vst v0  }
0x199: {  	[tilespmem:$0x11E8] =	vst v0  }
0x19a: {  	[tilespmem:$0x11D8] =	vst v0  }
0x19b: {  	[tilespmem:$0x11C8] =	vst v0  }
0x19c: {  	[tilespmem:$0x11B8] =	vst v0  }
0x19d: {  	[tilespmem:$0x11A8] =	vst v0  }
0x19e: {  	[tilespmem:$0x1198] =	vst v0  }
0x19f: {  	[tilespmem:$0x1188] =	vst v0  }
0x1a0: {  	[tilespmem:$0x1178] =	vst v0  }
0x1a1: {  	[tilespmem:$0x1168] =	vst v0  }
0x1a2: {  	[tilespmem:$0x1158] =	vst v0  }
0x1a3: {  	[tilespmem:$0x1148] =	vst v0  }
0x1a4: {  	[tilespmem:$0x1138] =	vst v0  }
0x1a5: {  	[tilespmem:$0x1128] =	vst v0  }
0x1a6: {  	[tilespmem:$0x1118] =	vst v0  }
0x1a7: {  	[tilespmem:$0x1108] =	vst v0  }
0x1a8: {  	s2 =	stileid.u32;
	[tilespmem:$0x10F8] =	vst v0  }
0x1a9: {  	s3 =	smul.u32 $0xCF90, s2;
	[tilespmem:$0x10E8] =	vst v0  }
0x1aa: {  	[tilespmem:$0x10D8] =	vst v0  }
0x1ab: {  	[tilespmem:$0x10C8] =	vst v0;
	s0 =	smin.u32 s3, $0xC28C0  }
0x1ac: {  	[tilespmem:$0x10B8] =	vst v0;
	s4 =	sadd.s32 $0xCF90, s0  }
0x1ad: {  	s5 =	simm.s32 $0x2;
	s29 =	simm.s32 $0x7;
	[tilespmem:$0x10A8] =	vst v0;
	s0 =	ssub.s32 s4, s3  }
0x1ae: {  	s13 =	simm.s32 $0x8;
	s30 =	simm.s32 $0x9;
	[tilespmem:$0x1028] =	vst v0;
	p0 =	sgt.s32 s0, $0x0  }
0x1af: {  	p4 =	por $0x0, $0x0;
	s14 =	simm.s32 $0xA;
	[tilespmem:$0x1088] =	vst v0;
	s0 =	simm.s32 @!p0 $0x0  }
0x1b0: {  	s18 =	simm.s32 $0x0;
	s15 =	simm.s32 $0x0;
	[tilespmem:$0x1078] =	vst v0;
	s12 =	smulhi.u32 $0x97B426, s0  }
0x1b1: {  	s17 =	simm.s32 $0x0;
	s1 =	sadd.s32 $0xC00, s8;
	s6 =	sadd.s32 $0x1FA400, s8;
	[tilespmem:$0x1068] =	vst v0  }
0x1b2: {  	s7 =	sadd.s32 $0x5A4A00, s8;
	s31 =	sshll.u32 s2, $0x5;
	[tilespmem:$0x1038] =	vst v0;
	s10 =	smul.u32 $0x1B0, s12  }
.Ltmp0:
0x1b3: {  	[tilespmem:$0x1008] =	vst v0;
	[sflag:s5] =	ssyncpa.u1 $0x0;
	v0 =	vimm.s32 $0xFFFFFFFF;
	s5 =	sadd.s32 $0x214400, s8;
	(pc) =	sbr.rel .LBB2_1-.Ltmp0, $4  }
0x1b4: {  	[dreg:$0x2] =	wrdreg s31;
	[tilespmem:$0x3648] =	vst v0;
	[sflag:s29] =	ssyncpa.u1 $0x0;
	p0 =	sne.s32 s0, s10  }
0x1b5: {  	s16 =	smov.u32 s3;
	[dreg:$0x3] =	wrdreg s3;
	s11 =	simm.s32 @!p0 $0x0  }
0x1b6: {  	[sflag:s13] =	ssyncpa.u1 $0x0;
	s13 =	simm.s32 $0x0;
	s11 =	sadd.s32 s11, s12  }
0x1b7: {  	v0 =	vlaneseq.u32;
	[sflag:s30] =	ssyncpa.u1 $0x0;
	p0 =	por $0x1, $0x1;
	s8 =	sadd.s32 $0x1, s11  }
.LBB2_18:
0x1b8: {  	s0 =	simm.s32 $0x2  }
0x1b9: {  	_ =	swait.ge [sflag:s0], $0x0  }
0x1ba: {  	[sflag:s0] =	ssyncset.done $0x0;
	s0 =	simm.s32 $0x0  }
.LBB2_19:
0x1bb: {  	_ =	swait.ge [sflag:s14], s0  }
0x1bc: {  	s31 =	ssub.s32 $0x0, s0;
	v1 =	vmov s20;
	vm0 =	veq.s32 v0, $0x0;
	[sflag:s14] =	ssyncset.done $0x0  }
0x1bd: {  	vm15 =	veq.s32 v0, $0x2;
	v1 =	vsel vm0, s24, v1;
	[sflag:s14] =	ssyncadd.s32 s31  }
0x1be: {  	v1 =	vsel vm15, s18, v1;
	[sflag:s14] =	ssyncpa.u1 $0x1  }
0x1bf: {  	[tilespmem:$0x3648] =	vst v1  }
.LBB2_20:
0x1c0: {  	s0 =	sadd.s32 $0x1B0, s16  }
0x1c1: {  	s2 =	smov.u32 s3;
	p1 =	slt.s32 s0, s4  }
0x1c2: {  	s2 =	smov.u32 @p1 s0;
	p1 =	sne.s32 s17, s8  }
.Ltmp1:
0x1c3: {  	_ = 	snop;
	(pc) =	sbr.rel @!p1 .LBB2_21-.Ltmp1, $4  }
0x1c4: {  	_ = 	snop  }
0x1c5: {  	s18 =	smov.u32 s15  }
0x1c6: {  	s31 =	sadd.s32 $0x1, s17;
	s15 =	smov.u32 s16;
	p0 =	por !p0, !p0  }
0x1c7: {  	p4 =	por !p4, !p4;
	s17 =	smov.u32 s31;
	s16 =	smov.u32 s2  }
.LBB2_1:
0x1c8: {  	p2 =	sge.u32 s17, s11  }
0x1c9: {  	s0 =	smulhi.u32 @!p2 $0xAAAAAAAB, s17  }
0x1ca: {  	s19 =	smov.u32 s16;
	p3 =	sgt.s32 @!p2 s16, $0xCF6A0  }
0x1cb: {  	s20 =	sshra.s32 @!p2 s16, $0x1F;
	p3 =	por !p3, p2;
	s0 =	sshrl.u32 @!p2 s0, $0x1  }
0x1cc: {  	s20 =	sand.u32 @!p2 s20, s16;
	s19 =	simm.s32 @p3 $0xCF6A0;
	s0 =	smul.u32 @!p2 $0x3, s0  }
0x1cd: {  	s19 =	ssub.s32 @!p2 s19, s20  }
0x1ce: {  	s19 =	sadd.s32 @!p2 $0xFFF30960, s19;
	s0 =	ssub.s32 @!p2 s17, s0  }
0x1cf: {  	s20 =	sshll.u32 @!p2 s19, $0x2;
	p3 =	sgt.s32 @!p2 s19, $0x1AF;
	s0 =	smul.u32 @!p2 $0x6C0, s0  }
0x1d0: {  	s21 =	sand.u32 @!p2 $0x7, s16;
	s19 =	ssub.s32 @!p2 $0x6C0, s20;
	p3 =	por !p3, p2  }
0x1d1: {  	s20 =	sshrl.u32 @!p2 s16, $0x3;
	s19 =	sshrl.u32 @!p2 s19, $0x2;
	s0 =	sshrl.u32 @!p2 s0, $0x2  }
0x1d2: {  	s20 =	sadd.s32 @!p2 s5, s20;
	s19 =	simm.s32 @!p3 $0x0;
	s0 =	sadd.s32 @!p2 $0x3878, s0  }
0x1d3: {  	[tilespmem:s0], [sflag:$0x8] =	stream.linear.gather @!p2 [hbm4b:s20+s21], s19, $0x38;
	[tilespmem:$0x1F0E8] =	vst v63  }
0x1d4: {  	s20 =	sadd.s32 $0xFFFFFFFF, s17  }
0x1d5: {  	p2 =	sge.u32 s20, s11  }
0x1d6: {  	p3 =	sgt.s32 @!p2 s15, $0xCF6A0  }
0x1d7: {  	s0 =	smov.u32 s15;
	s19 =	sshra.s32 @!p2 s15, $0x1F;
	p3 =	por !p3, p2  }
0x1d8: {  	s19 =	sand.u32 @!p2 s19, s15;
	s0 =	simm.s32 @p3 $0xCF6A0  }
0x1d9: {  	s0 =	ssub.s32 @!p2 s0, s19  }
0x1da: {  	s0 =	sadd.s32 @!p2 $0xFFF30960, s0  }
0x1db: {  	s19 =	sshll.u32 @!p2 s0, $0x2  }
0x1dc: {  	p3 =	sgt.s32 @!p2 s0, $0x1AF;
	s0 =	ssub.s32 @!p2 $0x6C0, s19  }
0x1dd: {  	p3 =	por !p3, p2;
	s0 =	sshrl.u32 @!p2 s0, $0x2  }
0x1de: {  	s21 =	simm.s32 @!p2 $0x8;
	s19 =	sand.u32 @!p2 $0x1, s20;
	s0 =	simm.s32 @!p3 $0x0  }
0x1df: {  	s19 =	smul.u32 @!p2 $0x6C0, s19;
	_ =	swait.ge @!p2 [sflag:s21], s0  }
0x1e0: {  	s22 =	ssub.s32 @!p2 $0x0, s0;
	[sflag:s21] =	ssyncset.done @!p2 $0x0  }
0x1e1: {  	s19 =	sshrl.u32 @!p2 s19, $0x2;
	[sflag:s21] =	ssyncadd.s32 @!p2 s22;
	s21 =	sshrl.u32 @!p2 s15, $0x3  }
0x1e2: {  	s19 =	sadd.s32 @!p2 $0x3D88, s19;
	s22 =	sand.u32 @!p2 $0x7, s15;
	s21 =	sadd.s32 @!p2 s6, s21  }
0x1e3: {  	[tilespmem:s19], [sflag:$0x9] =	stream.linear.gather @!p2 [hbm4b:s21+s22], s0, $0x38;
	[tilespmem:$0x1F0E8] =	vst v63  }
0x1e4: {  	s19 =	ssub.s32 @!p2 $0xCF850, s15  }
0x1e5: {  	p3 =	slt.s32 @!p2 s19, $0x1  }
0x1e6: {  	p3 =	por p2, p3  }
.Ltmp2:
0x1e7: {  	_ = 	snop;
	(pc) =	sbr.rel @p3 .LBB2_7-.Ltmp2, $1  }
0x1e8: {  	_ =	sdelay $0x3  }
0x1e9: {  	s0 =	smulhi.u32 $0xAAAAAAAB, s20;
	_ =	sdelay $0x1  }
0x1ea: {  	s0 =	sshrl.u32 s0, $0x1  }
0x1eb: {  	s0 =	smul.u32 $0x3, s0;
	_ =	sdelay $0x1  }
0x1ec: {  	s0 =	ssub.s32 s20, s0  }
0x1ed: {  	s21 =	simm.s32 $0x1;
	s0 =	smul.u32 $0x6C0, s0  }
.Ltmp3:
0x1ee: {  	s21 =	simm.s32 @!p0 $0x0;
	(pc) =	sbr.rel .LBB2_4-.Ltmp3, $4  }
0x1ef: {  	s31 =	smul.u32 $0x36000, s21  }
0x1f0: {  	p3 =	slt.s32 @!p2 s19, $0x1B0;
	s0 =	sshrl.u32 s0, $0x2  }
0x1f1: {  	p2 =	por !p3, p2;
	s20 =	sshrl.u32 s31, $0x2;
	s0 =	sadd.s32 $0x3878, s0  }
0x1f2: {  	s19 =	simm.s32 @p2 $0x1B0;
	s21 =	simm.s32 $0x0;
	s20 =	sadd.s32 $0x40E8, s20;
	v1 =	vmov s0  }
.LBB2_3:
0x1f3: {  	p2 =	sge.s32 s21, s19  }
.Ltmp4:
0x1f4: {  	_ = 	snop;
	(pc) =	sbr.rel @p2 .LBB2_7-.Ltmp4, $2  }
0x1f5: {  	_ =	sdelay $0x2  }
0x1f6: {  	s20 =	sadd.s32 $0x800, s20  }
.LBB2_4:
0x1f7: {  	p2 =	sle.s32 s19, s21  }
.Ltmp5:
0x1f8: {  	_ = 	snop;
	(pc) =	sbr.rel @p2 .LBB2_3-.Ltmp5, $2  }
0x1f9: {  	_ =	sdelay $0x2  }
0x1fa: {  	s22 =	smov.u32 s21;
	s21 =	sadd.s32 $0x10, s21  }
0x1fb: {  	s0 =	ssub.s32 s19, s22  }
0x1fc: {  	p2 =	slt.s32 s0, $0x10  }
0x1fd: {  	s0 =	simm.s32 @!p2 $0x10  }
0x1fe: {  	v2 =	vmov s0  }
0x1ff: {  	vm0 =	vgt.s32 v2, v0;
	_ =	sdelay $0x5  }
0x200: {  	v2 =	vld.idx.msk [tilespmem:v1+s22+$0x0 ss:$0x1], vm0;
	_ =	sdelay $0x2  }
0x201: {  	s23 =	smov.u32 s19;
	p2 =	slt.s32 s21, s19  }
0x202: {  	s24 =	smov.u32 s20;
	s25 =	simm.s32 $0x0;
	s23 =	smov.u32 @p2 s21  }
.LBB2_6:
0x203: {  	(v2sf) =	vpush v2, s25;
	_ =	sdelay $0xc  }
0x204: {  	s25 =	sadd.s32 $0x1, s25  }
0x205: {  	s31 =	sadd.s32 s25, s22  }
0x206: {  	p2 =	slt.s32 s31, s23;
	s0 =	spop (v2sf)  }
.Ltmp6:
0x207: {  	s0 =	sshll.u32 s0, $0x4;
	(pc) =	sbr.rel @p2 .LBB2_6-.Ltmp6, $4  }
0x208: {  	s0 =	sand.u32 $0x1FFFFFF0, s0  }
0x209: {  	s0 =	sadd.s32 s7, s0  }
0x20a: {  	[tilespmem:s24], [sflag:$0x7] =	stream.linear.gather [hbm4b:s0+s13], $0x8, $0x38;
	[tilespmem:$0x1F0E8] =	vst v63  }
0x20b: {  	s24 =	sadd.s32 $0x80, s24  }
.Ltmp7:
0x20c: {  	_ = 	snop;
	(pc) =	sbr.rel .LBB2_3-.Ltmp7, $1  }
0x20d: {  	_ =	sdelay $0x3  }
.LBB2_7:
0x20e: {  	p2 =	slt.u32 s17, $0x2  }
.Ltmp8:
0x20f: {  	_ = 	snop;
	(pc) =	sbr.rel @p2 .LBB2_20-.Ltmp8, $1  }
0x210: {  	_ =	sdelay $0x3  }
0x211: {  	p2 =	sgt.s32 s18, $0xCF6A0;
	s0 =	smov.u32 s18  }
0x212: {  	s19 =	sshra.s32 s18, $0x1F;
	s20 =	ssub.s32 $0xCF850, s18;
	s0 =	simm.s32 @!p2 $0xCF6A0  }
0x213: {  	s19 =	sand.u32 s19, s18;
	p2 =	slt.s32 s20, $0x1B0;
	s21 =	smov.u32 s20  }
0x214: {  	s0 =	ssub.s32 s0, s19;
	s21 =	simm.s32 @!p2 $0x1B0  }
0x215: {  	s0 =	sadd.s32 $0xFFF30960, s0;
	s26 =	sshll.u32 s21, $0x3  }
0x216: {  	s2 =	simm.s32 $0x7;
	s28 =	sshll.u32 s0, $0x2;
	s19 =	sand.u32 $0x3FFFFFF8, s26  }
0x217: {  	p2 =	sgt.s32 s0, $0x1AF;
	s29 =	ssub.s32 $0x6C0, s28;
	_ =	swait.ge [sflag:s2], s19  }
0x218: {  	s19 =	ssub.s32 $0x0, s19;
	[sflag:s2] =	ssyncset.done $0x0;
	s0 =	sshrl.u32 s29, $0x2  }
0x219: {  	s30 =	simm.s32 $0x9;
	[sflag:s2] =	ssyncadd.s32 s19;
	s0 =	simm.s32 @p2 $0x0  }
0x21a: {  	_ =	swait.ge [sflag:s30], s0  }
0x21b: {  	s0 =	ssub.s32 $0x0, s0;
	[sflag:s30] =	ssyncset.done $0x0  }
0x21c: {  	[sflag:s30] =	ssyncadd.s32 s0  }
0x21d: {  	v1 =	vld [tilespmem:$0x3648];
	_ =	sdelay $0x4  }
0x21e: {  	(v2sf) =	vpush v1, $0x0  }
0x21f: {  	(v2sf) =	vpush v1, $0x1  }
0x220: {  	(v2sf) =	vpush v1, $0x2;
	_ =	sdelay $0x3  }
0x221: {  	s0 =	sadd.s32 $0x1B0, s18  }
0x222: {  	p2 =	slt.s32 s4, s0  }
0x223: {  	s0 =	smov.u32 @p2 s4;
	p2 =	sgt.s32 s20, $0x0  }
0x224: {  	s22 =	ssub.s32 s0, s18;
	s20 =	simm.s32 @!p2 $0x0  }
0x225: {  	p2 =	slt.s32 s20, s22  }
0x226: {  	s22 =	smov.u32 @p2 s20  }
0x227: {  	s21 =	simm.s32 $0x1;
	p2 =	slt.s32 s22, $0x1  }
.Ltmp9:
0x228: {  	s21 =	simm.s32 @!p4 $0x0;
	(pc) =	sbr.rel @p2 .LBB2_12-.Ltmp9, $4  }
0x229: {  	s31 =	smul.u32 $0x6C0, s21  }
0x22a: {  	s23 =	spop (v2sf)  }
0x22b: {  	s0 =	sshrl.u32 s31, $0x2;
	s25 =	spop (v2sf)  }
0x22c: {  	s19 =	sadd.s32 $0x3D88, s0;
	s18 =	spop (v2sf)  }
0x22d: {  	s0 =	smin.u32 s22, $0x10  }
0x22e: {  	v1 =	vmov s0  }
0x22f: {  	p3 =	sgt.s32 s22, $0x10;
	vm1 =	vgt.u32 v1, v0  }
.Ltmp10:
0x230: {  	_ = 	snop;
	(pc) =	sbr.rel @!p3 .LBB2_11-.Ltmp10, $2  }
0x231: {  	_ =	sdelay $0x2  }
0x232: {  	s24 =	simm.s32 $0x10;
	s26 =	sadd.s32 $0xFFFFFFF0, s22;
	s20 =	smov.u32 s19;
	vm0 =	vmmov vm1  }
.LBB2_10:
0x233: {  	s0 =	smin.u32 s26, $0x10;
	s24 =	sadd.s32 $0x10, s24;
	v1 =	vld.msk [tilespmem:s20+$0x0 ss:$0x1], vm1  }
0x234: {  	v2 =	vmov s0;
	p3 =	slt.s32 s24, s22  }
0x235: {  	vm1 =	vgt.u32 v2, v0  }
.Ltmp11:
0x236: {  	(pc) =	sbr.rel @p3 .LBB2_10-.Ltmp11, $3  }
0x237: {  	_ =	sdelay $0x1  }
0x238: {  	v1 =	vshll.u32 v1, $0x4  }
0x239: {  	s26 =	sadd.s32 $0xFFFFFFF0, s26;
	[tilespmem:s20+$0x0] =	vst.msk vm0, v1;
	s20 =	sadd.s32 $0x10, s20;
	vm0 =	vmmov vm1  }
.LBB2_11:
0x23a: {  	_ =	sdelay $0x4  }
0x23b: {  	v1 =	vld.msk [tilespmem:s20+$0x0 ss:$0x1], vm1;
	_ =	sdelay $0x4  }
0x23c: {  	v1 =	vshll.u32 v1, $0x4  }
0x23d: {  	[tilespmem:s20+$0x0] =	vst.msk vm0, v1  }
.LBB2_12:
0x23e: {  	s0 =	sand.u32 $0x1, s17  }
0x23f: {  	s0 =	smul.u32 $0x1B0, s0  }
0x240: {  	p3 =	sne.s32 s25, $0xFFFFFFFF  }
0x241: {  	v1 =	vld.msk @!p3 [tilespmem:s0+$0x3D88], $0x1;
	_ =	sdelay $0x4  }
0x242: {  	(v2sf) =	vpush @!p3 v1, $0x0;
	_ =	sdelay $0xc  }
.Ltmp12:
0x243: {  	_ = 	snop;
	(pc) =	sbr.rel @p2 .LBB2_18-.Ltmp12, $4  }
0x244: {  	_ = 	snop  }
0x245: {  	s24 =	spop @!p3 (v2sf)  }
0x246: {  	s18 =	simm.s32 @!p3 $0x0;
	s20 =	smov.u32 s24  }
0x247: {  	[sflag:s14] =	ssyncpa.u1 $0x0;
	s24 =	smov.u32 @p3 s23;
	s20 =	smov.u32 @p3 s25  }
0x248: {  	v1 =	vld.msk [tilespmem:s19+$0x0], $0x1;
	_ =	sdelay $0x4  }
0x249: {  	(v2sf) =	vpush v1, $0x0;
	_ =	sdelay $0xd  }
0x24a: {  	s0 =	simm.s32 @!p4 $0x0  }
0x24b: {  	s26 =	smul.u32 $0x36000, s21;
	s25 =	ssub.s32 $0x0, s22;
	s28 =	spop (v2sf)  }
0x24c: {  	s0 =	simm.s32 @p4 $0x1;
	s23 =	sadd.s32 $0x1, s25;
	p2 =	seq.s32 s24, s28  }
0x24d: {  	[smem:$0x7FD] =	sst s0;
	s0 =	sshrl.u32 s26, $0x2;
	p3 =	sgt.s32 @!p2 s24, $0x0  }
0x24e: {  	s21 =	sadd.s32 $0x40E8, s0;
	s0 =	smov.u32 s24;
	p3 =	por !p3, p2  }
0x24f: {  	s0 =	simm.s32 @p3 $0x0;
	p3 =	seq.s32 s23, $0x0  }
.Ltmp13:
0x250: {  	_ = 	snop;
	(pc) =	sbr.rel @p3 .LBB2_15-.Ltmp13, $4  }
0x251: {  	s3 =	smov.u32 s8;
	s12 =	smov.u32 s5;
	s8 =	smov.u32 s6  }
0x252: {  	s22 =	simm.s32 $0x0;
	s29 =	simm.s32 @!p2 $0x1;
	s0 =	smin.u32 @!p2 s0, $0xC34FF  }
0x253: {  	s30 =	simm.s32 @!p2 $0x1B38;
	s29 =	smov.u32 @p2 s22;
	s26 =	sand.u32 @!p2 $0xFFFF8, s0  }
0x254: {  	s31 =	sand.u32 @!p2 $0x7, s0;
	s0 =	sadd.s32 @!p2 s1, s26;
	s26 =	sadd.s32 $0x1, s19  }
.LBB2_14:
0x255: {  	s2 =	smov.u32 s29  }
0x256: {  	[tilespmem:s30], [sflag:$0x2] =	stream.linear.gather @!p2 [hbm4b:s0+s31], $0x8, $0x38;
	[tilespmem:$0x1F0E8] =	vst v63  }
0x257: {  	s23 =	sadd.s32 $0x1, s23;
	s0 =	smov.u32 s28;
	v1 =	vld.msk [tilespmem:s26+$0x0], $0x1  }
0x258: {  	p3 =	seq.s32 s23, $0x0;
	_ =	sdelay $0x3  }
0x259: {  	(v2sf) =	vpush v1, $0x0;
	_ =	sdelay $0xe  }
0x25a: {  	s28 =	spop (v2sf)  }
0x25b: {  	p2 =	seq.s32 s0, s28  }
0x25c: {  	p4 =	sgt.s32 @!p2 s0, $0x0;
	s30 =	sshll.u32 @!p2 s29, $0x6;
	s29 =	sadd.s32 @!p2 $0x1, s29  }
.Ltmp14:
0x25d: {  	p4 =	por !p4, p2;
	s30 =	sshra.s32 @!p2 s30, $0x2;
	(pc) =	sbr.rel @!p3 .LBB2_14-.Ltmp14, $4  }
0x25e: {  	s29 =	smov.u32 @p2 s2;
	s0 =	simm.s32 @p4 $0x0;
	s30 =	sadd.s32 @!p2 $0x1B38, s30  }
0x25f: {  	s0 =	smin.u32 @!p2 s0, $0xC34FF  }
0x260: {  	s2 =	sand.u32 @!p2 $0xFFFF8, s0;
	s31 =	sand.u32 @!p2 $0x7, s0  }
0x261: {  	s26 =	sadd.s32 $0x1, s26;
	s0 =	sadd.s32 @!p2 s1, s2  }
.LBB2_15:
0x262: {  	[tilespmem:s30], [sflag:$0x2] =	stream.linear.gather @!p2 [hbm4b:s0+s31], $0x8, $0x38;
	[tilespmem:$0x1F0E8] =	vst v63  }
0x263: {  	s31 =	sshll.u32 s29, $0x3  }
0x264: {  	s2 =	simm.s32 $0x2;
	s0 =	sand.u32 $0x3FFFFFF8, s31  }
0x265: {  	_ =	swait.ge [sflag:s2], s0  }
0x266: {  	s0 =	ssub.s32 $0x0, s0;
	[sflag:s2] =	ssyncset.done $0x0  }
0x267: {  	[sflag:s2] =	ssyncadd.s32 s0  }
0x268: {  	v1 =	vld.msk [tilespmem:s19+$0x0], $0x1;
	_ =	sdelay $0x4  }
0x269: {  	(v2sf) =	vpush v1, $0x0;
	_ =	sdelay $0xe  }
0x26a: {  	s23 =	spop (v2sf)  }
0x26b: {  	p2 =	sne.s32 s24, s23  }
0x26c: {  	p4 =	sne.s32 @p2 s24, s20  }
0x26d: {  	p3 =	por !p4, !p2  }
0x26e: {  	s0 =	simm.s32 @!p3 $0x0  }
0x26f: {  	v1 =	vld.msk @!p3 [tilespmem:s0+$0x1B38], $0xff  }
0x270: {  	p5 =	sgt.u32 @!p3 s24, $0xC34FF  }
0x271: {  	s2 =	sshll.u32 @!p3 s18, $0x6;
	p6 =	por @p2 p5, !p4  }
0x272: {  	s2 =	sshra.s32 @!p3 s2, $0x2;
	p1 =	por p6, !p2;
	p6 =	por p4, !p2  }
0x273: {  	s26 =	sadd.s32 @!p3 $0x28, s2;
	s28 =	sand.u32 @!p1 $0xFFFF8, s24;
	s29 =	sshll.u32 @!p6 s18, $0x6  }
0x274: {  	s24 =	sand.u32 @!p1 $0x7, s24;
	[tilespmem:s2+$0x28] =	vst.add.f32.msk @!p3 $0xff, v1;
	s2 =	sadd.s32 @!p1 s1, s28;
	s28 =	sshra.s32 @!p6 s29, $0x2  }
0x275: {  	[hbm4b:s2+s24] =	stream.linear.scatter @!p1 [tilespmem:s26], [sflag:$0xA], $0x8, $0x38;
	[tilespmem:$0x1F0E8] =	vst v63  }
0x276: {  	s0 =	rddreg [dreg:$0x2];
	s2 =	sadd.s32 @!p6 $0x28, s28;
	s24 =	simm.s32 @!p6 $0x1  }
0x277: {  	[spmem:s0] =	stream.linear.scatter @!p6 [tilespmem:s2], [sflag:$0x1], $0x8, $0x38;
	[tilespmem:$0x1F0E8] =	vst v63  }
0x278: {  	s0 =	sadd.s32 @p2 $0x1, s18;
	_ =	swait.ge @!p6 [sflag:s24], $0x8  }
0x279: {  	s2 =	sshrl.u32 @p2 s0, $0x4;
	[sflag:s24] =	ssyncset.done @!p6 $0x0  }
0x27a: {  	s2 =	smulhi.u32 @p2 $0x97B425F, s2;
	[sflag:s24] =	ssyncadd.s32 @!p6 $0xFFFFFFF8  }
0x27b: {  	s24 =	sadd.s32 $0x1, s25;
	v1 =	vld.msk @p2 [tilespmem:s21+$0x0], $0xff  }
0x27c: {  	p1 =	por @p2 !p5, !p4;
	s2 =	smul.u32 @p2 $0x1B0, s2;
	p4 =	seq.s32 s24, $0x0  }
.Ltmp15:
0x27d: {  	p1 =	por !p1, !p2;
	s25 =	simm.s32 @!p3 $0x0;
	(pc) =	sbr.rel @p4 .LBB2_17-.Ltmp15, $4  }
0x27e: {  	s26 =	sshll.u32 @!p2 s18, $0x6;
	s25 =	simm.s32 @!p1 $0x20;
	s0 =	ssub.s32 @p2 s0, s2  }
0x27f: {  	s26 =	sshra.s32 @!p2 s26, $0x2;
	s28 =	sadd.s32 @!p3 $0x0, s25;
	s29 =	sshll.u32 @p2 s0, $0x4  }
0x280: {  	s25 =	simm.s32 $0x0;
	s2 =	simm.s32 @p2 $0x1;
	s28 =	smov.u32 @p3 s22;
	[tilespmem:s29+$0x28] =	vst.msk @p2 $0xff, v1  }
0x281: {  	s18 =	smov.u32 @p2 s0;
	s25 =	smov.u32 @p2 s28;
	s22 =	smov.u32 @p2 s2;
	v1 =	vld.msk @!p2 [tilespmem:s21+$0x0], $0xff  }
.LBB2_16:
0x282: {  	_ =	sdelay $0x3  }
0x283: {  	s19 =	sadd.s32 $0x1, s19;
	[tilespmem:s26+$0x28] =	vst.add.f32.msk @!p2 $0xff, v1  }
0x284: {  	v1 =	vld.msk [tilespmem:s19+$0x0], $0x1;
	_ =	sdelay $0x4  }
0x285: {  	(v2sf) =	vpush v1, $0x0;
	_ =	sdelay $0xe  }
0x286: {  	s0 =	smov.u32 s23;
	s23 =	spop (v2sf)  }
0x287: {  	p2 =	sne.s32 s0, s23  }
0x288: {  	p5 =	sne.s32 @p2 s0, s20  }
0x289: {  	p4 =	por !p5, !p2  }
0x28a: {  	s30 =	sshll.u32 @!p4 s22, $0x6  }
0x28b: {  	s30 =	sshra.s32 @!p4 s30, $0x2  }
0x28c: {  	p1 =	sgt.u32 @!p4 s0, $0xC34FF;
	v1 =	vld.msk @!p4 [tilespmem:s30+$0x1B38], $0xff  }
0x28d: {  	s31 =	sshll.u32 @!p4 s18, $0x6;
	p6 =	por @p2 p1, !p5;
	p1 =	por @p2 !p1, !p5  }
0x28e: {  	s5 =	simm.s32 @!p4 $0x0;
	s31 =	sshra.s32 @!p4 s31, $0x2;
	p1 =	por !p1, !p2  }
0x28f: {  	p5 =	por p5, !p2;
	s5 =	simm.s32 @!p1 $0x20;
	p1 =	por p6, !p2  }
0x290: {  	s30 =	sadd.s32 @!p4 $0x28, s31;
	s6 =	sshll.u32 @!p5 s18, $0x6;
	s10 =	sand.u32 @!p1 $0xFFFF8, s0  }
0x291: {  	s6 =	sshra.s32 @!p5 s6, $0x2;
	s0 =	sand.u32 @!p1 $0x7, s0;
	s10 =	sadd.s32 @!p1 s1, s10;
	[tilespmem:s31+$0x28] =	vst.add.f32.msk @!p4 $0xff, v1  }
0x292: {  	[hbm4b:s10+s0] =	stream.linear.scatter @!p1 [tilespmem:s30], [sflag:$0xA], $0x8, $0x38;
	[tilespmem:$0x1F0E8] =	vst v63  }
0x293: {  	s2 =	rddreg [dreg:$0x2];
	s0 =	sadd.s32 @!p5 $0x28, s6;
	s6 =	simm.s32 @!p5 $0x1  }
0x294: {  	[spmem:s2] =	stream.linear.scatter @!p5 [tilespmem:s0], [sflag:$0x1], $0x8, $0x38;
	[tilespmem:$0x1F0E8] =	vst v63  }
0x295: {  	s28 =	sadd.s32 @p2 $0x1, s18;
	_ =	swait.ge @!p5 [sflag:s6], $0x8  }
0x296: {  	s29 =	sshrl.u32 @p2 s28, $0x4;
	[sflag:s6] =	ssyncset.done @!p5 $0x0  }
0x297: {  	s21 =	sadd.s32 $0x80, s21;
	s29 =	smulhi.u32 @p2 $0x97B425F, s29;
	[sflag:s6] =	ssyncadd.s32 @!p5 $0xFFFFFFF8  }
0x298: {  	s24 =	sadd.s32 $0x1, s24;
	v1 =	vld.msk @p2 [tilespmem:s21+$0x0], $0xff  }
0x299: {  	p3 =	seq.s32 s24, $0x0;
	s29 =	smul.u32 @p2 $0x1B0, s29  }
.Ltmp16:
0x29a: {  	_ = 	snop;
	(pc) =	sbr.rel @!p3 .LBB2_16-.Ltmp16, $4  }
0x29b: {  	s28 =	ssub.s32 @p2 s28, s29  }
0x29c: {  	s26 =	sshll.u32 @!p2 s18, $0x6;
	s5 =	sadd.s32 @!p4 s5, s25;
	s10 =	sshll.u32 @p2 s28, $0x4  }
0x29d: {  	s9 =	sadd.s32 @p2 $0x1, s22;
	s26 =	sshra.s32 @!p2 s26, $0x2;
	s5 =	smov.u32 @p4 s25;
	[tilespmem:s10+$0x28] =	vst.msk @p2 $0xff, v1  }
0x29e: {  	s22 =	smov.u32 @p2 s9;
	s18 =	smov.u32 @p2 s28;
	s25 =	smov.u32 @p2 s5;
	v1 =	vld.msk @!p2 [tilespmem:s21+$0x0], $0xff  }
.LBB2_17:
.Ltmp17:
0x29f: {  	_ = 	snop;
	(pc) =	sbr.rel .LBB2_19-.Ltmp17, $4  }
0x2a0: {  	s2 =	sld [smem:$0x7FD]  }
0x2a1: {  	s0 =	sshrl.u32 s25, $0x2  }
0x2a2: {  	s24 =	smov.u32 s23;
	s6 =	smov.u32 s8;
	s5 =	smov.u32 s12  }
0x2a3: {  	s8 =	smov.u32 s3;
	s3 =	rddreg [dreg:$0x3];
	p4 =	seq.s32 s2, $0x1;
	[tilespmem:s26+$0x28] =	vst.add.f32.msk @!p2 $0xff, v1  }
.LBB2_21:
0x2a4: {  	_ =	sfence.sel $0x180000  }
0x2a5: {  	s0 =	simm.s32 $0x7;
	[bflag:$0x0] =	sbarrier.arrive $0xFFFF  }
0x2a6: {  	s25 =	simm.s32 $0x8;
	[sflag:s0] =	ssyncpa.u1 $0x1  }
0x2a7: {  	s26 =	simm.s32 $0x9;
	[sflag:s25] =	ssyncpa.u1 $0x1  }
0x2a8: {  	s28 =	simm.s32 $0x2;
	[sflag:s26] =	ssyncpa.u1 $0x1  }
0x2a9: {  	[sflag:s28] =	ssyncpa.u1 $0x1  }
0x2aa: {  	v0 =	vld [tilespmem:$0x3648];
	_ =	sdelay $0x4  }
0x2ab: {  	(v2sf) =	vpush v0, $0x0  }
0x2ac: {  	(v2sf) =	vpush v0, $0x1;
	_ =	sdelay $0x1  }
0x2ad: {  	(v2sf) =	vpush v0, $0x2;
	_ =	sdelay $0xb  }
0x2ae: {  	s0 =	spop (v2sf)  }
0x2af: {  	s2 =	spop (v2sf)  }
0x2b0: {  	s3 =	smov.u32 s0;
	p0 =	sne.s32 s0, s2  }
0x2b1: {  	s4 =	spop (v2sf);
	s3 =	simm.s32 @!p0 $0xFFFFFFFF  }
0x2b2: {  	v2 =	vimm.s32 $0x1;
	v3 =	vlaneseq.u32;
	p0 =	seq.s32 s4, $0xFFFFFFFF;
	v1 =	vmov s3  }
0x2b3: {  	s7 =	stileid.u32;
	v0 =	vperm.xlane v0, v2;
	p1 =	sne.s32 @!p0 s0, s2;
	v1 =	vperm.xlane v1, v3  }
0x2b4: {  	vm0 =	vcmask $0x3F04;
	s6 =	simm.s32 $0x3648;
	s0 =	simm.s32 @!p0 $0x1;
	p1 =	por !p1, p0  }
0x2b5: {  	s3 =	sshll.u32 s7, $0x1;
	s2 =	sshll.u32 @!p0 s4, $0x6;
	s0 =	simm.s32 @p1 $0x0;
	v0 =	vsel vm0, v1, v0  }
0x2b6: {  	s5 =	sor.u32 $0x200, s3;
	s2 =	sshra.s32 @!p0 s2, $0x2;
	s0 =	sor.u32 @!p0 s0, s3;
	[tilespmem:$0x3648] =	vst v0  }
0x2b7: {  	[spmem:s5] =	stream.linear.scatter [tilespmem:s6], [sflag:$0x1], $0x2, $0x38;
	[tilespmem:$0x1F0E8] =	vst v63  }
0x2b8: {  	s2 =	sadd.s32 @!p0 $0x28, s2;
	s0 =	sshll.u32 @!p0 s0, $0x4  }
0x2b9: {  	[spmem:s0] =	stream.linear.scatter @!p0 [tilespmem:s2], [sflag:$0x1], $0x10, $0x38;
	[tilespmem:$0x1F0E8] =	vst v63  }
0x2ba: {  	s0 =	simm.s32 @!p0 $0x12  }
0x2bb: {  	s3 =	simm.s32 $0x1;
	s0 =	simm.s32 @p0 $0x2  }
0x2bc: {  	_ =	swait.ge [sflag:s3], s0  }
0x2bd: {  	s0 =	ssub.s32 $0x0, s0;
	[sflag:s3] =	ssyncset.done $0x0  }
0x2be: {  	[sflag:s3] =	ssyncadd.s32 s0  }
0x2bf: {  	_ =	sfence.stream.spmem  }
0x2c0: {  	s29 =	simm.s32 $0x3;
	[bflag:$0x0] =	sbarrier.arrive $0xFFFF  }
0x2c1: {  	s30 =	simm.s32 $0x4;
	[sflag:s29] =	ssyncpa.u1 $0x1  }
0x2c2: {  	s31 =	simm.s32 $0x3C;
	[sflag:s30] =	ssyncpa.u1 $0x1  }
0x2c3: {  	p0 =	sne.s32 s7, $0x0;
	[sflag:s31] =	ssyncpa.u1 $0x1  }
0x2c4: {  	_ =	sfence @p0  }
0x2c5: {  	[sflag:s3] =	ssyncpa.u1 @p0 $0x1  }
0x2c6: {  	_ =	strace @p0 $0x90000047  }
0x2c7: {  	[bflag:$0x2] =	sbarrier.arrive @p0 $0xFFFF  }
0x2c8: {  	_ =	shalt @p0  }
.LBB2_22:
0x2c9: {  	_ =	sfence.stream.spmem;
	s0 =	simm.s32 $0x5  }
0x2ca: {  	s2 =	simm.s32 $0x200;
	s3 =	simm.s32 $0x3658;
	[sflag:s0] =	ssyncpa.u1 $0x0  }
0x2cb: {  	[tilespmem:s3], [sflag:$0x5] =	stream.linear.gather [spmem:s2], $0x20, $0x38;
	[tilespmem:$0x1F0E8] =	vst v63  }
0x2cc: {  	s30 =	simm.s32 $0x3678;
	s2 =	simm.s32 $0x0  }
0x2cd: {  	[tilespmem:s30], [sflag:$0x5] =	stream.linear.gather [spmem:s2], $0x200, $0x38;
	[tilespmem:$0x1F0E8] =	vst v63  }
.Ltmp18:
0x2ce: {  	_ = 	snop;
	(pc) =	sbr.rel .LBB2_23-.Ltmp18, $4  }
0x2cf: {  	_ =	swait.ge [sflag:s0], $0x220  }
0x2d0: {  	[sflag:s0] =	ssyncset.done $0x0  }
0x2d1: {  	s31 =	simm.s32 $0x6;
	[sflag:s0] =	ssyncadd.s32 $0xFFFFFDE0  }
0x2d2: {  	s3 =	simm.s32 $0x0;
	[sflag:s31] =	ssyncpa.u1 $0x0  }
.LBB2_28:
0x2d3: {  	p0 =	slt.u32 s4, $0xC3500  }
0x2d4: {  	s0 =	sand.u32 @p0 $0xFFFF8, s4  }
0x2d5: {  	s4 =	sand.u32 @p0 $0x7, s4;
	s5 =	simm.s32 @p0 $0x3638;
	s0 =	sadd.s32 @p0 s1, s0  }
0x2d6: {  	[tilespmem:s5], [sflag:$0x6] =	stream.linear.gather @p0 [hbm4b:s0+s4], $0x8, $0x38;
	[tilespmem:$0x1F0E8] =	vst v63  }
0x2d7: {  	s0 =	simm.s32 @p0 $0x6  }
0x2d8: {  	_ =	swait.ge @p0 [sflag:s0], $0x8  }
0x2d9: {  	[sflag:s0] =	ssyncset.done @p0 $0x0  }
0x2da: {  	[sflag:s0] =	ssyncadd.s32 @p0 $0xFFFFFFF8  }
0x2db: {  	v1 =	vld @p0 [tilespmem:$0x3638];
	_ =	sdelay $0x2  }
0x2dc: {  	s0 =	sshll.u32 @p0 s3, $0x6  }
0x2dd: {  	s5 =	sshll.u32 @!p0 s3, $0x6;
	s4 =	sshrl.u32 @p0 s0, $0x2  }
0x2de: {  	s5 =	smov.u32 @p0 s0;
	[tilespmem:s4+$0x3678] =	vst.add.f32.msk @p0 $0xffff, v1  }
0x2df: {  	s0 =	sshrl.u32 s5, $0x2;
	[tilespmem:s2+$0x3658] =	vst.msk $0x1, v0  }
0x2e0: {  	v0 =	vld [tilespmem:s0+$0x3678];
	_ =	sdelay $0x2  }
0x2e1: {  	s31 =	sshll.u32 s2, $0x6  }
0x2e2: {  	s0 =	sshra.s32 s31, $0x2  }
0x2e3: {  	s2 =	sadd.s32 $0x1, s2;
	[tilespmem:s0+$0x3678] =	vst v0  }
.LBB2_30:
0x2e4: {  	s3 =	sadd.s32 $0x1, s3  }
0x2e5: {  	p0 =	sne.s32 s3, $0x20  }
.Ltmp19:
0x2e6: {  	_ = 	snop;
	(pc) =	sbr.rel @!p0 .LBB2_31-.Ltmp19, $1  }
0x2e7: {  	_ =	sdelay $0x3  }
.LBB2_23:
0x2e8: {  	v0 =	vld.msk [tilespmem:s3+$0x3658], $0x1;
	_ =	sdelay $0x4  }
0x2e9: {  	(v2sf) =	vpush v0, $0x0;
	_ =	sdelay $0xe  }
0x2ea: {  	s4 =	spop (v2sf)  }
0x2eb: {  	p0 =	seq.s32 s4, $0xFFFFFFFF  }
.Ltmp20:
0x2ec: {  	_ = 	snop;
	(pc) =	sbr.rel @p0 .LBB2_30-.Ltmp20, $1  }
0x2ed: {  	_ =	sdelay $0x3  }
0x2ee: {  	p0 =	slt.s32 s2, $0x1  }
.Ltmp21:
0x2ef: {  	_ = 	snop;
	(pc) =	sbr.rel @p0 .LBB2_28-.Ltmp21, $1  }
0x2f0: {  	_ =	sdelay $0x3  }
0x2f1: {  	s5 =	simm.s32 $0x3658;
	p0 =	por $0x0, $0x0  }
0x2f2: {  	v1 =	vld.msk @!p0 [tilespmem:s5+$0x0], $0x1;
	_ =	sdelay $0x4  }
0x2f3: {  	(v2sf) =	vpush @!p0 v1, $0x0;
	_ =	sdelay $0xd  }
0x2f4: {  	p2 =	sne.s32 s2, $0x1  }
.Ltmp22:
0x2f5: {  	s0 =	spop @!p0 (v2sf);
	(pc) =	sbr.rel @!p2 .LBB2_27-.Ltmp22, $4  }
0x2f6: {  	p1 =	seq.s32 @!p0 s4, s0  }
0x2f7: {  	s6 =	simm.s32 $0x0;
	p1 =	por !p1, p0  }
0x2f8: {  	s0 =	simm.s32 $0xFFFFFFFF;
	s6 =	simm.s32 @p1 $0xFFFFFFFF  }
0x2f9: {  	s7 =	simm.s32 $0x1;
	s6 =	smov.u32 @p0 s0  }
.LBB2_26:
0x2fa: {  	s0 =	smov.u32 s6;
	p0 =	sne.s32 s6, $0xFFFFFFFF  }
0x2fb: {  	s5 =	sadd.s32 $0x1, s5;
	s6 =	smov.u32 s7;
	s7 =	sadd.s32 $0x1, s7  }
0x2fc: {  	p1 =	sne.s32 s2, s7;
	v1 =	vld.msk @!p0 [tilespmem:s5+$0x0], $0x1;
	_ =	sdelay $0x4  }
0x2fd: {  	(v2sf) =	vpush @!p0 v1, $0x0;
	_ =	sdelay $0xe  }
.Ltmp23:
0x2fe: {  	s8 =	spop @!p0 (v2sf);
	(pc) =	sbr.rel @p1 .LBB2_26-.Ltmp23, $4  }
0x2ff: {  	p2 =	seq.s32 @!p0 s4, s8  }
0x300: {  	p2 =	por !p2, p0  }
0x301: {  	s6 =	simm.s32 @p2 $0xFFFFFFFF  }
0x302: {  	s6 =	smov.u32 @p0 s0  }
.LBB2_27:
0x303: {  	p0 =	sne.s32 s6, $0xFFFFFFFF  }
.Ltmp24:
0x304: {  	_ = 	snop;
	(pc) =	sbr.rel @!p0 .LBB2_28-.Ltmp24, $1  }
0x305: {  	_ =	sdelay $0x3  }
0x306: {  	s0 =	sshll.u32 s3, $0x4  }
0x307: {  	s0 =	sand.u32 $0x3FFFFFF0, s0  }
0x308: {  	v0 =	vld [tilespmem:s0+$0x3678]  }
.Ltmp25:
0x309: {  	_ = 	snop;
	(pc) =	sbr.rel .LBB2_30-.Ltmp25, $4  }
0x30a: {  	_ = 	snop  }
0x30b: {  	s31 =	sshll.u32 s6, $0x6  }
0x30c: {  	s0 =	sshra.s32 s31, $0x2  }
0x30d: {  	[tilespmem:s0+$0x3678] =	vst.add.f32.msk $0xffff, v0  }
.LBB2_31:
0x30e: {  	p0 =	slt.s32 s2, $0x1  }
.Ltmp26:
0x30f: {  	_ = 	snop;
	(pc) =	sbr.rel @p0 .LBB2_35-.Ltmp26, $3  }
0x310: {  	_ =	sdelay $0x1  }
0x311: {  	s0 =	simm.s32 $0x6  }
0x312: {  	s3 =	simm.s32 $0x0;
	[sflag:s0] =	ssyncpa.u1 $0x1  }
0x313: {  	s0 =	simm.s32 $0x3658  }
0x314: {  	v0 =	vld.msk [tilespmem:s0+$0x0], $0x1;
	_ =	sdelay $0x4  }
0x315: {  	(v2sf) =	vpush v0, $0x0;
	_ =	sdelay $0xd  }
0x316: {  	s2 =	sadd.s32 $0xFFFFFFFF, s2  }
0x317: {  	p1 =	sne.s32 s2, $0x0;
	s0 =	spop (v2sf)  }
.Ltmp27:
0x318: {  	p0 =	sgt.u32 s0, $0xC34FF;
	(pc) =	sbr.rel @!p1 .LBB2_34-.Ltmp27, $4  }
0x319: {  	s4 =	simm.s32 $0x3678;
	s5 =	sand.u32 @!p0 $0xFFFF8, s0  }
0x31a: {  	s6 =	simm.s32 $0x0;
	s0 =	sand.u32 @!p0 $0x7, s0;
	s5 =	sadd.s32 @!p0 s1, s5  }
0x31b: {  	[hbm4b:s5+s0] =	stream.linear.scatter @!p0 [tilespmem:s4], [sflag:$0x5], $0x8, $0x38;
	[tilespmem:$0x1F0E8] =	vst v63  }
0x31c: {  	s6 =	simm.s32 @!p0 $0x20;
	s5 =	simm.s32 $0x3659  }
.LBB2_33:
0x31d: {  	v0 =	vld.msk [tilespmem:s5+$0x0], $0x1;
	s2 =	sadd.s32 $0xFFFFFFFF, s2;
	s3 =	sadd.s32 s3, s6  }
0x31e: {  	p0 =	sne.s32 s2, $0x0;
	_ =	sdelay $0x3  }
0x31f: {  	(v2sf) =	vpush v0, $0x0;
	_ =	sdelay $0xe  }
.Ltmp28:
0x320: {  	s0 =	spop (v2sf);
	(pc) =	sbr.rel @p0 .LBB2_33-.Ltmp28, $4  }
0x321: {  	s6 =	simm.s32 $0x0;
	p1 =	sgt.u32 s0, $0xC34FF  }
0x322: {  	s4 =	sadd.s32 $0x10, s4;
	s6 =	simm.s32 @!p1 $0x20;
	s7 =	sand.u32 @!p1 $0xFFFF8, s0  }
0x323: {  	s5 =	sadd.s32 $0x1, s5;
	s0 =	sand.u32 @!p1 $0x7, s0;
	s7 =	sadd.s32 @!p1 s1, s7  }
0x324: {  	[hbm4b:s7+s0] =	stream.linear.scatter @!p1 [tilespmem:s4], [sflag:$0x5], $0x8, $0x38;
	[tilespmem:$0x1F0E8] =	vst v63  }
.LBB2_34:
0x325: {  	s0 =	sadd.s32 s3, s6  }
0x326: {  	s3 =	sshrl.u32 s0, $0x2  }
.LBB2_35:
0x327: {  	s0 =	simm.s32 $0x5  }
0x328: {  	_ =	swait.ge [sflag:s0], s3  }
0x329: {  	s1 =	ssub.s32 $0x0, s3;
	[sflag:s0] =	ssyncset.done $0x0  }
0x32a: {  	[sflag:s0] =	ssyncadd.s32 s1  }
0x32b: {  	[sflag:s0] =	ssyncpa.u1 $0x1  }
0x32c: {  	s30 =	simm.s32 $0x1;
	_ =	sfence  }
0x32d: {  	[sflag:s30] =	ssyncpa.u1 $0x1  }
0x32e: {  	_ =	strace $0x90000047  }
0x32f: {  	[bflag:$0x2] =	sbarrier.arrive $0xFFFF  }
0x330: {  	s31 =	rddreg [dreg:$0x1]  }
0x331: {  	s0 =	sadd.s32 $0x100000, s31  }
0x332: {  	[sflag:s0] =	ssyncadd.tile.s32 $0x1;
	_ =	shalt  }
.Lfunc_end2:
_tile_overlayer_lowered:
.L_overlay_start_2:
0x333: {  	(tag) =	ssettag $0x2  }
0x334: {  	s0 =	rddreg [dreg:$0x0];
	s2 =	stileid.u32  }
0x335: {  	s1 =	rddreg [dreg:$0x1];
	p0 =	sne.s32 s2, $0x0  }
0x336: {  	s3 =	rddreg [dreg:$0x2];
	[bflag:$0x3] =	sbarrier.arrive $0xFFFF;
	s2 =	simm.s32 @!p0 $0x1C01  }
0x337: {  	[timem:s3], [sflag:s2] =	dma.local @!p0 [hbm:s0], s1  }
0x338: {  	s0 =	simm.s32 @!p0 $0x1  }
0x339: {  	_ =	swait.ge @!p0 [sflag:s0], s1  }
0x33a: {  	s1 =	ssub.s32 @!p0 $0x0, s1;
	[sflag:s0] =	ssyncset.done @!p0 $0x0  }
0x33b: {  	[sflag:s0] =	ssyncadd.s32 @!p0 s1  }
0x33c: {  	[bflag:$0x3] =	sbarrier.arrive $0xFFFF  }
0x33d: {  	_ =	shalt  }

// kernel: sparse-core-data-format-call.1.cloned.1.call-start
scs
called_computation.4_lowered:
.L_overlay_start_0:
0x0: {  	s1 =	sld [smem:$0x3FD9]  }
0x1: {  	s2 =	sld [smem:$0x3FFE];
	_ =	sdelay $0x1  }
0x2: {  	s3 =	srdreg.scid  }
0x3: {  	s0 =	sand.u32 $0x1, s3  }
0x4: {  	s17 =	sshll.u32 s0, $0xA;
	s1 =	sadd.s32 s2, s1  }
0x5: {  	s1 =	sadd.s32 s1, s17  }
0x6: {  	[smem:$0x3FB2] =	sst s1  }
0x7: {  	_ = 	snop  }
0x8: {  	(tm) =	ssettm $0x1  }
0x9: {  	s18 =	sld [smem:$0x3FFB];
	_ =	sdelay $0x3  }
0xa: {  	_ =	strace s18  }
0xb: {  	s1 =	sld [smem:$0x3FFC];
	_ =	sdelay $0x3  }
0xc: {  	_ =	strace s1  }
0xd: {  	s1 =	sld [smem:$0x3FFD];
	_ =	sdelay $0x3  }
0xe: {  	_ =	strace s1  }
0xf: {  	_ =	strace $0x8FFFFFFF  }
0x10: {  	s19 =	sld [smem:$0x3FDB];
	_ =	sdelay $0x1  }
0x11: {  	s20 =	simm.s32 $_scs_section_size  }
0x12: {  	s4 =	simm.s32 $_size__tile_overlayer_lowered;
	s5 =	simm.s32 $_tile_overlayer_lowered  }
0x13: {  	s23 =	simm.s32 $0x1BFF;
	s22 =	sshll.u32 s5, $0x1;
	s1 =	sadd.s32 s20, s19  }
0x14: {  	s6 =	simm.s32 $0x0;
	s21 =	sshll.u32 s4, $0x1;
	s4 =	sadd.s32 s22, s1  }
0x15: {  	[timem:s6], [sflag:s23] =	dma.local [hbm:s4], s21  }
0x16: {  	_ =	swait.ge [sflag:s23], s21  }
0x17: {  	s2 =	ssub.s32 $0x0, s21;
	[sflag:s23] =	ssyncset.done $0x0  }
0x18: {  	[sflag:s23] =	ssyncadd.s32 s2;
	_ =	sdelay $0x1  }
0x19: {  	s24 =	simm.s32 $0x1B8B  }
0x1a: {  	_ =	swait.ge [sflag:s24], $0x1  }
0x1b: {  	[sflag:s24] =	ssyncset.done $0x0  }
0x1c: {  	s26 =	simm.s32 $0x1B8E;
	s25 =	sld [smem:$0x3FFE];
	[sflag:s24] =	ssyncadd.s32 $0xFFFFFFFF  }
0x1d: {  	s27 =	simm.s32 $execute0_lowered;
	[smem:$0x3FD2] =	sst s26  }
0x1e: {  	s4 =	sshll.u32 s27, $0x1;
	_ =	strace $0x8000004F;
	[dreg:$0x1] =	wrdreg $0xFFFFFFFF  }
0x1f: {  	s28 =	simm.s32 $_size_execute0_lowered;
	s1 =	sadd.s32 s1, s4;
	[dreg:$0x0] =	wrdreg $0x0  }
0x20: {  	s4 =	sshll.u32 s28, $0x1;
	[dreg:$0x2] =	wrdreg s1  }
0x21: {  	[dreg:$0x3] =	wrdreg s4  }
0x22: {  	[dreg:$0x4] =	wrdreg $0xC0  }
0x23: {  	_ =	task [dreg:s6], $0x5FFFF  }
0x24: {  	[dreg:$0x1] =	wrdreg $0xFFFFFFFF  }
0x25: {  	[dreg:$0x0] =	wrdreg $0x60  }
0x26: {  	[dreg:$0x2] =	wrdreg s25  }
0x27: {  	[dreg:$0x3] =	wrdreg $0x9  }
0x28: {  	_ =	task.clear_ibuf [dreg:s6], $0x4FFFF;
	_ =	strace $0x9000004F  }
0x29: {  	s29 =	simm.s32 $0x9;
	_ =	strace $0x80000051  }
0x2a: {  	_ =	swait.ge [sflag:s29], $0x1  }
0x2b: {  	[sflag:s29] =	ssyncadd.s32 $0xFFFFFFFF  }
0x2c: {  	_ =	strace $0x90000051  }
0x2d: {  	_ =	sfence  }
0x2e: {  	s30 =	sld [smem:$0x0];
	_ =	sdelay $0x2  }
0x2f: {  	s31 =	sshll.u32 s3, $0xD;
	s3 =	sshrl.u32 s3, $0x2  }
0x30: {  	s2 =	sand.u32 $0x4000, s31;
	s1 =	sadd.s32 s3, s30  }
0x31: {  	s0 =	sor.u32 s2, s0;
	s1 =	sshll.u32 s1, $0x11  }
0x32: {  	s0 =	sor.u32 s1, s0  }
0x33: {  	s0 =	sadd.s32 $0x8F2B, s0  }
0x34: {  	[sflag:s0] =	ssyncadd.remote.s32 $0x1  }
0x35: {  	_ =	sfence.sel $0xFFFF  }
0x36: {  	[dreg:$0x0] =	wrdreg $0xFFFFFFFF;
	(pc) =	sbr.abs _section_cstart, $3  }
0x37: {  	[dreg:$0x1] =	wrdreg $0xFFFFFFFF  }
0x38: {  	_ =	task.clear_ibuf [dreg:s6], $0x2FFFF;
	_ =	strace $0x9FFFFFFF  }
0x39: {  	(tm) =	ssettm $0x7FFFFFFF  }
tec
execute0_lowered:
.L_overlay_start_1:
0x0: {  	(tag) =	ssettag $0x1  }
0x1: {  	s0 =	rddreg [dreg:$0x0];
	_ =	strace $0x80000050;
	s3 =	stileid.u32  }
0x2: {  	s28 =	srdreg.scid;
	s6 =	simm.s32 $0x1;
	s31 =	simm.s32 $0x2  }
0x3: {  	s26 =	simm.s32 $0x0;
	p0 =	por $0x0, $0x0;
	s16 =	simm.s32 $0x67C400  }
0x4: {  	s27 =	simm.s32 $0x0;
	s25 =	simm.s32 $0x0;
	s18 =	simm.s32 $0x0  }
0x5: {  	s19 =	simm.s32 $0x0;
	s20 =	simm.s32 $0x0;
	s23 =	simm.s32 $0x0  }
0x6: {  	s24 =	simm.s32 $0x0;
	s1 =	sadd.s32 $0x5A4A00, s0;
	s2 =	sshll.u32 s3, $0x4  }
0x7: {  	s5 =	sshll.u32 s3, $0x6;
	s29 =	sadd.s32 $0x1F95A00, s0;
	[sflag:s6] =	ssyncpa.u1 $0x0  }
0x8: {  	s9 =	sadd.s32 $0xF5F000, s0;
	[dreg:$0x2] =	wrdreg s1;
	s1 =	sshll.u32 s28, $0xA  }
0x9: {  	s11 =	sadd.s32 $0x129D200, s0;
	s4 =	sand.u32 $0x10, s2;
	s1 =	sor.u32 s5, s1  }
0xa: {  	s12 =	sadd.s32 $0x15DB400, s0;
	s30 =	ssub.s32 $0x20, s4;
	s5 =	sand.u32 $0x780, s1  }
0xb: {  	s7 =	sshrl.u32 s30, $0x4;
	s1 =	sshrl.u32 s30, $0x5;
	s8 =	ssub.s32 $0xCF800, s5  }
.Ltmp0:
0xc: {  	s7 =	sand.u32 $0x1, s7;
	s8 =	sshrl.u32 s8, $0xB;
	(pc) =	sbr.rel .LBB1_1-.Ltmp0, $4  }
0xd: {  	s13 =	sadd.s32 $0x1919600, s0;
	s1 =	sadd.s32 s1, s7;
	s10 =	sadd.s32 $0x1, s8  }
0xe: {  	s14 =	sadd.s32 $0x1C57800, s0;
	[dreg:$0x3] =	wrdreg s29;
	s10 =	smul.u32 s1, s10  }
0xf: {  	[sflag:s31] =	ssyncpa.u1 $0x0;
	s22 =	smov.u32 s4;
	s21 =	smov.u32 s5  }
0x10: {  	s7 =	sadd.s32 $0x8E2C00, s0;
	s8 =	sadd.s32 $0xC20E00, s0;
	s15 =	sadd.s32 $0x1, s10  }
.LBB1_9:
0x11: {  	p1 =	slt.u32 s24, $0x2  }
0x12: {  	s0 =	smov.u32 s26;
	s2 =	smov.u32 s27;
	p2 =	sgt.s32 @!p1 s26, $0xCF7D0  }
0x13: {  	s1 =	sshra.s32 @!p1 s26, $0x1F;
	s3 =	sshra.s32 @!p1 s27, $0x1F;
	p2 =	por !p2, p1  }
0x14: {  	s17 =	ssub.s32 @!p1 $0x0, s25;
	s0 =	simm.s32 @p2 $0xCF7D0;
	p2 =	sgt.s32 @!p1 s27, $0x70  }
0x15: {  	s1 =	sand.u32 @!p1 s1, s26;
	s3 =	sand.u32 @!p1 s3, s27;
	p2 =	por !p2, p1  }
0x16: {  	s0 =	ssub.s32 @!p1 s0, s1;
	s1 =	smin.u32 @!p1 s25, s17;
	s2 =	simm.s32 @p2 $0x70  }
0x17: {  	p2 =	sgt.s32 @!p1 s1, $0x7;
	s2 =	ssub.s32 @!p1 s2, s3  }
0x18: {  	s1 =	ssub.s32 @!p1 $0x8, s1;
	s3 =	sadd.s32 @!p1 $0xFFF30830, s0;
	s17 =	sadd.s32 @!p1 $0xFFFFFF90, s2  }
0x19: {  	p2 =	por !p2, p1;
	s0 =	ssub.s32 @!p1 $0xCF850, s0;
	p3 =	sgt.s32 @!p1 s17, $0xF  }
0x1a: {  	s1 =	simm.s32 @!p2 $0x0;
	s2 =	ssub.s32 @!p1 $0x80, s2;
	p2 =	por !p3, p1  }
0x1b: {  	s17 =	smov.u32 s22;
	p3 =	sgt.s32 @!p1 s3, $0x7F;
	s2 =	simm.s32 @!p2 $0x0  }
0x1c: {  	p2 =	por !p3, p1;
	s1 =	smul.u32 @!p1 s1, s2;
	s2 =	sadd.s32 $0x800, s21  }
0x1d: {  	s3 =	sadd.s32 $0x20, s22;
	s0 =	simm.s32 @!p2 $0x0;
	p2 =	sgt.s32 s2, $0xCF84F  }
0x1e: {  	s0 =	smul.u32 @!p1 s0, s1;
	s17 =	smov.u32 @p2 s3  }
0x1f: {  	s1 =	sadd.s32 $0x8, s23;
	s3 =	smov.u32 s23;
	p3 =	sgt.s32 s17, $0x1F  }
0x20: {  	p0 =	por !p0, !p0;
	s26 =	smov.u32 s18;
	s3 =	smov.u32 @p3 s1  }
0x21: {  	s18 =	smov.u32 s21;
	s2 =	smov.u32 @p2 s5;
	p2 =	sgt.s32 s3, $0x7  }
0x22: {  	s27 =	smov.u32 s19;
	s3 =	simm.s32 @p2 $0x0;
	p2 =	sne.s32 s24, s15  }
.Ltmp1:
0x23: {  	s19 =	smov.u32 s22;
	s25 =	smov.u32 s20;
	(pc) =	sbr.rel @!p2 .LBB1_10-.Ltmp1, $4  }
0x24: {  	s20 =	smov.u32 s23;
	s0 =	sand.u32 @!p1 $0x3FFFFFFF, s0;
	s1 =	simm.s32 @!p1 $0x2  }
0x25: {  	s21 =	smov.u32 s2;
	s17 =	smov.u32 @p3 s4;
	_ =	swait.ge @!p1 [sflag:s1], s0  }
0x26: {  	s0 =	ssub.s32 @!p1 $0x0, s0;
	s22 =	smov.u32 s17;
	[sflag:s1] =	ssyncset.done @!p1 $0x0  }
0x27: {  	s24 =	sadd.s32 $0x1, s24;
	[sflag:s1] =	ssyncadd.s32 @!p1 s0;
	s23 =	smov.u32 s3  }
.LBB1_1:
0x28: {  	p1 =	sge.u32 s24, s10  }
.Ltmp2:
0x29: {  	_ = 	snop;
	(pc) =	sbr.rel @p1 .LBB1_3-.Ltmp2, $1  }
0x2a: {  	_ =	sdelay $0x3  }
0x2b: {  	s0 =	sshrl.u32 s22, $0x3  }
0x2c: {  	s1 =	sshll.u32 s21, $0x3;
	s0 =	smul.u32 $0x67C400, s0  }
0x2d: {  	s2 =	sshll.u32 s22, $0x7;
	s1 =	sand.u32 $0xFFFFFC00, s1  }
0x2e: {  	s29 =	sand.u32 $0x380, s2;
	s0 =	sadd.s32 s0, s1  }
0x2f: {  	s0 =	sor.u32 s29, s0  }
0x30: {  	s1 =	sshrl.u32 s0, $0x7  }
0x31: {  	s1 =	smulhi.u32 $0x13BC9E1, s1;
	_ =	sdelay $0x1  }
0x32: {  	s30 =	sand.u32 $0x7F, s21;
	s1 =	sshrl.u32 s1, $0x5  }
0x33: {  	s28 =	sxor.u32 $0xFFFFFFFF, s24;
	s3 =	rddreg [dreg:$0x2];
	s17 =	smul.u32 $0xCF880, s1  }
0x34: {  	s2 =	smul.u32 $0x33E200, s23;
	s0 =	sor.u32 s30, s0;
	s1 =	sand.u32 $0x1F, s1  }
0x35: {  	s31 =	sshll.u32 s28, $0xE;
	s1 =	smul.u32 $0x19F10, s1;
	s0 =	ssub.s32 s0, s17  }
0x36: {  	s3 =	sadd.s32 s3, s2;
	s30 =	sadd.s32 s2, s7;
	s29 =	sand.u32 $0x7, s0  }
0x37: {  	s0 =	sshrl.u32 s0, $0x3;
	s28 =	sadd.s32 s1, s3;
	s29 =	sshll.u32 s29, $0x12  }
0x38: {  	s17 =	sand.u32 $0x4000, s31;
	s28 =	sadd.s32 s0, s28;
	s29 =	sor.u32 $0x400, s29  }
0x39: {  	[tilespmem:s17], [sflag:$0x1] =	stream.strided.gather [hbm4b:s28+s29], $0x800, s16, s29, $0x38;
	[tilespmem:$0x10800] =	vst v63  }
0x3a: {  	s28 =	sadd.s32 s1, s30  }
0x3b: {  	s31 =	sadd.s32 s2, s8;
	s30 =	sor.u32 $0x800, s17;
	s28 =	sadd.s32 s0, s28  }
0x3c: {  	[tilespmem:s30], [sflag:$0x1] =	stream.strided.gather [hbm4b:s28+s29], $0x800, s16, s29, $0x38;
	[tilespmem:$0x10800] =	vst v63  }
0x3d: {  	s28 =	sadd.s32 s1, s31  }
0x3e: {  	s3 =	sor.u32 $0x1000, s17;
	s31 =	sadd.s32 s2, s9;
	s28 =	sadd.s32 s0, s28  }
0x3f: {  	[tilespmem:s3], [sflag:$0x1] =	stream.strided.gather [hbm4b:s28+s29], $0x800, s16, s29, $0x38;
	[tilespmem:$0x10800] =	vst v63  }
0x40: {  	s28 =	sadd.s32 s1, s31  }
0x41: {  	s3 =	sor.u32 $0x1800, s17;
	s31 =	sadd.s32 s2, s11;
	s28 =	sadd.s32 s0, s28  }
0x42: {  	[tilespmem:s3], [sflag:$0x1] =	stream.strided.gather [hbm4b:s28+s29], $0x800, s16, s29, $0x38;
	[tilespmem:$0x10800] =	vst v63  }
0x43: {  	s28 =	sadd.s32 s1, s31  }
0x44: {  	s3 =	sor.u32 $0x2000, s17;
	s31 =	sadd.s32 s2, s12;
	s28 =	sadd.s32 s0, s28  }
0x45: {  	[tilespmem:s3], [sflag:$0x1] =	stream.strided.gather [hbm4b:s28+s29], $0x800, s16, s29, $0x38;
	[tilespmem:$0x10800] =	vst v63  }
0x46: {  	s28 =	sadd.s32 s1, s31  }
0x47: {  	s3 =	sor.u32 $0x2800, s17;
	s31 =	sadd.s32 s2, s13;
	s28 =	sadd.s32 s0, s28  }
0x48: {  	[tilespmem:s3], [sflag:$0x1] =	stream.strided.gather [hbm4b:s28+s29], $0x800, s16, s29, $0x38;
	[tilespmem:$0x10800] =	vst v63  }
0x49: {  	s2 =	sadd.s32 s2, s14;
	s28 =	sadd.s32 s1, s31  }
0x4a: {  	s3 =	sor.u32 $0x3000, s17;
	s1 =	sadd.s32 s1, s2;
	s28 =	sadd.s32 s0, s28  }
0x4b: {  	[tilespmem:s3], [sflag:$0x1] =	stream.strided.gather [hbm4b:s28+s29], $0x800, s16, s29, $0x38;
	[tilespmem:$0x10800] =	vst v63  }
0x4c: {  	s31 =	sor.u32 $0x3800, s17;
	s0 =	sadd.s32 s0, s1  }
0x4d: {  	[tilespmem:s31], [sflag:$0x1] =	stream.strided.gather [hbm4b:s0+s29], $0x800, s16, s29, $0x38;
	[tilespmem:$0x10800] =	vst v63  }
.LBB1_3:
0x4e: {  	s0 =	sadd.s32 $0xFFFFFFFF, s24  }
0x4f: {  	p1 =	sge.u32 s0, s10  }
.Ltmp3:
0x50: {  	_ = 	snop;
	(pc) =	sbr.rel @p1 .LBB1_9-.Ltmp3, $1  }
0x51: {  	_ =	sdelay $0x3  }
0x52: {  	s0 =	simm.s32 $0x1;
	s2 =	sand.u32 $0x1, s24  }
0x53: {  	s0 =	simm.s32 @!p0 $0x0;
	s2 =	smul.u32 $0x11000, s2  }
0x54: {  	_ =	swait.ge [sflag:s6], $0x4000;
	s1 =	smul.u32 $0x11000, s0  }
0x55: {  	s31 =	simm.s32 $0x0;
	[sflag:s6] =	ssyncset.done $0x0;
	s0 =	sshll.u32 s0, $0xE  }
0x56: {  	[sflag:s6] =	ssyncadd.s32 $0xFFFFC000;
	s17 =	sshrl.u32 s2, $0x2;
	s1 =	sshrl.u32 s1, $0x2  }
0x57: {  	s30 =	sor.u32 $0x40, s0;
	s28 =	sor.u32 $0x8000, s17;
	s29 =	sor.u32 $0x8000, s1  }
.LBB1_5:
0x58: {  	v0 =	vld [tilespmem:s30+$0x30]  }
0x59: {  	v1 =	vld [tilespmem:s30+$0xFFFFFFD0]  }
0x5a: {  	v5 =	vld [tilespmem:s30+$0xFFFFFFE0]  }
0x5b: {  	v6 =	vld [tilespmem:s30+$0xFFFFFFF0]  }
0x5c: {  	s0 =	sadd.s32 $0x0, s29;
	v2 =	vld [tilespmem:s30+$0x0]  }
0x5d: {  	v3 =	vld [tilespmem:s30+$0x10];
	[tilespmem:s0+$0x3B80 ss:$0x88] =	vst.msk $0xffff, v0  }
0x5e: {  	v4 =	vld [tilespmem:s30+$0x20];
	[tilespmem:s0+$0x880 ss:$0x88] =	vst.msk $0xffff, v1  }
0x5f: {  	s1 =	sadd.s32 $0x80, s30;
	v0 =	vld [tilespmem:s30+$0xFFFFFFC0];
	[tilespmem:s0+$0x1100 ss:$0x88] =	vst.msk $0xffff, v5  }
0x60: {  	s17 =	simm.s32 $0x4;
	s2 =	simm.s32 $0x8;
	v1 =	vld [tilespmem:s1+$0x30];
	[tilespmem:s0+$0x1980 ss:$0x88] =	vst.msk $0xffff, v6  }
.LBB1_6:
0x61: {  	p1 =	sne.s32 s2, $0x3C;
	v5 =	vld [tilespmem:s1+$0xFFFFFFD0];
	[tilespmem:s0+$0x2200 ss:$0x88] =	vst.msk $0xffff, v2  }
0x62: {  	v6 =	vld [tilespmem:s1+$0xFFFFFFE0];
	[tilespmem:s0+$0x2A80 ss:$0x88] =	vst.msk $0xffff, v3  }
0x63: {  	s3 =	sshra.s32 s17, $0x2;
	s17 =	smov.u32 s2;
	v7 =	vld [tilespmem:s1+$0xFFFFFFF0];
	[tilespmem:s0+$0x3300 ss:$0x88] =	vst.msk $0xffff, v4  }
.Ltmp4:
0x64: {  	v2 =	vld [tilespmem:s1+$0x0];
	[tilespmem:s0+$0x0 ss:$0x88] =	vst.msk $0xffff, v0;
	s0 =	sadd.s32 s3, s29;
	(pc) =	sbr.rel @p1 .LBB1_6-.Ltmp4, $4  }
0x65: {  	v3 =	vld [tilespmem:s1+$0x10];
	[tilespmem:s0+$0x3B80 ss:$0x88] =	vst.msk $0xffff, v1  }
0x66: {  	[tilespmem:s0+$0x880 ss:$0x88] =	vst.msk $0xffff, v5;
	v4 =	vld [tilespmem:s1+$0x20]  }
0x67: {  	v0 =	vld [tilespmem:s1+$0xFFFFFFC0];
	[tilespmem:s0+$0x1100 ss:$0x88] =	vst.msk $0xffff, v6;
	s1 =	sadd.s32 $0x80, s1  }
0x68: {  	s2 =	sadd.s32 $0x4, s2;
	v1 =	vld [tilespmem:s1+$0x30];
	[tilespmem:s0+$0x1980 ss:$0x88] =	vst.msk $0xffff, v7  }
0x69: {  	v5 =	vld [tilespmem:s1+$0xFFFFFFD0];
	[tilespmem:s0+$0x2200 ss:$0x88] =	vst.msk $0xffff, v2  }
0x6a: {  	v58 =	vld [tilespmem:s1+$0xFFFFFFE0];
	[tilespmem:s0+$0x2A80 ss:$0x88] =	vst.msk $0xffff, v3  }
0x6b: {  	s2 =	sshra.s32 s17, $0x2;
	v59 =	vld [tilespmem:s1+$0xFFFFFFF0];
	[tilespmem:s0+$0x3300 ss:$0x88] =	vst.msk $0xffff, v4  }
0x6c: {  	v60 =	vld [tilespmem:s1+$0x0];
	s2 =	sadd.s32 s2, s29;
	[tilespmem:s0+$0x0 ss:$0x88] =	vst.msk $0xffff, v0  }
0x6d: {  	v61 =	vld [tilespmem:s1+$0x10];
	[tilespmem:s2+$0x3B80 ss:$0x88] =	vst.msk $0xffff, v1  }
0x6e: {  	v62 =	vld [tilespmem:s1+$0x20];
	s31 =	sadd.s32 $0x1, s31;
	[tilespmem:s2+$0x880 ss:$0x88] =	vst.msk $0xffff, v5  }
0x6f: {  	v63 =	vld [tilespmem:s1+$0xFFFFFFC0];
	p1 =	sne.s32 s31, $0x8;
	[tilespmem:s2+$0x1100 ss:$0x88] =	vst.msk $0xffff, v58  }
.Ltmp5:
0x70: {  	[tilespmem:s2+$0x1980 ss:$0x88] =	vst.msk $0xffff, v59;
	(pc) =	sbr.rel @p1 .LBB1_5-.Ltmp5, $4  }
0x71: {  	[tilespmem:s2+$0x2200 ss:$0x88] =	vst.msk $0xffff, v60  }
0x72: {  	[tilespmem:s2+$0x2A80 ss:$0x88] =	vst.msk $0xffff, v61  }
0x73: {  	[tilespmem:s2+$0x3300 ss:$0x88] =	vst.msk $0xffff, v62  }
0x74: {  	s30 =	sadd.s32 $0x800, s30;
	s29 =	sadd.s32 $0x11, s29;
	[tilespmem:s2+$0x0 ss:$0x88] =	vst.msk $0xffff, v63  }
0x75: {  	p1 =	sgt.s32 s18, $0xCF7D0;
	s0 =	smov.u32 s18;
	s1 =	sshra.s32 s18, $0x1F  }
0x76: {  	s2 =	smov.u32 s19;
	s3 =	sshra.s32 s19, $0x1F;
	s17 =	ssub.s32 $0x0, s20  }
0x77: {  	s31 =	sshll.u32 s20, $0x4;
	s0 =	simm.s32 @!p1 $0xCF7D0;
	p1 =	sgt.s32 s19, $0x70  }
0x78: {  	s3 =	sand.u32 s3, s19;
	s1 =	sand.u32 s1, s18;
	s17 =	smin.u32 s20, s17  }
0x79: {  	s2 =	simm.s32 @!p1 $0x70;
	s0 =	ssub.s32 s0, s1;
	p1 =	sgt.s32 s17, $0x7  }
0x7a: {  	s2 =	ssub.s32 s2, s3;
	s3 =	ssub.s32 $0x8, s17;
	s30 =	sadd.s32 $0xFFF30830, s0  }
0x7b: {  	s0 =	ssub.s32 $0xCF850, s0;
	s29 =	sadd.s32 $0xFFFFFF90, s2;
	s1 =	ssub.s32 $0x80, s2  }
0x7c: {  	s3 =	simm.s32 @p1 $0x0;
	p1 =	sgt.s32 s30, $0x7F;
	p2 =	sgt.s32 s29, $0xF  }
0x7d: {  	s2 =	sand.u32 $0x70, s31;
	s30 =	rddreg [dreg:$0x3];
	s1 =	simm.s32 @p2 $0x0  }
0x7e: {  	s31 =	sand.u32 $0x7, s19;
	s0 =	simm.s32 @p1 $0x0;
	s1 =	smul.u32 s3, s1  }
.Ltmp6:
0x7f: {  	s2 =	sadd.s32 s30, s2;
	s3 =	sshll.u32 s18, $0x7;
	(pc) =	sbr.rel .LBB1_9-.Ltmp6, $4  }
0x80: {  	s29 =	sshrl.u32 s19, $0x3;
	s0 =	smul.u32 s0, s1;
	s1 =	sadd.s32 s3, s2  }
0x81: {  	s3 =	sand.u32 $0xF, s29;
	s29 =	sshll.u32 s31, $0x12;
	s31 =	simm.s32 $0x80  }
0x82: {  	s1 =	sadd.s32 s3, s1;
	s30 =	sor.u32 $0x10, s29;
	s0 =	sand.u32 $0x3FFFFFFF, s0  }
0x83: {  	[hbm4b:s1+s30] =	stream.strided.scatter [tilespmem:s28], [sflag:$0x2], s0, s31, s30, $0x8;
	[tilespmem:$0x10800] =	vst v63  }
.LBB1_10:
0x84: {  	_ =	sfence.sel $0x180000  }
0x85: {  	s0 =	simm.s32 $0x1;
	[bflag:$0x0] =	sbarrier.arrive $0xFFFF  }
0x86: {  	s30 =	simm.s32 $0x2;
	[sflag:s0] =	ssyncpa.u1 $0x1  }
0x87: {  	[sflag:s30] =	ssyncpa.u1 $0x1  }
0x88: {  	_ =	strace $0x90000050  }
0x89: {  	s31 =	stileid.u32;
	[bflag:$0x2] =	sbarrier.arrive $0xFFFF  }
0x8a: {  	p0 =	sne.s32 s31, $0x0;
	s0 =	rddreg [dreg:$0x1]  }
0x8b: {  	s0 =	sadd.s32 @!p0 $0x100000, s0  }
0x8c: {  	[sflag:s0] =	ssyncadd.tile.s32 @!p0 $0x1;
	_ =	shalt  }
.Lfunc_end1:
_tile_overlayer_lowered:
.L_overlay_start_2:
0x8d: {  	(tag) =	ssettag $0x2  }
0x8e: {  	s0 =	rddreg [dreg:$0x0];
	s2 =	stileid.u32  }
0x8f: {  	s1 =	rddreg [dreg:$0x1];
	p0 =	sne.s32 s2, $0x0  }
0x90: {  	s3 =	rddreg [dreg:$0x2];
	[bflag:$0x3] =	sbarrier.arrive $0xFFFF;
	s2 =	simm.s32 @!p0 $0x1C01  }
0x91: {  	[timem:s3], [sflag:s2] =	dma.local @!p0 [hbm:s0], s1  }
0x92: {  	s0 =	simm.s32 @!p0 $0x1  }
0x93: {  	_ =	swait.ge @!p0 [sflag:s0], s1  }
0x94: {  	s1 =	ssub.s32 @!p0 $0x0, s1;
	[sflag:s0] =	ssyncset.done @!p0 $0x0  }
0x95: {  	[sflag:s0] =	ssyncadd.s32 @!p0 s1  }
0x96: {  	[bflag:$0x3] =	sbarrier.arrive $0xFFFF  }
0x97: {  	_ =	shalt  }

// kernel: sparse-core-data-format-call.2.cloned.1.call-start
scs
called_computation.5_lowered:
.L_overlay_start_0:
0x0: {  	s1 =	sld [smem:$0x3FD9]  }
0x1: {  	s2 =	sld [smem:$0x3FFE];
	_ =	sdelay $0x1  }
0x2: {  	s3 =	srdreg.scid  }
0x3: {  	s0 =	sand.u32 $0x1, s3  }
0x4: {  	s17 =	sshll.u32 s0, $0xA;
	s1 =	sadd.s32 s2, s1  }
0x5: {  	s1 =	sadd.s32 s1, s17  }
0x6: {  	[smem:$0x3FB2] =	sst s1  }
0x7: {  	_ = 	snop  }
0x8: {  	(tm) =	ssettm $0x1  }
0x9: {  	s18 =	sld [smem:$0x3FFB];
	_ =	sdelay $0x3  }
0xa: {  	_ =	strace s18  }
0xb: {  	s1 =	sld [smem:$0x3FFC];
	_ =	sdelay $0x3  }
0xc: {  	_ =	strace s1  }
0xd: {  	s1 =	sld [smem:$0x3FFD];
	_ =	sdelay $0x3  }
0xe: {  	_ =	strace s1  }
0xf: {  	_ =	strace $0x8FFFFFFF  }
0x10: {  	s19 =	sld [smem:$0x3FDB];
	_ =	sdelay $0x1  }
0x11: {  	s20 =	simm.s32 $_scs_section_size  }
0x12: {  	s4 =	simm.s32 $_size__tile_overlayer_lowered;
	s5 =	simm.s32 $_tile_overlayer_lowered  }
0x13: {  	s23 =	simm.s32 $0x1BFF;
	s22 =	sshll.u32 s5, $0x1;
	s1 =	sadd.s32 s20, s19  }
0x14: {  	s6 =	simm.s32 $0x0;
	s21 =	sshll.u32 s4, $0x1;
	s4 =	sadd.s32 s22, s1  }
0x15: {  	[timem:s6], [sflag:s23] =	dma.local [hbm:s4], s21  }
0x16: {  	_ =	swait.ge [sflag:s23], s21  }
0x17: {  	s2 =	ssub.s32 $0x0, s21;
	[sflag:s23] =	ssyncset.done $0x0  }
0x18: {  	[sflag:s23] =	ssyncadd.s32 s2;
	_ =	sdelay $0x1  }
0x19: {  	s24 =	simm.s32 $0x1B8B  }
0x1a: {  	_ =	swait.ge [sflag:s24], $0x1  }
0x1b: {  	[sflag:s24] =	ssyncset.done $0x0  }
0x1c: {  	s26 =	simm.s32 $0x1B8E;
	s25 =	sld [smem:$0x3FFE];
	[sflag:s24] =	ssyncadd.s32 $0xFFFFFFFF  }
0x1d: {  	s27 =	simm.s32 $execute0_lowered;
	[smem:$0x3FD2] =	sst s26  }
0x1e: {  	s4 =	sshll.u32 s27, $0x1;
	_ =	strace $0x8000004C;
	[dreg:$0x1] =	wrdreg $0xFFFFFFFF  }
0x1f: {  	s28 =	simm.s32 $_size_execute0_lowered;
	s1 =	sadd.s32 s1, s4;
	[dreg:$0x0] =	wrdreg $0x0  }
0x20: {  	s4 =	sshll.u32 s28, $0x1;
	[dreg:$0x2] =	wrdreg s1  }
0x21: {  	[dreg:$0x3] =	wrdreg s4  }
0x22: {  	[dreg:$0x4] =	wrdreg $0xC0  }
0x23: {  	_ =	task [dreg:s6], $0x5FFFF  }
0x24: {  	[dreg:$0x1] =	wrdreg $0xFFFFFFFF  }
0x25: {  	[dreg:$0x0] =	wrdreg $0x60  }
0x26: {  	[dreg:$0x2] =	wrdreg s25  }
0x27: {  	[dreg:$0x3] =	wrdreg $0x9  }
0x28: {  	_ =	task.clear_ibuf [dreg:s6], $0x4FFFF;
	_ =	strace $0x9000004C  }
0x29: {  	s29 =	simm.s32 $0x9;
	_ =	strace $0x8000004E  }
0x2a: {  	_ =	swait.ge [sflag:s29], $0x1  }
0x2b: {  	[sflag:s29] =	ssyncadd.s32 $0xFFFFFFFF  }
0x2c: {  	_ =	strace $0x9000004E  }
0x2d: {  	_ =	sfence  }
0x2e: {  	s30 =	sld [smem:$0x0];
	_ =	sdelay $0x2  }
0x2f: {  	s31 =	sshll.u32 s3, $0xD;
	s3 =	sshrl.u32 s3, $0x2  }
0x30: {  	s2 =	sand.u32 $0x4000, s31;
	s1 =	sadd.s32 s3, s30  }
0x31: {  	s0 =	sor.u32 s2, s0;
	s1 =	sshll.u32 s1, $0x11  }
0x32: {  	s0 =	sor.u32 s1, s0  }
0x33: {  	s0 =	sadd.s32 $0x8F2B, s0  }
0x34: {  	[sflag:s0] =	ssyncadd.remote.s32 $0x1  }
0x35: {  	_ =	sfence.sel $0xFFFF  }
0x36: {  	[dreg:$0x0] =	wrdreg $0xFFFFFFFF;
	(pc) =	sbr.abs _section_cstart, $3  }
0x37: {  	[dreg:$0x1] =	wrdreg $0xFFFFFFFF  }
0x38: {  	_ =	task.clear_ibuf [dreg:s6], $0x2FFFF;
	_ =	strace $0x9FFFFFFF  }
0x39: {  	(tm) =	ssettm $0x7FFFFFFF  }
tec
execute0_lowered:
.L_overlay_start_1:
0x0: {  	(tag) =	ssettag $0x1  }
0x1: {  	s0 =	srdreg.scid;
	s7 =	rddreg [dreg:$0x0]  }
0x2: {  	s1 =	stileid.u32;
	s31 =	simm.s32 $0x2;
	s14 =	simm.s32 $0x0  }
0x3: {  	p0 =	por $0x0, $0x0;
	s10 =	simm.s32 $0x67C400;
	s2 =	sshll.u32 s0, $0x7  }
0x4: {  	s13 =	simm.s32 $0x0;
	s3 =	sshll.u32 s1, $0x7;
	s2 =	sand.u32 $0x80, s2  }
0x5: {  	s12 =	simm.s32 $0x0;
	s6 =	ssub.s32 $0xCF800, s3;
	s5 =	ssub.s32 $0x100, s2  }
0x6: {  	s0 =	rddreg [dreg:$0x1];
	s6 =	sshrl.u32 s6, $0xB;
	s8 =	sshrl.u32 s5, $0x7  }
.Ltmp0:
0x7: {  	s9 =	sshrl.u32 s5, $0x8;
	s8 =	sand.u32 $0x1, s8;
	(pc) =	sbr.rel .LBB1_1-.Ltmp0, $4  }
0x8: {  	_ =	strace $0x8000004D;
	s6 =	sadd.s32 $0x1, s6;
	s8 =	sadd.s32 s9, s8  }
0x9: {  	s4 =	sadd.s32 $0x129D000, s7;
	s5 =	simm.s32 $0x1;
	s6 =	smul.u32 s6, s8  }
0xa: {  	s7 =	sadd.s32 $0x2C8DA00, s7;
	s11 =	smov.u32 s3;
	[sflag:s5] =	ssyncpa.u1 $0x0  }
0xb: {  	[sflag:s31] =	ssyncpa.u1 $0x0;
	s8 =	sshll.u32 s2, $0x3;
	s9 =	sadd.s32 $0x1, s6  }
.LBB1_4:
0xc: {  	s14 =	sshrl.u32 s14, $0x3  }
0xd: {  	s20 =	sshll.u32 s13, $0x3;
	s14 =	smul.u32 $0x67C400, s14  }
0xe: {  	v5 =	vld [tilespmem:s18+$0xFFFFFFD0];
	[tilespmem:s17+$0x2040 ss:$0x81] =	vst.msk $0xffff, v3;
	s20 =	sand.u32 $0xFFFFFC00, s20  }
0xf: {  	v58 =	vld [tilespmem:s18+$0xFFFFFFE0];
	[tilespmem:s17+$0x2850 ss:$0x81] =	vst.msk $0xffff, v4;
	s14 =	sadd.s32 s20, s14  }
0x10: {  	s19 =	sshra.s32 s19, $0x2;
	v59 =	vld [tilespmem:s18+$0xFFFFFFF0];
	[tilespmem:s17+$0x3060 ss:$0x81] =	vst.msk $0xffff, v2;
	s20 =	sshrl.u32 s14, $0x7  }
0x11: {  	v60 =	vld [tilespmem:s18+$0x0];
	[tilespmem:s17+$0x0 ss:$0x81] =	vst.msk $0xffff, v0;
	s16 =	sadd.s32 s19, s16;
	s27 =	smulhi.u32 $0x13BC9E1, s20  }
0x12: {  	v61 =	vld [tilespmem:s18+$0x10];
	[tilespmem:s16+$0x3870 ss:$0x81] =	vst.msk $0xffff, v1  }
0x13: {  	v62 =	vld [tilespmem:s18+$0x20];
	[tilespmem:s16+$0x810 ss:$0x81] =	vst.msk $0xffff, v5;
	s17 =	sshrl.u32 s27, $0x5  }
0x14: {  	v63 =	vld [tilespmem:s18+$0xFFFFFFC0];
	s28 =	sand.u32 $0x7F, s13;
	[tilespmem:s16+$0x1020 ss:$0x81] =	vst.msk $0xffff, v58;
	s29 =	smul.u32 $0xCF880, s17  }
0x15: {  	s13 =	sor.u32 s28, s14;
	[tilespmem:s16+$0x1830 ss:$0x81] =	vst.msk $0xffff, v59  }
0x16: {  	[tilespmem:s16+$0x2040 ss:$0x81] =	vst.msk $0xffff, v60;
	s30 =	sand.u32 $0xFF, s17;
	s13 =	ssub.s32 s13, s29  }
0x17: {  	[tilespmem:s16+$0x2850 ss:$0x81] =	vst.msk $0xffff, v61;
	s14 =	smul.u32 $0x19F10, s30;
	s31 =	sshrl.u32 s13, $0x3;
	s13 =	sand.u32 $0x7, s13  }
0x18: {  	[tilespmem:s16+$0x3060 ss:$0x81] =	vst.msk $0xffff, v62;
	s17 =	sadd.s32 s7, s31;
	s13 =	sshll.u32 s13, $0x12  }
0x19: {  	[tilespmem:s16+$0x0 ss:$0x81] =	vst.msk $0xffff, v63;
	s14 =	sadd.s32 s14, s17;
	s13 =	sor.u32 $0x400, s13  }
0x1a: {  	[hbm4b:s14+s13] =	stream.strided.scatter [tilespmem:s15], [sflag:$0x2], $0x4000, s10, s13, $0x20;
	[tilespmem:$0x10100] =	vst v63  }
.LBB1_5:
0x1b: {  	s15 =	sadd.s32 $0x800, s11  }
0x1c: {  	p2 =	sgt.s32 s15, $0xCF84F  }
0x1d: {  	s15 =	smov.u32 @p2 s3;
	p2 =	sne.s32 s12, s9  }
.Ltmp1:
0x1e: {  	p1 =	slt.u32 s12, $0x2;
	(pc) =	sbr.rel @!p2 .LBB1_6-.Ltmp1, $4  }
0x1f: {  	s14 =	simm.s32 @!p1 $0x2  }
0x20: {  	s16 =	sadd.s32 $0x1, s12;
	s13 =	smov.u32 s11;
	_ =	swait.ge @!p1 [sflag:s14], $0x4000  }
0x21: {  	p0 =	por !p0, !p0;
	s12 =	smov.u32 s16;
	[sflag:s14] =	ssyncset.done @!p1 $0x0  }
0x22: {  	s11 =	smov.u32 s15;
	[sflag:s14] =	ssyncadd.s32 @!p1 $0xFFFFC000;
	s14 =	smov.u32 s2  }
.LBB1_1:
0x23: {  	p1 =	sge.u32 s12, s6  }
0x24: {  	s15 =	sshll.u32 @!p1 s11, $0x8  }
0x25: {  	s16 =	sshll.u32 @!p1 s11, $0x7;
	s15 =	sand.u32 @!p1 $0xFFFFF800, s15  }
0x26: {  	s16 =	sand.u32 @!p1 $0x300, s16;
	s15 =	sor.u32 @!p1 s8, s15  }
0x27: {  	s15 =	sor.u32 @!p1 s16, s15  }
0x28: {  	s17 =	smov.u32 s11;
	p2 =	sgt.s32 @!p1 s11, $0xCF7D0;
	s15 =	sshrl.u32 @!p1 s15, $0x8  }
0x29: {  	s18 =	sshra.s32 @!p1 s11, $0x1F;
	p2 =	por !p2, p1;
	s16 =	smulhi.u32 @!p1 $0x9DE739, s15  }
0x2a: {  	s31 =	sadd.s32 $0xFFFFFFFF, s12;
	s18 =	sand.u32 @!p1 s18, s11;
	s17 =	simm.s32 @p2 $0xCF7D0  }
0x2b: {  	s19 =	sxor.u32 @!p1 $0xFFFFFFFF, s12;
	s17 =	ssub.s32 @!p1 s17, s18;
	s16 =	sshrl.u32 @!p1 s16, $0xB  }
0x2c: {  	s18 =	sshll.u32 @!p1 s19, $0xE;
	s17 =	sadd.s32 @!p1 $0xFFF30830, s17;
	s16 =	smul.u32 @!p1 $0xCF850, s16  }
0x2d: {  	s19 =	simm.s32 @!p1 $0x800;
	s18 =	sand.u32 @!p1 $0x4000, s18;
	p2 =	sgt.s32 @!p1 s17, $0x7F  }
0x2e: {  	s15 =	ssub.s32 @!p1 s15, s16;
	s16 =	sshll.u32 @!p1 s17, $0x7;
	s17 =	sshll.u32 @!p1 s11, $0x4  }
0x2f: {  	p2 =	por !p2, p1;
	s16 =	ssub.s32 @!p1 $0x4000, s16;
	s17 =	sand.u32 @!p1 $0x10, s17  }
0x30: {  	s15 =	sshll.u32 @!p1 s15, $0x5;
	s16 =	sand.u32 @!p1 $0x3FFFFF80, s16;
	s17 =	sadd.s32 @!p1 s4, s17  }
0x31: {  	s16 =	simm.s32 @!p2 $0x0;
	s15 =	sadd.s32 @!p1 s15, s17;
	s17 =	simm.s32 @!p1 $0x400  }
0x32: {  	[tilespmem:s18], [sflag:$0x1] =	stream.strided.gather @!p1 [hbm4b:s15+s17], s16, s19, s17, $0x38;
	[tilespmem:$0x10100] =	vst v63  }
0x33: {  	p1 =	sge.u32 s31, s6  }
.Ltmp2:
0x34: {  	_ = 	snop;
	(pc) =	sbr.rel @p1 .LBB1_5-.Ltmp2, $1  }
0x35: {  	_ =	sdelay $0x3  }
0x36: {  	p1 =	sgt.s32 s13, $0xCF7D0;
	s15 =	smov.u32 s13;
	s16 =	sshra.s32 s13, $0x1F  }
0x37: {  	s15 =	simm.s32 @!p1 $0xCF7D0;
	s16 =	sand.u32 s16, s13  }
0x38: {  	s15 =	ssub.s32 s15, s16  }
0x39: {  	s15 =	sadd.s32 $0xFFF30830, s15  }
0x3a: {  	s29 =	sshll.u32 s15, $0x7  }
0x3b: {  	s16 =	ssub.s32 $0x4000, s29  }
0x3c: {  	p1 =	sgt.s32 s15, $0x7F;
	s15 =	sand.u32 $0x3FFFFF80, s16  }
0x3d: {  	s16 =	simm.s32 $0x1;
	s15 =	simm.s32 @p1 $0x0  }
0x3e: {  	s16 =	simm.s32 @!p0 $0x0;
	_ =	swait.ge [sflag:s5], s15  }
0x3f: {  	s17 =	sshll.u32 s16, $0xE;
	s15 =	ssub.s32 $0x0, s15;
	[sflag:s5] =	ssyncset.done $0x0  }
0x40: {  	s18 =	sor.u32 $0x40, s17;
	[sflag:s5] =	ssyncadd.s32 s15  }
0x41: {  	s30 =	smul.u32 $0x10200, s16;
	v0 =	vld [tilespmem:s18+$0x30]  }
0x42: {  	v1 =	vld [tilespmem:s18+$0xFFFFFFD0]  }
0x43: {  	s15 =	sshrl.u32 s30, $0x2;
	v5 =	vld [tilespmem:s18+$0xFFFFFFE0]  }
0x44: {  	s16 =	sor.u32 $0x8000, s15;
	v6 =	vld [tilespmem:s18+$0xFFFFFFF0]  }
0x45: {  	s31 =	sand.u32 $0x1, s12;
	v3 =	vld [tilespmem:s18+$0x0];
	s17 =	sadd.s32 $0x0, s16  }
0x46: {  	s15 =	smul.u32 $0x10200, s31;
	v4 =	vld [tilespmem:s18+$0x10];
	[tilespmem:s17+$0x3870 ss:$0x81] =	vst.msk $0xffff, v0  }
0x47: {  	v2 =	vld [tilespmem:s18+$0x20];
	[tilespmem:s17+$0x810 ss:$0x81] =	vst.msk $0xffff, v1  }
0x48: {  	s15 =	sshrl.u32 s15, $0x2;
	v0 =	vld [tilespmem:s18+$0xFFFFFFC0];
	[tilespmem:s17+$0x1020 ss:$0x81] =	vst.msk $0xffff, v5;
	s18 =	sadd.s32 $0x80, s18  }
0x49: {  	s19 =	simm.s32 $0x4;
	s20 =	simm.s32 $0x8;
	s15 =	sor.u32 $0x8000, s15;
	[tilespmem:s17+$0x1830 ss:$0x81] =	vst.msk $0xffff, v6;
	v1 =	vld [tilespmem:s18+$0x30]  }
.LBB1_3:
0x4a: {  	p1 =	sne.s32 s20, $0x1FC;
	v5 =	vld [tilespmem:s18+$0xFFFFFFD0];
	[tilespmem:s17+$0x2040 ss:$0x81] =	vst.msk $0xffff, v3  }
0x4b: {  	v6 =	vld [tilespmem:s18+$0xFFFFFFE0];
	[tilespmem:s17+$0x2850 ss:$0x81] =	vst.msk $0xffff, v4  }
0x4c: {  	s21 =	sshra.s32 s19, $0x2;
	s19 =	smov.u32 s20;
	v7 =	vld [tilespmem:s18+$0xFFFFFFF0];
	[tilespmem:s17+$0x3060 ss:$0x81] =	vst.msk $0xffff, v2  }
.Ltmp3:
0x4d: {  	v3 =	vld [tilespmem:s18+$0x0];
	[tilespmem:s17+$0x0 ss:$0x81] =	vst.msk $0xffff, v0;
	s17 =	sadd.s32 s21, s16;
	(pc) =	sbr.rel @p1 .LBB1_3-.Ltmp3, $4  }
0x4e: {  	v4 =	vld [tilespmem:s18+$0x10];
	[tilespmem:s17+$0x3870 ss:$0x81] =	vst.msk $0xffff, v1  }
0x4f: {  	[tilespmem:s17+$0x810 ss:$0x81] =	vst.msk $0xffff, v5;
	v2 =	vld [tilespmem:s18+$0x20]  }
0x50: {  	v0 =	vld [tilespmem:s18+$0xFFFFFFC0];
	[tilespmem:s17+$0x1020 ss:$0x81] =	vst.msk $0xffff, v6;
	s18 =	sadd.s32 $0x80, s18  }
0x51: {  	s20 =	sadd.s32 $0x4, s20;
	v1 =	vld [tilespmem:s18+$0x30];
	[tilespmem:s17+$0x1830 ss:$0x81] =	vst.msk $0xffff, v7  }
.Ltmp4:
0x52: {  	_ = 	snop;
	(pc) =	sbr.rel .LBB1_4-.Ltmp4, $1  }
0x53: {  	_ =	sdelay $0x3  }
.LBB1_6:
0x54: {  	_ =	sfence.sel $0x180000  }
0x55: {  	s2 =	simm.s32 $0x1;
	[bflag:$0x0] =	sbarrier.arrive $0xFFFF  }
0x56: {  	s31 =	simm.s32 $0x2;
	[sflag:s2] =	ssyncpa.u1 $0x1  }
0x57: {  	[sflag:s31] =	ssyncpa.u1 $0x1  }
0x58: {  	p0 =	sne.s32 s1, $0x0;
	_ =	strace $0x9000004D  }
0x59: {  	s0 =	sadd.s32 @!p0 $0x100000, s0;
	[bflag:$0x2] =	sbarrier.arrive $0xFFFF  }
0x5a: {  	[sflag:s0] =	ssyncadd.tile.s32 @!p0 $0x1;
	_ =	shalt  }
.Lfunc_end1:
_tile_overlayer_lowered:
.L_overlay_start_2:
0x5b: {  	(tag) =	ssettag $0x2  }
0x5c: {  	s0 =	rddreg [dreg:$0x0];
	s2 =	stileid.u32  }
0x5d: {  	s1 =	rddreg [dreg:$0x1];
	p0 =	sne.s32 s2, $0x0  }
0x5e: {  	s3 =	rddreg [dreg:$0x2];
	[bflag:$0x3] =	sbarrier.arrive $0xFFFF;
	s2 =	simm.s32 @!p0 $0x1C01  }
0x5f: {  	[timem:s3], [sflag:s2] =	dma.local @!p0 [hbm:s0], s1  }
0x60: {  	s0 =	simm.s32 @!p0 $0x1  }
0x61: {  	_ =	swait.ge @!p0 [sflag:s0], s1  }
0x62: {  	s1 =	ssub.s32 @!p0 $0x0, s1;
	[sflag:s0] =	ssyncset.done @!p0 $0x0  }
0x63: {  	[sflag:s0] =	ssyncadd.s32 @!p0 s1  }
0x64: {  	[bflag:$0x3] =	sbarrier.arrive $0xFFFF  }
0x65: {  	_ =	shalt  }

// kernel: sparse-core-data-format-call.cloned.1.call-start
scs
called_computation.3_lowered:
.L_overlay_start_0:
0x0: {  	s1 =	sld [smem:$0x3FD9]  }
0x1: {  	s2 =	sld [smem:$0x3FFE];
	_ =	sdelay $0x1  }
0x2: {  	s3 =	srdreg.scid  }
0x3: {  	s0 =	sand.u32 $0x1, s3  }
0x4: {  	s17 =	sshll.u32 s0, $0xA;
	s1 =	sadd.s32 s2, s1  }
0x5: {  	s1 =	sadd.s32 s1, s17  }
0x6: {  	[smem:$0x3FB2] =	sst s1  }
0x7: {  	_ = 	snop  }
0x8: {  	(tm) =	ssettm $0x1  }
0x9: {  	s18 =	sld [smem:$0x3FFB];
	_ =	sdelay $0x3  }
0xa: {  	_ =	strace s18  }
0xb: {  	s1 =	sld [smem:$0x3FFC];
	_ =	sdelay $0x3  }
0xc: {  	_ =	strace s1  }
0xd: {  	s1 =	sld [smem:$0x3FFD];
	_ =	sdelay $0x3  }
0xe: {  	_ =	strace s1  }
0xf: {  	_ =	strace $0x8FFFFFFF  }
0x10: {  	s19 =	sld [smem:$0x3FDB];
	_ =	sdelay $0x1  }
0x11: {  	s20 =	simm.s32 $_scs_section_size  }
0x12: {  	s4 =	simm.s32 $_size__tile_overlayer_lowered;
	s5 =	simm.s32 $_tile_overlayer_lowered  }
0x13: {  	s23 =	simm.s32 $0x1BFF;
	s22 =	sshll.u32 s5, $0x1;
	s1 =	sadd.s32 s20, s19  }
0x14: {  	s6 =	simm.s32 $0x0;
	s21 =	sshll.u32 s4, $0x1;
	s4 =	sadd.s32 s22, s1  }
0x15: {  	[timem:s6], [sflag:s23] =	dma.local [hbm:s4], s21  }
0x16: {  	_ =	swait.ge [sflag:s23], s21  }
0x17: {  	s2 =	ssub.s32 $0x0, s21;
	[sflag:s23] =	ssyncset.done $0x0  }
0x18: {  	[sflag:s23] =	ssyncadd.s32 s2;
	_ =	sdelay $0x1  }
0x19: {  	s24 =	simm.s32 $0x1B8B  }
0x1a: {  	_ =	swait.ge [sflag:s24], $0x1  }
0x1b: {  	[sflag:s24] =	ssyncset.done $0x0  }
0x1c: {  	s26 =	simm.s32 $0x1B8E;
	s25 =	sld [smem:$0x3FFE];
	[sflag:s24] =	ssyncadd.s32 $0xFFFFFFFF  }
0x1d: {  	s27 =	simm.s32 $execute0_lowered;
	[smem:$0x3FD2] =	sst s26  }
0x1e: {  	s4 =	sshll.u32 s27, $0x1;
	_ =	strace $0x80000052;
	[dreg:$0x1] =	wrdreg $0xFFFFFFFF  }
0x1f: {  	s28 =	simm.s32 $_size_execute0_lowered;
	s1 =	sadd.s32 s1, s4;
	[dreg:$0x0] =	wrdreg $0x0  }
0x20: {  	s4 =	sshll.u32 s28, $0x1;
	[dreg:$0x2] =	wrdreg s1  }
0x21: {  	[dreg:$0x3] =	wrdreg s4  }
0x22: {  	[dreg:$0x4] =	wrdreg $0xC0  }
0x23: {  	_ =	task [dreg:s6], $0x5FFFF  }
0x24: {  	[dreg:$0x1] =	wrdreg $0xFFFFFFFF  }
0x25: {  	[dreg:$0x0] =	wrdreg $0x60  }
0x26: {  	[dreg:$0x2] =	wrdreg s25  }
0x27: {  	[dreg:$0x3] =	wrdreg $0x9  }
0x28: {  	_ =	task.clear_ibuf [dreg:s6], $0x4FFFF;
	_ =	strace $0x90000052  }
0x29: {  	s29 =	simm.s32 $0x9;
	_ =	strace $0x80000054  }
0x2a: {  	_ =	swait.ge [sflag:s29], $0x1  }
0x2b: {  	[sflag:s29] =	ssyncadd.s32 $0xFFFFFFFF  }
0x2c: {  	_ =	strace $0x90000054  }
0x2d: {  	_ =	sfence  }
0x2e: {  	s30 =	sld [smem:$0x0];
	_ =	sdelay $0x2  }
0x2f: {  	s31 =	sshll.u32 s3, $0xD;
	s3 =	sshrl.u32 s3, $0x2  }
0x30: {  	s2 =	sand.u32 $0x4000, s31;
	s1 =	sadd.s32 s3, s30  }
0x31: {  	s0 =	sor.u32 s2, s0;
	s1 =	sshll.u32 s1, $0x11  }
0x32: {  	s0 =	sor.u32 s1, s0  }
0x33: {  	s0 =	sadd.s32 $0x8F2B, s0  }
0x34: {  	[sflag:s0] =	ssyncadd.remote.s32 $0x1  }
0x35: {  	_ =	sfence.sel $0xFFFF  }
0x36: {  	[dreg:$0x0] =	wrdreg $0xFFFFFFFF;
	(pc) =	sbr.abs _section_cstart, $3  }
0x37: {  	[dreg:$0x1] =	wrdreg $0xFFFFFFFF  }
0x38: {  	_ =	task.clear_ibuf [dreg:s6], $0x2FFFF;
	_ =	strace $0x9FFFFFFF  }
0x39: {  	(tm) =	ssettm $0x7FFFFFFF  }
tec
execute0_lowered:
.L_overlay_start_1:
0x0: {  	(tag) =	ssettag $0x1  }
0x1: {  	s0 =	srdreg.scid  }
0x2: {  	s1 =	rddreg [dreg:$0x0];
	_ =	strace $0x80000053;
	s3 =	stileid.u32  }
0x3: {  	s4 =	simm.s32 $0x1;
	s13 =	simm.s32 $0x2;
	s20 =	simm.s32 $0x0  }
0x4: {  	p0 =	por $0x0, $0x0;
	s16 =	simm.s32 $0x61C00;
	s19 =	simm.s32 $0x0  }
0x5: {  	s18 =	simm.s32 $0x0;
	s0 =	sshll.u32 s0, $0x4;
	s3 =	sshll.u32 s3, $0x7  }
0x6: {  	s5 =	sadd.s32 $0x22E400, s1;
	[sflag:s4] =	ssyncpa.u1 $0x0;
	s11 =	sadd.s32 $0x2F1C00, s1  }
0x7: {  	s12 =	sadd.s32 $0x322A00, s1;
	s14 =	sadd.s32 $0x384600, s1;
	s2 =	sand.u32 $0x10, s0  }
0x8: {  	[dreg:$0x2] =	wrdreg s5;
	s6 =	ssub.s32 $0xC300, s3;
	s7 =	ssub.s32 $0x20, s2  }
0x9: {  	[sflag:s13] =	ssyncpa.u1 $0x0;
	s6 =	sshrl.u32 s6, $0xB;
	s30 =	sshrl.u32 s7, $0x4  }
.Ltmp0:
0xa: {  	s8 =	sshrl.u32 s7, $0x5;
	s9 =	sand.u32 $0x1, s30;
	(pc) =	sbr.rel .LBB1_1-.Ltmp0, $4  }
0xb: {  	s0 =	sshrl.u32 s2, $0x3;
	s10 =	sadd.s32 $0x1, s6;
	s31 =	sadd.s32 s8, s9  }
0xc: {  	s13 =	sadd.s32 $0x353800, s1;
	s0 =	sadd.s32 s0, s1;
	s10 =	smul.u32 s10, s31  }
0xd: {  	s17 =	smov.u32 s3;
	s7 =	sadd.s32 $0x25F200, s1;
	s6 =	sadd.s32 $0x5A4A00, s0  }
0xe: {  	s8 =	sadd.s32 $0x290000, s1;
	s9 =	sadd.s32 $0x2C0E00, s1;
	s15 =	sadd.s32 $0x1, s10  }
.LBB1_4:
0xf: {  	v5 =	vld [tilespmem:s31+$0xFFFFFFD0];
	[tilespmem:s30+$0x2040 ss:$0x81] =	vst.msk $0xffff, v1  }
0x10: {  	s1 =	sshrl.u32 s20, $0x3;
	v58 =	vld [tilespmem:s31+$0xFFFFFFE0];
	[tilespmem:s30+$0x2850 ss:$0x81] =	vst.msk $0xffff, v2  }
0x11: {  	s5 =	sshll.u32 s19, $0x3;
	s0 =	sshra.s32 s0, $0x2;
	v59 =	vld [tilespmem:s31+$0xFFFFFFF0];
	[tilespmem:s30+$0x3060 ss:$0x81] =	vst.msk $0xffff, v4;
	s1 =	smul.u32 $0x61C00, s1  }
0x12: {  	v60 =	vld [tilespmem:s31+$0x0];
	[tilespmem:s30+$0x0 ss:$0x81] =	vst.msk $0xffff, v0;
	s5 =	sand.u32 $0xFFFFFC00, s5;
	s0 =	sadd.s32 s0, s29  }
0x13: {  	s20 =	sand.u32 $0x7F, s19;
	v61 =	vld [tilespmem:s31+$0x10];
	[tilespmem:s0+$0x3870 ss:$0x81] =	vst.msk $0xffff, v3;
	s1 =	sadd.s32 s5, s1  }
0x14: {  	v62 =	vld [tilespmem:s31+$0x20];
	s5 =	sor.u32 s20, s1;
	[tilespmem:s0+$0x810 ss:$0x81] =	vst.msk $0xffff, v5  }
0x15: {  	s29 =	smulhi.u32 $0xA79C7B17, s5;
	[tilespmem:s0+$0x1020 ss:$0x81] =	vst.msk $0xffff, v58  }
0x16: {  	[tilespmem:s0+$0x1830 ss:$0x81] =	vst.msk $0xffff, v59  }
0x17: {  	s1 =	smulhi.u32 $0xA79C7B17, s1;
	[tilespmem:s0+$0x2040 ss:$0x81] =	vst.msk $0xffff, v60;
	s19 =	sshrl.u32 s29, $0xF  }
0x18: {  	v63 =	vld [tilespmem:s31+$0xFFFFFFC0];
	[tilespmem:s0+$0x2850 ss:$0x81] =	vst.msk $0xffff, v61;
	s19 =	smul.u32 $0xC380, s19  }
0x19: {  	[tilespmem:s0+$0x3060 ss:$0x81] =	vst.msk $0xffff, v62;
	s1 =	sshrl.u32 s1, $0xF  }
0x1a: {  	s30 =	rddreg [dreg:$0x2];
	s1 =	sand.u32 $0x1F, s1;
	s5 =	ssub.s32 s5, s19  }
0x1b: {  	s1 =	smul.u32 $0x1870, s1;
	s19 =	sshrl.u32 s5, $0x3;
	s5 =	sand.u32 $0x7, s5  }
0x1c: {  	s20 =	sadd.s32 s30, s19;
	s5 =	sshll.u32 s5, $0x12  }
0x1d: {  	[tilespmem:s0+$0x0 ss:$0x81] =	vst.msk $0xffff, v63;
	s31 =	sadd.s32 s1, s20;
	s5 =	sor.u32 $0x400, s5;
	s20 =	sadd.s32 s1, s7  }
0x1e: {  	[hbm4b:s31+s5] =	stream.strided.scatter [tilespmem:s28], [sflag:$0x2], $0x800, s16, s5, $0x20;
	[tilespmem:$0x10100] =	vst v63  }
0x1f: {  	s0 =	sadd.s32 s19, s20  }
0x20: {  	[hbm4b:s0+s5] =	stream.strided.scatter [tilespmem:s26], [sflag:$0x2], $0x800, s16, s5, $0x20;
	[tilespmem:$0x10100] =	vst v63  }
0x21: {  	s26 =	sadd.s32 s1, s8  }
0x22: {  	s0 =	sadd.s32 s19, s26  }
0x23: {  	[hbm4b:s0+s5] =	stream.strided.scatter [tilespmem:s27], [sflag:$0x2], $0x800, s16, s5, $0x20;
	[tilespmem:$0x10100] =	vst v63  }
0x24: {  	s27 =	sadd.s32 s1, s9  }
0x25: {  	s28 =	sadd.s32 s1, s11;
	s0 =	sadd.s32 s19, s27  }
0x26: {  	[hbm4b:s0+s5] =	stream.strided.scatter [tilespmem:s25], [sflag:$0x2], $0x800, s16, s5, $0x20;
	[tilespmem:$0x10100] =	vst v63  }
0x27: {  	s29 =	sadd.s32 s1, s12;
	s0 =	sadd.s32 s19, s28  }
0x28: {  	[hbm4b:s0+s5] =	stream.strided.scatter [tilespmem:s23], [sflag:$0x2], $0x800, s16, s5, $0x20;
	[tilespmem:$0x10100] =	vst v63  }
0x29: {  	s30 =	sadd.s32 s1, s13;
	s0 =	sadd.s32 s19, s29  }
0x2a: {  	[hbm4b:s0+s5] =	stream.strided.scatter [tilespmem:s24], [sflag:$0x2], $0x800, s16, s5, $0x20;
	[tilespmem:$0x10100] =	vst v63  }
0x2b: {  	s31 =	sadd.s32 s1, s14;
	s0 =	sadd.s32 s19, s30  }
0x2c: {  	[hbm4b:s0+s5] =	stream.strided.scatter [tilespmem:s21], [sflag:$0x2], $0x800, s16, s5, $0x20;
	[tilespmem:$0x10100] =	vst v63  }
0x2d: {  	s0 =	sadd.s32 s19, s31  }
0x2e: {  	[hbm4b:s0+s5] =	stream.strided.scatter [tilespmem:s22], [sflag:$0x2], $0x800, s16, s5, $0x20;
	[tilespmem:$0x10100] =	vst v63  }
.LBB1_5:
0x2f: {  	s1 =	sadd.s32 $0x800, s17  }
0x30: {  	p2 =	sgt.s32 s1, $0xC34F  }
0x31: {  	s1 =	smov.u32 @p2 s3;
	p2 =	sne.s32 s18, s15  }
.Ltmp1:
0x32: {  	p1 =	slt.u32 s18, $0x2;
	(pc) =	sbr.rel @!p2 .LBB1_6-.Ltmp1, $4  }
0x33: {  	s0 =	simm.s32 @!p1 $0x2  }
0x34: {  	s5 =	sadd.s32 $0x1, s18;
	s19 =	smov.u32 s17;
	_ =	swait.ge @!p1 [sflag:s0], $0x4000  }
0x35: {  	p0 =	por !p0, !p0;
	s20 =	smov.u32 s2;
	[sflag:s0] =	ssyncset.done @!p1 $0x0  }
0x36: {  	s18 =	smov.u32 s5;
	s17 =	smov.u32 s1;
	[sflag:s0] =	ssyncadd.s32 @!p1 $0xFFFFC000  }
.LBB1_1:
0x37: {  	p1 =	sge.u32 s18, s10  }
0x38: {  	p2 =	sgt.s32 @!p1 s17, $0xC2D0  }
0x39: {  	s0 =	smov.u32 s17;
	s1 =	sshra.s32 @!p1 s17, $0x1F;
	p2 =	por !p2, p1  }
0x3a: {  	s1 =	sand.u32 @!p1 s1, s17;
	s0 =	simm.s32 @p2 $0xC2D0  }
0x3b: {  	s0 =	ssub.s32 @!p1 s0, s1  }
0x3c: {  	s31 =	sadd.s32 $0xFFFFFFFF, s18;
	s21 =	sxor.u32 @!p1 $0xFFFFFFFF, s18;
	s0 =	sadd.s32 @!p1 $0xFFFF3D30, s0  }
0x3d: {  	s22 =	simm.s32 @!p1 $0x10;
	s23 =	simm.s32 @!p1 $0x80;
	s1 =	sshll.u32 @!p1 s0, $0x7  }
0x3e: {  	p2 =	sgt.s32 @!p1 s0, $0x7F;
	s0 =	ssub.s32 @!p1 $0x4000, s1;
	s1 =	sshll.u32 @!p1 s21, $0xE  }
0x3f: {  	p2 =	por !p2, p1;
	s21 =	sshll.u32 @!p1 s17, $0x7;
	s0 =	sand.u32 @!p1 $0x3FFFFF80, s0  }
0x40: {  	s1 =	sand.u32 @!p1 $0x4000, s1;
	s21 =	sadd.s32 @!p1 s21, s6;
	s0 =	simm.s32 @!p2 $0x0  }
0x41: {  	[tilespmem:s1], [sflag:$0x1] =	stream.strided.gather @!p1 [hbm4b:s21+s22], s0, s23, s22, $0x38;
	[tilespmem:$0x10100] =	vst v63  }
0x42: {  	p1 =	sge.u32 s31, s10  }
.Ltmp2:
0x43: {  	_ = 	snop;
	(pc) =	sbr.rel @p1 .LBB1_5-.Ltmp2, $1  }
0x44: {  	_ =	sdelay $0x3  }
0x45: {  	p1 =	sgt.s32 s19, $0xC2D0;
	s0 =	smov.u32 s19;
	s1 =	sshra.s32 s19, $0x1F  }
0x46: {  	s0 =	simm.s32 @!p1 $0xC2D0;
	s1 =	sand.u32 s1, s19  }
0x47: {  	s0 =	ssub.s32 s0, s1  }
0x48: {  	s0 =	sadd.s32 $0xFFFF3D30, s0  }
0x49: {  	s24 =	sshll.u32 s0, $0x7  }
0x4a: {  	s1 =	ssub.s32 $0x4000, s24  }
0x4b: {  	p1 =	sgt.s32 s0, $0x7F;
	s0 =	sand.u32 $0x3FFFFF80, s1  }
0x4c: {  	s1 =	simm.s32 $0x1;
	s0 =	simm.s32 @p1 $0x0  }
0x4d: {  	s1 =	simm.s32 @!p0 $0x0;
	_ =	swait.ge [sflag:s4], s0  }
0x4e: {  	s21 =	sshll.u32 s1, $0xE;
	s0 =	ssub.s32 $0x0, s0;
	[sflag:s4] =	ssyncset.done $0x0  }
0x4f: {  	s22 =	sor.u32 $0x40, s21;
	[sflag:s4] =	ssyncadd.s32 s0  }
0x50: {  	s25 =	smul.u32 $0x10200, s1;
	v0 =	vld [tilespmem:s22+$0x30]  }
0x51: {  	v3 =	vld [tilespmem:s22+$0xFFFFFFD0]  }
0x52: {  	s26 =	sand.u32 $0x1, s18;
	s0 =	sshrl.u32 s25, $0x2;
	v5 =	vld [tilespmem:s22+$0xFFFFFFE0]  }
0x53: {  	s1 =	smul.u32 $0x10200, s26;
	s29 =	sor.u32 $0x8000, s0;
	v6 =	vld [tilespmem:s22+$0xFFFFFFF0]  }
0x54: {  	v1 =	vld [tilespmem:s22+$0x0];
	s30 =	sadd.s32 $0x0, s29  }
0x55: {  	s5 =	sshrl.u32 s1, $0x2;
	s31 =	sadd.s32 $0x80, s22;
	s1 =	simm.s32 $0x8;
	v2 =	vld [tilespmem:s22+$0x10];
	[tilespmem:s30+$0x3870 ss:$0x81] =	vst.msk $0xffff, v0  }
0x56: {  	s28 =	sor.u32 $0x8000, s5;
	s26 =	sadd.s32 $0x8810, s5;
	s27 =	sadd.s32 $0x9020, s5;
	v4 =	vld [tilespmem:s22+$0x20];
	[tilespmem:s30+$0x810 ss:$0x81] =	vst.msk $0xffff, v3  }
0x57: {  	s25 =	sadd.s32 $0x9830, s5;
	s23 =	sadd.s32 $0xA040, s5;
	s24 =	sadd.s32 $0xA850, s5;
	v0 =	vld [tilespmem:s22+$0xFFFFFFC0];
	[tilespmem:s30+$0x1020 ss:$0x81] =	vst.msk $0xffff, v5  }
0x58: {  	s21 =	sadd.s32 $0xB060, s5;
	s0 =	simm.s32 $0x4;
	s22 =	sadd.s32 $0xB870, s5;
	v3 =	vld [tilespmem:s31+$0x30];
	[tilespmem:s30+$0x1830 ss:$0x81] =	vst.msk $0xffff, v6  }
.LBB1_3:
0x59: {  	p1 =	sne.s32 s1, $0x1FC;
	v5 =	vld [tilespmem:s31+$0xFFFFFFD0];
	[tilespmem:s30+$0x2040 ss:$0x81] =	vst.msk $0xffff, v1  }
0x5a: {  	v6 =	vld [tilespmem:s31+$0xFFFFFFE0];
	[tilespmem:s30+$0x2850 ss:$0x81] =	vst.msk $0xffff, v2  }
0x5b: {  	s5 =	sshra.s32 s0, $0x2;
	s0 =	smov.u32 s1;
	v7 =	vld [tilespmem:s31+$0xFFFFFFF0];
	[tilespmem:s30+$0x3060 ss:$0x81] =	vst.msk $0xffff, v4  }
.Ltmp3:
0x5c: {  	v1 =	vld [tilespmem:s31+$0x0];
	[tilespmem:s30+$0x0 ss:$0x81] =	vst.msk $0xffff, v0;
	s30 =	sadd.s32 s5, s29;
	(pc) =	sbr.rel @p1 .LBB1_3-.Ltmp3, $4  }
0x5d: {  	v2 =	vld [tilespmem:s31+$0x10];
	[tilespmem:s30+$0x3870 ss:$0x81] =	vst.msk $0xffff, v3  }
0x5e: {  	[tilespmem:s30+$0x810 ss:$0x81] =	vst.msk $0xffff, v5;
	v4 =	vld [tilespmem:s31+$0x20]  }
0x5f: {  	v0 =	vld [tilespmem:s31+$0xFFFFFFC0];
	[tilespmem:s30+$0x1020 ss:$0x81] =	vst.msk $0xffff, v6;
	s31 =	sadd.s32 $0x80, s31  }
0x60: {  	s1 =	sadd.s32 $0x4, s1;
	v3 =	vld [tilespmem:s31+$0x30];
	[tilespmem:s30+$0x1830 ss:$0x81] =	vst.msk $0xffff, v7  }
.Ltmp4:
0x61: {  	_ = 	snop;
	(pc) =	sbr.rel .LBB1_4-.Ltmp4, $1  }
0x62: {  	_ =	sdelay $0x3  }
.LBB1_6:
0x63: {  	_ =	sfence.sel $0x180000  }
0x64: {  	s0 =	simm.s32 $0x1;
	[bflag:$0x0] =	sbarrier.arrive $0xFFFF  }
0x65: {  	s30 =	simm.s32 $0x2;
	[sflag:s0] =	ssyncpa.u1 $0x1  }
0x66: {  	[sflag:s30] =	ssyncpa.u1 $0x1  }
0x67: {  	_ =	strace $0x90000053  }
0x68: {  	s31 =	stileid.u32;
	[bflag:$0x2] =	sbarrier.arrive $0xFFFF  }
0x69: {  	p0 =	sne.s32 s31, $0x0;
	s0 =	rddreg [dreg:$0x1]  }
0x6a: {  	s0 =	sadd.s32 @!p0 $0x100000, s0  }
0x6b: {  	[sflag:s0] =	ssyncadd.tile.s32 @!p0 $0x1;
	_ =	shalt  }
.Lfunc_end1:
_tile_overlayer_lowered:
.L_overlay_start_2:
0x6c: {  	(tag) =	ssettag $0x2  }
0x6d: {  	s0 =	rddreg [dreg:$0x0];
	s2 =	stileid.u32  }
0x6e: {  	s1 =	rddreg [dreg:$0x1];
	p0 =	sne.s32 s2, $0x0  }
0x6f: {  	s3 =	rddreg [dreg:$0x2];
	[bflag:$0x3] =	sbarrier.arrive $0xFFFF;
	s2 =	simm.s32 @!p0 $0x1C01  }
0x70: {  	[timem:s3], [sflag:s2] =	dma.local @!p0 [hbm:s0], s1  }
0x71: {  	s0 =	simm.s32 @!p0 $0x1  }
0x72: {  	_ =	swait.ge @!p0 [sflag:s0], s1  }
0x73: {  	s1 =	ssub.s32 @!p0 $0x0, s1;
	[sflag:s0] =	ssyncset.done @!p0 $0x0  }
0x74: {  	[sflag:s0] =	ssyncadd.s32 @!p0 s1  }
0x75: {  	[bflag:$0x3] =	sbarrier.arrive $0xFFFF  }
0x76: {  	_ =	shalt  }

</sc_bundles>
